<compile_context>
chip_gen: v7x
topology: tpu7x:2x2x1
jax: 0.10.2.dev20260603
libtpu: 0.0.44.dev20260713+nightly
codegen_flags: <defaults>
</compile_context>

<pallas_src>
import functools

import jax
import jax.numpy as jnp
from jax import lax
from jax.experimental import pallas as pl
from jax.experimental.pallas import tpu as pltpu
from jax.experimental.pallas import tpu_sc as plsc

N = 10000
D = 128
E = 320000

NC = 2
NS = 16
NW = NC * NS
CHUNK = 128
NCHUNK = 80
EPW = NCHUNK * CHUNK
E_PAD = NW * EPW
NP = 10240
ROWS_PT = NP // NS
PG = 16
NPAGE = NCHUNK // PG

_sc_mesh = plsc.VectorSubcoreMesh(core_axis_name="c", subcore_axis_name="s")


@functools.partial(
    pl.kernel,
    out_type=jax.ShapeDtypeStruct((NC, NP), jnp.float32),
    mesh=_sc_mesh,
    scratch_types=[
        pltpu.VMEM((NCHUNK, CHUNK), jnp.int32),
        pltpu.VMEM((CHUNK,), jnp.float32),
        pltpu.VMEM((ROWS_PT,), jnp.float32),
        pltpu.VMEM_SHARED((NP,), jnp.float32),
        pltpu.SemaphoreType.DMA,
    ],
)
def _sc_degree(dst_hbm, out_hbm, idx_all, ones_v, zeros_v, deg_sh, sem):
    cid = lax.axis_index("c")
    sid = lax.axis_index("s")
    wid = sid * NC + cid

    pltpu.async_copy(dst_hbm.at[wid], idx_all, sem)
    for j in range(CHUNK // 16):
        ones_v[pl.ds(j * 16, 16)] = jnp.ones((16,), jnp.float32)
    for j in range(ROWS_PT // 16):
        zeros_v[pl.ds(j * 16, 16)] = jnp.zeros((16,), jnp.float32)
    pltpu.sync_copy(zeros_v, deg_sh.at[pl.ds(sid * ROWS_PT, ROWS_PT)])
    pltpu.make_async_copy(dst_hbm.at[wid], idx_all, sem).wait()
    plsc.subcore_barrier()

    def body(k, _):
        pltpu.sync_copy(ones_v, deg_sh.at[idx_all.at[k]], add=True)
        return 0

    lax.fori_loop(0, NCHUNK, body, 0)
    plsc.subcore_barrier()
    pltpu.sync_copy(deg_sh.at[pl.ds(sid * ROWS_PT, ROWS_PT)],
                    out_hbm.at[cid, pl.ds(sid * ROWS_PT, ROWS_PT)])


@functools.partial(
    pl.kernel,
    out_type=jax.ShapeDtypeStruct((NC, NP, D), jnp.float32),
    mesh=_sc_mesh,
    scratch_types=[
        pltpu.VMEM((EPW,), jnp.int32),
        pltpu.VMEM((2, PG, CHUNK), jnp.int32),
        pltpu.VMEM((CHUNK, D), jnp.float32),
        pltpu.VMEM((CHUNK, D), jnp.float32),
        pltpu.VMEM_SHARED((NP, D), jnp.float32),
        pltpu.SemaphoreType.DMA,
        pltpu.SemaphoreType.DMA,
        pltpu.SemaphoreType.DMA,
        pltpu.SemaphoreType.DMA,
    ],
)
def _sc_agg(g_hbm, src_hbm, dst_hbm, out_hbm, sidx_all, didx_pg, rows0,
            rows1, acc_sh, sem0, sem1, psem0, psem1):
    cid = lax.axis_index("c")
    sid = lax.axis_index("s")
    wid = sid * NC + cid

    pltpu.async_copy(src_hbm.at[pl.ds(wid * EPW, EPW)], sidx_all, sem0)
    pltpu.async_copy(dst_hbm.at[wid, pl.ds(0, PG)], didx_pg.at[0], psem0)

    def zero_row(r, _):
        for j in range(D // 16):
            rows0[r, pl.ds(j * 16, 16)] = jnp.zeros((16,), jnp.float32)
        return 0

    lax.fori_loop(0, CHUNK, zero_row, 0)
    for i in range(ROWS_PT // CHUNK):
        pltpu.sync_copy(rows0, acc_sh.at[pl.ds(sid * ROWS_PT + i * CHUNK, CHUNK)])
    pltpu.make_async_copy(src_hbm.at[pl.ds(wid * EPW, EPW)], sidx_all,
                          sem0).wait()
    pltpu.make_async_copy(dst_hbm.at[wid, pl.ds(0, PG)], didx_pg.at[0],
                          psem0).wait()
    plsc.subcore_barrier()

    def sidx(k):
        return sidx_all.at[pl.ds(k * CHUNK, CHUNK)]

    pltpu.async_copy(g_hbm.at[sidx(0)], rows0, sem0)

    for p in range(NPAGE):
        pg = p % 2
        psem_nxt = psem1 if (1 - pg) else psem0
        if p + 1 < NPAGE:
            pltpu.async_copy(dst_hbm.at[wid, pl.ds((p + 1) * PG, PG)],
                             didx_pg.at[1 - pg], psem_nxt)
        if p > 0:
            psem_cur = psem1 if pg else psem0
            pltpu.make_async_copy(dst_hbm.at[wid, pl.ds(p * PG, PG)],
                                  didx_pg.at[pg], psem_cur).wait()

        npairs = PG // 2 if p + 1 < NPAGE else PG // 2 - 1

        def body(t, _, p=p, pg=pg):
            k0 = p * PG + 2 * t
            pltpu.async_copy(g_hbm.at[sidx(k0 + 1)], rows1, sem1)
            pltpu.make_async_copy(g_hbm.at[sidx(k0)], rows0, sem0).wait()
            pltpu.sync_copy(rows0, acc_sh.at[didx_pg.at[pg, 2 * t]], add=True)
            pltpu.async_copy(g_hbm.at[sidx(k0 + 2)], rows0, sem0)
            pltpu.make_async_copy(g_hbm.at[sidx(k0 + 1)], rows1, sem1).wait()
            pltpu.sync_copy(rows1, acc_sh.at[didx_pg.at[pg, 2 * t + 1]],
                            add=True)
            return 0

        lax.fori_loop(0, npairs, body, 0)

    lpg = (NPAGE - 1) % 2
    pltpu.async_copy(g_hbm.at[sidx(NCHUNK - 1)], rows1, sem1)
    pltpu.make_async_copy(g_hbm.at[sidx(NCHUNK - 2)], rows0, sem0).wait()
    pltpu.sync_copy(rows0, acc_sh.at[didx_pg.at[lpg, PG - 2]], add=True)
    pltpu.make_async_copy(g_hbm.at[sidx(NCHUNK - 1)], rows1, sem1).wait()
    pltpu.sync_copy(rows1, acc_sh.at[didx_pg.at[lpg, PG - 1]], add=True)

    plsc.subcore_barrier()
    pltpu.sync_copy(acc_sh.at[pl.ds(sid * ROWS_PT, ROWS_PT)],
                    out_hbm.at[cid, pl.ds(sid * ROWS_PT, ROWS_PT)])


BLK = 10000


def _dinv(degs_ref):
    return lax.rsqrt(degs_ref[...] + 1.0)


def _gemm_scale_body(x_ref, w_ref, degp_ref, g_ref):
    h = jnp.dot(x_ref[...], w_ref[...], preferred_element_type=jnp.float32)
    g_ref[...] = h * _dinv(degp_ref)


def _tc_gemm_scale(x, w, degp):
    return pl.pallas_call(
        _gemm_scale_body,
        grid=(N // BLK,),
        in_specs=[
            pl.BlockSpec((BLK, D), lambda i: (i, 0)),
            pl.BlockSpec((D, D), lambda i: (0, 0)),
            pl.BlockSpec((BLK, 1), lambda i: (i, 0)),
        ],
        out_specs=pl.BlockSpec((BLK, D), lambda i: (i, 0)),
        out_shape=jax.ShapeDtypeStruct((N, D), jnp.float32),
    )(x, w, degp)


def _mid_body(p_ref, g_ref, degp_ref, b_ref, w_ref, o_ref):
    dinv = _dinv(degp_ref)
    acc = p_ref[0] + p_ref[1] + g_ref[...]
    x2 = jnp.maximum(acc * dinv + b_ref[...], 0.0)
    h2 = jnp.dot(x2, w_ref[...], preferred_element_type=jnp.float32)
    o_ref[...] = h2 * dinv


def _tc_mid(parts, g, degp, b, w):
    return pl.pallas_call(
        _mid_body,
        grid=(N // BLK,),
        in_specs=[
            pl.BlockSpec((NC, BLK, D), lambda i: (0, i, 0)),
            pl.BlockSpec((BLK, D), lambda i: (i, 0)),
            pl.BlockSpec((BLK, 1), lambda i: (i, 0)),
            pl.BlockSpec((1, D), lambda i: (0, 0)),
            pl.BlockSpec((D, D), lambda i: (0, 0)),
        ],
        out_specs=pl.BlockSpec((BLK, D), lambda i: (i, 0)),
        out_shape=jax.ShapeDtypeStruct((N, D), jnp.float32),
    )(parts, g, degp, b, w)


def _final_body(p_ref, g_ref, degp_ref, b_ref, o_ref):
    acc = p_ref[0] + p_ref[1] + g_ref[...]
    o_ref[...] = acc * _dinv(degp_ref) + b_ref[...]


def _tc_final(parts, g, degp, b):
    return pl.pallas_call(
        _final_body,
        grid=(N // BLK,),
        in_specs=[
            pl.BlockSpec((NC, BLK, D), lambda i: (0, i, 0)),
            pl.BlockSpec((BLK, D), lambda i: (i, 0)),
            pl.BlockSpec((BLK, 1), lambda i: (i, 0)),
            pl.BlockSpec((1, D), lambda i: (0, 0)),
        ],
        out_specs=pl.BlockSpec((BLK, D), lambda i: (i, 0)),
        out_shape=jax.ShapeDtypeStruct((N, D), jnp.float32),
    )(parts, g, degp, b)


def kernel(edge_index, node_features, W1, b1, W2, b2):
    ppw = EPW - E // NW
    pad_src = jnp.broadcast_to(
        (jnp.arange(ppw, dtype=jnp.int32) * 41) % N, (NW, ppw))
    pad_dst = jnp.broadcast_to(
        N + (jnp.arange(ppw, dtype=jnp.int32) % (NP - N)), (NW, ppw))
    src = jnp.concatenate(
        [edge_index[0].reshape(NW, E // NW), pad_src], axis=1).reshape(-1)
    dst = jnp.concatenate(
        [edge_index[1].reshape(NW, E // NW), pad_dst], axis=1).reshape(
            NW, NCHUNK, CHUNK)

    degp = _sc_degree(dst)
    degs = (degp[0] + degp[1]).reshape(NP, 1)
    g1 = _tc_gemm_scale(node_features, W1, degs)
    p1 = _sc_agg(g1, src, dst)
    g2 = _tc_mid(p1, g1, degs, b1.reshape(1, D), W2)
    p2 = _sc_agg(g2, src, dst)
    return _tc_final(p2, g2, degs, b2.reshape(1, D))

# --- scband reference (transcript-rebuilt; emitter-appended) ---
"""Pipeline reference for scband-base-gnnlearnable-node-params-60988535603966 (READ-ONLY COPY).

The authoritative reference and input builder live on the scoring server;
editing this copy changes nothing except your own understanding.
"""

import jax, jax.numpy as jnp
import numpy as np

N = 10000
E = 320000
D_IN = 128
D_HID = 128
D_OUT = 128


def gcn_conv(x, edge_index, W, b):
    # Faithful PyG-style GCNConv: add self-loops, symmetric deg^-1/2 normalization,
    # linear transform, scatter-add aggregation, then bias.
    n = x.shape[0]
    loops = jnp.arange(n, dtype=edge_index.dtype)
    src = jnp.concatenate([edge_index[0], loops])
    dst = jnp.concatenate([edge_index[1], loops])
    deg = jnp.zeros((n,), x.dtype).at[dst].add(1.0)
    dinv = jnp.where(deg > 0, deg ** -0.5, 0.0)
    norm = dinv[src] * dinv[dst]
    h = x @ W
    msgs = h[src] * norm[:, None]
    out = jnp.zeros((n, W.shape[1]), x.dtype).at[dst].add(msgs)
    return out + b


def setup_inputs(seed: int = 0) -> dict:
    key = jax.random.key(seed)
    k1, k2, k3, k4 = jax.random.split(key, 4)
    edge_index = jax.random.randint(k1, (2, E), 0, N, dtype=jnp.int32)
    node_features = jax.random.normal(k2, (N, D_IN), dtype=jnp.float32)
    W1 = jax.random.normal(k3, (D_IN, D_HID), dtype=jnp.float32) * (1.0 / np.sqrt(D_IN))
    b1 = jnp.zeros((D_HID,), jnp.float32)
    W2 = jax.random.normal(k4, (D_HID, D_OUT), dtype=jnp.float32) * (1.0 / np.sqrt(D_HID))
    b2 = jnp.zeros((D_OUT,), jnp.float32)
    return {"edge_index": edge_index, "node_features": node_features,
            "W1": W1, "b1": b1, "W2": W2, "b2": b2}


def reference(edge_index, node_features, W1, b1, W2, b2):
    x = gcn_conv(node_features, edge_index, W1, b1)
    x = jax.nn.relu(x)
    x = gcn_conv(x, edge_index, W2, b2)
    return x

if __name__ == "__main__":
    import jax
    _d = setup_inputs()
    print(jax.jit(kernel)(*tuple(_d.values())))

</pallas_src>

<mosaic_0001>
#map = affine_map<(d0, d1) -> (0, 0, 0)>
#map1 = affine_map<(d0, d1) -> (0, 0)>
module attributes {stable_mosaic.version = 14 : i64} {
  func.func @_sc_degree(%arg0: i32, %arg1: i32, %arg2: memref<32x80x128xi32, #tpu.memory_space<hbm>>, %arg3: memref<2x10240xf32, #tpu.memory_space<hbm>>, %arg4: memref<80x128xi32, #tpu.memory_space<vmem>>, %arg5: memref<128xf32, #tpu.memory_space<vmem>>, %arg6: memref<640xf32, #tpu.memory_space<vmem>>, %arg7: memref<10240xf32, #tpu.memory_space<vmem_shared>>, %arg8: memref<!tpu.dma_semaphore, #tpu.memory_space<semaphore_mem>>) attributes {dimension_semantics = [#tpu.dimension_semantics<core_parallel>, #tpu.dimension_semantics<subcore_parallel>], iteration_bounds = array<i64: 2, 16>, scalar_prefetch = 0 : i64, scratch_operands = 5 : i64, tpu.core_type = #tpu.core_type<sc_vector_subcore>, window_params = [{transform_indices = #map}, {transform_indices = #map1}]} {
    %mul3A = arith.constant 2 : i32
    %mul3A_0 = arith.muli %arg1, %mul3A : i32
    %add3A = arith.addi %mul3A_0, %arg0 : i32
    %dma_start3A = arith.constant 0 : i32
    %dma_start3A_1 = arith.constant 0 : i32
    %dma_start3A_2 = tpu.memref_slice %arg2[%add3A, %dma_start3A, %dma_start3A_1] : memref<32x80x128xi32, #tpu.memory_space<hbm>> -> memref<1x80x128xi32, #tpu.memory_space<hbm>>
    %dma_start3A_3 = tpu.memref_squeeze %dma_start3A_2 : memref<1x80x128xi32, #tpu.memory_space<hbm>> -> memref<80x128xi32, #tpu.memory_space<hbm>>
    %dma_start3A_4 = arith.constant 0 : i32
    %dma_start3A_5 = arith.constant 0 : i32
    %dma_start3A_6 = tpu.memref_slice %arg2[%add3A, %dma_start3A_4, %dma_start3A_5] : memref<32x80x128xi32, #tpu.memory_space<hbm>> -> memref<1x80x128xi32, #tpu.memory_space<hbm>>
    %dma_start3A_7 = tpu.memref_squeeze %dma_start3A_6 : memref<1x80x128xi32, #tpu.memory_space<hbm>> -> memref<80x128xi32, #tpu.memory_space<hbm>>
    tpu.enqueue_dma source(%dma_start3A_7 : memref<80x128xi32, #tpu.memory_space<hbm>>) target(%arg4 : memref<80x128xi32, #tpu.memory_space<vmem>>) target_semaphore(%arg8 : memref<!tpu.dma_semaphore, #tpu.memory_space<semaphore_mem>>)
    %broadcast_in_dim3A = arith.constant 1.000000e+00 : f32
    %broadcast_in_dim3A_8 = vector.broadcast %broadcast_in_dim3A : f32 to vector<16xf32>
    %swap3A = arith.constant 0 : index
    %swap3A_9 = tpu.vector_load %arg5[%swap3A] {strides = array<i32>} : memref<128xf32, #tpu.memory_space<vmem>>, vector<16xf32>,
    %swap3A_10 = vector.shape_cast %swap3A_9 : vector<16xf32> to vector<16xf32>
    %swap3A_11 = vector.shape_cast %broadcast_in_dim3A_8 : vector<16xf32> to vector<16xf32>
    tpu.vector_store %arg5[%swap3A], %swap3A_11 {strides = array<i32>} : memref<128xf32, #tpu.memory_space<vmem>>, vector<16xf32>,
    %broadcast_in_dim3A_12 = arith.constant 1.000000e+00 : f32
    %broadcast_in_dim3A_13 = vector.broadcast %broadcast_in_dim3A_12 : f32 to vector<16xf32>
    %swap3A_14 = arith.constant 16 : index
    %swap3A_15 = tpu.vector_load %arg5[%swap3A_14] {strides = array<i32>} : memref<128xf32, #tpu.memory_space<vmem>>, vector<16xf32>,
    %swap3A_16 = vector.shape_cast %swap3A_15 : vector<16xf32> to vector<16xf32>
    %swap3A_17 = vector.shape_cast %broadcast_in_dim3A_13 : vector<16xf32> to vector<16xf32>
    tpu.vector_store %arg5[%swap3A_14], %swap3A_17 {strides = array<i32>} : memref<128xf32, #tpu.memory_space<vmem>>, vector<16xf32>,
    %broadcast_in_dim3A_18 = arith.constant 1.000000e+00 : f32
    %broadcast_in_dim3A_19 = vector.broadcast %broadcast_in_dim3A_18 : f32 to vector<16xf32>
    %swap3A_20 = arith.constant 32 : index
    %swap3A_21 = tpu.vector_load %arg5[%swap3A_20] {strides = array<i32>} : memref<128xf32, #tpu.memory_space<vmem>>, vector<16xf32>,
    %swap3A_22 = vector.shape_cast %swap3A_21 : vector<16xf32> to vector<16xf32>
    %swap3A_23 = vector.shape_cast %broadcast_in_dim3A_19 : vector<16xf32> to vector<16xf32>
    tpu.vector_store %arg5[%swap3A_20], %swap3A_23 {strides = array<i32>} : memref<128xf32, #tpu.memory_space<vmem>>, vector<16xf32>,
    %broadcast_in_dim3A_24 = arith.constant 1.000000e+00 : f32
    %broadcast_in_dim3A_25 = vector.broadcast %broadcast_in_dim3A_24 : f32 to vector<16xf32>
    %swap3A_26 = arith.constant 48 : index
    %swap3A_27 = tpu.vector_load %arg5[%swap3A_26] {strides = array<i32>} : memref<128xf32, #tpu.memory_space<vmem>>, vector<16xf32>,
    %swap3A_28 = vector.shape_cast %swap3A_27 : vector<16xf32> to vector<16xf32>
    %swap3A_29 = vector.shape_cast %broadcast_in_dim3A_25 : vector<16xf32> to vector<16xf32>
    tpu.vector_store %arg5[%swap3A_26], %swap3A_29 {strides = array<i32>} : memref<128xf32, #tpu.memory_space<vmem>>, vector<16xf32>,
    %broadcast_in_dim3A_30 = arith.constant 1.000000e+00 : f32
    %broadcast_in_dim3A_31 = vector.broadcast %broadcast_in_dim3A_30 : f32 to vector<16xf32>
    %swap3A_32 = arith.constant 64 : index
    %swap3A_33 = tpu.vector_load %arg5[%swap3A_32] {strides = array<i32>} : memref<128xf32, #tpu.memory_space<vmem>>, vector<16xf32>,
    %swap3A_34 = vector.shape_cast %swap3A_33 : vector<16xf32> to vector<16xf32>
    %swap3A_35 = vector.shape_cast %broadcast_in_dim3A_31 : vector<16xf32> to vector<16xf32>
    tpu.vector_store %arg5[%swap3A_32], %swap3A_35 {strides = array<i32>} : memref<128xf32, #tpu.memory_space<vmem>>, vector<16xf32>,
    %broadcast_in_dim3A_36 = arith.constant 1.000000e+00 : f32
    %broadcast_in_dim3A_37 = vector.broadcast %broadcast_in_dim3A_36 : f32 to vector<16xf32>
    %swap3A_38 = arith.constant 80 : index
    %swap3A_39 = tpu.vector_load %arg5[%swap3A_38] {strides = array<i32>} : memref<128xf32, #tpu.memory_space<vmem>>, vector<16xf32>,
    %swap3A_40 = vector.shape_cast %swap3A_39 : vector<16xf32> to vector<16xf32>
    %swap3A_41 = vector.shape_cast %broadcast_in_dim3A_37 : vector<16xf32> to vector<16xf32>
    tpu.vector_store %arg5[%swap3A_38], %swap3A_41 {strides = array<i32>} : memref<128xf32, #tpu.memory_space<vmem>>, vector<16xf32>,
    %broadcast_in_dim3A_42 = arith.constant 1.000000e+00 : f32
    %broadcast_in_dim3A_43 = vector.broadcast %broadcast_in_dim3A_42 : f32 to vector<16xf32>
    %swap3A_44 = arith.constant 96 : index
    %swap3A_45 = tpu.vector_load %arg5[%swap3A_44] {strides = array<i32>} : memref<128xf32, #tpu.memory_space<vmem>>, vector<16xf32>,
    %swap3A_46 = vector.shape_cast %swap3A_45 : vector<16xf32> to vector<16xf32>
    %swap3A_47 = vector.shape_cast %broadcast_in_dim3A_43 : vector<16xf32> to vector<16xf32>
    tpu.vector_store %arg5[%swap3A_44], %swap3A_47 {strides = array<i32>} : memref<128xf32, #tpu.memory_space<vmem>>, vector<16xf32>,
    %broadcast_in_dim3A_48 = arith.constant 1.000000e+00 : f32
    %broadcast_in_dim3A_49 = vector.broadcast %broadcast_in_dim3A_48 : f32 to vector<16xf32>
    %swap3A_50 = arith.constant 112 : index
    %swap3A_51 = tpu.vector_load %arg5[%swap3A_50] {strides = array<i32>} : memref<128xf32, #tpu.memory_space<vmem>>, vector<16xf32>,
    %swap3A_52 = vector.shape_cast %swap3A_51 : vector<16xf32> to vector<16xf32>
    %swap3A_53 = vector.shape_cast %broadcast_in_dim3A_49 : vector<16xf32> to vector<16xf32>
    tpu.vector_store %arg5[%swap3A_50], %swap3A_53 {strides = array<i32>} : memref<128xf32, #tpu.memory_space<vmem>>, vector<16xf32>,
    %broadcast_in_dim3A_54 = arith.constant 0.000000e+00 : f32
    %broadcast_in_dim3A_55 = vector.broadcast %broadcast_in_dim3A_54 : f32 to vector<16xf32>
    %swap3A_56 = arith.constant 0 : index
    %swap3A_57 = tpu.vector_load %arg6[%swap3A_56] {strides = array<i32>} : memref<640xf32, #tpu.memory_space<vmem>>, vector<16xf32>,
    %swap3A_58 = vector.shape_cast %swap3A_57 : vector<16xf32> to vector<16xf32>
    %swap3A_59 = vector.shape_cast %broadcast_in_dim3A_55 : vector<16xf32> to vector<16xf32>
    tpu.vector_store %arg6[%swap3A_56], %swap3A_59 {strides = array<i32>} : memref<640xf32, #tpu.memory_space<vmem>>, vector<16xf32>,
    %broadcast_in_dim3A_60 = arith.constant 0.000000e+00 : f32
    %broadcast_in_dim3A_61 = vector.broadcast %broadcast_in_dim3A_60 : f32 to vector<16xf32>
    %swap3A_62 = arith.constant 16 : index
    %swap3A_63 = tpu.vector_load %arg6[%swap3A_62] {strides = array<i32>} : memref<640xf32, #tpu.memory_space<vmem>>, vector<16xf32>,
    %swap3A_64 = vector.shape_cast %swap3A_63 : vector<16xf32> to vector<16xf32>
    %swap3A_65 = vector.shape_cast %broadcast_in_dim3A_61 : vector<16xf32> to vector<16xf32>
    tpu.vector_store %arg6[%swap3A_62], %swap3A_65 {strides = array<i32>} : memref<640xf32, #tpu.memory_space<vmem>>, vector<16xf32>,
    %broadcast_in_dim3A_66 = arith.constant 0.000000e+00 : f32
    %broadcast_in_dim3A_67 = vector.broadcast %broadcast_in_dim3A_66 : f32 to vector<16xf32>
    %swap3A_68 = arith.constant 32 : index
    %swap3A_69 = tpu.vector_load %arg6[%swap3A_68] {strides = array<i32>} : memref<640xf32, #tpu.memory_space<vmem>>, vector<16xf32>,
    %swap3A_70 = vector.shape_cast %swap3A_69 : vector<16xf32> to vector<16xf32>
    %swap3A_71 = vector.shape_cast %broadcast_in_dim3A_67 : vector<16xf32> to vector<16xf32>
    tpu.vector_store %arg6[%swap3A_68], %swap3A_71 {strides = array<i32>} : memref<640xf32, #tpu.memory_space<vmem>>, vector<16xf32>,
    %broadcast_in_dim3A_72 = arith.constant 0.000000e+00 : f32
    %broadcast_in_dim3A_73 = vector.broadcast %broadcast_in_dim3A_72 : f32 to vector<16xf32>
    %swap3A_74 = arith.constant 48 : index
    %swap3A_75 = tpu.vector_load %arg6[%swap3A_74] {strides = array<i32>} : memref<640xf32, #tpu.memory_space<vmem>>, vector<16xf32>,
    %swap3A_76 = vector.shape_cast %swap3A_75 : vector<16xf32> to vector<16xf32>
    %swap3A_77 = vector.shape_cast %broadcast_in_dim3A_73 : vector<16xf32> to vector<16xf32>
    tpu.vector_store %arg6[%swap3A_74], %swap3A_77 {strides = array<i32>} : memref<640xf32, #tpu.memory_space<vmem>>, vector<16xf32>,
    %broadcast_in_dim3A_78 = arith.constant 0.000000e+00 : f32
    %broadcast_in_dim3A_79 = vector.broadcast %broadcast_in_dim3A_78 : f32 to vector<16xf32>
    %swap3A_80 = arith.constant 64 : index
    %swap3A_81 = tpu.vector_load %arg6[%swap3A_80] {strides = array<i32>} : memref<640xf32, #tpu.memory_space<vmem>>, vector<16xf32>,
    %swap3A_82 = vector.shape_cast %swap3A_81 : vector<16xf32> to vector<16xf32>
    %swap3A_83 = vector.shape_cast %broadcast_in_dim3A_79 : vector<16xf32> to vector<16xf32>
    tpu.vector_store %arg6[%swap3A_80], %swap3A_83 {strides = array<i32>} : memref<640xf32, #tpu.memory_space<vmem>>, vector<16xf32>,
    %broadcast_in_dim3A_84 = arith.constant 0.000000e+00 : f32
    %broadcast_in_dim3A_85 = vector.broadcast %broadcast_in_dim3A_84 : f32 to vector<16xf32>
    %swap3A_86 = arith.constant 80 : index
    %swap3A_87 = tpu.vector_load %arg6[%swap3A_86] {strides = array<i32>} : memref<640xf32, #tpu.memory_space<vmem>>, vector<16xf32>,
    %swap3A_88 = vector.shape_cast %swap3A_87 : vector<16xf32> to vector<16xf32>
    %swap3A_89 = vector.shape_cast %broadcast_in_dim3A_85 : vector<16xf32> to vector<16xf32>
    tpu.vector_store %arg6[%swap3A_86], %swap3A_89 {strides = array<i32>} : memref<640xf32, #tpu.memory_space<vmem>>, vector<16xf32>,
    %broadcast_in_dim3A_90 = arith.constant 0.000000e+00 : f32
    %broadcast_in_dim3A_91 = vector.broadcast %broadcast_in_dim3A_90 : f32 to vector<16xf32>
    %swap3A_92 = arith.constant 96 : index
    %swap3A_93 = tpu.vector_load %arg6[%swap3A_92] {strides = array<i32>} : memref<640xf32, #tpu.memory_space<vmem>>, vector<16xf32>,
    %swap3A_94 = vector.shape_cast %swap3A_93 : vector<16xf32> to vector<16xf32>
    %swap3A_95 = vector.shape_cast %broadcast_in_dim3A_91 : vector<16xf32> to vector<16xf32>
    tpu.vector_store %arg6[%swap3A_92], %swap3A_95 {strides = array<i32>} : memref<640xf32, #tpu.memory_space<vmem>>, vector<16xf32>,
    %broadcast_in_dim3A_96 = arith.constant 0.000000e+00 : f32
    %broadcast_in_dim3A_97 = vector.broadcast %broadcast_in_dim3A_96 : f32 to vector<16xf32>
    %swap3A_98 = arith.constant 112 : index
    %swap3A_99 = tpu.vector_load %arg6[%swap3A_98] {strides = array<i32>} : memref<640xf32, #tpu.memory_space<vmem>>, vector<16xf32>,
    %swap3A_100 = vector.shape_cast %swap3A_99 : vector<16xf32> to vector<16xf32>
    %swap3A_101 = vector.shape_cast %broadcast_in_dim3A_97 : vector<16xf32> to vector<16xf32>
    tpu.vector_store %arg6[%swap3A_98], %swap3A_101 {strides = array<i32>} : memref<640xf32, #tpu.memory_space<vmem>>, vector<16xf32>,
    %broadcast_in_dim3A_102 = arith.constant 0.000000e+00 : f32
    %broadcast_in_dim3A_103 = vector.broadcast %broadcast_in_dim3A_102 : f32 to vector<16xf32>
    %swap3A_104 = arith.constant 128 : index
    %swap3A_105 = tpu.vector_load %arg6[%swap3A_104] {strides = array<i32>} : memref<640xf32, #tpu.memory_space<vmem>>, vector<16xf32>,
    %swap3A_106 = vector.shape_cast %swap3A_105 : vector<16xf32> to vector<16xf32>
    %swap3A_107 = vector.shape_cast %broadcast_in_dim3A_103 : vector<16xf32> to vector<16xf32>
    tpu.vector_store %arg6[%swap3A_104], %swap3A_107 {strides = array<i32>} : memref<640xf32, #tpu.memory_space<vmem>>, vector<16xf32>,
    %broadcast_in_dim3A_108 = arith.constant 0.000000e+00 : f32
    %broadcast_in_dim3A_109 = vector.broadcast %broadcast_in_dim3A_108 : f32 to vector<16xf32>
    %swap3A_110 = arith.constant 144 : index
    %swap3A_111 = tpu.vector_load %arg6[%swap3A_110] {strides = array<i32>} : memref<640xf32, #tpu.memory_space<vmem>>, vector<16xf32>,
    %swap3A_112 = vector.shape_cast %swap3A_111 : vector<16xf32> to vector<16xf32>
    %swap3A_113 = vector.shape_cast %broadcast_in_dim3A_109 : vector<16xf32> to vector<16xf32>
    tpu.vector_store %arg6[%swap3A_110], %swap3A_113 {strides = array<i32>} : memref<640xf32, #tpu.memory_space<vmem>>, vector<16xf32>,
    %broadcast_in_dim3A_114 = arith.constant 0.000000e+00 : f32
    %broadcast_in_dim3A_115 = vector.broadcast %broadcast_in_dim3A_114 : f32 to vector<16xf32>
    %swap3A_116 = arith.constant 160 : index
    %swap3A_117 = tpu.vector_load %arg6[%swap3A_116] {strides = array<i32>} : memref<640xf32, #tpu.memory_space<vmem>>, vector<16xf32>,
    %swap3A_118 = vector.shape_cast %swap3A_117 : vector<16xf32> to vector<16xf32>
    %swap3A_119 = vector.shape_cast %broadcast_in_dim3A_115 : vector<16xf32> to vector<16xf32>
    tpu.vector_store %arg6[%swap3A_116], %swap3A_119 {strides = array<i32>} : memref<640xf32, #tpu.memory_space<vmem>>, vector<16xf32>,
    %broadcast_in_dim3A_120 = arith.constant 0.000000e+00 : f32
    %broadcast_in_dim3A_121 = vector.broadcast %broadcast_in_dim3A_120 : f32 to vector<16xf32>
    %swap3A_122 = arith.constant 176 : index
    %swap3A_123 = tpu.vector_load %arg6[%swap3A_122] {strides = array<i32>} : memref<640xf32, #tpu.memory_space<vmem>>, vector<16xf32>,
    %swap3A_124 = vector.shape_cast %swap3A_123 : vector<16xf32> to vector<16xf32>
    %swap3A_125 = vector.shape_cast %broadcast_in_dim3A_121 : vector<16xf32> to vector<16xf32>
    tpu.vector_store %arg6[%swap3A_122], %swap3A_125 {strides = array<i32>} : memref<640xf32, #tpu.memory_space<vmem>>, vector<16xf32>,
    %broadcast_in_dim3A_126 = arith.constant 0.000000e+00 : f32
    %broadcast_in_dim3A_127 = vector.broadcast %broadcast_in_dim3A_126 : f32 to vector<16xf32>
    %swap3A_128 = arith.constant 192 : index
    %swap3A_129 = tpu.vector_load %arg6[%swap3A_128] {strides = array<i32>} : memref<640xf32, #tpu.memory_space<vmem>>, vector<16xf32>,
    %swap3A_130 = vector.shape_cast %swap3A_129 : vector<16xf32> to vector<16xf32>
    %swap3A_131 = vector.shape_cast %broadcast_in_dim3A_127 : vector<16xf32> to vector<16xf32>
    tpu.vector_store %arg6[%swap3A_128], %swap3A_131 {strides = array<i32>} : memref<640xf32, #tpu.memory_space<vmem>>, vector<16xf32>,
    %broadcast_in_dim3A_132 = arith.constant 0.000000e+00 : f32
    %broadcast_in_dim3A_133 = vector.broadcast %broadcast_in_dim3A_132 : f32 to vector<16xf32>
    %swap3A_134 = arith.constant 208 : index
    %swap3A_135 = tpu.vector_load %arg6[%swap3A_134] {strides = array<i32>} : memref<640xf32, #tpu.memory_space<vmem>>, vector<16xf32>,
    %swap3A_136 = vector.shape_cast %swap3A_135 : vector<16xf32> to vector<16xf32>
    %swap3A_137 = vector.shape_cast %broadcast_in_dim3A_133 : vector<16xf32> to vector<16xf32>
    tpu.vector_store %arg6[%swap3A_134], %swap3A_137 {strides = array<i32>} : memref<640xf32, #tpu.memory_space<vmem>>, vector<16xf32>,
    %broadcast_in_dim3A_138 = arith.constant 0.000000e+00 : f32
    %broadcast_in_dim3A_139 = vector.broadcast %broadcast_in_dim3A_138 : f32 to vector<16xf32>
    %swap3A_140 = arith.constant 224 : index
    %swap3A_141 = tpu.vector_load %arg6[%swap3A_140] {strides = array<i32>} : memref<640xf32, #tpu.memory_space<vmem>>, vector<16xf32>,
    %swap3A_142 = vector.shape_cast %swap3A_141 : vector<16xf32> to vector<16xf32>
    %swap3A_143 = vector.shape_cast %broadcast_in_dim3A_139 : vector<16xf32> to vector<16xf32>
    tpu.vector_store %arg6[%swap3A_140], %swap3A_143 {strides = array<i32>} : memref<640xf32, #tpu.memory_space<vmem>>, vector<16xf32>,
    %broadcast_in_dim3A_144 = arith.constant 0.000000e+00 : f32
    %broadcast_in_dim3A_145 = vector.broadcast %broadcast_in_dim3A_144 : f32 to vector<16xf32>
    %swap3A_146 = arith.constant 240 : index
    %swap3A_147 = tpu.vector_load %arg6[%swap3A_146] {strides = array<i32>} : memref<640xf32, #tpu.memory_space<vmem>>, vector<16xf32>,
    %swap3A_148 = vector.shape_cast %swap3A_147 : vector<16xf32> to vector<16xf32>
    %swap3A_149 = vector.shape_cast %broadcast_in_dim3A_145 : vector<16xf32> to vector<16xf32>
    tpu.vector_store %arg6[%swap3A_146], %swap3A_149 {strides = array<i32>} : memref<640xf32, #tpu.memory_space<vmem>>, vector<16xf32>,
    %broadcast_in_dim3A_150 = arith.constant 0.000000e+00 : f32
    %broadcast_in_dim3A_151 = vector.broadcast %broadcast_in_dim3A_150 : f32 to vector<16xf32>
    %swap3A_152 = arith.constant 256 : index
    %swap3A_153 = tpu.vector_load %arg6[%swap3A_152] {strides = array<i32>} : memref<640xf32, #tpu.memory_space<vmem>>, vector<16xf32>,
    %swap3A_154 = vector.shape_cast %swap3A_153 : vector<16xf32> to vector<16xf32>
    %swap3A_155 = vector.shape_cast %broadcast_in_dim3A_151 : vector<16xf32> to vector<16xf32>
    tpu.vector_store %arg6[%swap3A_152], %swap3A_155 {strides = array<i32>} : memref<640xf32, #tpu.memory_space<vmem>>, vector<16xf32>,
    %broadcast_in_dim3A_156 = arith.constant 0.000000e+00 : f32
    %broadcast_in_dim3A_157 = vector.broadcast %broadcast_in_dim3A_156 : f32 to vector<16xf32>
    %swap3A_158 = arith.constant 272 : index
    %swap3A_159 = tpu.vector_load %arg6[%swap3A_158] {strides = array<i32>} : memref<640xf32, #tpu.memory_space<vmem>>, vector<16xf32>,
    %swap3A_160 = vector.shape_cast %swap3A_159 : vector<16xf32> to vector<16xf32>
    %swap3A_161 = vector.shape_cast %broadcast_in_dim3A_157 : vector<16xf32> to vector<16xf32>
    tpu.vector_store %arg6[%swap3A_158], %swap3A_161 {strides = array<i32>} : memref<640xf32, #tpu.memory_space<vmem>>, vector<16xf32>,
    %broadcast_in_dim3A_162 = arith.constant 0.000000e+00 : f32
    %broadcast_in_dim3A_163 = vector.broadcast %broadcast_in_dim3A_162 : f32 to vector<16xf32>
    %swap3A_164 = arith.constant 288 : index
    %swap3A_165 = tpu.vector_load %arg6[%swap3A_164] {strides = array<i32>} : memref<640xf32, #tpu.memory_space<vmem>>, vector<16xf32>,
    %swap3A_166 = vector.shape_cast %swap3A_165 : vector<16xf32> to vector<16xf32>
    %swap3A_167 = vector.shape_cast %broadcast_in_dim3A_163 : vector<16xf32> to vector<16xf32>
    tpu.vector_store %arg6[%swap3A_164], %swap3A_167 {strides = array<i32>} : memref<640xf32, #tpu.memory_space<vmem>>, vector<16xf32>,
    %broadcast_in_dim3A_168 = arith.constant 0.000000e+00 : f32
    %broadcast_in_dim3A_169 = vector.broadcast %broadcast_in_dim3A_168 : f32 to vector<16xf32>
    %swap3A_170 = arith.constant 304 : index
    %swap3A_171 = tpu.vector_load %arg6[%swap3A_170] {strides = array<i32>} : memref<640xf32, #tpu.memory_space<vmem>>, vector<16xf32>,
    %swap3A_172 = vector.shape_cast %swap3A_171 : vector<16xf32> to vector<16xf32>
    %swap3A_173 = vector.shape_cast %broadcast_in_dim3A_169 : vector<16xf32> to vector<16xf32>
    tpu.vector_store %arg6[%swap3A_170], %swap3A_173 {strides = array<i32>} : memref<640xf32, #tpu.memory_space<vmem>>, vector<16xf32>,
    %broadcast_in_dim3A_174 = arith.constant 0.000000e+00 : f32
    %broadcast_in_dim3A_175 = vector.broadcast %broadcast_in_dim3A_174 : f32 to vector<16xf32>
    %swap3A_176 = arith.constant 320 : index
    %swap3A_177 = tpu.vector_load %arg6[%swap3A_176] {strides = array<i32>} : memref<640xf32, #tpu.memory_space<vmem>>, vector<16xf32>,
    %swap3A_178 = vector.shape_cast %swap3A_177 : vector<16xf32> to vector<16xf32>
    %swap3A_179 = vector.shape_cast %broadcast_in_dim3A_175 : vector<16xf32> to vector<16xf32>
    tpu.vector_store %arg6[%swap3A_176], %swap3A_179 {strides = array<i32>} : memref<640xf32, #tpu.memory_space<vmem>>, vector<16xf32>,
    %broadcast_in_dim3A_180 = arith.constant 0.000000e+00 : f32
    %broadcast_in_dim3A_181 = vector.broadcast %broadcast_in_dim3A_180 : f32 to vector<16xf32>
    %swap3A_182 = arith.constant 336 : index
    %swap3A_183 = tpu.vector_load %arg6[%swap3A_182] {strides = array<i32>} : memref<640xf32, #tpu.memory_space<vmem>>, vector<16xf32>,
    %swap3A_184 = vector.shape_cast %swap3A_183 : vector<16xf32> to vector<16xf32>
    %swap3A_185 = vector.shape_cast %broadcast_in_dim3A_181 : vector<16xf32> to vector<16xf32>
    tpu.vector_store %arg6[%swap3A_182], %swap3A_185 {strides = array<i32>} : memref<640xf32, #tpu.memory_space<vmem>>, vector<16xf32>,
    %broadcast_in_dim3A_186 = arith.constant 0.000000e+00 : f32
    %broadcast_in_dim3A_187 = vector.broadcast %broadcast_in_dim3A_186 : f32 to vector<16xf32>
    %swap3A_188 = arith.constant 352 : index
    %swap3A_189 = tpu.vector_load %arg6[%swap3A_188] {strides = array<i32>} : memref<640xf32, #tpu.memory_space<vmem>>, vector<16xf32>,
    %swap3A_190 = vector.shape_cast %swap3A_189 : vector<16xf32> to vector<16xf32>
    %swap3A_191 = vector.shape_cast %broadcast_in_dim3A_187 : vector<16xf32> to vector<16xf32>
    tpu.vector_store %arg6[%swap3A_188], %swap3A_191 {strides = array<i32>} : memref<640xf32, #tpu.memory_space<vmem>>, vector<16xf32>,
    %broadcast_in_dim3A_192 = arith.constant 0.000000e+00 : f32
    %broadcast_in_dim3A_193 = vector.broadcast %broadcast_in_dim3A_192 : f32 to vector<16xf32>
    %swap3A_194 = arith.constant 368 : index
    %swap3A_195 = tpu.vector_load %arg6[%swap3A_194] {strides = array<i32>} : memref<640xf32, #tpu.memory_space<vmem>>, vector<16xf32>,
    %swap3A_196 = vector.shape_cast %swap3A_195 : vector<16xf32> to vector<16xf32>
    %swap3A_197 = vector.shape_cast %broadcast_in_dim3A_193 : vector<16xf32> to vector<16xf32>
    tpu.vector_store %arg6[%swap3A_194], %swap3A_197 {strides = array<i32>} : memref<640xf32, #tpu.memory_space<vmem>>, vector<16xf32>,
    %broadcast_in_dim3A_198 = arith.constant 0.000000e+00 : f32
    %broadcast_in_dim3A_199 = vector.broadcast %broadcast_in_dim3A_198 : f32 to vector<16xf32>
    %swap3A_200 = arith.constant 384 : index
    %swap3A_201 = tpu.vector_load %arg6[%swap3A_200] {strides = array<i32>} : memref<640xf32, #tpu.memory_space<vmem>>, vector<16xf32>,
    %swap3A_202 = vector.shape_cast %swap3A_201 : vector<16xf32> to vector<16xf32>
    %swap3A_203 = vector.shape_cast %broadcast_in_dim3A_199 : vector<16xf32> to vector<16xf32>
    tpu.vector_store %arg6[%swap3A_200], %swap3A_203 {strides = array<i32>} : memref<640xf32, #tpu.memory_space<vmem>>, vector<16xf32>,
    %broadcast_in_dim3A_204 = arith.constant 0.000000e+00 : f32
    %broadcast_in_dim3A_205 = vector.broadcast %broadcast_in_dim3A_204 : f32 to vector<16xf32>
    %swap3A_206 = arith.constant 400 : index
    %swap3A_207 = tpu.vector_load %arg6[%swap3A_206] {strides = array<i32>} : memref<640xf32, #tpu.memory_space<vmem>>, vector<16xf32>,
    %swap3A_208 = vector.shape_cast %swap3A_207 : vector<16xf32> to vector<16xf32>
    %swap3A_209 = vector.shape_cast %broadcast_in_dim3A_205 : vector<16xf32> to vector<16xf32>
    tpu.vector_store %arg6[%swap3A_206], %swap3A_209 {strides = array<i32>} : memref<640xf32, #tpu.memory_space<vmem>>, vector<16xf32>,
    %broadcast_in_dim3A_210 = arith.constant 0.000000e+00 : f32
    %broadcast_in_dim3A_211 = vector.broadcast %broadcast_in_dim3A_210 : f32 to vector<16xf32>
    %swap3A_212 = arith.constant 416 : index
    %swap3A_213 = tpu.vector_load %arg6[%swap3A_212] {strides = array<i32>} : memref<640xf32, #tpu.memory_space<vmem>>, vector<16xf32>,
    %swap3A_214 = vector.shape_cast %swap3A_213 : vector<16xf32> to vector<16xf32>
    %swap3A_215 = vector.shape_cast %broadcast_in_dim3A_211 : vector<16xf32> to vector<16xf32>
    tpu.vector_store %arg6[%swap3A_212], %swap3A_215 {strides = array<i32>} : memref<640xf32, #tpu.memory_space<vmem>>, vector<16xf32>,
    %broadcast_in_dim3A_216 = arith.constant 0.000000e+00 : f32
    %broadcast_in_dim3A_217 = vector.broadcast %broadcast_in_dim3A_216 : f32 to vector<16xf32>
    %swap3A_218 = arith.constant 432 : index
    %swap3A_219 = tpu.vector_load %arg6[%swap3A_218] {strides = array<i32>} : memref<640xf32, #tpu.memory_space<vmem>>, vector<16xf32>,
    %swap3A_220 = vector.shape_cast %swap3A_219 : vector<16xf32> to vector<16xf32>
    %swap3A_221 = vector.shape_cast %broadcast_in_dim3A_217 : vector<16xf32> to vector<16xf32>
    tpu.vector_store %arg6[%swap3A_218], %swap3A_221 {strides = array<i32>} : memref<640xf32, #tpu.memory_space<vmem>>, vector<16xf32>,
    %broadcast_in_dim3A_222 = arith.constant 0.000000e+00 : f32
    %broadcast_in_dim3A_223 = vector.broadcast %broadcast_in_dim3A_222 : f32 to vector<16xf32>
    %swap3A_224 = arith.constant 448 : index
    %swap3A_225 = tpu.vector_load %arg6[%swap3A_224] {strides = array<i32>} : memref<640xf32, #tpu.memory_space<vmem>>, vector<16xf32>,
    %swap3A_226 = vector.shape_cast %swap3A_225 : vector<16xf32> to vector<16xf32>
    %swap3A_227 = vector.shape_cast %broadcast_in_dim3A_223 : vector<16xf32> to vector<16xf32>
    tpu.vector_store %arg6[%swap3A_224], %swap3A_227 {strides = array<i32>} : memref<640xf32, #tpu.memory_space<vmem>>, vector<16xf32>,
    %broadcast_in_dim3A_228 = arith.constant 0.000000e+00 : f32
    %broadcast_in_dim3A_229 = vector.broadcast %broadcast_in_dim3A_228 : f32 to vector<16xf32>
    %swap3A_230 = arith.constant 464 : index
    %swap3A_231 = tpu.vector_load %arg6[%swap3A_230] {strides = array<i32>} : memref<640xf32, #tpu.memory_space<vmem>>, vector<16xf32>,
    %swap3A_232 = vector.shape_cast %swap3A_231 : vector<16xf32> to vector<16xf32>
    %swap3A_233 = vector.shape_cast %broadcast_in_dim3A_229 : vector<16xf32> to vector<16xf32>
    tpu.vector_store %arg6[%swap3A_230], %swap3A_233 {strides = array<i32>} : memref<640xf32, #tpu.memory_space<vmem>>, vector<16xf32>,
    %broadcast_in_dim3A_234 = arith.constant 0.000000e+00 : f32
    %broadcast_in_dim3A_235 = vector.broadcast %broadcast_in_dim3A_234 : f32 to vector<16xf32>
    %swap3A_236 = arith.constant 480 : index
    %swap3A_237 = tpu.vector_load %arg6[%swap3A_236] {strides = array<i32>} : memref<640xf32, #tpu.memory_space<vmem>>, vector<16xf32>,
    %swap3A_238 = vector.shape_cast %swap3A_237 : vector<16xf32> to vector<16xf32>
    %swap3A_239 = vector.shape_cast %broadcast_in_dim3A_235 : vector<16xf32> to vector<16xf32>
    tpu.vector_store %arg6[%swap3A_236], %swap3A_239 {strides = array<i32>} : memref<640xf32, #tpu.memory_space<vmem>>, vector<16xf32>,
    %broadcast_in_dim3A_240 = arith.constant 0.000000e+00 : f32
    %broadcast_in_dim3A_241 = vector.broadcast %broadcast_in_dim3A_240 : f32 to vector<16xf32>
    %swap3A_242 = arith.constant 496 : index
    %swap3A_243 = tpu.vector_load %arg6[%swap3A_242] {strides = array<i32>} : memref<640xf32, #tpu.memory_space<vmem>>, vector<16xf32>,
    %swap3A_244 = vector.shape_cast %swap3A_243 : vector<16xf32> to vector<16xf32>
    %swap3A_245 = vector.shape_cast %broadcast_in_dim3A_241 : vector<16xf32> to vector<16xf32>
    tpu.vector_store %arg6[%swap3A_242], %swap3A_245 {strides = array<i32>} : memref<640xf32, #tpu.memory_space<vmem>>, vector<16xf32>,
    %broadcast_in_dim3A_246 = arith.constant 0.000000e+00 : f32
    %broadcast_in_dim3A_247 = vector.broadcast %broadcast_in_dim3A_246 : f32 to vector<16xf32>
    %swap3A_248 = arith.constant 512 : index
    %swap3A_249 = tpu.vector_load %arg6[%swap3A_248] {strides = array<i32>} : memref<640xf32, #tpu.memory_space<vmem>>, vector<16xf32>,
    %swap3A_250 = vector.shape_cast %swap3A_249 : vector<16xf32> to vector<16xf32>
    %swap3A_251 = vector.shape_cast %broadcast_in_dim3A_247 : vector<16xf32> to vector<16xf32>
    tpu.vector_store %arg6[%swap3A_248], %swap3A_251 {strides = array<i32>} : memref<640xf32, #tpu.memory_space<vmem>>, vector<16xf32>,
    %broadcast_in_dim3A_252 = arith.constant 0.000000e+00 : f32
    %broadcast_in_dim3A_253 = vector.broadcast %broadcast_in_dim3A_252 : f32 to vector<16xf32>
    %swap3A_254 = arith.constant 528 : index
    %swap3A_255 = tpu.vector_load %arg6[%swap3A_254] {strides = array<i32>} : memref<640xf32, #tpu.memory_space<vmem>>, vector<16xf32>,
    %swap3A_256 = vector.shape_cast %swap3A_255 : vector<16xf32> to vector<16xf32>
    %swap3A_257 = vector.shape_cast %broadcast_in_dim3A_253 : vector<16xf32> to vector<16xf32>
    tpu.vector_store %arg6[%swap3A_254], %swap3A_257 {strides = array<i32>} : memref<640xf32, #tpu.memory_space<vmem>>, vector<16xf32>,
    %broadcast_in_dim3A_258 = arith.constant 0.000000e+00 : f32
    %broadcast_in_dim3A_259 = vector.broadcast %broadcast_in_dim3A_258 : f32 to vector<16xf32>
    %swap3A_260 = arith.constant 544 : index
    %swap3A_261 = tpu.vector_load %arg6[%swap3A_260] {strides = array<i32>} : memref<640xf32, #tpu.memory_space<vmem>>, vector<16xf32>,
    %swap3A_262 = vector.shape_cast %swap3A_261 : vector<16xf32> to vector<16xf32>
    %swap3A_263 = vector.shape_cast %broadcast_in_dim3A_259 : vector<16xf32> to vector<16xf32>
    tpu.vector_store %arg6[%swap3A_260], %swap3A_263 {strides = array<i32>} : memref<640xf32, #tpu.memory_space<vmem>>, vector<16xf32>,
    %broadcast_in_dim3A_264 = arith.constant 0.000000e+00 : f32
    %broadcast_in_dim3A_265 = vector.broadcast %broadcast_in_dim3A_264 : f32 to vector<16xf32>
    %swap3A_266 = arith.constant 560 : index
    %swap3A_267 = tpu.vector_load %arg6[%swap3A_266] {strides = array<i32>} : memref<640xf32, #tpu.memory_space<vmem>>, vector<16xf32>,
    %swap3A_268 = vector.shape_cast %swap3A_267 : vector<16xf32> to vector<16xf32>
    %swap3A_269 = vector.shape_cast %broadcast_in_dim3A_265 : vector<16xf32> to vector<16xf32>
    tpu.vector_store %arg6[%swap3A_266], %swap3A_269 {strides = array<i32>} : memref<640xf32, #tpu.memory_space<vmem>>, vector<16xf32>,
    %broadcast_in_dim3A_270 = arith.constant 0.000000e+00 : f32
    %broadcast_in_dim3A_271 = vector.broadcast %broadcast_in_dim3A_270 : f32 to vector<16xf32>
    %swap3A_272 = arith.constant 576 : index
    %swap3A_273 = tpu.vector_load %arg6[%swap3A_272] {strides = array<i32>} : memref<640xf32, #tpu.memory_space<vmem>>, vector<16xf32>,
    %swap3A_274 = vector.shape_cast %swap3A_273 : vector<16xf32> to vector<16xf32>
    %swap3A_275 = vector.shape_cast %broadcast_in_dim3A_271 : vector<16xf32> to vector<16xf32>
    tpu.vector_store %arg6[%swap3A_272], %swap3A_275 {strides = array<i32>} : memref<640xf32, #tpu.memory_space<vmem>>, vector<16xf32>,
    %broadcast_in_dim3A_276 = arith.constant 0.000000e+00 : f32
    %broadcast_in_dim3A_277 = vector.broadcast %broadcast_in_dim3A_276 : f32 to vector<16xf32>
    %swap3A_278 = arith.constant 592 : index
    %swap3A_279 = tpu.vector_load %arg6[%swap3A_278] {strides = array<i32>} : memref<640xf32, #tpu.memory_space<vmem>>, vector<16xf32>,
    %swap3A_280 = vector.shape_cast %swap3A_279 : vector<16xf32> to vector<16xf32>
    %swap3A_281 = vector.shape_cast %broadcast_in_dim3A_277 : vector<16xf32> to vector<16xf32>
    tpu.vector_store %arg6[%swap3A_278], %swap3A_281 {strides = array<i32>} : memref<640xf32, #tpu.memory_space<vmem>>, vector<16xf32>,
    %broadcast_in_dim3A_282 = arith.constant 0.000000e+00 : f32
    %broadcast_in_dim3A_283 = vector.broadcast %broadcast_in_dim3A_282 : f32 to vector<16xf32>
    %swap3A_284 = arith.constant 608 : index
    %swap3A_285 = tpu.vector_load %arg6[%swap3A_284] {strides = array<i32>} : memref<640xf32, #tpu.memory_space<vmem>>, vector<16xf32>,
    %swap3A_286 = vector.shape_cast %swap3A_285 : vector<16xf32> to vector<16xf32>
    %swap3A_287 = vector.shape_cast %broadcast_in_dim3A_283 : vector<16xf32> to vector<16xf32>
    tpu.vector_store %arg6[%swap3A_284], %swap3A_287 {strides = array<i32>} : memref<640xf32, #tpu.memory_space<vmem>>, vector<16xf32>,
    %broadcast_in_dim3A_288 = arith.constant 0.000000e+00 : f32
    %broadcast_in_dim3A_289 = vector.broadcast %broadcast_in_dim3A_288 : f32 to vector<16xf32>
    %swap3A_290 = arith.constant 624 : index
    %swap3A_291 = tpu.vector_load %arg6[%swap3A_290] {strides = array<i32>} : memref<640xf32, #tpu.memory_space<vmem>>, vector<16xf32>,
    %swap3A_292 = vector.shape_cast %swap3A_291 : vector<16xf32> to vector<16xf32>
    %swap3A_293 = vector.shape_cast %broadcast_in_dim3A_289 : vector<16xf32> to vector<16xf32>
    tpu.vector_store %arg6[%swap3A_290], %swap3A_293 {strides = array<i32>} : memref<640xf32, #tpu.memory_space<vmem>>, vector<16xf32>,
    %mul3A_294 = arith.constant 640 : i32
    %mul3A_295 = arith.muli %arg1, %mul3A_294 : i32
    "tpu.region"() ({
      %run_scoped3A = tpu.sem_alloc : memref<!tpu.dma_semaphore, #tpu.memory_space<semaphore_mem>>
      %dma_start3A_314 = tpu.memref_slice %arg7[%mul3A_295] : memref<10240xf32, #tpu.memory_space<vmem_shared>> -> memref<640xf32, #tpu.memory_space<vmem_shared>>
      %dma_start3A_315 = tpu.memref_slice %arg7[%mul3A_295] : memref<10240xf32, #tpu.memory_space<vmem_shared>> -> memref<640xf32, #tpu.memory_space<vmem_shared>>
      tpu.enqueue_dma source(%arg6 : memref<640xf32, #tpu.memory_space<vmem>>) target(%dma_start3A_315 : memref<640xf32, #tpu.memory_space<vmem_shared>>) target_semaphore(%run_scoped3A : memref<!tpu.dma_semaphore, #tpu.memory_space<semaphore_mem>>)
      %dma_wait3A_316 = tpu.memref_slice %arg7[%mul3A_295] : memref<10240xf32, #tpu.memory_space<vmem_shared>> -> memref<640xf32, #tpu.memory_space<vmem_shared>>
      %dma_wait3A_317 = tpu.memref_slice %arg7[%mul3A_295] : memref<10240xf32, #tpu.memory_space<vmem_shared>> -> memref<640xf32, #tpu.memory_space<vmem_shared>>
      tpu.wait_dma2 semaphore(%run_scoped3A : memref<!tpu.dma_semaphore, #tpu.memory_space<semaphore_mem>>) src(%arg6 : memref<640xf32, #tpu.memory_space<vmem>>) dst(%dma_wait3A_317 : memref<640xf32, #tpu.memory_space<vmem_shared>>)
      tpu.yield
    }) : () -> ()
    %dma_wait3A = arith.constant 0 : i32
    %dma_wait3A_296 = arith.constant 0 : i32
    %dma_wait3A_297 = tpu.memref_slice %arg2[%add3A, %dma_wait3A, %dma_wait3A_296] : memref<32x80x128xi32, #tpu.memory_space<hbm>> -> memref<1x80x128xi32, #tpu.memory_space<hbm>>
    %dma_wait3A_298 = tpu.memref_squeeze %dma_wait3A_297 : memref<1x80x128xi32, #tpu.memory_space<hbm>> -> memref<80x128xi32, #tpu.memory_space<hbm>>
    %dma_wait3A_299 = arith.constant 0 : i32
    %dma_wait3A_300 = arith.constant 0 : i32
    %dma_wait3A_301 = tpu.memref_slice %arg2[%add3A, %dma_wait3A_299, %dma_wait3A_300] : memref<32x80x128xi32, #tpu.memory_space<hbm>> -> memref<1x80x128xi32, #tpu.memory_space<hbm>>
    %dma_wait3A_302 = tpu.memref_squeeze %dma_wait3A_301 : memref<1x80x128xi32, #tpu.memory_space<hbm>> -> memref<80x128xi32, #tpu.memory_space<hbm>>
    tpu.wait_dma2 semaphore(%arg8 : memref<!tpu.dma_semaphore, #tpu.memory_space<semaphore_mem>>) src(%dma_wait3A_302 : memref<80x128xi32, #tpu.memory_space<hbm>>) dst(%arg4 : memref<80x128xi32, #tpu.memory_space<vmem>>)
    %barrier3A = arith.constant 0 : index
    tpu.barrier barrier_id(%barrier3A)
    %scan3A = arith.constant 0 : i32
    %scan3A_303 = arith.constant 0 : i32
    %scan3A_304 = arith.constant 80 : i32
    %scan3A_305 = arith.addi %scan3A_303, %scan3A_304 : i32
    %scan3A_306 = arith.constant 1 : i32
    %scan3A_307 = scf.for %scan3A_314 = %scan3A_303 to %scan3A_305 step %scan3A_306 iter_args(%scan3A_315 = %scan3A) -> (i32)  : i32 {
      "tpu.region"() ({
        %run_scoped3A = tpu.sem_alloc : memref<!tpu.dma_semaphore, #tpu.memory_space<semaphore_mem>>
        %dma_start3A_317 = arith.constant 0 : i32
        %dma_start3A_318 = tpu.memref_slice %arg4[%scan3A_314, %dma_start3A_317] : memref<80x128xi32, #tpu.memory_space<vmem>> -> memref<1x128xi32, #tpu.memory_space<vmem>>
        %dma_start3A_319 = tpu.memref_squeeze %dma_start3A_318 : memref<1x128xi32, #tpu.memory_space<vmem>> -> memref<128xi32, #tpu.memory_space<vmem>>
        %dma_start3A_320 = arith.constant 0 : i32
        %dma_start3A_321 = tpu.memref_slice %arg7[%dma_start3A_320] : memref<10240xf32, #tpu.memory_space<vmem_shared>> -> memref<10240xf32, #tpu.memory_space<vmem_shared>>
        tpu.enqueue_indirect_dma source(%arg5 : memref<128xf32, #tpu.memory_space<vmem>>) target(%dma_start3A_321 : memref<10240xf32, #tpu.memory_space<vmem_shared>>) offsets(%dma_start3A_319 : memref<128xi32, #tpu.memory_space<vmem>>) semaphore(%run_scoped3A : memref<!tpu.dma_semaphore, #tpu.memory_space<semaphore_mem>>) {add = true}
        %dma_wait3A_322 = arith.constant 0 : i32
        %dma_wait3A_323 = tpu.memref_slice %arg4[%scan3A_314, %dma_wait3A_322] : memref<80x128xi32, #tpu.memory_space<vmem>> -> memref<1x128xi32, #tpu.memory_space<vmem>>
        %dma_wait3A_324 = tpu.memref_squeeze %dma_wait3A_323 : memref<1x128xi32, #tpu.memory_space<vmem>> -> memref<128xi32, #tpu.memory_space<vmem>>
        %dma_wait3A_325 = arith.constant 0 : i32
        %dma_wait3A_326 = tpu.memref_slice %arg7[%dma_wait3A_325] : memref<10240xf32, #tpu.memory_space<vmem_shared>> -> memref<10240xf32, #tpu.memory_space<vmem_shared>>
        tpu.wait_indirect_dma semaphore(%run_scoped3A : memref<!tpu.dma_semaphore, #tpu.memory_space<semaphore_mem>>) src(%arg5 : memref<128xf32, #tpu.memory_space<vmem>>) dst(%dma_wait3A_326 : memref<10240xf32, #tpu.memory_space<vmem_shared>>)
        tpu.yield
      }) : () -> ()
      %scan3A_316 = arith.constant 0 : i32
      scf.yield %scan3A_316 : i32
    }
    %scan3A_308 = arith.constant 80 : i32
    %barrier3A_309 = arith.constant 0 : index
    tpu.barrier barrier_id(%barrier3A_309)
    %mul3A_310 = arith.constant 640 : i32
    %mul3A_311 = arith.muli %arg1, %mul3A_310 : i32
    %mul3A_312 = arith.constant 640 : i32
    %mul3A_313 = arith.muli %arg1, %mul3A_312 : i32
    "tpu.region"() ({
      %run_scoped3A = tpu.sem_alloc : memref<!tpu.dma_semaphore, #tpu.memory_space<semaphore_mem>>
      %dma_start3A_314 = tpu.memref_slice %arg3[%arg0, %mul3A_313] : memref<2x10240xf32, #tpu.memory_space<hbm>> -> memref<1x640xf32, #tpu.memory_space<hbm>>
      %dma_start3A_315 = tpu.memref_squeeze %dma_start3A_314 : memref<1x640xf32, #tpu.memory_space<hbm>> -> memref<640xf32, #tpu.memory_space<hbm>>
      %dma_start3A_316 = tpu.memref_slice %arg7[%mul3A_311] : memref<10240xf32, #tpu.memory_space<vmem_shared>> -> memref<640xf32, #tpu.memory_space<vmem_shared>>
      tpu.enqueue_dma source(%dma_start3A_316 : memref<640xf32, #tpu.memory_space<vmem_shared>>) target(%dma_start3A_315 : memref<640xf32, #tpu.memory_space<hbm>>) target_semaphore(%run_scoped3A : memref<!tpu.dma_semaphore, #tpu.memory_space<semaphore_mem>>)
      %dma_wait3A_317 = tpu.memref_slice %arg3[%arg0, %mul3A_313] : memref<2x10240xf32, #tpu.memory_space<hbm>> -> memref<1x640xf32, #tpu.memory_space<hbm>>
      %dma_wait3A_318 = tpu.memref_squeeze %dma_wait3A_317 : memref<1x640xf32, #tpu.memory_space<hbm>> -> memref<640xf32, #tpu.memory_space<hbm>>
      %dma_wait3A_319 = tpu.memref_slice %arg7[%mul3A_311] : memref<10240xf32, #tpu.memory_space<vmem_shared>> -> memref<640xf32, #tpu.memory_space<vmem_shared>>
      tpu.wait_dma2 semaphore(%run_scoped3A : memref<!tpu.dma_semaphore, #tpu.memory_space<semaphore_mem>>) src(%dma_wait3A_319 : memref<640xf32, #tpu.memory_space<vmem_shared>>) dst(%dma_wait3A_318 : memref<640xf32, #tpu.memory_space<hbm>>)
      tpu.yield
    }) : () -> ()
    return
  }
}

#map = affine_map<(d0, d1) -> (0, 0)>
#map1 = affine_map<(d0, d1) -> (0)>
#map2 = affine_map<(d0, d1) -> (0, 0, 0)>
module attributes {stable_mosaic.version = 14 : i64} {
  func.func @_sc_agg(%arg0: i32, %arg1: i32, %arg2: memref<10000x128xf32, #tpu.memory_space<hbm>>, %arg3: memref<327680xi32, #tpu.memory_space<hbm>>, %arg4: memref<32x80x128xi32, #tpu.memory_space<hbm>>, %arg5: memref<2x10240x128xf32, #tpu.memory_space<hbm>>, %arg6: memref<10240xi32, #tpu.memory_space<vmem>>, %arg7: memref<2x16x128xi32, #tpu.memory_space<vmem>>, %arg8: memref<128x128xf32, #tpu.memory_space<vmem>>, %arg9: memref<128x128xf32, #tpu.memory_space<vmem>>, %arg10: memref<10240x128xf32, #tpu.memory_space<vmem_shared>>, %arg11: memref<!tpu.dma_semaphore, #tpu.memory_space<semaphore_mem>>, %arg12: memref<!tpu.dma_semaphore, #tpu.memory_space<semaphore_mem>>, %arg13: memref<!tpu.dma_semaphore, #tpu.memory_space<semaphore_mem>>, %arg14: memref<!tpu.dma_semaphore, #tpu.memory_space<semaphore_mem>>) attributes {dimension_semantics = [#tpu.dimension_semantics<core_parallel>, #tpu.dimension_semantics<subcore_parallel>], iteration_bounds = array<i64: 2, 16>, scalar_prefetch = 0 : i64, scratch_operands = 9 : i64, tpu.core_type = #tpu.core_type<sc_vector_subcore>, window_params = [{transform_indices = #map}, {transform_indices = #map1}, {transform_indices = #map2}, {transform_indices = #map2}]} {
    %mul3A = arith.constant 2 : i32
    %mul3A_0 = arith.muli %arg1, %mul3A : i32
    %add3A = arith.addi %mul3A_0, %arg0 : i32
    %mul3A_1 = arith.constant 10240 : i32
    %mul3A_2 = arith.muli %add3A, %mul3A_1 : i32
    %dma_start3A = tpu.memref_slice %arg3[%mul3A_2] : memref<327680xi32, #tpu.memory_space<hbm>> -> memref<10240xi32, #tpu.memory_space<hbm>>
    %dma_start3A_3 = tpu.memref_slice %arg3[%mul3A_2] : memref<327680xi32, #tpu.memory_space<hbm>> -> memref<10240xi32, #tpu.memory_space<hbm>>
    tpu.enqueue_dma source(%dma_start3A_3 : memref<10240xi32, #tpu.memory_space<hbm>>) target(%arg6 : memref<10240xi32, #tpu.memory_space<vmem>>) target_semaphore(%arg11 : memref<!tpu.dma_semaphore, #tpu.memory_space<semaphore_mem>>)
    %dma_start3A_4 = arith.constant 0 : i32
    %dma_start3A_5 = arith.constant 0 : i32
    %dma_start3A_6 = arith.constant 0 : i32
    %dma_start3A_7 = tpu.memref_slice %arg7[%dma_start3A_4, %dma_start3A_5, %dma_start3A_6] : memref<2x16x128xi32, #tpu.memory_space<vmem>> -> memref<1x16x128xi32, #tpu.memory_space<vmem>>
    %dma_start3A_8 = tpu.memref_squeeze %dma_start3A_7 : memref<1x16x128xi32, #tpu.memory_space<vmem>> -> memref<16x128xi32, #tpu.memory_space<vmem>>
    %dma_start3A_9 = arith.constant 0 : i32
    %dma_start3A_10 = arith.constant 0 : i32
    %dma_start3A_11 = tpu.memref_slice %arg4[%add3A, %dma_start3A_9, %dma_start3A_10] : memref<32x80x128xi32, #tpu.memory_space<hbm>> -> memref<1x16x128xi32, #tpu.memory_space<hbm>>
    %dma_start3A_12 = tpu.memref_squeeze %dma_start3A_11 : memref<1x16x128xi32, #tpu.memory_space<hbm>> -> memref<16x128xi32, #tpu.memory_space<hbm>>
    %dma_start3A_13 = arith.constant 0 : i32
    %dma_start3A_14 = arith.constant 0 : i32
    %dma_start3A_15 = tpu.memref_slice %arg7[%dma_start3A_4, %dma_start3A_13, %dma_start3A_14] : memref<2x16x128xi32, #tpu.memory_space<vmem>> -> memref<1x16x128xi32, #tpu.memory_space<vmem>>
    %dma_start3A_16 = tpu.memref_squeeze %dma_start3A_15 : memref<1x16x128xi32, #tpu.memory_space<vmem>> -> memref<16x128xi32, #tpu.memory_space<vmem>>
    %dma_start3A_17 = arith.constant 0 : i32
    %dma_start3A_18 = arith.constant 0 : i32
    %dma_start3A_19 = tpu.memref_slice %arg4[%add3A, %dma_start3A_17, %dma_start3A_18] : memref<32x80x128xi32, #tpu.memory_space<hbm>> -> memref<1x16x128xi32, #tpu.memory_space<hbm>>
    %dma_start3A_20 = tpu.memref_squeeze %dma_start3A_19 : memref<1x16x128xi32, #tpu.memory_space<hbm>> -> memref<16x128xi32, #tpu.memory_space<hbm>>
    tpu.enqueue_dma source(%dma_start3A_20 : memref<16x128xi32, #tpu.memory_space<hbm>>) target(%dma_start3A_16 : memref<16x128xi32, #tpu.memory_space<vmem>>) target_semaphore(%arg13 : memref<!tpu.dma_semaphore, #tpu.memory_space<semaphore_mem>>)
    %scan3A = arith.constant 0 : i32
    %scan3A_21 = arith.constant 0 : i32
    %scan3A_22 = arith.constant 128 : i32
    %scan3A_23 = arith.addi %scan3A_21, %scan3A_22 : i32
    %scan3A_24 = arith.constant 1 : i32
    %scan3A_25 = scf.for %scan3A_266 = %scan3A_21 to %scan3A_23 step %scan3A_24 iter_args(%scan3A_267 = %scan3A) -> (i32)  : i32 {
      %broadcast_in_dim3A = arith.constant 0.000000e+00 : f32
      %broadcast_in_dim3A_268 = vector.broadcast %broadcast_in_dim3A : f32 to vector<16xf32>
      %swap3A = arith.index_cast %scan3A_266 : i32 to index
      %swap3A_269 = arith.constant 0 : index
      %swap3A_270 = tpu.vector_load %arg8[%swap3A, %swap3A_269] {strides = array<i32>} : memref<128x128xf32, #tpu.memory_space<vmem>>, vector<1x16xf32>,
      %swap3A_271 = vector.shape_cast %swap3A_270 : vector<1x16xf32> to vector<16xf32>
      %swap3A_272 = vector.shape_cast %broadcast_in_dim3A_268 : vector<16xf32> to vector<1x16xf32>
      tpu.vector_store %arg8[%swap3A, %swap3A_269], %swap3A_272 {strides = array<i32>} : memref<128x128xf32, #tpu.memory_space<vmem>>, vector<1x16xf32>,
      %broadcast_in_dim3A_273 = arith.constant 0.000000e+00 : f32
      %broadcast_in_dim3A_274 = vector.broadcast %broadcast_in_dim3A_273 : f32 to vector<16xf32>
      %swap3A_275 = arith.index_cast %scan3A_266 : i32 to index
      %swap3A_276 = arith.constant 16 : index
      %swap3A_277 = tpu.vector_load %arg8[%swap3A_275, %swap3A_276] {strides = array<i32>} : memref<128x128xf32, #tpu.memory_space<vmem>>, vector<1x16xf32>,
      %swap3A_278 = vector.shape_cast %swap3A_277 : vector<1x16xf32> to vector<16xf32>
      %swap3A_279 = vector.shape_cast %broadcast_in_dim3A_274 : vector<16xf32> to vector<1x16xf32>
      tpu.vector_store %arg8[%swap3A_275, %swap3A_276], %swap3A_279 {strides = array<i32>} : memref<128x128xf32, #tpu.memory_space<vmem>>, vector<1x16xf32>,
      %broadcast_in_dim3A_280 = arith.constant 0.000000e+00 : f32
      %broadcast_in_dim3A_281 = vector.broadcast %broadcast_in_dim3A_280 : f32 to vector<16xf32>
      %swap3A_282 = arith.index_cast %scan3A_266 : i32 to index
      %swap3A_283 = arith.constant 32 : index
      %swap3A_284 = tpu.vector_load %arg8[%swap3A_282, %swap3A_283] {strides = array<i32>} : memref<128x128xf32, #tpu.memory_space<vmem>>, vector<1x16xf32>,
      %swap3A_285 = vector.shape_cast %swap3A_284 : vector<1x16xf32> to vector<16xf32>
      %swap3A_286 = vector.shape_cast %broadcast_in_dim3A_281 : vector<16xf32> to vector<1x16xf32>
      tpu.vector_store %arg8[%swap3A_282, %swap3A_283], %swap3A_286 {strides = array<i32>} : memref<128x128xf32, #tpu.memory_space<vmem>>, vector<1x16xf32>,
      %broadcast_in_dim3A_287 = arith.constant 0.000000e+00 : f32
      %broadcast_in_dim3A_288 = vector.broadcast %broadcast_in_dim3A_287 : f32 to vector<16xf32>
      %swap3A_289 = arith.index_cast %scan3A_266 : i32 to index
      %swap3A_290 = arith.constant 48 : index
      %swap3A_291 = tpu.vector_load %arg8[%swap3A_289, %swap3A_290] {strides = array<i32>} : memref<128x128xf32, #tpu.memory_space<vmem>>, vector<1x16xf32>,
      %swap3A_292 = vector.shape_cast %swap3A_291 : vector<1x16xf32> to vector<16xf32>
      %swap3A_293 = vector.shape_cast %broadcast_in_dim3A_288 : vector<16xf32> to vector<1x16xf32>
      tpu.vector_store %arg8[%swap3A_289, %swap3A_290], %swap3A_293 {strides = array<i32>} : memref<128x128xf32, #tpu.memory_space<vmem>>, vector<1x16xf32>,
      %broadcast_in_dim3A_294 = arith.constant 0.000000e+00 : f32
      %broadcast_in_dim3A_295 = vector.broadcast %broadcast_in_dim3A_294 : f32 to vector<16xf32>
      %swap3A_296 = arith.index_cast %scan3A_266 : i32 to index
      %swap3A_297 = arith.constant 64 : index
      %swap3A_298 = tpu.vector_load %arg8[%swap3A_296, %swap3A_297] {strides = array<i32>} : memref<128x128xf32, #tpu.memory_space<vmem>>, vector<1x16xf32>,
      %swap3A_299 = vector.shape_cast %swap3A_298 : vector<1x16xf32> to vector<16xf32>
      %swap3A_300 = vector.shape_cast %broadcast_in_dim3A_295 : vector<16xf32> to vector<1x16xf32>
      tpu.vector_store %arg8[%swap3A_296, %swap3A_297], %swap3A_300 {strides = array<i32>} : memref<128x128xf32, #tpu.memory_space<vmem>>, vector<1x16xf32>,
      %broadcast_in_dim3A_301 = arith.constant 0.000000e+00 : f32
      %broadcast_in_dim3A_302 = vector.broadcast %broadcast_in_dim3A_301 : f32 to vector<16xf32>
      %swap3A_303 = arith.index_cast %scan3A_266 : i32 to index
      %swap3A_304 = arith.constant 80 : index
      %swap3A_305 = tpu.vector_load %arg8[%swap3A_303, %swap3A_304] {strides = array<i32>} : memref<128x128xf32, #tpu.memory_space<vmem>>, vector<1x16xf32>,
      %swap3A_306 = vector.shape_cast %swap3A_305 : vector<1x16xf32> to vector<16xf32>
      %swap3A_307 = vector.shape_cast %broadcast_in_dim3A_302 : vector<16xf32> to vector<1x16xf32>
      tpu.vector_store %arg8[%swap3A_303, %swap3A_304], %swap3A_307 {strides = array<i32>} : memref<128x128xf32, #tpu.memory_space<vmem>>, vector<1x16xf32>,
      %broadcast_in_dim3A_308 = arith.constant 0.000000e+00 : f32
      %broadcast_in_dim3A_309 = vector.broadcast %broadcast_in_dim3A_308 : f32 to vector<16xf32>
      %swap3A_310 = arith.index_cast %scan3A_266 : i32 to index
      %swap3A_311 = arith.constant 96 : index
      %swap3A_312 = tpu.vector_load %arg8[%swap3A_310, %swap3A_311] {strides = array<i32>} : memref<128x128xf32, #tpu.memory_space<vmem>>, vector<1x16xf32>,
      %swap3A_313 = vector.shape_cast %swap3A_312 : vector<1x16xf32> to vector<16xf32>
      %swap3A_314 = vector.shape_cast %broadcast_in_dim3A_309 : vector<16xf32> to vector<1x16xf32>
      tpu.vector_store %arg8[%swap3A_310, %swap3A_311], %swap3A_314 {strides = array<i32>} : memref<128x128xf32, #tpu.memory_space<vmem>>, vector<1x16xf32>,
      %broadcast_in_dim3A_315 = arith.constant 0.000000e+00 : f32
      %broadcast_in_dim3A_316 = vector.broadcast %broadcast_in_dim3A_315 : f32 to vector<16xf32>
      %swap3A_317 = arith.index_cast %scan3A_266 : i32 to index
      %swap3A_318 = arith.constant 112 : index
      %swap3A_319 = tpu.vector_load %arg8[%swap3A_317, %swap3A_318] {strides = array<i32>} : memref<128x128xf32, #tpu.memory_space<vmem>>, vector<1x16xf32>,
      %swap3A_320 = vector.shape_cast %swap3A_319 : vector<1x16xf32> to vector<16xf32>
      %swap3A_321 = vector.shape_cast %broadcast_in_dim3A_316 : vector<16xf32> to vector<1x16xf32>
      tpu.vector_store %arg8[%swap3A_317, %swap3A_318], %swap3A_321 {strides = array<i32>} : memref<128x128xf32, #tpu.memory_space<vmem>>, vector<1x16xf32>,
      %scan3A_322 = arith.constant 0 : i32
      scf.yield %scan3A_322 : i32
    }
    %scan3A_26 = arith.constant 128 : i32
    %mul3A_27 = arith.constant 640 : i32
    %mul3A_28 = arith.muli %arg1, %mul3A_27 : i32
    %add3A_29 = arith.constant 0 : i32
    %add3A_30 = arith.addi %mul3A_28, %add3A_29 : i32
    "tpu.region"() ({
      %run_scoped3A_266 = tpu.sem_alloc : memref<!tpu.dma_semaphore, #tpu.memory_space<semaphore_mem>>
      %dma_start3A_267 = arith.constant 0 : i32
      %dma_start3A_268 = tpu.memref_slice %arg10[%add3A_30, %dma_start3A_267] : memref<10240x128xf32, #tpu.memory_space<vmem_shared>> -> memref<128x128xf32, #tpu.memory_space<vmem_shared>>
      %dma_start3A_269 = arith.constant 0 : i32
      %dma_start3A_270 = tpu.memref_slice %arg10[%add3A_30, %dma_start3A_269] : memref<10240x128xf32, #tpu.memory_space<vmem_shared>> -> memref<128x128xf32, #tpu.memory_space<vmem_shared>>
      tpu.enqueue_dma source(%arg8 : memref<128x128xf32, #tpu.memory_space<vmem>>) target(%dma_start3A_270 : memref<128x128xf32, #tpu.memory_space<vmem_shared>>) target_semaphore(%run_scoped3A_266 : memref<!tpu.dma_semaphore, #tpu.memory_space<semaphore_mem>>)
      %dma_wait3A_271 = arith.constant 0 : i32
      %dma_wait3A_272 = tpu.memref_slice %arg10[%add3A_30, %dma_wait3A_271] : memref<10240x128xf32, #tpu.memory_space<vmem_shared>> -> memref<128x128xf32, #tpu.memory_space<vmem_shared>>
      %dma_wait3A_273 = arith.constant 0 : i32
      %dma_wait3A_274 = tpu.memref_slice %arg10[%add3A_30, %dma_wait3A_273] : memref<10240x128xf32, #tpu.memory_space<vmem_shared>> -> memref<128x128xf32, #tpu.memory_space<vmem_shared>>
      tpu.wait_dma2 semaphore(%run_scoped3A_266 : memref<!tpu.dma_semaphore, #tpu.memory_space<semaphore_mem>>) src(%arg8 : memref<128x128xf32, #tpu.memory_space<vmem>>) dst(%dma_wait3A_274 : memref<128x128xf32, #tpu.memory_space<vmem_shared>>)
      tpu.yield
    }) : () -> ()
    %mul3A_31 = arith.constant 640 : i32
    %mul3A_32 = arith.muli %arg1, %mul3A_31 : i32
    %add3A_33 = arith.constant 128 : i32
    %add3A_34 = arith.addi %mul3A_32, %add3A_33 : i32
    "tpu.region"() ({
      %run_scoped3A_266 = tpu.sem_alloc : memref<!tpu.dma_semaphore, #tpu.memory_space<semaphore_mem>>
      %dma_start3A_267 = arith.constant 0 : i32
      %dma_start3A_268 = tpu.memref_slice %arg10[%add3A_34, %dma_start3A_267] : memref<10240x128xf32, #tpu.memory_space<vmem_shared>> -> memref<128x128xf32, #tpu.memory_space<vmem_shared>>
      %dma_start3A_269 = arith.constant 0 : i32
      %dma_start3A_270 = tpu.memref_slice %arg10[%add3A_34, %dma_start3A_269] : memref<10240x128xf32, #tpu.memory_space<vmem_shared>> -> memref<128x128xf32, #tpu.memory_space<vmem_shared>>
      tpu.enqueue_dma source(%arg8 : memref<128x128xf32, #tpu.memory_space<vmem>>) target(%dma_start3A_270 : memref<128x128xf32, #tpu.memory_space<vmem_shared>>) target_semaphore(%run_scoped3A_266 : memref<!tpu.dma_semaphore, #tpu.memory_space<semaphore_mem>>)
      %dma_wait3A_271 = arith.constant 0 : i32
      %dma_wait3A_272 = tpu.memref_slice %arg10[%add3A_34, %dma_wait3A_271] : memref<10240x128xf32, #tpu.memory_space<vmem_shared>> -> memref<128x128xf32, #tpu.memory_space<vmem_shared>>
      %dma_wait3A_273 = arith.constant 0 : i32
      %dma_wait3A_274 = tpu.memref_slice %arg10[%add3A_34, %dma_wait3A_273] : memref<10240x128xf32, #tpu.memory_space<vmem_shared>> -> memref<128x128xf32, #tpu.memory_space<vmem_shared>>
      tpu.wait_dma2 semaphore(%run_scoped3A_266 : memref<!tpu.dma_semaphore, #tpu.memory_space<semaphore_mem>>) src(%arg8 : memref<128x128xf32, #tpu.memory_space<vmem>>) dst(%dma_wait3A_274 : memref<128x128xf32, #tpu.memory_space<vmem_shared>>)
      tpu.yield
    }) : () -> ()
    %mul3A_35 = arith.constant 640 : i32
    %mul3A_36 = arith.muli %arg1, %mul3A_35 : i32
    %add3A_37 = arith.constant 256 : i32
    %add3A_38 = arith.addi %mul3A_36, %add3A_37 : i32
    "tpu.region"() ({
      %run_scoped3A_266 = tpu.sem_alloc : memref<!tpu.dma_semaphore, #tpu.memory_space<semaphore_mem>>
      %dma_start3A_267 = arith.constant 0 : i32
      %dma_start3A_268 = tpu.memref_slice %arg10[%add3A_38, %dma_start3A_267] : memref<10240x128xf32, #tpu.memory_space<vmem_shared>> -> memref<128x128xf32, #tpu.memory_space<vmem_shared>>
      %dma_start3A_269 = arith.constant 0 : i32
      %dma_start3A_270 = tpu.memref_slice %arg10[%add3A_38, %dma_start3A_269] : memref<10240x128xf32, #tpu.memory_space<vmem_shared>> -> memref<128x128xf32, #tpu.memory_space<vmem_shared>>
      tpu.enqueue_dma source(%arg8 : memref<128x128xf32, #tpu.memory_space<vmem>>) target(%dma_start3A_270 : memref<128x128xf32, #tpu.memory_space<vmem_shared>>) target_semaphore(%run_scoped3A_266 : memref<!tpu.dma_semaphore, #tpu.memory_space<semaphore_mem>>)
      %dma_wait3A_271 = arith.constant 0 : i32
      %dma_wait3A_272 = tpu.memref_slice %arg10[%add3A_38, %dma_wait3A_271] : memref<10240x128xf32, #tpu.memory_space<vmem_shared>> -> memref<128x128xf32, #tpu.memory_space<vmem_shared>>
      %dma_wait3A_273 = arith.constant 0 : i32
      %dma_wait3A_274 = tpu.memref_slice %arg10[%add3A_38, %dma_wait3A_273] : memref<10240x128xf32, #tpu.memory_space<vmem_shared>> -> memref<128x128xf32, #tpu.memory_space<vmem_shared>>
      tpu.wait_dma2 semaphore(%run_scoped3A_266 : memref<!tpu.dma_semaphore, #tpu.memory_space<semaphore_mem>>) src(%arg8 : memref<128x128xf32, #tpu.memory_space<vmem>>) dst(%dma_wait3A_274 : memref<128x128xf32, #tpu.memory_space<vmem_shared>>)
      tpu.yield
    }) : () -> ()
    %mul3A_39 = arith.constant 640 : i32
    %mul3A_40 = arith.muli %arg1, %mul3A_39 : i32
    %add3A_41 = arith.constant 384 : i32
    %add3A_42 = arith.addi %mul3A_40, %add3A_41 : i32
    "tpu.region"() ({
      %run_scoped3A_266 = tpu.sem_alloc : memref<!tpu.dma_semaphore, #tpu.memory_space<semaphore_mem>>
      %dma_start3A_267 = arith.constant 0 : i32
      %dma_start3A_268 = tpu.memref_slice %arg10[%add3A_42, %dma_start3A_267] : memref<10240x128xf32, #tpu.memory_space<vmem_shared>> -> memref<128x128xf32, #tpu.memory_space<vmem_shared>>
      %dma_start3A_269 = arith.constant 0 : i32
      %dma_start3A_270 = tpu.memref_slice %arg10[%add3A_42, %dma_start3A_269] : memref<10240x128xf32, #tpu.memory_space<vmem_shared>> -> memref<128x128xf32, #tpu.memory_space<vmem_shared>>
      tpu.enqueue_dma source(%arg8 : memref<128x128xf32, #tpu.memory_space<vmem>>) target(%dma_start3A_270 : memref<128x128xf32, #tpu.memory_space<vmem_shared>>) target_semaphore(%run_scoped3A_266 : memref<!tpu.dma_semaphore, #tpu.memory_space<semaphore_mem>>)
      %dma_wait3A_271 = arith.constant 0 : i32
      %dma_wait3A_272 = tpu.memref_slice %arg10[%add3A_42, %dma_wait3A_271] : memref<10240x128xf32, #tpu.memory_space<vmem_shared>> -> memref<128x128xf32, #tpu.memory_space<vmem_shared>>
      %dma_wait3A_273 = arith.constant 0 : i32
      %dma_wait3A_274 = tpu.memref_slice %arg10[%add3A_42, %dma_wait3A_273] : memref<10240x128xf32, #tpu.memory_space<vmem_shared>> -> memref<128x128xf32, #tpu.memory_space<vmem_shared>>
      tpu.wait_dma2 semaphore(%run_scoped3A_266 : memref<!tpu.dma_semaphore, #tpu.memory_space<semaphore_mem>>) src(%arg8 : memref<128x128xf32, #tpu.memory_space<vmem>>) dst(%dma_wait3A_274 : memref<128x128xf32, #tpu.memory_space<vmem_shared>>)
      tpu.yield
    }) : () -> ()
    %mul3A_43 = arith.constant 640 : i32
    %mul3A_44 = arith.muli %arg1, %mul3A_43 : i32
    %add3A_45 = arith.constant 512 : i32
    %add3A_46 = arith.addi %mul3A_44, %add3A_45 : i32
    "tpu.region"() ({
      %run_scoped3A_266 = tpu.sem_alloc : memref<!tpu.dma_semaphore, #tpu.memory_space<semaphore_mem>>
      %dma_start3A_267 = arith.constant 0 : i32
      %dma_start3A_268 = tpu.memref_slice %arg10[%add3A_46, %dma_start3A_267] : memref<10240x128xf32, #tpu.memory_space<vmem_shared>> -> memref<128x128xf32, #tpu.memory_space<vmem_shared>>
      %dma_start3A_269 = arith.constant 0 : i32
      %dma_start3A_270 = tpu.memref_slice %arg10[%add3A_46, %dma_start3A_269] : memref<10240x128xf32, #tpu.memory_space<vmem_shared>> -> memref<128x128xf32, #tpu.memory_space<vmem_shared>>
      tpu.enqueue_dma source(%arg8 : memref<128x128xf32, #tpu.memory_space<vmem>>) target(%dma_start3A_270 : memref<128x128xf32, #tpu.memory_space<vmem_shared>>) target_semaphore(%run_scoped3A_266 : memref<!tpu.dma_semaphore, #tpu.memory_space<semaphore_mem>>)
      %dma_wait3A_271 = arith.constant 0 : i32
      %dma_wait3A_272 = tpu.memref_slice %arg10[%add3A_46, %dma_wait3A_271] : memref<10240x128xf32, #tpu.memory_space<vmem_shared>> -> memref<128x128xf32, #tpu.memory_space<vmem_shared>>
      %dma_wait3A_273 = arith.constant 0 : i32
      %dma_wait3A_274 = tpu.memref_slice %arg10[%add3A_46, %dma_wait3A_273] : memref<10240x128xf32, #tpu.memory_space<vmem_shared>> -> memref<128x128xf32, #tpu.memory_space<vmem_shared>>
      tpu.wait_dma2 semaphore(%run_scoped3A_266 : memref<!tpu.dma_semaphore, #tpu.memory_space<semaphore_mem>>) src(%arg8 : memref<128x128xf32, #tpu.memory_space<vmem>>) dst(%dma_wait3A_274 : memref<128x128xf32, #tpu.memory_space<vmem_shared>>)
      tpu.yield
    }) : () -> ()
    %mul3A_47 = arith.constant 10240 : i32
    %mul3A_48 = arith.muli %add3A, %mul3A_47 : i32
    %dma_wait3A = tpu.memref_slice %arg3[%mul3A_48] : memref<327680xi32, #tpu.memory_space<hbm>> -> memref<10240xi32, #tpu.memory_space<hbm>>
    %dma_wait3A_49 = tpu.memref_slice %arg3[%mul3A_48] : memref<327680xi32, #tpu.memory_space<hbm>> -> memref<10240xi32, #tpu.memory_space<hbm>>
    tpu.wait_dma2 semaphore(%arg11 : memref<!tpu.dma_semaphore, #tpu.memory_space<semaphore_mem>>) src(%dma_wait3A_49 : memref<10240xi32, #tpu.memory_space<hbm>>) dst(%arg6 : memref<10240xi32, #tpu.memory_space<vmem>>)
    %dma_wait3A_50 = arith.constant 0 : i32
    %dma_wait3A_51 = arith.constant 0 : i32
    %dma_wait3A_52 = arith.constant 0 : i32
    %dma_wait3A_53 = tpu.memref_slice %arg7[%dma_wait3A_50, %dma_wait3A_51, %dma_wait3A_52] : memref<2x16x128xi32, #tpu.memory_space<vmem>> -> memref<1x16x128xi32, #tpu.memory_space<vmem>>
    %dma_wait3A_54 = tpu.memref_squeeze %dma_wait3A_53 : memref<1x16x128xi32, #tpu.memory_space<vmem>> -> memref<16x128xi32, #tpu.memory_space<vmem>>
    %dma_wait3A_55 = arith.constant 0 : i32
    %dma_wait3A_56 = arith.constant 0 : i32
    %dma_wait3A_57 = tpu.memref_slice %arg4[%add3A, %dma_wait3A_55, %dma_wait3A_56] : memref<32x80x128xi32, #tpu.memory_space<hbm>> -> memref<1x16x128xi32, #tpu.memory_space<hbm>>
    %dma_wait3A_58 = tpu.memref_squeeze %dma_wait3A_57 : memref<1x16x128xi32, #tpu.memory_space<hbm>> -> memref<16x128xi32, #tpu.memory_space<hbm>>
    %dma_wait3A_59 = arith.constant 0 : i32
    %dma_wait3A_60 = arith.constant 0 : i32
    %dma_wait3A_61 = tpu.memref_slice %arg7[%dma_wait3A_50, %dma_wait3A_59, %dma_wait3A_60] : memref<2x16x128xi32, #tpu.memory_space<vmem>> -> memref<1x16x128xi32, #tpu.memory_space<vmem>>
    %dma_wait3A_62 = tpu.memref_squeeze %dma_wait3A_61 : memref<1x16x128xi32, #tpu.memory_space<vmem>> -> memref<16x128xi32, #tpu.memory_space<vmem>>
    %dma_wait3A_63 = arith.constant 0 : i32
    %dma_wait3A_64 = arith.constant 0 : i32
    %dma_wait3A_65 = tpu.memref_slice %arg4[%add3A, %dma_wait3A_63, %dma_wait3A_64] : memref<32x80x128xi32, #tpu.memory_space<hbm>> -> memref<1x16x128xi32, #tpu.memory_space<hbm>>
    %dma_wait3A_66 = tpu.memref_squeeze %dma_wait3A_65 : memref<1x16x128xi32, #tpu.memory_space<hbm>> -> memref<16x128xi32, #tpu.memory_space<hbm>>
    tpu.wait_dma2 semaphore(%arg13 : memref<!tpu.dma_semaphore, #tpu.memory_space<semaphore_mem>>) src(%dma_wait3A_66 : memref<16x128xi32, #tpu.memory_space<hbm>>) dst(%dma_wait3A_62 : memref<16x128xi32, #tpu.memory_space<vmem>>)
    %barrier3A = arith.constant 0 : index
    tpu.barrier barrier_id(%barrier3A)
    %dma_start3A_67 = arith.constant 0 : i32
    %dma_start3A_68 = tpu.memref_slice %arg6[%dma_start3A_67] : memref<10240xi32, #tpu.memory_space<vmem>> -> memref<128xi32, #tpu.memory_space<vmem>>
    %dma_start3A_69 = arith.constant 0 : i32
    %dma_start3A_70 = arith.constant 0 : i32
    %dma_start3A_71 = tpu.memref_slice %arg2[%dma_start3A_69, %dma_start3A_70] : memref<10000x128xf32, #tpu.memory_space<hbm>> -> memref<10000x128xf32, #tpu.memory_space<hbm>>
    tpu.enqueue_indirect_dma source(%dma_start3A_71 : memref<10000x128xf32, #tpu.memory_space<hbm>>) target(%arg8 : memref<128x128xf32, #tpu.memory_space<vmem>>) offsets(%dma_start3A_68 : memref<128xi32, #tpu.memory_space<vmem>>) semaphore(%arg11 : memref<!tpu.dma_semaphore, #tpu.memory_space<semaphore_mem>>)
    %dma_start3A_72 = arith.constant 1 : i32
    %dma_start3A_73 = arith.constant 0 : i32
    %dma_start3A_74 = arith.constant 0 : i32
    %dma_start3A_75 = tpu.memref_slice %arg7[%dma_start3A_72, %dma_start3A_73, %dma_start3A_74] : memref<2x16x128xi32, #tpu.memory_space<vmem>> -> memref<1x16x128xi32, #tpu.memory_space<vmem>>
    %dma_start3A_76 = tpu.memref_squeeze %dma_start3A_75 : memref<1x16x128xi32, #tpu.memory_space<vmem>> -> memref<16x128xi32, #tpu.memory_space<vmem>>
    %dma_start3A_77 = arith.constant 16 : i32
    %dma_start3A_78 = arith.constant 0 : i32
    %dma_start3A_79 = tpu.memref_slice %arg4[%add3A, %dma_start3A_77, %dma_start3A_78] : memref<32x80x128xi32, #tpu.memory_space<hbm>> -> memref<1x16x128xi32, #tpu.memory_space<hbm>>
    %dma_start3A_80 = tpu.memref_squeeze %dma_start3A_79 : memref<1x16x128xi32, #tpu.memory_space<hbm>> -> memref<16x128xi32, #tpu.memory_space<hbm>>
    %dma_start3A_81 = arith.constant 0 : i32
    %dma_start3A_82 = arith.constant 0 : i32
    %dma_start3A_83 = tpu.memref_slice %arg7[%dma_start3A_72, %dma_start3A_81, %dma_start3A_82] : memref<2x16x128xi32, #tpu.memory_space<vmem>> -> memref<1x16x128xi32, #tpu.memory_space<vmem>>
    %dma_start3A_84 = tpu.memref_squeeze %dma_start3A_83 : memref<1x16x128xi32, #tpu.memory_space<vmem>> -> memref<16x128xi32, #tpu.memory_space<vmem>>
    %dma_start3A_85 = arith.constant 16 : i32
    %dma_start3A_86 = arith.constant 0 : i32
    %dma_start3A_87 = tpu.memref_slice %arg4[%add3A, %dma_start3A_85, %dma_start3A_86] : memref<32x80x128xi32, #tpu.memory_space<hbm>> -> memref<1x16x128xi32, #tpu.memory_space<hbm>>
    %dma_start3A_88 = tpu.memref_squeeze %dma_start3A_87 : memref<1x16x128xi32, #tpu.memory_space<hbm>> -> memref<16x128xi32, #tpu.memory_space<hbm>>
    tpu.enqueue_dma source(%dma_start3A_88 : memref<16x128xi32, #tpu.memory_space<hbm>>) target(%dma_start3A_84 : memref<16x128xi32, #tpu.memory_space<vmem>>) target_semaphore(%arg14 : memref<!tpu.dma_semaphore, #tpu.memory_space<semaphore_mem>>)
    %scan3A_89 = arith.constant 0 : i32
    %scan3A_90 = arith.constant 0 : i32
    %scan3A_91 = arith.constant 8 : i32
    %scan3A_92 = arith.addi %scan3A_90, %scan3A_91 : i32
    %scan3A_93 = arith.constant 1 : i32
    %scan3A_94 = scf.for %scan3A_266 = %scan3A_90 to %scan3A_92 step %scan3A_93 iter_args(%scan3A_267 = %scan3A_89) -> (i32)  : i32 {
      %mul3A_268 = arith.constant 2 : i32
      %mul3A_269 = arith.muli %mul3A_268, %scan3A_266 : i32
      %add3A_270 = arith.constant 0 : i32
      %add3A_271 = arith.addi %add3A_270, %mul3A_269 : i32
      %add3A_272 = arith.constant 1 : i32
      %add3A_273 = arith.addi %add3A_271, %add3A_272 : i32
      %mul3A_274 = arith.constant 128 : i32
      %mul3A_275 = arith.muli %add3A_273, %mul3A_274 : i32
      %dma_start3A_276 = tpu.memref_slice %arg6[%mul3A_275] : memref<10240xi32, #tpu.memory_space<vmem>> -> memref<128xi32, #tpu.memory_space<vmem>>
      %dma_start3A_277 = arith.constant 0 : i32
      %dma_start3A_278 = arith.constant 0 : i32
      %dma_start3A_279 = tpu.memref_slice %arg2[%dma_start3A_277, %dma_start3A_278] : memref<10000x128xf32, #tpu.memory_space<hbm>> -> memref<10000x128xf32, #tpu.memory_space<hbm>>
      tpu.enqueue_indirect_dma source(%dma_start3A_279 : memref<10000x128xf32, #tpu.memory_space<hbm>>) target(%arg9 : memref<128x128xf32, #tpu.memory_space<vmem>>) offsets(%dma_start3A_276 : memref<128xi32, #tpu.memory_space<vmem>>) semaphore(%arg12 : memref<!tpu.dma_semaphore, #tpu.memory_space<semaphore_mem>>)
      %mul3A_280 = arith.constant 128 : i32
      %mul3A_281 = arith.muli %add3A_271, %mul3A_280 : i32
      %dma_wait3A_282 = tpu.memref_slice %arg6[%mul3A_281] : memref<10240xi32, #tpu.memory_space<vmem>> -> memref<128xi32, #tpu.memory_space<vmem>>
      %dma_wait3A_283 = arith.constant 0 : i32
      %dma_wait3A_284 = arith.constant 0 : i32
      %dma_wait3A_285 = tpu.memref_slice %arg2[%dma_wait3A_283, %dma_wait3A_284] : memref<10000x128xf32, #tpu.memory_space<hbm>> -> memref<10000x128xf32, #tpu.memory_space<hbm>>
      tpu.wait_indirect_dma semaphore(%arg11 : memref<!tpu.dma_semaphore, #tpu.memory_space<semaphore_mem>>) src(%dma_wait3A_285 : memref<10000x128xf32, #tpu.memory_space<hbm>>) dst(%arg8 : memref<128x128xf32, #tpu.memory_space<vmem>>)
      %mul3A_286 = arith.constant 2 : i32
      %mul3A_287 = arith.muli %mul3A_286, %scan3A_266 : i32
      %run_scoped3A_288 = arith.constant 0 : i32
      "tpu.region"() ({
        %run_scoped3A_311 = tpu.sem_alloc : memref<!tpu.dma_semaphore, #tpu.memory_space<semaphore_mem>>
        %dma_start3A_312 = arith.constant 0 : i32
        %dma_start3A_313 = tpu.memref_slice %arg7[%run_scoped3A_288, %mul3A_287, %dma_start3A_312] : memref<2x16x128xi32, #tpu.memory_space<vmem>> -> memref<1x1x128xi32, #tpu.memory_space<vmem>>
        %dma_start3A_314 = tpu.memref_squeeze %dma_start3A_313 : memref<1x1x128xi32, #tpu.memory_space<vmem>> -> memref<128xi32, #tpu.memory_space<vmem>>
        %dma_start3A_315 = arith.constant 0 : i32
        %dma_start3A_316 = arith.constant 0 : i32
        %dma_start3A_317 = tpu.memref_slice %arg10[%dma_start3A_315, %dma_start3A_316] : memref<10240x128xf32, #tpu.memory_space<vmem_shared>> -> memref<10240x128xf32, #tpu.memory_space<vmem_shared>>
        tpu.enqueue_indirect_dma source(%arg8 : memref<128x128xf32, #tpu.memory_space<vmem>>) target(%dma_start3A_317 : memref<10240x128xf32, #tpu.memory_space<vmem_shared>>) offsets(%dma_start3A_314 : memref<128xi32, #tpu.memory_space<vmem>>) semaphore(%run_scoped3A_311 : memref<!tpu.dma_semaphore, #tpu.memory_space<semaphore_mem>>) {add = true}
        %dma_wait3A_318 = arith.constant 0 : i32
        %dma_wait3A_319 = tpu.memref_slice %arg7[%run_scoped3A_288, %mul3A_287, %dma_wait3A_318] : memref<2x16x128xi32, #tpu.memory_space<vmem>> -> memref<1x1x128xi32, #tpu.memory_space<vmem>>
        %dma_wait3A_320 = tpu.memref_squeeze %dma_wait3A_319 : memref<1x1x128xi32, #tpu.memory_space<vmem>> -> memref<128xi32, #tpu.memory_space<vmem>>
        %dma_wait3A_321 = arith.constant 0 : i32
        %dma_wait3A_322 = arith.constant 0 : i32
        %dma_wait3A_323 = tpu.memref_slice %arg10[%dma_wait3A_321, %dma_wait3A_322] : memref<10240x128xf32, #tpu.memory_space<vmem_shared>> -> memref<10240x128xf32, #tpu.memory_space<vmem_shared>>
        tpu.wait_indirect_dma semaphore(%run_scoped3A_311 : memref<!tpu.dma_semaphore, #tpu.memory_space<semaphore_mem>>) src(%arg8 : memref<128x128xf32, #tpu.memory_space<vmem>>) dst(%dma_wait3A_323 : memref<10240x128xf32, #tpu.memory_space<vmem_shared>>)
        tpu.yield
      }) : () -> ()
      %add3A_289 = arith.constant 2 : i32
      %add3A_290 = arith.addi %add3A_271, %add3A_289 : i32
      %mul3A_291 = arith.constant 128 : i32
      %mul3A_292 = arith.muli %add3A_290, %mul3A_291 : i32
      %dma_start3A_293 = tpu.memref_slice %arg6[%mul3A_292] : memref<10240xi32, #tpu.memory_space<vmem>> -> memref<128xi32, #tpu.memory_space<vmem>>
      %dma_start3A_294 = arith.constant 0 : i32
      %dma_start3A_295 = arith.constant 0 : i32
      %dma_start3A_296 = tpu.memref_slice %arg2[%dma_start3A_294, %dma_start3A_295] : memref<10000x128xf32, #tpu.memory_space<hbm>> -> memref<10000x128xf32, #tpu.memory_space<hbm>>
      tpu.enqueue_indirect_dma source(%dma_start3A_296 : memref<10000x128xf32, #tpu.memory_space<hbm>>) target(%arg8 : memref<128x128xf32, #tpu.memory_space<vmem>>) offsets(%dma_start3A_293 : memref<128xi32, #tpu.memory_space<vmem>>) semaphore(%arg11 : memref<!tpu.dma_semaphore, #tpu.memory_space<semaphore_mem>>)
      %add3A_297 = arith.constant 1 : i32
      %add3A_298 = arith.addi %add3A_271, %add3A_297 : i32
      %mul3A_299 = arith.constant 128 : i32
      %mul3A_300 = arith.muli %add3A_298, %mul3A_299 : i32
      %dma_wait3A_301 = tpu.memref_slice %arg6[%mul3A_300] : memref<10240xi32, #tpu.memory_space<vmem>> -> memref<128xi32, #tpu.memory_space<vmem>>
      %dma_wait3A_302 = arith.constant 0 : i32
      %dma_wait3A_303 = arith.constant 0 : i32
      %dma_wait3A_304 = tpu.memref_slice %arg2[%dma_wait3A_302, %dma_wait3A_303] : memref<10000x128xf32, #tpu.memory_space<hbm>> -> memref<10000x128xf32, #tpu.memory_space<hbm>>
      tpu.wait_indirect_dma semaphore(%arg12 : memref<!tpu.dma_semaphore, #tpu.memory_space<semaphore_mem>>) src(%dma_wait3A_304 : memref<10000x128xf32, #tpu.memory_space<hbm>>) dst(%arg9 : memref<128x128xf32, #tpu.memory_space<vmem>>)
      %mul3A_305 = arith.constant 2 : i32
      %mul3A_306 = arith.muli %mul3A_305, %scan3A_266 : i32
      %add3A_307 = arith.constant 1 : i32
      %add3A_308 = arith.addi %mul3A_306, %add3A_307 : i32
      %run_scoped3A_309 = arith.constant 0 : i32
      "tpu.region"() ({
        %run_scoped3A_311 = tpu.sem_alloc : memref<!tpu.dma_semaphore, #tpu.memory_space<semaphore_mem>>
        %dma_start3A_312 = arith.constant 0 : i32
        %dma_start3A_313 = tpu.memref_slice %arg7[%run_scoped3A_309, %add3A_308, %dma_start3A_312] : memref<2x16x128xi32, #tpu.memory_space<vmem>> -> memref<1x1x128xi32, #tpu.memory_space<vmem>>
        %dma_start3A_314 = tpu.memref_squeeze %dma_start3A_313 : memref<1x1x128xi32, #tpu.memory_space<vmem>> -> memref<128xi32, #tpu.memory_space<vmem>>
        %dma_start3A_315 = arith.constant 0 : i32
        %dma_start3A_316 = arith.constant 0 : i32
        %dma_start3A_317 = tpu.memref_slice %arg10[%dma_start3A_315, %dma_start3A_316] : memref<10240x128xf32, #tpu.memory_space<vmem_shared>> -> memref<10240x128xf32, #tpu.memory_space<vmem_shared>>
        tpu.enqueue_indirect_dma source(%arg9 : memref<128x128xf32, #tpu.memory_space<vmem>>) target(%dma_start3A_317 : memref<10240x128xf32, #tpu.memory_space<vmem_shared>>) offsets(%dma_start3A_314 : memref<128xi32, #tpu.memory_space<vmem>>) semaphore(%run_scoped3A_311 : memref<!tpu.dma_semaphore, #tpu.memory_space<semaphore_mem>>) {add = true}
        %dma_wait3A_318 = arith.constant 0 : i32
        %dma_wait3A_319 = tpu.memref_slice %arg7[%run_scoped3A_309, %add3A_308, %dma_wait3A_318] : memref<2x16x128xi32, #tpu.memory_space<vmem>> -> memref<1x1x128xi32, #tpu.memory_space<vmem>>
        %dma_wait3A_320 = tpu.memref_squeeze %dma_wait3A_319 : memref<1x1x128xi32, #tpu.memory_space<vmem>> -> memref<128xi32, #tpu.memory_space<vmem>>
        %dma_wait3A_321 = arith.constant 0 : i32
        %dma_wait3A_322 = arith.constant 0 : i32
        %dma_wait3A_323 = tpu.memref_slice %arg10[%dma_wait3A_321, %dma_wait3A_322] : memref<10240x128xf32, #tpu.memory_space<vmem_shared>> -> memref<10240x128xf32, #tpu.memory_space<vmem_shared>>
        tpu.wait_indirect_dma semaphore(%run_scoped3A_311 : memref<!tpu.dma_semaphore, #tpu.memory_space<semaphore_mem>>) src(%arg9 : memref<128x128xf32, #tpu.memory_space<vmem>>) dst(%dma_wait3A_323 : memref<10240x128xf32, #tpu.memory_space<vmem_shared>>)
        tpu.yield
      }) : () -> ()
      %scan3A_310 = arith.constant 0 : i32
      scf.yield %scan3A_310 : i32
    }
    %scan3A_95 = arith.constant 8 : i32
    %dma_start3A_96 = arith.constant 0 : i32
    %dma_start3A_97 = arith.constant 0 : i32
    %dma_start3A_98 = arith.constant 0 : i32
    %dma_start3A_99 = tpu.memref_slice %arg7[%dma_start3A_96, %dma_start3A_97, %dma_start3A_98] : memref<2x16x128xi32, #tpu.memory_space<vmem>> -> memref<1x16x128xi32, #tpu.memory_space<vmem>>
    %dma_start3A_100 = tpu.memref_squeeze %dma_start3A_99 : memref<1x16x128xi32, #tpu.memory_space<vmem>> -> memref<16x128xi32, #tpu.memory_space<vmem>>
    %dma_start3A_101 = arith.constant 32 : i32
    %dma_start3A_102 = arith.constant 0 : i32
    %dma_start3A_103 = tpu.memref_slice %arg4[%add3A, %dma_start3A_101, %dma_start3A_102] : memref<32x80x128xi32, #tpu.memory_space<hbm>> -> memref<1x16x128xi32, #tpu.memory_space<hbm>>
    %dma_start3A_104 = tpu.memref_squeeze %dma_start3A_103 : memref<1x16x128xi32, #tpu.memory_space<hbm>> -> memref<16x128xi32, #tpu.memory_space<hbm>>
    %dma_start3A_105 = arith.constant 0 : i32
    %dma_start3A_106 = arith.constant 0 : i32
    %dma_start3A_107 = tpu.memref_slice %arg7[%dma_start3A_96, %dma_start3A_105, %dma_start3A_106] : memref<2x16x128xi32, #tpu.memory_space<vmem>> -> memref<1x16x128xi32, #tpu.memory_space<vmem>>
    %dma_start3A_108 = tpu.memref_squeeze %dma_start3A_107 : memref<1x16x128xi32, #tpu.memory_space<vmem>> -> memref<16x128xi32, #tpu.memory_space<vmem>>
    %dma_start3A_109 = arith.constant 32 : i32
    %dma_start3A_110 = arith.constant 0 : i32
    %dma_start3A_111 = tpu.memref_slice %arg4[%add3A, %dma_start3A_109, %dma_start3A_110] : memref<32x80x128xi32, #tpu.memory_space<hbm>> -> memref<1x16x128xi32, #tpu.memory_space<hbm>>
    %dma_start3A_112 = tpu.memref_squeeze %dma_start3A_111 : memref<1x16x128xi32, #tpu.memory_space<hbm>> -> memref<16x128xi32, #tpu.memory_space<hbm>>
    tpu.enqueue_dma source(%dma_start3A_112 : memref<16x128xi32, #tpu.memory_space<hbm>>) target(%dma_start3A_108 : memref<16x128xi32, #tpu.memory_space<vmem>>) target_semaphore(%arg13 : memref<!tpu.dma_semaphore, #tpu.memory_space<semaphore_mem>>)
    %dma_wait3A_113 = arith.constant 1 : i32
    %dma_wait3A_114 = arith.constant 0 : i32
    %dma_wait3A_115 = arith.constant 0 : i32
    %dma_wait3A_116 = tpu.memref_slice %arg7[%dma_wait3A_113, %dma_wait3A_114, %dma_wait3A_115] : memref<2x16x128xi32, #tpu.memory_space<vmem>> -> memref<1x16x128xi32, #tpu.memory_space<vmem>>
    %dma_wait3A_117 = tpu.memref_squeeze %dma_wait3A_116 : memref<1x16x128xi32, #tpu.memory_space<vmem>> -> memref<16x128xi32, #tpu.memory_space<vmem>>
    %dma_wait3A_118 = arith.constant 16 : i32
    %dma_wait3A_119 = arith.constant 0 : i32
    %dma_wait3A_120 = tpu.memref_slice %arg4[%add3A, %dma_wait3A_118, %dma_wait3A_119] : memref<32x80x128xi32, #tpu.memory_space<hbm>> -> memref<1x16x128xi32, #tpu.memory_space<hbm>>
    %dma_wait3A_121 = tpu.memref_squeeze %dma_wait3A_120 : memref<1x16x128xi32, #tpu.memory_space<hbm>> -> memref<16x128xi32, #tpu.memory_space<hbm>>
    %dma_wait3A_122 = arith.constant 0 : i32
    %dma_wait3A_123 = arith.constant 0 : i32
    %dma_wait3A_124 = tpu.memref_slice %arg7[%dma_wait3A_113, %dma_wait3A_122, %dma_wait3A_123] : memref<2x16x128xi32, #tpu.memory_space<vmem>> -> memref<1x16x128xi32, #tpu.memory_space<vmem>>
    %dma_wait3A_125 = tpu.memref_squeeze %dma_wait3A_124 : memref<1x16x128xi32, #tpu.memory_space<vmem>> -> memref<16x128xi32, #tpu.memory_space<vmem>>
    %dma_wait3A_126 = arith.constant 16 : i32
    %dma_wait3A_127 = arith.constant 0 : i32
    %dma_wait3A_128 = tpu.memref_slice %arg4[%add3A, %dma_wait3A_126, %dma_wait3A_127] : memref<32x80x128xi32, #tpu.memory_space<hbm>> -> memref<1x16x128xi32, #tpu.memory_space<hbm>>
    %dma_wait3A_129 = tpu.memref_squeeze %dma_wait3A_128 : memref<1x16x128xi32, #tpu.memory_space<hbm>> -> memref<16x128xi32, #tpu.memory_space<hbm>>
    tpu.wait_dma2 semaphore(%arg14 : memref<!tpu.dma_semaphore, #tpu.memory_space<semaphore_mem>>) src(%dma_wait3A_129 : memref<16x128xi32, #tpu.memory_space<hbm>>) dst(%dma_wait3A_125 : memref<16x128xi32, #tpu.memory_space<vmem>>)
    %scan3A_130 = arith.constant 0 : i32
    %scan3A_131 = arith.constant 0 : i32
    %scan3A_132 = arith.constant 8 : i32
    %scan3A_133 = arith.addi %scan3A_131, %scan3A_132 : i32
    %scan3A_134 = arith.constant 1 : i32
    %scan3A_135 = scf.for %scan3A_266 = %scan3A_131 to %scan3A_133 step %scan3A_134 iter_args(%scan3A_267 = %scan3A_130) -> (i32)  : i32 {
      %mul3A_268 = arith.constant 2 : i32
      %mul3A_269 = arith.muli %mul3A_268, %scan3A_266 : i32
      %add3A_270 = arith.constant 16 : i32
      %add3A_271 = arith.addi %add3A_270, %mul3A_269 : i32
      %add3A_272 = arith.constant 1 : i32
      %add3A_273 = arith.addi %add3A_271, %add3A_272 : i32
      %mul3A_274 = arith.constant 128 : i32
      %mul3A_275 = arith.muli %add3A_273, %mul3A_274 : i32
      %dma_start3A_276 = tpu.memref_slice %arg6[%mul3A_275] : memref<10240xi32, #tpu.memory_space<vmem>> -> memref<128xi32, #tpu.memory_space<vmem>>
      %dma_start3A_277 = arith.constant 0 : i32
      %dma_start3A_278 = arith.constant 0 : i32
      %dma_start3A_279 = tpu.memref_slice %arg2[%dma_start3A_277, %dma_start3A_278] : memref<10000x128xf32, #tpu.memory_space<hbm>> -> memref<10000x128xf32, #tpu.memory_space<hbm>>
      tpu.enqueue_indirect_dma source(%dma_start3A_279 : memref<10000x128xf32, #tpu.memory_space<hbm>>) target(%arg9 : memref<128x128xf32, #tpu.memory_space<vmem>>) offsets(%dma_start3A_276 : memref<128xi32, #tpu.memory_space<vmem>>) semaphore(%arg12 : memref<!tpu.dma_semaphore, #tpu.memory_space<semaphore_mem>>)
      %mul3A_280 = arith.constant 128 : i32
      %mul3A_281 = arith.muli %add3A_271, %mul3A_280 : i32
      %dma_wait3A_282 = tpu.memref_slice %arg6[%mul3A_281] : memref<10240xi32, #tpu.memory_space<vmem>> -> memref<128xi32, #tpu.memory_space<vmem>>
      %dma_wait3A_283 = arith.constant 0 : i32
      %dma_wait3A_284 = arith.constant 0 : i32
      %dma_wait3A_285 = tpu.memref_slice %arg2[%dma_wait3A_283, %dma_wait3A_284] : memref<10000x128xf32, #tpu.memory_space<hbm>> -> memref<10000x128xf32, #tpu.memory_space<hbm>>
      tpu.wait_indirect_dma semaphore(%arg11 : memref<!tpu.dma_semaphore, #tpu.memory_space<semaphore_mem>>) src(%dma_wait3A_285 : memref<10000x128xf32, #tpu.memory_space<hbm>>) dst(%arg8 : memref<128x128xf32, #tpu.memory_space<vmem>>)
      %mul3A_286 = arith.constant 2 : i32
      %mul3A_287 = arith.muli %mul3A_286, %scan3A_266 : i32
      %run_scoped3A_288 = arith.constant 1 : i32
      "tpu.region"() ({
        %run_scoped3A_311 = tpu.sem_alloc : memref<!tpu.dma_semaphore, #tpu.memory_space<semaphore_mem>>
        %dma_start3A_312 = arith.constant 0 : i32
        %dma_start3A_313 = tpu.memref_slice %arg7[%run_scoped3A_288, %mul3A_287, %dma_start3A_312] : memref<2x16x128xi32, #tpu.memory_space<vmem>> -> memref<1x1x128xi32, #tpu.memory_space<vmem>>
        %dma_start3A_314 = tpu.memref_squeeze %dma_start3A_313 : memref<1x1x128xi32, #tpu.memory_space<vmem>> -> memref<128xi32, #tpu.memory_space<vmem>>
        %dma_start3A_315 = arith.constant 0 : i32
        %dma_start3A_316 = arith.constant 0 : i32
        %dma_start3A_317 = tpu.memref_slice %arg10[%dma_start3A_315, %dma_start3A_316] : memref<10240x128xf32, #tpu.memory_space<vmem_shared>> -> memref<10240x128xf32, #tpu.memory_space<vmem_shared>>
        tpu.enqueue_indirect_dma source(%arg8 : memref<128x128xf32, #tpu.memory_space<vmem>>) target(%dma_start3A_317 : memref<10240x128xf32, #tpu.memory_space<vmem_shared>>) offsets(%dma_start3A_314 : memref<128xi32, #tpu.memory_space<vmem>>) semaphore(%run_scoped3A_311 : memref<!tpu.dma_semaphore, #tpu.memory_space<semaphore_mem>>) {add = true}
        %dma_wait3A_318 = arith.constant 0 : i32
        %dma_wait3A_319 = tpu.memref_slice %arg7[%run_scoped3A_288, %mul3A_287, %dma_wait3A_318] : memref<2x16x128xi32, #tpu.memory_space<vmem>> -> memref<1x1x128xi32, #tpu.memory_space<vmem>>
        %dma_wait3A_320 = tpu.memref_squeeze %dma_wait3A_319 : memref<1x1x128xi32, #tpu.memory_space<vmem>> -> memref<128xi32, #tpu.memory_space<vmem>>
        %dma_wait3A_321 = arith.constant 0 : i32
        %dma_wait3A_322 = arith.constant 0 : i32
        %dma_wait3A_323 = tpu.memref_slice %arg10[%dma_wait3A_321, %dma_wait3A_322] : memref<10240x128xf32, #tpu.memory_space<vmem_shared>> -> memref<10240x128xf32, #tpu.memory_space<vmem_shared>>
        tpu.wait_indirect_dma semaphore(%run_scoped3A_311 : memref<!tpu.dma_semaphore, #tpu.memory_space<semaphore_mem>>) src(%arg8 : memref<128x128xf32, #tpu.memory_space<vmem>>) dst(%dma_wait3A_323 : memref<10240x128xf32, #tpu.memory_space<vmem_shared>>)
        tpu.yield
      }) : () -> ()
      %add3A_289 = arith.constant 2 : i32
      %add3A_290 = arith.addi %add3A_271, %add3A_289 : i32
      %mul3A_291 = arith.constant 128 : i32
      %mul3A_292 = arith.muli %add3A_290, %mul3A_291 : i32
      %dma_start3A_293 = tpu.memref_slice %arg6[%mul3A_292] : memref<10240xi32, #tpu.memory_space<vmem>> -> memref<128xi32, #tpu.memory_space<vmem>>
      %dma_start3A_294 = arith.constant 0 : i32
      %dma_start3A_295 = arith.constant 0 : i32
      %dma_start3A_296 = tpu.memref_slice %arg2[%dma_start3A_294, %dma_start3A_295] : memref<10000x128xf32, #tpu.memory_space<hbm>> -> memref<10000x128xf32, #tpu.memory_space<hbm>>
      tpu.enqueue_indirect_dma source(%dma_start3A_296 : memref<10000x128xf32, #tpu.memory_space<hbm>>) target(%arg8 : memref<128x128xf32, #tpu.memory_space<vmem>>) offsets(%dma_start3A_293 : memref<128xi32, #tpu.memory_space<vmem>>) semaphore(%arg11 : memref<!tpu.dma_semaphore, #tpu.memory_space<semaphore_mem>>)
      %add3A_297 = arith.constant 1 : i32
      %add3A_298 = arith.addi %add3A_271, %add3A_297 : i32
      %mul3A_299 = arith.constant 128 : i32
      %mul3A_300 = arith.muli %add3A_298, %mul3A_299 : i32
      %dma_wait3A_301 = tpu.memref_slice %arg6[%mul3A_300] : memref<10240xi32, #tpu.memory_space<vmem>> -> memref<128xi32, #tpu.memory_space<vmem>>
      %dma_wait3A_302 = arith.constant 0 : i32
      %dma_wait3A_303 = arith.constant 0 : i32
      %dma_wait3A_304 = tpu.memref_slice %arg2[%dma_wait3A_302, %dma_wait3A_303] : memref<10000x128xf32, #tpu.memory_space<hbm>> -> memref<10000x128xf32, #tpu.memory_space<hbm>>
      tpu.wait_indirect_dma semaphore(%arg12 : memref<!tpu.dma_semaphore, #tpu.memory_space<semaphore_mem>>) src(%dma_wait3A_304 : memref<10000x128xf32, #tpu.memory_space<hbm>>) dst(%arg9 : memref<128x128xf32, #tpu.memory_space<vmem>>)
      %mul3A_305 = arith.constant 2 : i32
      %mul3A_306 = arith.muli %mul3A_305, %scan3A_266 : i32
      %add3A_307 = arith.constant 1 : i32
      %add3A_308 = arith.addi %mul3A_306, %add3A_307 : i32
      %run_scoped3A_309 = arith.constant 1 : i32
      "tpu.region"() ({
        %run_scoped3A_311 = tpu.sem_alloc : memref<!tpu.dma_semaphore, #tpu.memory_space<semaphore_mem>>
        %dma_start3A_312 = arith.constant 0 : i32
        %dma_start3A_313 = tpu.memref_slice %arg7[%run_scoped3A_309, %add3A_308, %dma_start3A_312] : memref<2x16x128xi32, #tpu.memory_space<vmem>> -> memref<1x1x128xi32, #tpu.memory_space<vmem>>
        %dma_start3A_314 = tpu.memref_squeeze %dma_start3A_313 : memref<1x1x128xi32, #tpu.memory_space<vmem>> -> memref<128xi32, #tpu.memory_space<vmem>>
        %dma_start3A_315 = arith.constant 0 : i32
        %dma_start3A_316 = arith.constant 0 : i32
        %dma_start3A_317 = tpu.memref_slice %arg10[%dma_start3A_315, %dma_start3A_316] : memref<10240x128xf32, #tpu.memory_space<vmem_shared>> -> memref<10240x128xf32, #tpu.memory_space<vmem_shared>>
        tpu.enqueue_indirect_dma source(%arg9 : memref<128x128xf32, #tpu.memory_space<vmem>>) target(%dma_start3A_317 : memref<10240x128xf32, #tpu.memory_space<vmem_shared>>) offsets(%dma_start3A_314 : memref<128xi32, #tpu.memory_space<vmem>>) semaphore(%run_scoped3A_311 : memref<!tpu.dma_semaphore, #tpu.memory_space<semaphore_mem>>) {add = true}
        %dma_wait3A_318 = arith.constant 0 : i32
        %dma_wait3A_319 = tpu.memref_slice %arg7[%run_scoped3A_309, %add3A_308, %dma_wait3A_318] : memref<2x16x128xi32, #tpu.memory_space<vmem>> -> memref<1x1x128xi32, #tpu.memory_space<vmem>>
        %dma_wait3A_320 = tpu.memref_squeeze %dma_wait3A_319 : memref<1x1x128xi32, #tpu.memory_space<vmem>> -> memref<128xi32, #tpu.memory_space<vmem>>
        %dma_wait3A_321 = arith.constant 0 : i32
        %dma_wait3A_322 = arith.constant 0 : i32
        %dma_wait3A_323 = tpu.memref_slice %arg10[%dma_wait3A_321, %dma_wait3A_322] : memref<10240x128xf32, #tpu.memory_space<vmem_shared>> -> memref<10240x128xf32, #tpu.memory_space<vmem_shared>>
        tpu.wait_indirect_dma semaphore(%run_scoped3A_311 : memref<!tpu.dma_semaphore, #tpu.memory_space<semaphore_mem>>) src(%arg9 : memref<128x128xf32, #tpu.memory_space<vmem>>) dst(%dma_wait3A_323 : memref<10240x128xf32, #tpu.memory_space<vmem_shared>>)
        tpu.yield
      }) : () -> ()
      %scan3A_310 = arith.constant 0 : i32
      scf.yield %scan3A_310 : i32
    }
    %scan3A_136 = arith.constant 8 : i32
    %dma_start3A_137 = arith.constant 1 : i32
    %dma_start3A_138 = arith.constant 0 : i32
    %dma_start3A_139 = arith.constant 0 : i32
    %dma_start3A_140 = tpu.memref_slice %arg7[%dma_start3A_137, %dma_start3A_138, %dma_start3A_139] : memref<2x16x128xi32, #tpu.memory_space<vmem>> -> memref<1x16x128xi32, #tpu.memory_space<vmem>>
    %dma_start3A_141 = tpu.memref_squeeze %dma_start3A_140 : memref<1x16x128xi32, #tpu.memory_space<vmem>> -> memref<16x128xi32, #tpu.memory_space<vmem>>
    %dma_start3A_142 = arith.constant 48 : i32
    %dma_start3A_143 = arith.constant 0 : i32
    %dma_start3A_144 = tpu.memref_slice %arg4[%add3A, %dma_start3A_142, %dma_start3A_143] : memref<32x80x128xi32, #tpu.memory_space<hbm>> -> memref<1x16x128xi32, #tpu.memory_space<hbm>>
    %dma_start3A_145 = tpu.memref_squeeze %dma_start3A_144 : memref<1x16x128xi32, #tpu.memory_space<hbm>> -> memref<16x128xi32, #tpu.memory_space<hbm>>
    %dma_start3A_146 = arith.constant 0 : i32
    %dma_start3A_147 = arith.constant 0 : i32
    %dma_start3A_148 = tpu.memref_slice %arg7[%dma_start3A_137, %dma_start3A_146, %dma_start3A_147] : memref<2x16x128xi32, #tpu.memory_space<vmem>> -> memref<1x16x128xi32, #tpu.memory_space<vmem>>
    %dma_start3A_149 = tpu.memref_squeeze %dma_start3A_148 : memref<1x16x128xi32, #tpu.memory_space<vmem>> -> memref<16x128xi32, #tpu.memory_space<vmem>>
    %dma_start3A_150 = arith.constant 48 : i32
    %dma_start3A_151 = arith.constant 0 : i32
    %dma_start3A_152 = tpu.memref_slice %arg4[%add3A, %dma_start3A_150, %dma_start3A_151] : memref<32x80x128xi32, #tpu.memory_space<hbm>> -> memref<1x16x128xi32, #tpu.memory_space<hbm>>
    %dma_start3A_153 = tpu.memref_squeeze %dma_start3A_152 : memref<1x16x128xi32, #tpu.memory_space<hbm>> -> memref<16x128xi32, #tpu.memory_space<hbm>>
    tpu.enqueue_dma source(%dma_start3A_153 : memref<16x128xi32, #tpu.memory_space<hbm>>) target(%dma_start3A_149 : memref<16x128xi32, #tpu.memory_space<vmem>>) target_semaphore(%arg14 : memref<!tpu.dma_semaphore, #tpu.memory_space<semaphore_mem>>)
    %dma_wait3A_154 = arith.constant 0 : i32
    %dma_wait3A_155 = arith.constant 0 : i32
    %dma_wait3A_156 = arith.constant 0 : i32
    %dma_wait3A_157 = tpu.memref_slice %arg7[%dma_wait3A_154, %dma_wait3A_155, %dma_wait3A_156] : memref<2x16x128xi32, #tpu.memory_space<vmem>> -> memref<1x16x128xi32, #tpu.memory_space<vmem>>
    %dma_wait3A_158 = tpu.memref_squeeze %dma_wait3A_157 : memref<1x16x128xi32, #tpu.memory_space<vmem>> -> memref<16x128xi32, #tpu.memory_space<vmem>>
    %dma_wait3A_159 = arith.constant 32 : i32
    %dma_wait3A_160 = arith.constant 0 : i32
    %dma_wait3A_161 = tpu.memref_slice %arg4[%add3A, %dma_wait3A_159, %dma_wait3A_160] : memref<32x80x128xi32, #tpu.memory_space<hbm>> -> memref<1x16x128xi32, #tpu.memory_space<hbm>>
    %dma_wait3A_162 = tpu.memref_squeeze %dma_wait3A_161 : memref<1x16x128xi32, #tpu.memory_space<hbm>> -> memref<16x128xi32, #tpu.memory_space<hbm>>
    %dma_wait3A_163 = arith.constant 0 : i32
    %dma_wait3A_164 = arith.constant 0 : i32
    %dma_wait3A_165 = tpu.memref_slice %arg7[%dma_wait3A_154, %dma_wait3A_163, %dma_wait3A_164] : memref<2x16x128xi32, #tpu.memory_space<vmem>> -> memref<1x16x128xi32, #tpu.memory_space<vmem>>
    %dma_wait3A_166 = tpu.memref_squeeze %dma_wait3A_165 : memref<1x16x128xi32, #tpu.memory_space<vmem>> -> memref<16x128xi32, #tpu.memory_space<vmem>>
    %dma_wait3A_167 = arith.constant 32 : i32
    %dma_wait3A_168 = arith.constant 0 : i32
    %dma_wait3A_169 = tpu.memref_slice %arg4[%add3A, %dma_wait3A_167, %dma_wait3A_168] : memref<32x80x128xi32, #tpu.memory_space<hbm>> -> memref<1x16x128xi32, #tpu.memory_space<hbm>>
    %dma_wait3A_170 = tpu.memref_squeeze %dma_wait3A_169 : memref<1x16x128xi32, #tpu.memory_space<hbm>> -> memref<16x128xi32, #tpu.memory_space<hbm>>
    tpu.wait_dma2 semaphore(%arg13 : memref<!tpu.dma_semaphore, #tpu.memory_space<semaphore_mem>>) src(%dma_wait3A_170 : memref<16x128xi32, #tpu.memory_space<hbm>>) dst(%dma_wait3A_166 : memref<16x128xi32, #tpu.memory_space<vmem>>)
    %scan3A_171 = arith.constant 0 : i32
    %scan3A_172 = arith.constant 0 : i32
    %scan3A_173 = arith.constant 8 : i32
    %scan3A_174 = arith.addi %scan3A_172, %scan3A_173 : i32
    %scan3A_175 = arith.constant 1 : i32
    %scan3A_176 = scf.for %scan3A_266 = %scan3A_172 to %scan3A_174 step %scan3A_175 iter_args(%scan3A_267 = %scan3A_171) -> (i32)  : i32 {
      %mul3A_268 = arith.constant 2 : i32
      %mul3A_269 = arith.muli %mul3A_268, %scan3A_266 : i32
      %add3A_270 = arith.constant 32 : i32
      %add3A_271 = arith.addi %add3A_270, %mul3A_269 : i32
      %add3A_272 = arith.constant 1 : i32
      %add3A_273 = arith.addi %add3A_271, %add3A_272 : i32
      %mul3A_274 = arith.constant 128 : i32
      %mul3A_275 = arith.muli %add3A_273, %mul3A_274 : i32
      %dma_start3A_276 = tpu.memref_slice %arg6[%mul3A_275] : memref<10240xi32, #tpu.memory_space<vmem>> -> memref<128xi32, #tpu.memory_space<vmem>>
      %dma_start3A_277 = arith.constant 0 : i32
      %dma_start3A_278 = arith.constant 0 : i32
      %dma_start3A_279 = tpu.memref_slice %arg2[%dma_start3A_277, %dma_start3A_278] : memref<10000x128xf32, #tpu.memory_space<hbm>> -> memref<10000x128xf32, #tpu.memory_space<hbm>>
      tpu.enqueue_indirect_dma source(%dma_start3A_279 : memref<10000x128xf32, #tpu.memory_space<hbm>>) target(%arg9 : memref<128x128xf32, #tpu.memory_space<vmem>>) offsets(%dma_start3A_276 : memref<128xi32, #tpu.memory_space<vmem>>) semaphore(%arg12 : memref<!tpu.dma_semaphore, #tpu.memory_space<semaphore_mem>>)
      %mul3A_280 = arith.constant 128 : i32
      %mul3A_281 = arith.muli %add3A_271, %mul3A_280 : i32
      %dma_wait3A_282 = tpu.memref_slice %arg6[%mul3A_281] : memref<10240xi32, #tpu.memory_space<vmem>> -> memref<128xi32, #tpu.memory_space<vmem>>
      %dma_wait3A_283 = arith.constant 0 : i32
      %dma_wait3A_284 = arith.constant 0 : i32
      %dma_wait3A_285 = tpu.memref_slice %arg2[%dma_wait3A_283, %dma_wait3A_284] : memref<10000x128xf32, #tpu.memory_space<hbm>> -> memref<10000x128xf32, #tpu.memory_space<hbm>>
      tpu.wait_indirect_dma semaphore(%arg11 : memref<!tpu.dma_semaphore, #tpu.memory_space<semaphore_mem>>) src(%dma_wait3A_285 : memref<10000x128xf32, #tpu.memory_space<hbm>>) dst(%arg8 : memref<128x128xf32, #tpu.memory_space<vmem>>)
      %mul3A_286 = arith.constant 2 : i32
      %mul3A_287 = arith.muli %mul3A_286, %scan3A_266 : i32
      %run_scoped3A_288 = arith.constant 0 : i32
      "tpu.region"() ({
        %run_scoped3A_311 = tpu.sem_alloc : memref<!tpu.dma_semaphore, #tpu.memory_space<semaphore_mem>>
        %dma_start3A_312 = arith.constant 0 : i32
        %dma_start3A_313 = tpu.memref_slice %arg7[%run_scoped3A_288, %mul3A_287, %dma_start3A_312] : memref<2x16x128xi32, #tpu.memory_space<vmem>> -> memref<1x1x128xi32, #tpu.memory_space<vmem>>
        %dma_start3A_314 = tpu.memref_squeeze %dma_start3A_313 : memref<1x1x128xi32, #tpu.memory_space<vmem>> -> memref<128xi32, #tpu.memory_space<vmem>>
        %dma_start3A_315 = arith.constant 0 : i32
        %dma_start3A_316 = arith.constant 0 : i32
        %dma_start3A_317 = tpu.memref_slice %arg10[%dma_start3A_315, %dma_start3A_316] : memref<10240x128xf32, #tpu.memory_space<vmem_shared>> -> memref<10240x128xf32, #tpu.memory_space<vmem_shared>>
        tpu.enqueue_indirect_dma source(%arg8 : memref<128x128xf32, #tpu.memory_space<vmem>>) target(%dma_start3A_317 : memref<10240x128xf32, #tpu.memory_space<vmem_shared>>) offsets(%dma_start3A_314 : memref<128xi32, #tpu.memory_space<vmem>>) semaphore(%run_scoped3A_311 : memref<!tpu.dma_semaphore, #tpu.memory_space<semaphore_mem>>) {add = true}
        %dma_wait3A_318 = arith.constant 0 : i32
        %dma_wait3A_319 = tpu.memref_slice %arg7[%run_scoped3A_288, %mul3A_287, %dma_wait3A_318] : memref<2x16x128xi32, #tpu.memory_space<vmem>> -> memref<1x1x128xi32, #tpu.memory_space<vmem>>
        %dma_wait3A_320 = tpu.memref_squeeze %dma_wait3A_319 : memref<1x1x128xi32, #tpu.memory_space<vmem>> -> memref<128xi32, #tpu.memory_space<vmem>>
        %dma_wait3A_321 = arith.constant 0 : i32
        %dma_wait3A_322 = arith.constant 0 : i32
        %dma_wait3A_323 = tpu.memref_slice %arg10[%dma_wait3A_321, %dma_wait3A_322] : memref<10240x128xf32, #tpu.memory_space<vmem_shared>> -> memref<10240x128xf32, #tpu.memory_space<vmem_shared>>
        tpu.wait_indirect_dma semaphore(%run_scoped3A_311 : memref<!tpu.dma_semaphore, #tpu.memory_space<semaphore_mem>>) src(%arg8 : memref<128x128xf32, #tpu.memory_space<vmem>>) dst(%dma_wait3A_323 : memref<10240x128xf32, #tpu.memory_space<vmem_shared>>)
        tpu.yield
      }) : () -> ()
      %add3A_289 = arith.constant 2 : i32
      %add3A_290 = arith.addi %add3A_271, %add3A_289 : i32
      %mul3A_291 = arith.constant 128 : i32
      %mul3A_292 = arith.muli %add3A_290, %mul3A_291 : i32
      %dma_start3A_293 = tpu.memref_slice %arg6[%mul3A_292] : memref<10240xi32, #tpu.memory_space<vmem>> -> memref<128xi32, #tpu.memory_space<vmem>>
      %dma_start3A_294 = arith.constant 0 : i32
      %dma_start3A_295 = arith.constant 0 : i32
      %dma_start3A_296 = tpu.memref_slice %arg2[%dma_start3A_294, %dma_start3A_295] : memref<10000x128xf32, #tpu.memory_space<hbm>> -> memref<10000x128xf32, #tpu.memory_space<hbm>>
      tpu.enqueue_indirect_dma source(%dma_start3A_296 : memref<10000x128xf32, #tpu.memory_space<hbm>>) target(%arg8 : memref<128x128xf32, #tpu.memory_space<vmem>>) offsets(%dma_start3A_293 : memref<128xi32, #tpu.memory_space<vmem>>) semaphore(%arg11 : memref<!tpu.dma_semaphore, #tpu.memory_space<semaphore_mem>>)
      %add3A_297 = arith.constant 1 : i32
      %add3A_298 = arith.addi %add3A_271, %add3A_297 : i32
      %mul3A_299 = arith.constant 128 : i32
      %mul3A_300 = arith.muli %add3A_298, %mul3A_299 : i32
      %dma_wait3A_301 = tpu.memref_slice %arg6[%mul3A_300] : memref<10240xi32, #tpu.memory_space<vmem>> -> memref<128xi32, #tpu.memory_space<vmem>>
      %dma_wait3A_302 = arith.constant 0 : i32
      %dma_wait3A_303 = arith.constant 0 : i32
      %dma_wait3A_304 = tpu.memref_slice %arg2[%dma_wait3A_302, %dma_wait3A_303] : memref<10000x128xf32, #tpu.memory_space<hbm>> -> memref<10000x128xf32, #tpu.memory_space<hbm>>
      tpu.wait_indirect_dma semaphore(%arg12 : memref<!tpu.dma_semaphore, #tpu.memory_space<semaphore_mem>>) src(%dma_wait3A_304 : memref<10000x128xf32, #tpu.memory_space<hbm>>) dst(%arg9 : memref<128x128xf32, #tpu.memory_space<vmem>>)
      %mul3A_305 = arith.constant 2 : i32
      %mul3A_306 = arith.muli %mul3A_305, %scan3A_266 : i32
      %add3A_307 = arith.constant 1 : i32
      %add3A_308 = arith.addi %mul3A_306, %add3A_307 : i32
      %run_scoped3A_309 = arith.constant 0 : i32
      "tpu.region"() ({
        %run_scoped3A_311 = tpu.sem_alloc : memref<!tpu.dma_semaphore, #tpu.memory_space<semaphore_mem>>
        %dma_start3A_312 = arith.constant 0 : i32
        %dma_start3A_313 = tpu.memref_slice %arg7[%run_scoped3A_309, %add3A_308, %dma_start3A_312] : memref<2x16x128xi32, #tpu.memory_space<vmem>> -> memref<1x1x128xi32, #tpu.memory_space<vmem>>
        %dma_start3A_314 = tpu.memref_squeeze %dma_start3A_313 : memref<1x1x128xi32, #tpu.memory_space<vmem>> -> memref<128xi32, #tpu.memory_space<vmem>>
        %dma_start3A_315 = arith.constant 0 : i32
        %dma_start3A_316 = arith.constant 0 : i32
        %dma_start3A_317 = tpu.memref_slice %arg10[%dma_start3A_315, %dma_start3A_316] : memref<10240x128xf32, #tpu.memory_space<vmem_shared>> -> memref<10240x128xf32, #tpu.memory_space<vmem_shared>>
        tpu.enqueue_indirect_dma source(%arg9 : memref<128x128xf32, #tpu.memory_space<vmem>>) target(%dma_start3A_317 : memref<10240x128xf32, #tpu.memory_space<vmem_shared>>) offsets(%dma_start3A_314 : memref<128xi32, #tpu.memory_space<vmem>>) semaphore(%run_scoped3A_311 : memref<!tpu.dma_semaphore, #tpu.memory_space<semaphore_mem>>) {add = true}
        %dma_wait3A_318 = arith.constant 0 : i32
        %dma_wait3A_319 = tpu.memref_slice %arg7[%run_scoped3A_309, %add3A_308, %dma_wait3A_318] : memref<2x16x128xi32, #tpu.memory_space<vmem>> -> memref<1x1x128xi32, #tpu.memory_space<vmem>>
        %dma_wait3A_320 = tpu.memref_squeeze %dma_wait3A_319 : memref<1x1x128xi32, #tpu.memory_space<vmem>> -> memref<128xi32, #tpu.memory_space<vmem>>
        %dma_wait3A_321 = arith.constant 0 : i32
        %dma_wait3A_322 = arith.constant 0 : i32
        %dma_wait3A_323 = tpu.memref_slice %arg10[%dma_wait3A_321, %dma_wait3A_322] : memref<10240x128xf32, #tpu.memory_space<vmem_shared>> -> memref<10240x128xf32, #tpu.memory_space<vmem_shared>>
        tpu.wait_indirect_dma semaphore(%run_scoped3A_311 : memref<!tpu.dma_semaphore, #tpu.memory_space<semaphore_mem>>) src(%arg9 : memref<128x128xf32, #tpu.memory_space<vmem>>) dst(%dma_wait3A_323 : memref<10240x128xf32, #tpu.memory_space<vmem_shared>>)
        tpu.yield
      }) : () -> ()
      %scan3A_310 = arith.constant 0 : i32
      scf.yield %scan3A_310 : i32
    }
    %scan3A_177 = arith.constant 8 : i32
    %dma_start3A_178 = arith.constant 0 : i32
    %dma_start3A_179 = arith.constant 0 : i32
    %dma_start3A_180 = arith.constant 0 : i32
    %dma_start3A_181 = tpu.memref_slice %arg7[%dma_start3A_178, %dma_start3A_179, %dma_start3A_180] : memref<2x16x128xi32, #tpu.memory_space<vmem>> -> memref<1x16x128xi32, #tpu.memory_space<vmem>>
    %dma_start3A_182 = tpu.memref_squeeze %dma_start3A_181 : memref<1x16x128xi32, #tpu.memory_space<vmem>> -> memref<16x128xi32, #tpu.memory_space<vmem>>
    %dma_start3A_183 = arith.constant 64 : i32
    %dma_start3A_184 = arith.constant 0 : i32
    %dma_start3A_185 = tpu.memref_slice %arg4[%add3A, %dma_start3A_183, %dma_start3A_184] : memref<32x80x128xi32, #tpu.memory_space<hbm>> -> memref<1x16x128xi32, #tpu.memory_space<hbm>>
    %dma_start3A_186 = tpu.memref_squeeze %dma_start3A_185 : memref<1x16x128xi32, #tpu.memory_space<hbm>> -> memref<16x128xi32, #tpu.memory_space<hbm>>
    %dma_start3A_187 = arith.constant 0 : i32
    %dma_start3A_188 = arith.constant 0 : i32
    %dma_start3A_189 = tpu.memref_slice %arg7[%dma_start3A_178, %dma_start3A_187, %dma_start3A_188] : memref<2x16x128xi32, #tpu.memory_space<vmem>> -> memref<1x16x128xi32, #tpu.memory_space<vmem>>
    %dma_start3A_190 = tpu.memref_squeeze %dma_start3A_189 : memref<1x16x128xi32, #tpu.memory_space<vmem>> -> memref<16x128xi32, #tpu.memory_space<vmem>>
    %dma_start3A_191 = arith.constant 64 : i32
    %dma_start3A_192 = arith.constant 0 : i32
    %dma_start3A_193 = tpu.memref_slice %arg4[%add3A, %dma_start3A_191, %dma_start3A_192] : memref<32x80x128xi32, #tpu.memory_space<hbm>> -> memref<1x16x128xi32, #tpu.memory_space<hbm>>
    %dma_start3A_194 = tpu.memref_squeeze %dma_start3A_193 : memref<1x16x128xi32, #tpu.memory_space<hbm>> -> memref<16x128xi32, #tpu.memory_space<hbm>>
    tpu.enqueue_dma source(%dma_start3A_194 : memref<16x128xi32, #tpu.memory_space<hbm>>) target(%dma_start3A_190 : memref<16x128xi32, #tpu.memory_space<vmem>>) target_semaphore(%arg13 : memref<!tpu.dma_semaphore, #tpu.memory_space<semaphore_mem>>)
    %dma_wait3A_195 = arith.constant 1 : i32
    %dma_wait3A_196 = arith.constant 0 : i32
    %dma_wait3A_197 = arith.constant 0 : i32
    %dma_wait3A_198 = tpu.memref_slice %arg7[%dma_wait3A_195, %dma_wait3A_196, %dma_wait3A_197] : memref<2x16x128xi32, #tpu.memory_space<vmem>> -> memref<1x16x128xi32, #tpu.memory_space<vmem>>
    %dma_wait3A_199 = tpu.memref_squeeze %dma_wait3A_198 : memref<1x16x128xi32, #tpu.memory_space<vmem>> -> memref<16x128xi32, #tpu.memory_space<vmem>>
    %dma_wait3A_200 = arith.constant 48 : i32
    %dma_wait3A_201 = arith.constant 0 : i32
    %dma_wait3A_202 = tpu.memref_slice %arg4[%add3A, %dma_wait3A_200, %dma_wait3A_201] : memref<32x80x128xi32, #tpu.memory_space<hbm>> -> memref<1x16x128xi32, #tpu.memory_space<hbm>>
    %dma_wait3A_203 = tpu.memref_squeeze %dma_wait3A_202 : memref<1x16x128xi32, #tpu.memory_space<hbm>> -> memref<16x128xi32, #tpu.memory_space<hbm>>
    %dma_wait3A_204 = arith.constant 0 : i32
    %dma_wait3A_205 = arith.constant 0 : i32
    %dma_wait3A_206 = tpu.memref_slice %arg7[%dma_wait3A_195, %dma_wait3A_204, %dma_wait3A_205] : memref<2x16x128xi32, #tpu.memory_space<vmem>> -> memref<1x16x128xi32, #tpu.memory_space<vmem>>
    %dma_wait3A_207 = tpu.memref_squeeze %dma_wait3A_206 : memref<1x16x128xi32, #tpu.memory_space<vmem>> -> memref<16x128xi32, #tpu.memory_space<vmem>>
    %dma_wait3A_208 = arith.constant 48 : i32
    %dma_wait3A_209 = arith.constant 0 : i32
    %dma_wait3A_210 = tpu.memref_slice %arg4[%add3A, %dma_wait3A_208, %dma_wait3A_209] : memref<32x80x128xi32, #tpu.memory_space<hbm>> -> memref<1x16x128xi32, #tpu.memory_space<hbm>>
    %dma_wait3A_211 = tpu.memref_squeeze %dma_wait3A_210 : memref<1x16x128xi32, #tpu.memory_space<hbm>> -> memref<16x128xi32, #tpu.memory_space<hbm>>
    tpu.wait_dma2 semaphore(%arg14 : memref<!tpu.dma_semaphore, #tpu.memory_space<semaphore_mem>>) src(%dma_wait3A_211 : memref<16x128xi32, #tpu.memory_space<hbm>>) dst(%dma_wait3A_207 : memref<16x128xi32, #tpu.memory_space<vmem>>)
    %scan3A_212 = arith.constant 0 : i32
    %scan3A_213 = arith.constant 0 : i32
    %scan3A_214 = arith.constant 8 : i32
    %scan3A_215 = arith.addi %scan3A_213, %scan3A_214 : i32
    %scan3A_216 = arith.constant 1 : i32
    %scan3A_217 = scf.for %scan3A_266 = %scan3A_213 to %scan3A_215 step %scan3A_216 iter_args(%scan3A_267 = %scan3A_212) -> (i32)  : i32 {
      %mul3A_268 = arith.constant 2 : i32
      %mul3A_269 = arith.muli %mul3A_268, %scan3A_266 : i32
      %add3A_270 = arith.constant 48 : i32
      %add3A_271 = arith.addi %add3A_270, %mul3A_269 : i32
      %add3A_272 = arith.constant 1 : i32
      %add3A_273 = arith.addi %add3A_271, %add3A_272 : i32
      %mul3A_274 = arith.constant 128 : i32
      %mul3A_275 = arith.muli %add3A_273, %mul3A_274 : i32
      %dma_start3A_276 = tpu.memref_slice %arg6[%mul3A_275] : memref<10240xi32, #tpu.memory_space<vmem>> -> memref<128xi32, #tpu.memory_space<vmem>>
      %dma_start3A_277 = arith.constant 0 : i32
      %dma_start3A_278 = arith.constant 0 : i32
      %dma_start3A_279 = tpu.memref_slice %arg2[%dma_start3A_277, %dma_start3A_278] : memref<10000x128xf32, #tpu.memory_space<hbm>> -> memref<10000x128xf32, #tpu.memory_space<hbm>>
      tpu.enqueue_indirect_dma source(%dma_start3A_279 : memref<10000x128xf32, #tpu.memory_space<hbm>>) target(%arg9 : memref<128x128xf32, #tpu.memory_space<vmem>>) offsets(%dma_start3A_276 : memref<128xi32, #tpu.memory_space<vmem>>) semaphore(%arg12 : memref<!tpu.dma_semaphore, #tpu.memory_space<semaphore_mem>>)
      %mul3A_280 = arith.constant 128 : i32
      %mul3A_281 = arith.muli %add3A_271, %mul3A_280 : i32
      %dma_wait3A_282 = tpu.memref_slice %arg6[%mul3A_281] : memref<10240xi32, #tpu.memory_space<vmem>> -> memref<128xi32, #tpu.memory_space<vmem>>
      %dma_wait3A_283 = arith.constant 0 : i32
      %dma_wait3A_284 = arith.constant 0 : i32
      %dma_wait3A_285 = tpu.memref_slice %arg2[%dma_wait3A_283, %dma_wait3A_284] : memref<10000x128xf32, #tpu.memory_space<hbm>> -> memref<10000x128xf32, #tpu.memory_space<hbm>>
      tpu.wait_indirect_dma semaphore(%arg11 : memref<!tpu.dma_semaphore, #tpu.memory_space<semaphore_mem>>) src(%dma_wait3A_285 : memref<10000x128xf32, #tpu.memory_space<hbm>>) dst(%arg8 : memref<128x128xf32, #tpu.memory_space<vmem>>)
      %mul3A_286 = arith.constant 2 : i32
      %mul3A_287 = arith.muli %mul3A_286, %scan3A_266 : i32
      %run_scoped3A_288 = arith.constant 1 : i32
      "tpu.region"() ({
        %run_scoped3A_311 = tpu.sem_alloc : memref<!tpu.dma_semaphore, #tpu.memory_space<semaphore_mem>>
        %dma_start3A_312 = arith.constant 0 : i32
        %dma_start3A_313 = tpu.memref_slice %arg7[%run_scoped3A_288, %mul3A_287, %dma_start3A_312] : memref<2x16x128xi32, #tpu.memory_space<vmem>> -> memref<1x1x128xi32, #tpu.memory_space<vmem>>
        %dma_start3A_314 = tpu.memref_squeeze %dma_start3A_313 : memref<1x1x128xi32, #tpu.memory_space<vmem>> -> memref<128xi32, #tpu.memory_space<vmem>>
        %dma_start3A_315 = arith.constant 0 : i32
        %dma_start3A_316 = arith.constant 0 : i32
        %dma_start3A_317 = tpu.memref_slice %arg10[%dma_start3A_315, %dma_start3A_316] : memref<10240x128xf32, #tpu.memory_space<vmem_shared>> -> memref<10240x128xf32, #tpu.memory_space<vmem_shared>>
        tpu.enqueue_indirect_dma source(%arg8 : memref<128x128xf32, #tpu.memory_space<vmem>>) target(%dma_start3A_317 : memref<10240x128xf32, #tpu.memory_space<vmem_shared>>) offsets(%dma_start3A_314 : memref<128xi32, #tpu.memory_space<vmem>>) semaphore(%run_scoped3A_311 : memref<!tpu.dma_semaphore, #tpu.memory_space<semaphore_mem>>) {add = true}
        %dma_wait3A_318 = arith.constant 0 : i32
        %dma_wait3A_319 = tpu.memref_slice %arg7[%run_scoped3A_288, %mul3A_287, %dma_wait3A_318] : memref<2x16x128xi32, #tpu.memory_space<vmem>> -> memref<1x1x128xi32, #tpu.memory_space<vmem>>
        %dma_wait3A_320 = tpu.memref_squeeze %dma_wait3A_319 : memref<1x1x128xi32, #tpu.memory_space<vmem>> -> memref<128xi32, #tpu.memory_space<vmem>>
        %dma_wait3A_321 = arith.constant 0 : i32
        %dma_wait3A_322 = arith.constant 0 : i32
        %dma_wait3A_323 = tpu.memref_slice %arg10[%dma_wait3A_321, %dma_wait3A_322] : memref<10240x128xf32, #tpu.memory_space<vmem_shared>> -> memref<10240x128xf32, #tpu.memory_space<vmem_shared>>
        tpu.wait_indirect_dma semaphore(%run_scoped3A_311 : memref<!tpu.dma_semaphore, #tpu.memory_space<semaphore_mem>>) src(%arg8 : memref<128x128xf32, #tpu.memory_space<vmem>>) dst(%dma_wait3A_323 : memref<10240x128xf32, #tpu.memory_space<vmem_shared>>)
        tpu.yield
      }) : () -> ()
      %add3A_289 = arith.constant 2 : i32
      %add3A_290 = arith.addi %add3A_271, %add3A_289 : i32
      %mul3A_291 = arith.constant 128 : i32
      %mul3A_292 = arith.muli %add3A_290, %mul3A_291 : i32
      %dma_start3A_293 = tpu.memref_slice %arg6[%mul3A_292] : memref<10240xi32, #tpu.memory_space<vmem>> -> memref<128xi32, #tpu.memory_space<vmem>>
      %dma_start3A_294 = arith.constant 0 : i32
      %dma_start3A_295 = arith.constant 0 : i32
      %dma_start3A_296 = tpu.memref_slice %arg2[%dma_start3A_294, %dma_start3A_295] : memref<10000x128xf32, #tpu.memory_space<hbm>> -> memref<10000x128xf32, #tpu.memory_space<hbm>>
      tpu.enqueue_indirect_dma source(%dma_start3A_296 : memref<10000x128xf32, #tpu.memory_space<hbm>>) target(%arg8 : memref<128x128xf32, #tpu.memory_space<vmem>>) offsets(%dma_start3A_293 : memref<128xi32, #tpu.memory_space<vmem>>) semaphore(%arg11 : memref<!tpu.dma_semaphore, #tpu.memory_space<semaphore_mem>>)
      %add3A_297 = arith.constant 1 : i32
      %add3A_298 = arith.addi %add3A_271, %add3A_297 : i32
      %mul3A_299 = arith.constant 128 : i32
      %mul3A_300 = arith.muli %add3A_298, %mul3A_299 : i32
      %dma_wait3A_301 = tpu.memref_slice %arg6[%mul3A_300] : memref<10240xi32, #tpu.memory_space<vmem>> -> memref<128xi32, #tpu.memory_space<vmem>>
      %dma_wait3A_302 = arith.constant 0 : i32
      %dma_wait3A_303 = arith.constant 0 : i32
      %dma_wait3A_304 = tpu.memref_slice %arg2[%dma_wait3A_302, %dma_wait3A_303] : memref<10000x128xf32, #tpu.memory_space<hbm>> -> memref<10000x128xf32, #tpu.memory_space<hbm>>
      tpu.wait_indirect_dma semaphore(%arg12 : memref<!tpu.dma_semaphore, #tpu.memory_space<semaphore_mem>>) src(%dma_wait3A_304 : memref<10000x128xf32, #tpu.memory_space<hbm>>) dst(%arg9 : memref<128x128xf32, #tpu.memory_space<vmem>>)
      %mul3A_305 = arith.constant 2 : i32
      %mul3A_306 = arith.muli %mul3A_305, %scan3A_266 : i32
      %add3A_307 = arith.constant 1 : i32
      %add3A_308 = arith.addi %mul3A_306, %add3A_307 : i32
      %run_scoped3A_309 = arith.constant 1 : i32
      "tpu.region"() ({
        %run_scoped3A_311 = tpu.sem_alloc : memref<!tpu.dma_semaphore, #tpu.memory_space<semaphore_mem>>
        %dma_start3A_312 = arith.constant 0 : i32
        %dma_start3A_313 = tpu.memref_slice %arg7[%run_scoped3A_309, %add3A_308, %dma_start3A_312] : memref<2x16x128xi32, #tpu.memory_space<vmem>> -> memref<1x1x128xi32, #tpu.memory_space<vmem>>
        %dma_start3A_314 = tpu.memref_squeeze %dma_start3A_313 : memref<1x1x128xi32, #tpu.memory_space<vmem>> -> memref<128xi32, #tpu.memory_space<vmem>>
        %dma_start3A_315 = arith.constant 0 : i32
        %dma_start3A_316 = arith.constant 0 : i32
        %dma_start3A_317 = tpu.memref_slice %arg10[%dma_start3A_315, %dma_start3A_316] : memref<10240x128xf32, #tpu.memory_space<vmem_shared>> -> memref<10240x128xf32, #tpu.memory_space<vmem_shared>>
        tpu.enqueue_indirect_dma source(%arg9 : memref<128x128xf32, #tpu.memory_space<vmem>>) target(%dma_start3A_317 : memref<10240x128xf32, #tpu.memory_space<vmem_shared>>) offsets(%dma_start3A_314 : memref<128xi32, #tpu.memory_space<vmem>>) semaphore(%run_scoped3A_311 : memref<!tpu.dma_semaphore, #tpu.memory_space<semaphore_mem>>) {add = true}
        %dma_wait3A_318 = arith.constant 0 : i32
        %dma_wait3A_319 = tpu.memref_slice %arg7[%run_scoped3A_309, %add3A_308, %dma_wait3A_318] : memref<2x16x128xi32, #tpu.memory_space<vmem>> -> memref<1x1x128xi32, #tpu.memory_space<vmem>>
        %dma_wait3A_320 = tpu.memref_squeeze %dma_wait3A_319 : memref<1x1x128xi32, #tpu.memory_space<vmem>> -> memref<128xi32, #tpu.memory_space<vmem>>
        %dma_wait3A_321 = arith.constant 0 : i32
        %dma_wait3A_322 = arith.constant 0 : i32
        %dma_wait3A_323 = tpu.memref_slice %arg10[%dma_wait3A_321, %dma_wait3A_322] : memref<10240x128xf32, #tpu.memory_space<vmem_shared>> -> memref<10240x128xf32, #tpu.memory_space<vmem_shared>>
        tpu.wait_indirect_dma semaphore(%run_scoped3A_311 : memref<!tpu.dma_semaphore, #tpu.memory_space<semaphore_mem>>) src(%arg9 : memref<128x128xf32, #tpu.memory_space<vmem>>) dst(%dma_wait3A_323 : memref<10240x128xf32, #tpu.memory_space<vmem_shared>>)
        tpu.yield
      }) : () -> ()
      %scan3A_310 = arith.constant 0 : i32
      scf.yield %scan3A_310 : i32
    }
    %scan3A_218 = arith.constant 8 : i32
    %dma_wait3A_219 = arith.constant 0 : i32
    %dma_wait3A_220 = arith.constant 0 : i32
    %dma_wait3A_221 = arith.constant 0 : i32
    %dma_wait3A_222 = tpu.memref_slice %arg7[%dma_wait3A_219, %dma_wait3A_220, %dma_wait3A_221] : memref<2x16x128xi32, #tpu.memory_space<vmem>> -> memref<1x16x128xi32, #tpu.memory_space<vmem>>
    %dma_wait3A_223 = tpu.memref_squeeze %dma_wait3A_222 : memref<1x16x128xi32, #tpu.memory_space<vmem>> -> memref<16x128xi32, #tpu.memory_space<vmem>>
    %dma_wait3A_224 = arith.constant 64 : i32
    %dma_wait3A_225 = arith.constant 0 : i32
    %dma_wait3A_226 = tpu.memref_slice %arg4[%add3A, %dma_wait3A_224, %dma_wait3A_225] : memref<32x80x128xi32, #tpu.memory_space<hbm>> -> memref<1x16x128xi32, #tpu.memory_space<hbm>>
    %dma_wait3A_227 = tpu.memref_squeeze %dma_wait3A_226 : memref<1x16x128xi32, #tpu.memory_space<hbm>> -> memref<16x128xi32, #tpu.memory_space<hbm>>
    %dma_wait3A_228 = arith.constant 0 : i32
    %dma_wait3A_229 = arith.constant 0 : i32
    %dma_wait3A_230 = tpu.memref_slice %arg7[%dma_wait3A_219, %dma_wait3A_228, %dma_wait3A_229] : memref<2x16x128xi32, #tpu.memory_space<vmem>> -> memref<1x16x128xi32, #tpu.memory_space<vmem>>
    %dma_wait3A_231 = tpu.memref_squeeze %dma_wait3A_230 : memref<1x16x128xi32, #tpu.memory_space<vmem>> -> memref<16x128xi32, #tpu.memory_space<vmem>>
    %dma_wait3A_232 = arith.constant 64 : i32
    %dma_wait3A_233 = arith.constant 0 : i32
    %dma_wait3A_234 = tpu.memref_slice %arg4[%add3A, %dma_wait3A_232, %dma_wait3A_233] : memref<32x80x128xi32, #tpu.memory_space<hbm>> -> memref<1x16x128xi32, #tpu.memory_space<hbm>>
    %dma_wait3A_235 = tpu.memref_squeeze %dma_wait3A_234 : memref<1x16x128xi32, #tpu.memory_space<hbm>> -> memref<16x128xi32, #tpu.memory_space<hbm>>
    tpu.wait_dma2 semaphore(%arg13 : memref<!tpu.dma_semaphore, #tpu.memory_space<semaphore_mem>>) src(%dma_wait3A_235 : memref<16x128xi32, #tpu.memory_space<hbm>>) dst(%dma_wait3A_231 : memref<16x128xi32, #tpu.memory_space<vmem>>)
    %scan3A_236 = arith.constant 0 : i32
    %scan3A_237 = arith.constant 0 : i32
    %scan3A_238 = arith.constant 7 : i32
    %scan3A_239 = arith.addi %scan3A_237, %scan3A_238 : i32
    %scan3A_240 = arith.constant 1 : i32
    %scan3A_241 = scf.for %scan3A_266 = %scan3A_237 to %scan3A_239 step %scan3A_240 iter_args(%scan3A_267 = %scan3A_236) -> (i32)  : i32 {
      %mul3A_268 = arith.constant 2 : i32
      %mul3A_269 = arith.muli %mul3A_268, %scan3A_266 : i32
      %add3A_270 = arith.constant 64 : i32
      %add3A_271 = arith.addi %add3A_270, %mul3A_269 : i32
      %add3A_272 = arith.constant 1 : i32
      %add3A_273 = arith.addi %add3A_271, %add3A_272 : i32
      %mul3A_274 = arith.constant 128 : i32
      %mul3A_275 = arith.muli %add3A_273, %mul3A_274 : i32
      %dma_start3A_276 = tpu.memref_slice %arg6[%mul3A_275] : memref<10240xi32, #tpu.memory_space<vmem>> -> memref<128xi32, #tpu.memory_space<vmem>>
      %dma_start3A_277 = arith.constant 0 : i32
      %dma_start3A_278 = arith.constant 0 : i32
      %dma_start3A_279 = tpu.memref_slice %arg2[%dma_start3A_277, %dma_start3A_278] : memref<10000x128xf32, #tpu.memory_space<hbm>> -> memref<10000x128xf32, #tpu.memory_space<hbm>>
      tpu.enqueue_indirect_dma source(%dma_start3A_279 : memref<10000x128xf32, #tpu.memory_space<hbm>>) target(%arg9 : memref<128x128xf32, #tpu.memory_space<vmem>>) offsets(%dma_start3A_276 : memref<128xi32, #tpu.memory_space<vmem>>) semaphore(%arg12 : memref<!tpu.dma_semaphore, #tpu.memory_space<semaphore_mem>>)
      %mul3A_280 = arith.constant 128 : i32
      %mul3A_281 = arith.muli %add3A_271, %mul3A_280 : i32
      %dma_wait3A_282 = tpu.memref_slice %arg6[%mul3A_281] : memref<10240xi32, #tpu.memory_space<vmem>> -> memref<128xi32, #tpu.memory_space<vmem>>
      %dma_wait3A_283 = arith.constant 0 : i32
      %dma_wait3A_284 = arith.constant 0 : i32
      %dma_wait3A_285 = tpu.memref_slice %arg2[%dma_wait3A_283, %dma_wait3A_284] : memref<10000x128xf32, #tpu.memory_space<hbm>> -> memref<10000x128xf32, #tpu.memory_space<hbm>>
      tpu.wait_indirect_dma semaphore(%arg11 : memref<!tpu.dma_semaphore, #tpu.memory_space<semaphore_mem>>) src(%dma_wait3A_285 : memref<10000x128xf32, #tpu.memory_space<hbm>>) dst(%arg8 : memref<128x128xf32, #tpu.memory_space<vmem>>)
      %mul3A_286 = arith.constant 2 : i32
      %mul3A_287 = arith.muli %mul3A_286, %scan3A_266 : i32
      %run_scoped3A_288 = arith.constant 0 : i32
      "tpu.region"() ({
        %run_scoped3A_311 = tpu.sem_alloc : memref<!tpu.dma_semaphore, #tpu.memory_space<semaphore_mem>>
        %dma_start3A_312 = arith.constant 0 : i32
        %dma_start3A_313 = tpu.memref_slice %arg7[%run_scoped3A_288, %mul3A_287, %dma_start3A_312] : memref<2x16x128xi32, #tpu.memory_space<vmem>> -> memref<1x1x128xi32, #tpu.memory_space<vmem>>
        %dma_start3A_314 = tpu.memref_squeeze %dma_start3A_313 : memref<1x1x128xi32, #tpu.memory_space<vmem>> -> memref<128xi32, #tpu.memory_space<vmem>>
        %dma_start3A_315 = arith.constant 0 : i32
        %dma_start3A_316 = arith.constant 0 : i32
        %dma_start3A_317 = tpu.memref_slice %arg10[%dma_start3A_315, %dma_start3A_316] : memref<10240x128xf32, #tpu.memory_space<vmem_shared>> -> memref<10240x128xf32, #tpu.memory_space<vmem_shared>>
        tpu.enqueue_indirect_dma source(%arg8 : memref<128x128xf32, #tpu.memory_space<vmem>>) target(%dma_start3A_317 : memref<10240x128xf32, #tpu.memory_space<vmem_shared>>) offsets(%dma_start3A_314 : memref<128xi32, #tpu.memory_space<vmem>>) semaphore(%run_scoped3A_311 : memref<!tpu.dma_semaphore, #tpu.memory_space<semaphore_mem>>) {add = true}
        %dma_wait3A_318 = arith.constant 0 : i32
        %dma_wait3A_319 = tpu.memref_slice %arg7[%run_scoped3A_288, %mul3A_287, %dma_wait3A_318] : memref<2x16x128xi32, #tpu.memory_space<vmem>> -> memref<1x1x128xi32, #tpu.memory_space<vmem>>
        %dma_wait3A_320 = tpu.memref_squeeze %dma_wait3A_319 : memref<1x1x128xi32, #tpu.memory_space<vmem>> -> memref<128xi32, #tpu.memory_space<vmem>>
        %dma_wait3A_321 = arith.constant 0 : i32
        %dma_wait3A_322 = arith.constant 0 : i32
        %dma_wait3A_323 = tpu.memref_slice %arg10[%dma_wait3A_321, %dma_wait3A_322] : memref<10240x128xf32, #tpu.memory_space<vmem_shared>> -> memref<10240x128xf32, #tpu.memory_space<vmem_shared>>
        tpu.wait_indirect_dma semaphore(%run_scoped3A_311 : memref<!tpu.dma_semaphore, #tpu.memory_space<semaphore_mem>>) src(%arg8 : memref<128x128xf32, #tpu.memory_space<vmem>>) dst(%dma_wait3A_323 : memref<10240x128xf32, #tpu.memory_space<vmem_shared>>)
        tpu.yield
      }) : () -> ()
      %add3A_289 = arith.constant 2 : i32
      %add3A_290 = arith.addi %add3A_271, %add3A_289 : i32
      %mul3A_291 = arith.constant 128 : i32
      %mul3A_292 = arith.muli %add3A_290, %mul3A_291 : i32
      %dma_start3A_293 = tpu.memref_slice %arg6[%mul3A_292] : memref<10240xi32, #tpu.memory_space<vmem>> -> memref<128xi32, #tpu.memory_space<vmem>>
      %dma_start3A_294 = arith.constant 0 : i32
      %dma_start3A_295 = arith.constant 0 : i32
      %dma_start3A_296 = tpu.memref_slice %arg2[%dma_start3A_294, %dma_start3A_295] : memref<10000x128xf32, #tpu.memory_space<hbm>> -> memref<10000x128xf32, #tpu.memory_space<hbm>>
      tpu.enqueue_indirect_dma source(%dma_start3A_296 : memref<10000x128xf32, #tpu.memory_space<hbm>>) target(%arg8 : memref<128x128xf32, #tpu.memory_space<vmem>>) offsets(%dma_start3A_293 : memref<128xi32, #tpu.memory_space<vmem>>) semaphore(%arg11 : memref<!tpu.dma_semaphore, #tpu.memory_space<semaphore_mem>>)
      %add3A_297 = arith.constant 1 : i32
      %add3A_298 = arith.addi %add3A_271, %add3A_297 : i32
      %mul3A_299 = arith.constant 128 : i32
      %mul3A_300 = arith.muli %add3A_298, %mul3A_299 : i32
      %dma_wait3A_301 = tpu.memref_slice %arg6[%mul3A_300] : memref<10240xi32, #tpu.memory_space<vmem>> -> memref<128xi32, #tpu.memory_space<vmem>>
      %dma_wait3A_302 = arith.constant 0 : i32
      %dma_wait3A_303 = arith.constant 0 : i32
      %dma_wait3A_304 = tpu.memref_slice %arg2[%dma_wait3A_302, %dma_wait3A_303] : memref<10000x128xf32, #tpu.memory_space<hbm>> -> memref<10000x128xf32, #tpu.memory_space<hbm>>
      tpu.wait_indirect_dma semaphore(%arg12 : memref<!tpu.dma_semaphore, #tpu.memory_space<semaphore_mem>>) src(%dma_wait3A_304 : memref<10000x128xf32, #tpu.memory_space<hbm>>) dst(%arg9 : memref<128x128xf32, #tpu.memory_space<vmem>>)
      %mul3A_305 = arith.constant 2 : i32
      %mul3A_306 = arith.muli %mul3A_305, %scan3A_266 : i32
      %add3A_307 = arith.constant 1 : i32
      %add3A_308 = arith.addi %mul3A_306, %add3A_307 : i32
      %run_scoped3A_309 = arith.constant 0 : i32
      "tpu.region"() ({
        %run_scoped3A_311 = tpu.sem_alloc : memref<!tpu.dma_semaphore, #tpu.memory_space<semaphore_mem>>
        %dma_start3A_312 = arith.constant 0 : i32
        %dma_start3A_313 = tpu.memref_slice %arg7[%run_scoped3A_309, %add3A_308, %dma_start3A_312] : memref<2x16x128xi32, #tpu.memory_space<vmem>> -> memref<1x1x128xi32, #tpu.memory_space<vmem>>
        %dma_start3A_314 = tpu.memref_squeeze %dma_start3A_313 : memref<1x1x128xi32, #tpu.memory_space<vmem>> -> memref<128xi32, #tpu.memory_space<vmem>>
        %dma_start3A_315 = arith.constant 0 : i32
        %dma_start3A_316 = arith.constant 0 : i32
        %dma_start3A_317 = tpu.memref_slice %arg10[%dma_start3A_315, %dma_start3A_316] : memref<10240x128xf32, #tpu.memory_space<vmem_shared>> -> memref<10240x128xf32, #tpu.memory_space<vmem_shared>>
        tpu.enqueue_indirect_dma source(%arg9 : memref<128x128xf32, #tpu.memory_space<vmem>>) target(%dma_start3A_317 : memref<10240x128xf32, #tpu.memory_space<vmem_shared>>) offsets(%dma_start3A_314 : memref<128xi32, #tpu.memory_space<vmem>>) semaphore(%run_scoped3A_311 : memref<!tpu.dma_semaphore, #tpu.memory_space<semaphore_mem>>) {add = true}
        %dma_wait3A_318 = arith.constant 0 : i32
        %dma_wait3A_319 = tpu.memref_slice %arg7[%run_scoped3A_309, %add3A_308, %dma_wait3A_318] : memref<2x16x128xi32, #tpu.memory_space<vmem>> -> memref<1x1x128xi32, #tpu.memory_space<vmem>>
        %dma_wait3A_320 = tpu.memref_squeeze %dma_wait3A_319 : memref<1x1x128xi32, #tpu.memory_space<vmem>> -> memref<128xi32, #tpu.memory_space<vmem>>
        %dma_wait3A_321 = arith.constant 0 : i32
        %dma_wait3A_322 = arith.constant 0 : i32
        %dma_wait3A_323 = tpu.memref_slice %arg10[%dma_wait3A_321, %dma_wait3A_322] : memref<10240x128xf32, #tpu.memory_space<vmem_shared>> -> memref<10240x128xf32, #tpu.memory_space<vmem_shared>>
        tpu.wait_indirect_dma semaphore(%run_scoped3A_311 : memref<!tpu.dma_semaphore, #tpu.memory_space<semaphore_mem>>) src(%arg9 : memref<128x128xf32, #tpu.memory_space<vmem>>) dst(%dma_wait3A_323 : memref<10240x128xf32, #tpu.memory_space<vmem_shared>>)
        tpu.yield
      }) : () -> ()
      %scan3A_310 = arith.constant 0 : i32
      scf.yield %scan3A_310 : i32
    }
    %scan3A_242 = arith.constant 7 : i32
    %dma_start3A_243 = arith.constant 10112 : i32
    %dma_start3A_244 = tpu.memref_slice %arg6[%dma_start3A_243] : memref<10240xi32, #tpu.memory_space<vmem>> -> memref<128xi32, #tpu.memory_space<vmem>>
    %dma_start3A_245 = arith.constant 0 : i32
    %dma_start3A_246 = arith.constant 0 : i32
    %dma_start3A_247 = tpu.memref_slice %arg2[%dma_start3A_245, %dma_start3A_246] : memref<10000x128xf32, #tpu.memory_space<hbm>> -> memref<10000x128xf32, #tpu.memory_space<hbm>>
    tpu.enqueue_indirect_dma source(%dma_start3A_247 : memref<10000x128xf32, #tpu.memory_space<hbm>>) target(%arg9 : memref<128x128xf32, #tpu.memory_space<vmem>>) offsets(%dma_start3A_244 : memref<128xi32, #tpu.memory_space<vmem>>) semaphore(%arg12 : memref<!tpu.dma_semaphore, #tpu.memory_space<semaphore_mem>>)
    %dma_wait3A_248 = arith.constant 9984 : i32
    %dma_wait3A_249 = tpu.memref_slice %arg6[%dma_wait3A_248] : memref<10240xi32, #tpu.memory_space<vmem>> -> memref<128xi32, #tpu.memory_space<vmem>>
    %dma_wait3A_250 = arith.constant 0 : i32
    %dma_wait3A_251 = arith.constant 0 : i32
    %dma_wait3A_252 = tpu.memref_slice %arg2[%dma_wait3A_250, %dma_wait3A_251] : memref<10000x128xf32, #tpu.memory_space<hbm>> -> memref<10000x128xf32, #tpu.memory_space<hbm>>
    tpu.wait_indirect_dma semaphore(%arg11 : memref<!tpu.dma_semaphore, #tpu.memory_space<semaphore_mem>>) src(%dma_wait3A_252 : memref<10000x128xf32, #tpu.memory_space<hbm>>) dst(%arg8 : memref<128x128xf32, #tpu.memory_space<vmem>>)
    %run_scoped3A = arith.constant 0 : i32
    %run_scoped3A_253 = arith.constant 14 : i32
    "tpu.region"() ({
      %run_scoped3A_266 = tpu.sem_alloc : memref<!tpu.dma_semaphore, #tpu.memory_space<semaphore_mem>>
      %dma_start3A_267 = arith.constant 0 : i32
      %dma_start3A_268 = tpu.memref_slice %arg7[%run_scoped3A, %run_scoped3A_253, %dma_start3A_267] : memref<2x16x128xi32, #tpu.memory_space<vmem>> -> memref<1x1x128xi32, #tpu.memory_space<vmem>>
      %dma_start3A_269 = tpu.memref_squeeze %dma_start3A_268 : memref<1x1x128xi32, #tpu.memory_space<vmem>> -> memref<128xi32, #tpu.memory_space<vmem>>
      %dma_start3A_270 = arith.constant 0 : i32
      %dma_start3A_271 = arith.constant 0 : i32
      %dma_start3A_272 = tpu.memref_slice %arg10[%dma_start3A_270, %dma_start3A_271] : memref<10240x128xf32, #tpu.memory_space<vmem_shared>> -> memref<10240x128xf32, #tpu.memory_space<vmem_shared>>
      tpu.enqueue_indirect_dma source(%arg8 : memref<128x128xf32, #tpu.memory_space<vmem>>) target(%dma_start3A_272 : memref<10240x128xf32, #tpu.memory_space<vmem_shared>>) offsets(%dma_start3A_269 : memref<128xi32, #tpu.memory_space<vmem>>) semaphore(%run_scoped3A_266 : memref<!tpu.dma_semaphore, #tpu.memory_space<semaphore_mem>>) {add = true}
      %dma_wait3A_273 = arith.constant 0 : i32
      %dma_wait3A_274 = tpu.memref_slice %arg7[%run_scoped3A, %run_scoped3A_253, %dma_wait3A_273] : memref<2x16x128xi32, #tpu.memory_space<vmem>> -> memref<1x1x128xi32, #tpu.memory_space<vmem>>
      %dma_wait3A_275 = tpu.memref_squeeze %dma_wait3A_274 : memref<1x1x128xi32, #tpu.memory_space<vmem>> -> memref<128xi32, #tpu.memory_space<vmem>>
      %dma_wait3A_276 = arith.constant 0 : i32
      %dma_wait3A_277 = arith.constant 0 : i32
      %dma_wait3A_278 = tpu.memref_slice %arg10[%dma_wait3A_276, %dma_wait3A_277] : memref<10240x128xf32, #tpu.memory_space<vmem_shared>> -> memref<10240x128xf32, #tpu.memory_space<vmem_shared>>
      tpu.wait_indirect_dma semaphore(%run_scoped3A_266 : memref<!tpu.dma_semaphore, #tpu.memory_space<semaphore_mem>>) src(%arg8 : memref<128x128xf32, #tpu.memory_space<vmem>>) dst(%dma_wait3A_278 : memref<10240x128xf32, #tpu.memory_space<vmem_shared>>)
      tpu.yield
    }) : () -> ()
    %dma_wait3A_254 = arith.constant 10112 : i32
    %dma_wait3A_255 = tpu.memref_slice %arg6[%dma_wait3A_254] : memref<10240xi32, #tpu.memory_space<vmem>> -> memref<128xi32, #tpu.memory_space<vmem>>
    %dma_wait3A_256 = arith.constant 0 : i32
    %dma_wait3A_257 = arith.constant 0 : i32
    %dma_wait3A_258 = tpu.memref_slice %arg2[%dma_wait3A_256, %dma_wait3A_257] : memref<10000x128xf32, #tpu.memory_space<hbm>> -> memref<10000x128xf32, #tpu.memory_space<hbm>>
    tpu.wait_indirect_dma semaphore(%arg12 : memref<!tpu.dma_semaphore, #tpu.memory_space<semaphore_mem>>) src(%dma_wait3A_258 : memref<10000x128xf32, #tpu.memory_space<hbm>>) dst(%arg9 : memref<128x128xf32, #tpu.memory_space<vmem>>)
    %run_scoped3A_259 = arith.constant 0 : i32
    %run_scoped3A_260 = arith.constant 15 : i32
    "tpu.region"() ({
      %run_scoped3A_266 = tpu.sem_alloc : memref<!tpu.dma_semaphore, #tpu.memory_space<semaphore_mem>>
      %dma_start3A_267 = arith.constant 0 : i32
      %dma_start3A_268 = tpu.memref_slice %arg7[%run_scoped3A_259, %run_scoped3A_260, %dma_start3A_267] : memref<2x16x128xi32, #tpu.memory_space<vmem>> -> memref<1x1x128xi32, #tpu.memory_space<vmem>>
      %dma_start3A_269 = tpu.memref_squeeze %dma_start3A_268 : memref<1x1x128xi32, #tpu.memory_space<vmem>> -> memref<128xi32, #tpu.memory_space<vmem>>
      %dma_start3A_270 = arith.constant 0 : i32
      %dma_start3A_271 = arith.constant 0 : i32
      %dma_start3A_272 = tpu.memref_slice %arg10[%dma_start3A_270, %dma_start3A_271] : memref<10240x128xf32, #tpu.memory_space<vmem_shared>> -> memref<10240x128xf32, #tpu.memory_space<vmem_shared>>
      tpu.enqueue_indirect_dma source(%arg9 : memref<128x128xf32, #tpu.memory_space<vmem>>) target(%dma_start3A_272 : memref<10240x128xf32, #tpu.memory_space<vmem_shared>>) offsets(%dma_start3A_269 : memref<128xi32, #tpu.memory_space<vmem>>) semaphore(%run_scoped3A_266 : memref<!tpu.dma_semaphore, #tpu.memory_space<semaphore_mem>>) {add = true}
      %dma_wait3A_273 = arith.constant 0 : i32
      %dma_wait3A_274 = tpu.memref_slice %arg7[%run_scoped3A_259, %run_scoped3A_260, %dma_wait3A_273] : memref<2x16x128xi32, #tpu.memory_space<vmem>> -> memref<1x1x128xi32, #tpu.memory_space<vmem>>
      %dma_wait3A_275 = tpu.memref_squeeze %dma_wait3A_274 : memref<1x1x128xi32, #tpu.memory_space<vmem>> -> memref<128xi32, #tpu.memory_space<vmem>>
      %dma_wait3A_276 = arith.constant 0 : i32
      %dma_wait3A_277 = arith.constant 0 : i32
      %dma_wait3A_278 = tpu.memref_slice %arg10[%dma_wait3A_276, %dma_wait3A_277] : memref<10240x128xf32, #tpu.memory_space<vmem_shared>> -> memref<10240x128xf32, #tpu.memory_space<vmem_shared>>
      tpu.wait_indirect_dma semaphore(%run_scoped3A_266 : memref<!tpu.dma_semaphore, #tpu.memory_space<semaphore_mem>>) src(%arg9 : memref<128x128xf32, #tpu.memory_space<vmem>>) dst(%dma_wait3A_278 : memref<10240x128xf32, #tpu.memory_space<vmem_shared>>)
      tpu.yield
    }) : () -> ()
    %barrier3A_261 = arith.constant 0 : index
    tpu.barrier barrier_id(%barrier3A_261)
    %mul3A_262 = arith.constant 640 : i32
    %mul3A_263 = arith.muli %arg1, %mul3A_262 : i32
    %mul3A_264 = arith.constant 640 : i32
    %mul3A_265 = arith.muli %arg1, %mul3A_264 : i32
    "tpu.region"() ({
      %run_scoped3A_266 = tpu.sem_alloc : memref<!tpu.dma_semaphore, #tpu.memory_space<semaphore_mem>>
      %dma_start3A_267 = arith.constant 0 : i32
      %dma_start3A_268 = tpu.memref_slice %arg5[%arg0, %mul3A_265, %dma_start3A_267] : memref<2x10240x128xf32, #tpu.memory_space<hbm>> -> memref<1x640x128xf32, #tpu.memory_space<hbm>>
      %dma_start3A_269 = tpu.memref_squeeze %dma_start3A_268 : memref<1x640x128xf32, #tpu.memory_space<hbm>> -> memref<640x128xf32, #tpu.memory_space<hbm>>
      %dma_start3A_270 = arith.constant 0 : i32
      %dma_start3A_271 = tpu.memref_slice %arg10[%mul3A_263, %dma_start3A_270] : memref<10240x128xf32, #tpu.memory_space<vmem_shared>> -> memref<640x128xf32, #tpu.memory_space<vmem_shared>>
      tpu.enqueue_dma source(%dma_start3A_271 : memref<640x128xf32, #tpu.memory_space<vmem_shared>>) target(%dma_start3A_269 : memref<640x128xf32, #tpu.memory_space<hbm>>) target_semaphore(%run_scoped3A_266 : memref<!tpu.dma_semaphore, #tpu.memory_space<semaphore_mem>>)
      %dma_wait3A_272 = arith.constant 0 : i32
      %dma_wait3A_273 = tpu.memref_slice %arg5[%arg0, %mul3A_265, %dma_wait3A_272] : memref<2x10240x128xf32, #tpu.memory_space<hbm>> -> memref<1x640x128xf32, #tpu.memory_space<hbm>>
      %dma_wait3A_274 = tpu.memref_squeeze %dma_wait3A_273 : memref<1x640x128xf32, #tpu.memory_space<hbm>> -> memref<640x128xf32, #tpu.memory_space<hbm>>
      %dma_wait3A_275 = arith.constant 0 : i32
      %dma_wait3A_276 = tpu.memref_slice %arg10[%mul3A_263, %dma_wait3A_275] : memref<10240x128xf32, #tpu.memory_space<vmem_shared>> -> memref<640x128xf32, #tpu.memory_space<vmem_shared>>
      tpu.wait_dma2 semaphore(%run_scoped3A_266 : memref<!tpu.dma_semaphore, #tpu.memory_space<semaphore_mem>>) src(%dma_wait3A_276 : memref<640x128xf32, #tpu.memory_space<vmem_shared>>) dst(%dma_wait3A_274 : memref<640x128xf32, #tpu.memory_space<hbm>>)
      tpu.yield
    }) : () -> ()
    return
  }
}

#map = affine_map<(d0, d1) -> (0, 0)>
#map1 = affine_map<(d0, d1) -> (0)>
#map2 = affine_map<(d0, d1) -> (0, 0, 0)>
module attributes {stable_mosaic.version = 14 : i64} {
  func.func @_sc_agg(%arg0: i32, %arg1: i32, %arg2: memref<10000x128xf32, #tpu.memory_space<hbm>>, %arg3: memref<327680xi32, #tpu.memory_space<hbm>>, %arg4: memref<32x80x128xi32, #tpu.memory_space<hbm>>, %arg5: memref<2x10240x128xf32, #tpu.memory_space<hbm>>, %arg6: memref<10240xi32, #tpu.memory_space<vmem>>, %arg7: memref<2x16x128xi32, #tpu.memory_space<vmem>>, %arg8: memref<128x128xf32, #tpu.memory_space<vmem>>, %arg9: memref<128x128xf32, #tpu.memory_space<vmem>>, %arg10: memref<10240x128xf32, #tpu.memory_space<vmem_shared>>, %arg11: memref<!tpu.dma_semaphore, #tpu.memory_space<semaphore_mem>>, %arg12: memref<!tpu.dma_semaphore, #tpu.memory_space<semaphore_mem>>, %arg13: memref<!tpu.dma_semaphore, #tpu.memory_space<semaphore_mem>>, %arg14: memref<!tpu.dma_semaphore, #tpu.memory_space<semaphore_mem>>) attributes {dimension_semantics = [#tpu.dimension_semantics<core_parallel>, #tpu.dimension_semantics<subcore_parallel>], iteration_bounds = array<i64: 2, 16>, scalar_prefetch = 0 : i64, scratch_operands = 9 : i64, tpu.core_type = #tpu.core_type<sc_vector_subcore>, window_params = [{transform_indices = #map}, {transform_indices = #map1}, {transform_indices = #map2}, {transform_indices = #map2}]} {
    %mul3A = arith.constant 2 : i32
    %mul3A_0 = arith.muli %arg1, %mul3A : i32
    %add3A = arith.addi %mul3A_0, %arg0 : i32
    %mul3A_1 = arith.constant 10240 : i32
    %mul3A_2 = arith.muli %add3A, %mul3A_1 : i32
    %dma_start3A = tpu.memref_slice %arg3[%mul3A_2] : memref<327680xi32, #tpu.memory_space<hbm>> -> memref<10240xi32, #tpu.memory_space<hbm>>
    %dma_start3A_3 = tpu.memref_slice %arg3[%mul3A_2] : memref<327680xi32, #tpu.memory_space<hbm>> -> memref<10240xi32, #tpu.memory_space<hbm>>
    tpu.enqueue_dma source(%dma_start3A_3 : memref<10240xi32, #tpu.memory_space<hbm>>) target(%arg6 : memref<10240xi32, #tpu.memory_space<vmem>>) target_semaphore(%arg11 : memref<!tpu.dma_semaphore, #tpu.memory_space<semaphore_mem>>)
    %dma_start3A_4 = arith.constant 0 : i32
    %dma_start3A_5 = arith.constant 0 : i32
    %dma_start3A_6 = arith.constant 0 : i32
    %dma_start3A_7 = tpu.memref_slice %arg7[%dma_start3A_4, %dma_start3A_5, %dma_start3A_6] : memref<2x16x128xi32, #tpu.memory_space<vmem>> -> memref<1x16x128xi32, #tpu.memory_space<vmem>>
    %dma_start3A_8 = tpu.memref_squeeze %dma_start3A_7 : memref<1x16x128xi32, #tpu.memory_space<vmem>> -> memref<16x128xi32, #tpu.memory_space<vmem>>
    %dma_start3A_9 = arith.constant 0 : i32
    %dma_start3A_10 = arith.constant 0 : i32
    %dma_start3A_11 = tpu.memref_slice %arg4[%add3A, %dma_start3A_9, %dma_start3A_10] : memref<32x80x128xi32, #tpu.memory_space<hbm>> -> memref<1x16x128xi32, #tpu.memory_space<hbm>>
    %dma_start3A_12 = tpu.memref_squeeze %dma_start3A_11 : memref<1x16x128xi32, #tpu.memory_space<hbm>> -> memref<16x128xi32, #tpu.memory_space<hbm>>
    %dma_start3A_13 = arith.constant 0 : i32
    %dma_start3A_14 = arith.constant 0 : i32
    %dma_start3A_15 = tpu.memref_slice %arg7[%dma_start3A_4, %dma_start3A_13, %dma_start3A_14] : memref<2x16x128xi32, #tpu.memory_space<vmem>> -> memref<1x16x128xi32, #tpu.memory_space<vmem>>
    %dma_start3A_16 = tpu.memref_squeeze %dma_start3A_15 : memref<1x16x128xi32, #tpu.memory_space<vmem>> -> memref<16x128xi32, #tpu.memory_space<vmem>>
    %dma_start3A_17 = arith.constant 0 : i32
    %dma_start3A_18 = arith.constant 0 : i32
    %dma_start3A_19 = tpu.memref_slice %arg4[%add3A, %dma_start3A_17, %dma_start3A_18] : memref<32x80x128xi32, #tpu.memory_space<hbm>> -> memref<1x16x128xi32, #tpu.memory_space<hbm>>
    %dma_start3A_20 = tpu.memref_squeeze %dma_start3A_19 : memref<1x16x128xi32, #tpu.memory_space<hbm>> -> memref<16x128xi32, #tpu.memory_space<hbm>>
    tpu.enqueue_dma source(%dma_start3A_20 : memref<16x128xi32, #tpu.memory_space<hbm>>) target(%dma_start3A_16 : memref<16x128xi32, #tpu.memory_space<vmem>>) target_semaphore(%arg13 : memref<!tpu.dma_semaphore, #tpu.memory_space<semaphore_mem>>)
    %scan3A = arith.constant 0 : i32
    %scan3A_21 = arith.constant 0 : i32
    %scan3A_22 = arith.constant 128 : i32
    %scan3A_23 = arith.addi %scan3A_21, %scan3A_22 : i32
    %scan3A_24 = arith.constant 1 : i32
    %scan3A_25 = scf.for %scan3A_266 = %scan3A_21 to %scan3A_23 step %scan3A_24 iter_args(%scan3A_267 = %scan3A) -> (i32)  : i32 {
      %broadcast_in_dim3A = arith.constant 0.000000e+00 : f32
      %broadcast_in_dim3A_268 = vector.broadcast %broadcast_in_dim3A : f32 to vector<16xf32>
      %swap3A = arith.index_cast %scan3A_266 : i32 to index
      %swap3A_269 = arith.constant 0 : index
      %swap3A_270 = tpu.vector_load %arg8[%swap3A, %swap3A_269] {strides = array<i32>} : memref<128x128xf32, #tpu.memory_space<vmem>>, vector<1x16xf32>,
      %swap3A_271 = vector.shape_cast %swap3A_270 : vector<1x16xf32> to vector<16xf32>
      %swap3A_272 = vector.shape_cast %broadcast_in_dim3A_268 : vector<16xf32> to vector<1x16xf32>
      tpu.vector_store %arg8[%swap3A, %swap3A_269], %swap3A_272 {strides = array<i32>} : memref<128x128xf32, #tpu.memory_space<vmem>>, vector<1x16xf32>,
      %broadcast_in_dim3A_273 = arith.constant 0.000000e+00 : f32
      %broadcast_in_dim3A_274 = vector.broadcast %broadcast_in_dim3A_273 : f32 to vector<16xf32>
      %swap3A_275 = arith.index_cast %scan3A_266 : i32 to index
      %swap3A_276 = arith.constant 16 : index
      %swap3A_277 = tpu.vector_load %arg8[%swap3A_275, %swap3A_276] {strides = array<i32>} : memref<128x128xf32, #tpu.memory_space<vmem>>, vector<1x16xf32>,
      %swap3A_278 = vector.shape_cast %swap3A_277 : vector<1x16xf32> to vector<16xf32>
      %swap3A_279 = vector.shape_cast %broadcast_in_dim3A_274 : vector<16xf32> to vector<1x16xf32>
      tpu.vector_store %arg8[%swap3A_275, %swap3A_276], %swap3A_279 {strides = array<i32>} : memref<128x128xf32, #tpu.memory_space<vmem>>, vector<1x16xf32>,
      %broadcast_in_dim3A_280 = arith.constant 0.000000e+00 : f32
      %broadcast_in_dim3A_281 = vector.broadcast %broadcast_in_dim3A_280 : f32 to vector<16xf32>
      %swap3A_282 = arith.index_cast %scan3A_266 : i32 to index
      %swap3A_283 = arith.constant 32 : index
      %swap3A_284 = tpu.vector_load %arg8[%swap3A_282, %swap3A_283] {strides = array<i32>} : memref<128x128xf32, #tpu.memory_space<vmem>>, vector<1x16xf32>,
      %swap3A_285 = vector.shape_cast %swap3A_284 : vector<1x16xf32> to vector<16xf32>
      %swap3A_286 = vector.shape_cast %broadcast_in_dim3A_281 : vector<16xf32> to vector<1x16xf32>
      tpu.vector_store %arg8[%swap3A_282, %swap3A_283], %swap3A_286 {strides = array<i32>} : memref<128x128xf32, #tpu.memory_space<vmem>>, vector<1x16xf32>,
      %broadcast_in_dim3A_287 = arith.constant 0.000000e+00 : f32
      %broadcast_in_dim3A_288 = vector.broadcast %broadcast_in_dim3A_287 : f32 to vector<16xf32>
      %swap3A_289 = arith.index_cast %scan3A_266 : i32 to index
      %swap3A_290 = arith.constant 48 : index
      %swap3A_291 = tpu.vector_load %arg8[%swap3A_289, %swap3A_290] {strides = array<i32>} : memref<128x128xf32, #tpu.memory_space<vmem>>, vector<1x16xf32>,
      %swap3A_292 = vector.shape_cast %swap3A_291 : vector<1x16xf32> to vector<16xf32>
      %swap3A_293 = vector.shape_cast %broadcast_in_dim3A_288 : vector<16xf32> to vector<1x16xf32>
      tpu.vector_store %arg8[%swap3A_289, %swap3A_290], %swap3A_293 {strides = array<i32>} : memref<128x128xf32, #tpu.memory_space<vmem>>, vector<1x16xf32>,
      %broadcast_in_dim3A_294 = arith.constant 0.000000e+00 : f32
      %broadcast_in_dim3A_295 = vector.broadcast %broadcast_in_dim3A_294 : f32 to vector<16xf32>
      %swap3A_296 = arith.index_cast %scan3A_266 : i32 to index
      %swap3A_297 = arith.constant 64 : index
      %swap3A_298 = tpu.vector_load %arg8[%swap3A_296, %swap3A_297] {strides = array<i32>} : memref<128x128xf32, #tpu.memory_space<vmem>>, vector<1x16xf32>,
      %swap3A_299 = vector.shape_cast %swap3A_298 : vector<1x16xf32> to vector<16xf32>
      %swap3A_300 = vector.shape_cast %broadcast_in_dim3A_295 : vector<16xf32> to vector<1x16xf32>
      tpu.vector_store %arg8[%swap3A_296, %swap3A_297], %swap3A_300 {strides = array<i32>} : memref<128x128xf32, #tpu.memory_space<vmem>>, vector<1x16xf32>,
      %broadcast_in_dim3A_301 = arith.constant 0.000000e+00 : f32
      %broadcast_in_dim3A_302 = vector.broadcast %broadcast_in_dim3A_301 : f32 to vector<16xf32>
      %swap3A_303 = arith.index_cast %scan3A_266 : i32 to index
      %swap3A_304 = arith.constant 80 : index
      %swap3A_305 = tpu.vector_load %arg8[%swap3A_303, %swap3A_304] {strides = array<i32>} : memref<128x128xf32, #tpu.memory_space<vmem>>, vector<1x16xf32>,
      %swap3A_306 = vector.shape_cast %swap3A_305 : vector<1x16xf32> to vector<16xf32>
      %swap3A_307 = vector.shape_cast %broadcast_in_dim3A_302 : vector<16xf32> to vector<1x16xf32>
      tpu.vector_store %arg8[%swap3A_303, %swap3A_304], %swap3A_307 {strides = array<i32>} : memref<128x128xf32, #tpu.memory_space<vmem>>, vector<1x16xf32>,
      %broadcast_in_dim3A_308 = arith.constant 0.000000e+00 : f32
      %broadcast_in_dim3A_309 = vector.broadcast %broadcast_in_dim3A_308 : f32 to vector<16xf32>
      %swap3A_310 = arith.index_cast %scan3A_266 : i32 to index
      %swap3A_311 = arith.constant 96 : index
      %swap3A_312 = tpu.vector_load %arg8[%swap3A_310, %swap3A_311] {strides = array<i32>} : memref<128x128xf32, #tpu.memory_space<vmem>>, vector<1x16xf32>,
      %swap3A_313 = vector.shape_cast %swap3A_312 : vector<1x16xf32> to vector<16xf32>
      %swap3A_314 = vector.shape_cast %broadcast_in_dim3A_309 : vector<16xf32> to vector<1x16xf32>
      tpu.vector_store %arg8[%swap3A_310, %swap3A_311], %swap3A_314 {strides = array<i32>} : memref<128x128xf32, #tpu.memory_space<vmem>>, vector<1x16xf32>,
      %broadcast_in_dim3A_315 = arith.constant 0.000000e+00 : f32
      %broadcast_in_dim3A_316 = vector.broadcast %broadcast_in_dim3A_315 : f32 to vector<16xf32>
      %swap3A_317 = arith.index_cast %scan3A_266 : i32 to index
      %swap3A_318 = arith.constant 112 : index
      %swap3A_319 = tpu.vector_load %arg8[%swap3A_317, %swap3A_318] {strides = array<i32>} : memref<128x128xf32, #tpu.memory_space<vmem>>, vector<1x16xf32>,
      %swap3A_320 = vector.shape_cast %swap3A_319 : vector<1x16xf32> to vector<16xf32>
      %swap3A_321 = vector.shape_cast %broadcast_in_dim3A_316 : vector<16xf32> to vector<1x16xf32>
      tpu.vector_store %arg8[%swap3A_317, %swap3A_318], %swap3A_321 {strides = array<i32>} : memref<128x128xf32, #tpu.memory_space<vmem>>, vector<1x16xf32>,
      %scan3A_322 = arith.constant 0 : i32
      scf.yield %scan3A_322 : i32
    }
    %scan3A_26 = arith.constant 128 : i32
    %mul3A_27 = arith.constant 640 : i32
    %mul3A_28 = arith.muli %arg1, %mul3A_27 : i32
    %add3A_29 = arith.constant 0 : i32
    %add3A_30 = arith.addi %mul3A_28, %add3A_29 : i32
    "tpu.region"() ({
      %run_scoped3A_266 = tpu.sem_alloc : memref<!tpu.dma_semaphore, #tpu.memory_space<semaphore_mem>>
      %dma_start3A_267 = arith.constant 0 : i32
      %dma_start3A_268 = tpu.memref_slice %arg10[%add3A_30, %dma_start3A_267] : memref<10240x128xf32, #tpu.memory_space<vmem_shared>> -> memref<128x128xf32, #tpu.memory_space<vmem_shared>>
      %dma_start3A_269 = arith.constant 0 : i32
      %dma_start3A_270 = tpu.memref_slice %arg10[%add3A_30, %dma_start3A_269] : memref<10240x128xf32, #tpu.memory_space<vmem_shared>> -> memref<128x128xf32, #tpu.memory_space<vmem_shared>>
      tpu.enqueue_dma source(%arg8 : memref<128x128xf32, #tpu.memory_space<vmem>>) target(%dma_start3A_270 : memref<128x128xf32, #tpu.memory_space<vmem_shared>>) target_semaphore(%run_scoped3A_266 : memref<!tpu.dma_semaphore, #tpu.memory_space<semaphore_mem>>)
      %dma_wait3A_271 = arith.constant 0 : i32
      %dma_wait3A_272 = tpu.memref_slice %arg10[%add3A_30, %dma_wait3A_271] : memref<10240x128xf32, #tpu.memory_space<vmem_shared>> -> memref<128x128xf32, #tpu.memory_space<vmem_shared>>
      %dma_wait3A_273 = arith.constant 0 : i32
      %dma_wait3A_274 = tpu.memref_slice %arg10[%add3A_30, %dma_wait3A_273] : memref<10240x128xf32, #tpu.memory_space<vmem_shared>> -> memref<128x128xf32, #tpu.memory_space<vmem_shared>>
      tpu.wait_dma2 semaphore(%run_scoped3A_266 : memref<!tpu.dma_semaphore, #tpu.memory_space<semaphore_mem>>) src(%arg8 : memref<128x128xf32, #tpu.memory_space<vmem>>) dst(%dma_wait3A_274 : memref<128x128xf32, #tpu.memory_space<vmem_shared>>)
      tpu.yield
    }) : () -> ()
    %mul3A_31 = arith.constant 640 : i32
    %mul3A_32 = arith.muli %arg1, %mul3A_31 : i32
    %add3A_33 = arith.constant 128 : i32
    %add3A_34 = arith.addi %mul3A_32, %add3A_33 : i32
    "tpu.region"() ({
      %run_scoped3A_266 = tpu.sem_alloc : memref<!tpu.dma_semaphore, #tpu.memory_space<semaphore_mem>>
      %dma_start3A_267 = arith.constant 0 : i32
      %dma_start3A_268 = tpu.memref_slice %arg10[%add3A_34, %dma_start3A_267] : memref<10240x128xf32, #tpu.memory_space<vmem_shared>> -> memref<128x128xf32, #tpu.memory_space<vmem_shared>>
      %dma_start3A_269 = arith.constant 0 : i32
      %dma_start3A_270 = tpu.memref_slice %arg10[%add3A_34, %dma_start3A_269] : memref<10240x128xf32, #tpu.memory_space<vmem_shared>> -> memref<128x128xf32, #tpu.memory_space<vmem_shared>>
      tpu.enqueue_dma source(%arg8 : memref<128x128xf32, #tpu.memory_space<vmem>>) target(%dma_start3A_270 : memref<128x128xf32, #tpu.memory_space<vmem_shared>>) target_semaphore(%run_scoped3A_266 : memref<!tpu.dma_semaphore, #tpu.memory_space<semaphore_mem>>)
      %dma_wait3A_271 = arith.constant 0 : i32
      %dma_wait3A_272 = tpu.memref_slice %arg10[%add3A_34, %dma_wait3A_271] : memref<10240x128xf32, #tpu.memory_space<vmem_shared>> -> memref<128x128xf32, #tpu.memory_space<vmem_shared>>
      %dma_wait3A_273 = arith.constant 0 : i32
      %dma_wait3A_274 = tpu.memref_slice %arg10[%add3A_34, %dma_wait3A_273] : memref<10240x128xf32, #tpu.memory_space<vmem_shared>> -> memref<128x128xf32, #tpu.memory_space<vmem_shared>>
      tpu.wait_dma2 semaphore(%run_scoped3A_266 : memref<!tpu.dma_semaphore, #tpu.memory_space<semaphore_mem>>) src(%arg8 : memref<128x128xf32, #tpu.memory_space<vmem>>) dst(%dma_wait3A_274 : memref<128x128xf32, #tpu.memory_space<vmem_shared>>)
      tpu.yield
    }) : () -> ()
    %mul3A_35 = arith.constant 640 : i32
    %mul3A_36 = arith.muli %arg1, %mul3A_35 : i32
    %add3A_37 = arith.constant 256 : i32
    %add3A_38 = arith.addi %mul3A_36, %add3A_37 : i32
    "tpu.region"() ({
      %run_scoped3A_266 = tpu.sem_alloc : memref<!tpu.dma_semaphore, #tpu.memory_space<semaphore_mem>>
      %dma_start3A_267 = arith.constant 0 : i32
      %dma_start3A_268 = tpu.memref_slice %arg10[%add3A_38, %dma_start3A_267] : memref<10240x128xf32, #tpu.memory_space<vmem_shared>> -> memref<128x128xf32, #tpu.memory_space<vmem_shared>>
      %dma_start3A_269 = arith.constant 0 : i32
      %dma_start3A_270 = tpu.memref_slice %arg10[%add3A_38, %dma_start3A_269] : memref<10240x128xf32, #tpu.memory_space<vmem_shared>> -> memref<128x128xf32, #tpu.memory_space<vmem_shared>>
      tpu.enqueue_dma source(%arg8 : memref<128x128xf32, #tpu.memory_space<vmem>>) target(%dma_start3A_270 : memref<128x128xf32, #tpu.memory_space<vmem_shared>>) target_semaphore(%run_scoped3A_266 : memref<!tpu.dma_semaphore, #tpu.memory_space<semaphore_mem>>)
      %dma_wait3A_271 = arith.constant 0 : i32
      %dma_wait3A_272 = tpu.memref_slice %arg10[%add3A_38, %dma_wait3A_271] : memref<10240x128xf32, #tpu.memory_space<vmem_shared>> -> memref<128x128xf32, #tpu.memory_space<vmem_shared>>
      %dma_wait3A_273 = arith.constant 0 : i32
      %dma_wait3A_274 = tpu.memref_slice %arg10[%add3A_38, %dma_wait3A_273] : memref<10240x128xf32, #tpu.memory_space<vmem_shared>> -> memref<128x128xf32, #tpu.memory_space<vmem_shared>>
      tpu.wait_dma2 semaphore(%run_scoped3A_266 : memref<!tpu.dma_semaphore, #tpu.memory_space<semaphore_mem>>) src(%arg8 : memref<128x128xf32, #tpu.memory_space<vmem>>) dst(%dma_wait3A_274 : memref<128x128xf32, #tpu.memory_space<vmem_shared>>)
      tpu.yield
    }) : () -> ()
    %mul3A_39 = arith.constant 640 : i32
    %mul3A_40 = arith.muli %arg1, %mul3A_39 : i32
    %add3A_41 = arith.constant 384 : i32
    %add3A_42 = arith.addi %mul3A_40, %add3A_41 : i32
    "tpu.region"() ({
      %run_scoped3A_266 = tpu.sem_alloc : memref<!tpu.dma_semaphore, #tpu.memory_space<semaphore_mem>>
      %dma_start3A_267 = arith.constant 0 : i32
      %dma_start3A_268 = tpu.memref_slice %arg10[%add3A_42, %dma_start3A_267] : memref<10240x128xf32, #tpu.memory_space<vmem_shared>> -> memref<128x128xf32, #tpu.memory_space<vmem_shared>>
      %dma_start3A_269 = arith.constant 0 : i32
      %dma_start3A_270 = tpu.memref_slice %arg10[%add3A_42, %dma_start3A_269] : memref<10240x128xf32, #tpu.memory_space<vmem_shared>> -> memref<128x128xf32, #tpu.memory_space<vmem_shared>>
      tpu.enqueue_dma source(%arg8 : memref<128x128xf32, #tpu.memory_space<vmem>>) target(%dma_start3A_270 : memref<128x128xf32, #tpu.memory_space<vmem_shared>>) target_semaphore(%run_scoped3A_266 : memref<!tpu.dma_semaphore, #tpu.memory_space<semaphore_mem>>)
      %dma_wait3A_271 = arith.constant 0 : i32
      %dma_wait3A_272 = tpu.memref_slice %arg10[%add3A_42, %dma_wait3A_271] : memref<10240x128xf32, #tpu.memory_space<vmem_shared>> -> memref<128x128xf32, #tpu.memory_space<vmem_shared>>
      %dma_wait3A_273 = arith.constant 0 : i32
      %dma_wait3A_274 = tpu.memref_slice %arg10[%add3A_42, %dma_wait3A_273] : memref<10240x128xf32, #tpu.memory_space<vmem_shared>> -> memref<128x128xf32, #tpu.memory_space<vmem_shared>>
      tpu.wait_dma2 semaphore(%run_scoped3A_266 : memref<!tpu.dma_semaphore, #tpu.memory_space<semaphore_mem>>) src(%arg8 : memref<128x128xf32, #tpu.memory_space<vmem>>) dst(%dma_wait3A_274 : memref<128x128xf32, #tpu.memory_space<vmem_shared>>)
      tpu.yield
    }) : () -> ()
    %mul3A_43 = arith.constant 640 : i32
    %mul3A_44 = arith.muli %arg1, %mul3A_43 : i32
    %add3A_45 = arith.constant 512 : i32
    %add3A_46 = arith.addi %mul3A_44, %add3A_45 : i32
    "tpu.region"() ({
      %run_scoped3A_266 = tpu.sem_alloc : memref<!tpu.dma_semaphore, #tpu.memory_space<semaphore_mem>>
      %dma_start3A_267 = arith.constant 0 : i32
      %dma_start3A_268 = tpu.memref_slice %arg10[%add3A_46, %dma_start3A_267] : memref<10240x128xf32, #tpu.memory_space<vmem_shared>> -> memref<128x128xf32, #tpu.memory_space<vmem_shared>>
      %dma_start3A_269 = arith.constant 0 : i32
      %dma_start3A_270 = tpu.memref_slice %arg10[%add3A_46, %dma_start3A_269] : memref<10240x128xf32, #tpu.memory_space<vmem_shared>> -> memref<128x128xf32, #tpu.memory_space<vmem_shared>>
      tpu.enqueue_dma source(%arg8 : memref<128x128xf32, #tpu.memory_space<vmem>>) target(%dma_start3A_270 : memref<128x128xf32, #tpu.memory_space<vmem_shared>>) target_semaphore(%run_scoped3A_266 : memref<!tpu.dma_semaphore, #tpu.memory_space<semaphore_mem>>)
      %dma_wait3A_271 = arith.constant 0 : i32
      %dma_wait3A_272 = tpu.memref_slice %arg10[%add3A_46, %dma_wait3A_271] : memref<10240x128xf32, #tpu.memory_space<vmem_shared>> -> memref<128x128xf32, #tpu.memory_space<vmem_shared>>
      %dma_wait3A_273 = arith.constant 0 : i32
      %dma_wait3A_274 = tpu.memref_slice %arg10[%add3A_46, %dma_wait3A_273] : memref<10240x128xf32, #tpu.memory_space<vmem_shared>> -> memref<128x128xf32, #tpu.memory_space<vmem_shared>>
      tpu.wait_dma2 semaphore(%run_scoped3A_266 : memref<!tpu.dma_semaphore, #tpu.memory_space<semaphore_mem>>) src(%arg8 : memref<128x128xf32, #tpu.memory_space<vmem>>) dst(%dma_wait3A_274 : memref<128x128xf32, #tpu.memory_space<vmem_shared>>)
      tpu.yield
    }) : () -> ()
    %mul3A_47 = arith.constant 10240 : i32
    %mul3A_48 = arith.muli %add3A, %mul3A_47 : i32
    %dma_wait3A = tpu.memref_slice %arg3[%mul3A_48] : memref<327680xi32, #tpu.memory_space<hbm>> -> memref<10240xi32, #tpu.memory_space<hbm>>
    %dma_wait3A_49 = tpu.memref_slice %arg3[%mul3A_48] : memref<327680xi32, #tpu.memory_space<hbm>> -> memref<10240xi32, #tpu.memory_space<hbm>>
    tpu.wait_dma2 semaphore(%arg11 : memref<!tpu.dma_semaphore, #tpu.memory_space<semaphore_mem>>) src(%dma_wait3A_49 : memref<10240xi32, #tpu.memory_space<hbm>>) dst(%arg6 : memref<10240xi32, #tpu.memory_space<vmem>>)
    %dma_wait3A_50 = arith.constant 0 : i32
    %dma_wait3A_51 = arith.constant 0 : i32
    %dma_wait3A_52 = arith.constant 0 : i32
    %dma_wait3A_53 = tpu.memref_slice %arg7[%dma_wait3A_50, %dma_wait3A_51, %dma_wait3A_52] : memref<2x16x128xi32, #tpu.memory_space<vmem>> -> memref<1x16x128xi32, #tpu.memory_space<vmem>>
    %dma_wait3A_54 = tpu.memref_squeeze %dma_wait3A_53 : memref<1x16x128xi32, #tpu.memory_space<vmem>> -> memref<16x128xi32, #tpu.memory_space<vmem>>
    %dma_wait3A_55 = arith.constant 0 : i32
    %dma_wait3A_56 = arith.constant 0 : i32
    %dma_wait3A_57 = tpu.memref_slice %arg4[%add3A, %dma_wait3A_55, %dma_wait3A_56] : memref<32x80x128xi32, #tpu.memory_space<hbm>> -> memref<1x16x128xi32, #tpu.memory_space<hbm>>
    %dma_wait3A_58 = tpu.memref_squeeze %dma_wait3A_57 : memref<1x16x128xi32, #tpu.memory_space<hbm>> -> memref<16x128xi32, #tpu.memory_space<hbm>>
    %dma_wait3A_59 = arith.constant 0 : i32
    %dma_wait3A_60 = arith.constant 0 : i32
    %dma_wait3A_61 = tpu.memref_slice %arg7[%dma_wait3A_50, %dma_wait3A_59, %dma_wait3A_60] : memref<2x16x128xi32, #tpu.memory_space<vmem>> -> memref<1x16x128xi32, #tpu.memory_space<vmem>>
    %dma_wait3A_62 = tpu.memref_squeeze %dma_wait3A_61 : memref<1x16x128xi32, #tpu.memory_space<vmem>> -> memref<16x128xi32, #tpu.memory_space<vmem>>
    %dma_wait3A_63 = arith.constant 0 : i32
    %dma_wait3A_64 = arith.constant 0 : i32
    %dma_wait3A_65 = tpu.memref_slice %arg4[%add3A, %dma_wait3A_63, %dma_wait3A_64] : memref<32x80x128xi32, #tpu.memory_space<hbm>> -> memref<1x16x128xi32, #tpu.memory_space<hbm>>
    %dma_wait3A_66 = tpu.memref_squeeze %dma_wait3A_65 : memref<1x16x128xi32, #tpu.memory_space<hbm>> -> memref<16x128xi32, #tpu.memory_space<hbm>>
    tpu.wait_dma2 semaphore(%arg13 : memref<!tpu.dma_semaphore, #tpu.memory_space<semaphore_mem>>) src(%dma_wait3A_66 : memref<16x128xi32, #tpu.memory_space<hbm>>) dst(%dma_wait3A_62 : memref<16x128xi32, #tpu.memory_space<vmem>>)
    %barrier3A = arith.constant 0 : index
    tpu.barrier barrier_id(%barrier3A)
    %dma_start3A_67 = arith.constant 0 : i32
    %dma_start3A_68 = tpu.memref_slice %arg6[%dma_start3A_67] : memref<10240xi32, #tpu.memory_space<vmem>> -> memref<128xi32, #tpu.memory_space<vmem>>
    %dma_start3A_69 = arith.constant 0 : i32
    %dma_start3A_70 = arith.constant 0 : i32
    %dma_start3A_71 = tpu.memref_slice %arg2[%dma_start3A_69, %dma_start3A_70] : memref<10000x128xf32, #tpu.memory_space<hbm>> -> memref<10000x128xf32, #tpu.memory_space<hbm>>
    tpu.enqueue_indirect_dma source(%dma_start3A_71 : memref<10000x128xf32, #tpu.memory_space<hbm>>) target(%arg8 : memref<128x128xf32, #tpu.memory_space<vmem>>) offsets(%dma_start3A_68 : memref<128xi32, #tpu.memory_space<vmem>>) semaphore(%arg11 : memref<!tpu.dma_semaphore, #tpu.memory_space<semaphore_mem>>)
    %dma_start3A_72 = arith.constant 1 : i32
    %dma_start3A_73 = arith.constant 0 : i32
    %dma_start3A_74 = arith.constant 0 : i32
    %dma_start3A_75 = tpu.memref_slice %arg7[%dma_start3A_72, %dma_start3A_73, %dma_start3A_74] : memref<2x16x128xi32, #tpu.memory_space<vmem>> -> memref<1x16x128xi32, #tpu.memory_space<vmem>>
    %dma_start3A_76 = tpu.memref_squeeze %dma_start3A_75 : memref<1x16x128xi32, #tpu.memory_space<vmem>> -> memref<16x128xi32, #tpu.memory_space<vmem>>
    %dma_start3A_77 = arith.constant 16 : i32
    %dma_start3A_78 = arith.constant 0 : i32
    %dma_start3A_79 = tpu.memref_slice %arg4[%add3A, %dma_start3A_77, %dma_start3A_78] : memref<32x80x128xi32, #tpu.memory_space<hbm>> -> memref<1x16x128xi32, #tpu.memory_space<hbm>>
    %dma_start3A_80 = tpu.memref_squeeze %dma_start3A_79 : memref<1x16x128xi32, #tpu.memory_space<hbm>> -> memref<16x128xi32, #tpu.memory_space<hbm>>
    %dma_start3A_81 = arith.constant 0 : i32
    %dma_start3A_82 = arith.constant 0 : i32
    %dma_start3A_83 = tpu.memref_slice %arg7[%dma_start3A_72, %dma_start3A_81, %dma_start3A_82] : memref<2x16x128xi32, #tpu.memory_space<vmem>> -> memref<1x16x128xi32, #tpu.memory_space<vmem>>
    %dma_start3A_84 = tpu.memref_squeeze %dma_start3A_83 : memref<1x16x128xi32, #tpu.memory_space<vmem>> -> memref<16x128xi32, #tpu.memory_space<vmem>>
    %dma_start3A_85 = arith.constant 16 : i32
    %dma_start3A_86 = arith.constant 0 : i32
    %dma_start3A_87 = tpu.memref_slice %arg4[%add3A, %dma_start3A_85, %dma_start3A_86] : memref<32x80x128xi32, #tpu.memory_space<hbm>> -> memref<1x16x128xi32, #tpu.memory_space<hbm>>
    %dma_start3A_88 = tpu.memref_squeeze %dma_start3A_87 : memref<1x16x128xi32, #tpu.memory_space<hbm>> -> memref<16x128xi32, #tpu.memory_space<hbm>>
    tpu.enqueue_dma source(%dma_start3A_88 : memref<16x128xi32, #tpu.memory_space<hbm>>) target(%dma_start3A_84 : memref<16x128xi32, #tpu.memory_space<vmem>>) target_semaphore(%arg14 : memref<!tpu.dma_semaphore, #tpu.memory_space<semaphore_mem>>)
    %scan3A_89 = arith.constant 0 : i32
    %scan3A_90 = arith.constant 0 : i32
    %scan3A_91 = arith.constant 8 : i32
    %scan3A_92 = arith.addi %scan3A_90, %scan3A_91 : i32
    %scan3A_93 = arith.constant 1 : i32
    %scan3A_94 = scf.for %scan3A_266 = %scan3A_90 to %scan3A_92 step %scan3A_93 iter_args(%scan3A_267 = %scan3A_89) -> (i32)  : i32 {
      %mul3A_268 = arith.constant 2 : i32
      %mul3A_269 = arith.muli %mul3A_268, %scan3A_266 : i32
      %add3A_270 = arith.constant 0 : i32
      %add3A_271 = arith.addi %add3A_270, %mul3A_269 : i32
      %add3A_272 = arith.constant 1 : i32
      %add3A_273 = arith.addi %add3A_271, %add3A_272 : i32
      %mul3A_274 = arith.constant 128 : i32
      %mul3A_275 = arith.muli %add3A_273, %mul3A_274 : i32
      %dma_start3A_276 = tpu.memref_slice %arg6[%mul3A_275] : memref<10240xi32, #tpu.memory_space<vmem>> -> memref<128xi32, #tpu.memory_space<vmem>>
      %dma_start3A_277 = arith.constant 0 : i32
      %dma_start3A_278 = arith.constant 0 : i32
      %dma_start3A_279 = tpu.memref_slice %arg2[%dma_start3A_277, %dma_start3A_278] : memref<10000x128xf32, #tpu.memory_space<hbm>> -> memref<10000x128xf32, #tpu.memory_space<hbm>>
      tpu.enqueue_indirect_dma source(%dma_start3A_279 : memref<10000x128xf32, #tpu.memory_space<hbm>>) target(%arg9 : memref<128x128xf32, #tpu.memory_space<vmem>>) offsets(%dma_start3A_276 : memref<128xi32, #tpu.memory_space<vmem>>) semaphore(%arg12 : memref<!tpu.dma_semaphore, #tpu.memory_space<semaphore_mem>>)
      %mul3A_280 = arith.constant 128 : i32
      %mul3A_281 = arith.muli %add3A_271, %mul3A_280 : i32
      %dma_wait3A_282 = tpu.memref_slice %arg6[%mul3A_281] : memref<10240xi32, #tpu.memory_space<vmem>> -> memref<128xi32, #tpu.memory_space<vmem>>
      %dma_wait3A_283 = arith.constant 0 : i32
      %dma_wait3A_284 = arith.constant 0 : i32
      %dma_wait3A_285 = tpu.memref_slice %arg2[%dma_wait3A_283, %dma_wait3A_284] : memref<10000x128xf32, #tpu.memory_space<hbm>> -> memref<10000x128xf32, #tpu.memory_space<hbm>>
      tpu.wait_indirect_dma semaphore(%arg11 : memref<!tpu.dma_semaphore, #tpu.memory_space<semaphore_mem>>) src(%dma_wait3A_285 : memref<10000x128xf32, #tpu.memory_space<hbm>>) dst(%arg8 : memref<128x128xf32, #tpu.memory_space<vmem>>)
      %mul3A_286 = arith.constant 2 : i32
      %mul3A_287 = arith.muli %mul3A_286, %scan3A_266 : i32
      %run_scoped3A_288 = arith.constant 0 : i32
      "tpu.region"() ({
        %run_scoped3A_311 = tpu.sem_alloc : memref<!tpu.dma_semaphore, #tpu.memory_space<semaphore_mem>>
        %dma_start3A_312 = arith.constant 0 : i32
        %dma_start3A_313 = tpu.memref_slice %arg7[%run_scoped3A_288, %mul3A_287, %dma_start3A_312] : memref<2x16x128xi32, #tpu.memory_space<vmem>> -> memref<1x1x128xi32, #tpu.memory_space<vmem>>
        %dma_start3A_314 = tpu.memref_squeeze %dma_start3A_313 : memref<1x1x128xi32, #tpu.memory_space<vmem>> -> memref<128xi32, #tpu.memory_space<vmem>>
        %dma_start3A_315 = arith.constant 0 : i32
        %dma_start3A_316 = arith.constant 0 : i32
        %dma_start3A_317 = tpu.memref_slice %arg10[%dma_start3A_315, %dma_start3A_316] : memref<10240x128xf32, #tpu.memory_space<vmem_shared>> -> memref<10240x128xf32, #tpu.memory_space<vmem_shared>>
        tpu.enqueue_indirect_dma source(%arg8 : memref<128x128xf32, #tpu.memory_space<vmem>>) target(%dma_start3A_317 : memref<10240x128xf32, #tpu.memory_space<vmem_shared>>) offsets(%dma_start3A_314 : memref<128xi32, #tpu.memory_space<vmem>>) semaphore(%run_scoped3A_311 : memref<!tpu.dma_semaphore, #tpu.memory_space<semaphore_mem>>) {add = true}
        %dma_wait3A_318 = arith.constant 0 : i32
        %dma_wait3A_319 = tpu.memref_slice %arg7[%run_scoped3A_288, %mul3A_287, %dma_wait3A_318] : memref<2x16x128xi32, #tpu.memory_space<vmem>> -> memref<1x1x128xi32, #tpu.memory_space<vmem>>
        %dma_wait3A_320 = tpu.memref_squeeze %dma_wait3A_319 : memref<1x1x128xi32, #tpu.memory_space<vmem>> -> memref<128xi32, #tpu.memory_space<vmem>>
        %dma_wait3A_321 = arith.constant 0 : i32
        %dma_wait3A_322 = arith.constant 0 : i32
        %dma_wait3A_323 = tpu.memref_slice %arg10[%dma_wait3A_321, %dma_wait3A_322] : memref<10240x128xf32, #tpu.memory_space<vmem_shared>> -> memref<10240x128xf32, #tpu.memory_space<vmem_shared>>
        tpu.wait_indirect_dma semaphore(%run_scoped3A_311 : memref<!tpu.dma_semaphore, #tpu.memory_space<semaphore_mem>>) src(%arg8 : memref<128x128xf32, #tpu.memory_space<vmem>>) dst(%dma_wait3A_323 : memref<10240x128xf32, #tpu.memory_space<vmem_shared>>)
        tpu.yield
      }) : () -> ()
      %add3A_289 = arith.constant 2 : i32
      %add3A_290 = arith.addi %add3A_271, %add3A_289 : i32
      %mul3A_291 = arith.constant 128 : i32
      %mul3A_292 = arith.muli %add3A_290, %mul3A_291 : i32
      %dma_start3A_293 = tpu.memref_slice %arg6[%mul3A_292] : memref<10240xi32, #tpu.memory_space<vmem>> -> memref<128xi32, #tpu.memory_space<vmem>>
      %dma_start3A_294 = arith.constant 0 : i32
      %dma_start3A_295 = arith.constant 0 : i32
      %dma_start3A_296 = tpu.memref_slice %arg2[%dma_start3A_294, %dma_start3A_295] : memref<10000x128xf32, #tpu.memory_space<hbm>> -> memref<10000x128xf32, #tpu.memory_space<hbm>>
      tpu.enqueue_indirect_dma source(%dma_start3A_296 : memref<10000x128xf32, #tpu.memory_space<hbm>>) target(%arg8 : memref<128x128xf32, #tpu.memory_space<vmem>>) offsets(%dma_start3A_293 : memref<128xi32, #tpu.memory_space<vmem>>) semaphore(%arg11 : memref<!tpu.dma_semaphore, #tpu.memory_space<semaphore_mem>>)
      %add3A_297 = arith.constant 1 : i32
      %add3A_298 = arith.addi %add3A_271, %add3A_297 : i32
      %mul3A_299 = arith.constant 128 : i32
      %mul3A_300 = arith.muli %add3A_298, %mul3A_299 : i32
      %dma_wait3A_301 = tpu.memref_slice %arg6[%mul3A_300] : memref<10240xi32, #tpu.memory_space<vmem>> -> memref<128xi32, #tpu.memory_space<vmem>>
      %dma_wait3A_302 = arith.constant 0 : i32
      %dma_wait3A_303 = arith.constant 0 : i32
      %dma_wait3A_304 = tpu.memref_slice %arg2[%dma_wait3A_302, %dma_wait3A_303] : memref<10000x128xf32, #tpu.memory_space<hbm>> -> memref<10000x128xf32, #tpu.memory_space<hbm>>
      tpu.wait_indirect_dma semaphore(%arg12 : memref<!tpu.dma_semaphore, #tpu.memory_space<semaphore_mem>>) src(%dma_wait3A_304 : memref<10000x128xf32, #tpu.memory_space<hbm>>) dst(%arg9 : memref<128x128xf32, #tpu.memory_space<vmem>>)
      %mul3A_305 = arith.constant 2 : i32
      %mul3A_306 = arith.muli %mul3A_305, %scan3A_266 : i32
      %add3A_307 = arith.constant 1 : i32
      %add3A_308 = arith.addi %mul3A_306, %add3A_307 : i32
      %run_scoped3A_309 = arith.constant 0 : i32
      "tpu.region"() ({
        %run_scoped3A_311 = tpu.sem_alloc : memref<!tpu.dma_semaphore, #tpu.memory_space<semaphore_mem>>
        %dma_start3A_312 = arith.constant 0 : i32
        %dma_start3A_313 = tpu.memref_slice %arg7[%run_scoped3A_309, %add3A_308, %dma_start3A_312] : memref<2x16x128xi32, #tpu.memory_space<vmem>> -> memref<1x1x128xi32, #tpu.memory_space<vmem>>
        %dma_start3A_314 = tpu.memref_squeeze %dma_start3A_313 : memref<1x1x128xi32, #tpu.memory_space<vmem>> -> memref<128xi32, #tpu.memory_space<vmem>>
        %dma_start3A_315 = arith.constant 0 : i32
        %dma_start3A_316 = arith.constant 0 : i32
        %dma_start3A_317 = tpu.memref_slice %arg10[%dma_start3A_315, %dma_start3A_316] : memref<10240x128xf32, #tpu.memory_space<vmem_shared>> -> memref<10240x128xf32, #tpu.memory_space<vmem_shared>>
        tpu.enqueue_indirect_dma source(%arg9 : memref<128x128xf32, #tpu.memory_space<vmem>>) target(%dma_start3A_317 : memref<10240x128xf32, #tpu.memory_space<vmem_shared>>) offsets(%dma_start3A_314 : memref<128xi32, #tpu.memory_space<vmem>>) semaphore(%run_scoped3A_311 : memref<!tpu.dma_semaphore, #tpu.memory_space<semaphore_mem>>) {add = true}
        %dma_wait3A_318 = arith.constant 0 : i32
        %dma_wait3A_319 = tpu.memref_slice %arg7[%run_scoped3A_309, %add3A_308, %dma_wait3A_318] : memref<2x16x128xi32, #tpu.memory_space<vmem>> -> memref<1x1x128xi32, #tpu.memory_space<vmem>>
        %dma_wait3A_320 = tpu.memref_squeeze %dma_wait3A_319 : memref<1x1x128xi32, #tpu.memory_space<vmem>> -> memref<128xi32, #tpu.memory_space<vmem>>
        %dma_wait3A_321 = arith.constant 0 : i32
        %dma_wait3A_322 = arith.constant 0 : i32
        %dma_wait3A_323 = tpu.memref_slice %arg10[%dma_wait3A_321, %dma_wait3A_322] : memref<10240x128xf32, #tpu.memory_space<vmem_shared>> -> memref<10240x128xf32, #tpu.memory_space<vmem_shared>>
        tpu.wait_indirect_dma semaphore(%run_scoped3A_311 : memref<!tpu.dma_semaphore, #tpu.memory_space<semaphore_mem>>) src(%arg9 : memref<128x128xf32, #tpu.memory_space<vmem>>) dst(%dma_wait3A_323 : memref<10240x128xf32, #tpu.memory_space<vmem_shared>>)
        tpu.yield
      }) : () -> ()
      %scan3A_310 = arith.constant 0 : i32
      scf.yield %scan3A_310 : i32
    }
    %scan3A_95 = arith.constant 8 : i32
    %dma_start3A_96 = arith.constant 0 : i32
    %dma_start3A_97 = arith.constant 0 : i32
    %dma_start3A_98 = arith.constant 0 : i32
    %dma_start3A_99 = tpu.memref_slice %arg7[%dma_start3A_96, %dma_start3A_97, %dma_start3A_98] : memref<2x16x128xi32, #tpu.memory_space<vmem>> -> memref<1x16x128xi32, #tpu.memory_space<vmem>>
    %dma_start3A_100 = tpu.memref_squeeze %dma_start3A_99 : memref<1x16x128xi32, #tpu.memory_space<vmem>> -> memref<16x128xi32, #tpu.memory_space<vmem>>
    %dma_start3A_101 = arith.constant 32 : i32
    %dma_start3A_102 = arith.constant 0 : i32
    %dma_start3A_103 = tpu.memref_slice %arg4[%add3A, %dma_start3A_101, %dma_start3A_102] : memref<32x80x128xi32, #tpu.memory_space<hbm>> -> memref<1x16x128xi32, #tpu.memory_space<hbm>>
    %dma_start3A_104 = tpu.memref_squeeze %dma_start3A_103 : memref<1x16x128xi32, #tpu.memory_space<hbm>> -> memref<16x128xi32, #tpu.memory_space<hbm>>
    %dma_start3A_105 = arith.constant 0 : i32
    %dma_start3A_106 = arith.constant 0 : i32
    %dma_start3A_107 = tpu.memref_slice %arg7[%dma_start3A_96, %dma_start3A_105, %dma_start3A_106] : memref<2x16x128xi32, #tpu.memory_space<vmem>> -> memref<1x16x128xi32, #tpu.memory_space<vmem>>
    %dma_start3A_108 = tpu.memref_squeeze %dma_start3A_107 : memref<1x16x128xi32, #tpu.memory_space<vmem>> -> memref<16x128xi32, #tpu.memory_space<vmem>>
    %dma_start3A_109 = arith.constant 32 : i32
    %dma_start3A_110 = arith.constant 0 : i32
    %dma_start3A_111 = tpu.memref_slice %arg4[%add3A, %dma_start3A_109, %dma_start3A_110] : memref<32x80x128xi32, #tpu.memory_space<hbm>> -> memref<1x16x128xi32, #tpu.memory_space<hbm>>
    %dma_start3A_112 = tpu.memref_squeeze %dma_start3A_111 : memref<1x16x128xi32, #tpu.memory_space<hbm>> -> memref<16x128xi32, #tpu.memory_space<hbm>>
    tpu.enqueue_dma source(%dma_start3A_112 : memref<16x128xi32, #tpu.memory_space<hbm>>) target(%dma_start3A_108 : memref<16x128xi32, #tpu.memory_space<vmem>>) target_semaphore(%arg13 : memref<!tpu.dma_semaphore, #tpu.memory_space<semaphore_mem>>)
    %dma_wait3A_113 = arith.constant 1 : i32
    %dma_wait3A_114 = arith.constant 0 : i32
    %dma_wait3A_115 = arith.constant 0 : i32
    %dma_wait3A_116 = tpu.memref_slice %arg7[%dma_wait3A_113, %dma_wait3A_114, %dma_wait3A_115] : memref<2x16x128xi32, #tpu.memory_space<vmem>> -> memref<1x16x128xi32, #tpu.memory_space<vmem>>
    %dma_wait3A_117 = tpu.memref_squeeze %dma_wait3A_116 : memref<1x16x128xi32, #tpu.memory_space<vmem>> -> memref<16x128xi32, #tpu.memory_space<vmem>>
    %dma_wait3A_118 = arith.constant 16 : i32
    %dma_wait3A_119 = arith.constant 0 : i32
    %dma_wait3A_120 = tpu.memref_slice %arg4[%add3A, %dma_wait3A_118, %dma_wait3A_119] : memref<32x80x128xi32, #tpu.memory_space<hbm>> -> memref<1x16x128xi32, #tpu.memory_space<hbm>>
    %dma_wait3A_121 = tpu.memref_squeeze %dma_wait3A_120 : memref<1x16x128xi32, #tpu.memory_space<hbm>> -> memref<16x128xi32, #tpu.memory_space<hbm>>
    %dma_wait3A_122 = arith.constant 0 : i32
    %dma_wait3A_123 = arith.constant 0 : i32
    %dma_wait3A_124 = tpu.memref_slice %arg7[%dma_wait3A_113, %dma_wait3A_122, %dma_wait3A_123] : memref<2x16x128xi32, #tpu.memory_space<vmem>> -> memref<1x16x128xi32, #tpu.memory_space<vmem>>
    %dma_wait3A_125 = tpu.memref_squeeze %dma_wait3A_124 : memref<1x16x128xi32, #tpu.memory_space<vmem>> -> memref<16x128xi32, #tpu.memory_space<vmem>>
    %dma_wait3A_126 = arith.constant 16 : i32
    %dma_wait3A_127 = arith.constant 0 : i32
    %dma_wait3A_128 = tpu.memref_slice %arg4[%add3A, %dma_wait3A_126, %dma_wait3A_127] : memref<32x80x128xi32, #tpu.memory_space<hbm>> -> memref<1x16x128xi32, #tpu.memory_space<hbm>>
    %dma_wait3A_129 = tpu.memref_squeeze %dma_wait3A_128 : memref<1x16x128xi32, #tpu.memory_space<hbm>> -> memref<16x128xi32, #tpu.memory_space<hbm>>
    tpu.wait_dma2 semaphore(%arg14 : memref<!tpu.dma_semaphore, #tpu.memory_space<semaphore_mem>>) src(%dma_wait3A_129 : memref<16x128xi32, #tpu.memory_space<hbm>>) dst(%dma_wait3A_125 : memref<16x128xi32, #tpu.memory_space<vmem>>)
    %scan3A_130 = arith.constant 0 : i32
    %scan3A_131 = arith.constant 0 : i32
    %scan3A_132 = arith.constant 8 : i32
    %scan3A_133 = arith.addi %scan3A_131, %scan3A_132 : i32
    %scan3A_134 = arith.constant 1 : i32
    %scan3A_135 = scf.for %scan3A_266 = %scan3A_131 to %scan3A_133 step %scan3A_134 iter_args(%scan3A_267 = %scan3A_130) -> (i32)  : i32 {
      %mul3A_268 = arith.constant 2 : i32
      %mul3A_269 = arith.muli %mul3A_268, %scan3A_266 : i32
      %add3A_270 = arith.constant 16 : i32
      %add3A_271 = arith.addi %add3A_270, %mul3A_269 : i32
      %add3A_272 = arith.constant 1 : i32
      %add3A_273 = arith.addi %add3A_271, %add3A_272 : i32
      %mul3A_274 = arith.constant 128 : i32
      %mul3A_275 = arith.muli %add3A_273, %mul3A_274 : i32
      %dma_start3A_276 = tpu.memref_slice %arg6[%mul3A_275] : memref<10240xi32, #tpu.memory_space<vmem>> -> memref<128xi32, #tpu.memory_space<vmem>>
      %dma_start3A_277 = arith.constant 0 : i32
      %dma_start3A_278 = arith.constant 0 : i32
      %dma_start3A_279 = tpu.memref_slice %arg2[%dma_start3A_277, %dma_start3A_278] : memref<10000x128xf32, #tpu.memory_space<hbm>> -> memref<10000x128xf32, #tpu.memory_space<hbm>>
      tpu.enqueue_indirect_dma source(%dma_start3A_279 : memref<10000x128xf32, #tpu.memory_space<hbm>>) target(%arg9 : memref<128x128xf32, #tpu.memory_space<vmem>>) offsets(%dma_start3A_276 : memref<128xi32, #tpu.memory_space<vmem>>) semaphore(%arg12 : memref<!tpu.dma_semaphore, #tpu.memory_space<semaphore_mem>>)
      %mul3A_280 = arith.constant 128 : i32
      %mul3A_281 = arith.muli %add3A_271, %mul3A_280 : i32
      %dma_wait3A_282 = tpu.memref_slice %arg6[%mul3A_281] : memref<10240xi32, #tpu.memory_space<vmem>> -> memref<128xi32, #tpu.memory_space<vmem>>
      %dma_wait3A_283 = arith.constant 0 : i32
      %dma_wait3A_284 = arith.constant 0 : i32
      %dma_wait3A_285 = tpu.memref_slice %arg2[%dma_wait3A_283, %dma_wait3A_284] : memref<10000x128xf32, #tpu.memory_space<hbm>> -> memref<10000x128xf32, #tpu.memory_space<hbm>>
      tpu.wait_indirect_dma semaphore(%arg11 : memref<!tpu.dma_semaphore, #tpu.memory_space<semaphore_mem>>) src(%dma_wait3A_285 : memref<10000x128xf32, #tpu.memory_space<hbm>>) dst(%arg8 : memref<128x128xf32, #tpu.memory_space<vmem>>)
      %mul3A_286 = arith.constant 2 : i32
      %mul3A_287 = arith.muli %mul3A_286, %scan3A_266 : i32
      %run_scoped3A_288 = arith.constant 1 : i32
      "tpu.region"() ({
        %run_scoped3A_311 = tpu.sem_alloc : memref<!tpu.dma_semaphore, #tpu.memory_space<semaphore_mem>>
        %dma_start3A_312 = arith.constant 0 : i32
        %dma_start3A_313 = tpu.memref_slice %arg7[%run_scoped3A_288, %mul3A_287, %dma_start3A_312] : memref<2x16x128xi32, #tpu.memory_space<vmem>> -> memref<1x1x128xi32, #tpu.memory_space<vmem>>
        %dma_start3A_314 = tpu.memref_squeeze %dma_start3A_313 : memref<1x1x128xi32, #tpu.memory_space<vmem>> -> memref<128xi32, #tpu.memory_space<vmem>>
        %dma_start3A_315 = arith.constant 0 : i32
        %dma_start3A_316 = arith.constant 0 : i32
        %dma_start3A_317 = tpu.memref_slice %arg10[%dma_start3A_315, %dma_start3A_316] : memref<10240x128xf32, #tpu.memory_space<vmem_shared>> -> memref<10240x128xf32, #tpu.memory_space<vmem_shared>>
        tpu.enqueue_indirect_dma source(%arg8 : memref<128x128xf32, #tpu.memory_space<vmem>>) target(%dma_start3A_317 : memref<10240x128xf32, #tpu.memory_space<vmem_shared>>) offsets(%dma_start3A_314 : memref<128xi32, #tpu.memory_space<vmem>>) semaphore(%run_scoped3A_311 : memref<!tpu.dma_semaphore, #tpu.memory_space<semaphore_mem>>) {add = true}
        %dma_wait3A_318 = arith.constant 0 : i32
        %dma_wait3A_319 = tpu.memref_slice %arg7[%run_scoped3A_288, %mul3A_287, %dma_wait3A_318] : memref<2x16x128xi32, #tpu.memory_space<vmem>> -> memref<1x1x128xi32, #tpu.memory_space<vmem>>
        %dma_wait3A_320 = tpu.memref_squeeze %dma_wait3A_319 : memref<1x1x128xi32, #tpu.memory_space<vmem>> -> memref<128xi32, #tpu.memory_space<vmem>>
        %dma_wait3A_321 = arith.constant 0 : i32
        %dma_wait3A_322 = arith.constant 0 : i32
        %dma_wait3A_323 = tpu.memref_slice %arg10[%dma_wait3A_321, %dma_wait3A_322] : memref<10240x128xf32, #tpu.memory_space<vmem_shared>> -> memref<10240x128xf32, #tpu.memory_space<vmem_shared>>
        tpu.wait_indirect_dma semaphore(%run_scoped3A_311 : memref<!tpu.dma_semaphore, #tpu.memory_space<semaphore_mem>>) src(%arg8 : memref<128x128xf32, #tpu.memory_space<vmem>>) dst(%dma_wait3A_323 : memref<10240x128xf32, #tpu.memory_space<vmem_shared>>)
        tpu.yield
      }) : () -> ()
      %add3A_289 = arith.constant 2 : i32
      %add3A_290 = arith.addi %add3A_271, %add3A_289 : i32
      %mul3A_291 = arith.constant 128 : i32
      %mul3A_292 = arith.muli %add3A_290, %mul3A_291 : i32
      %dma_start3A_293 = tpu.memref_slice %arg6[%mul3A_292] : memref<10240xi32, #tpu.memory_space<vmem>> -> memref<128xi32, #tpu.memory_space<vmem>>
      %dma_start3A_294 = arith.constant 0 : i32
      %dma_start3A_295 = arith.constant 0 : i32
      %dma_start3A_296 = tpu.memref_slice %arg2[%dma_start3A_294, %dma_start3A_295] : memref<10000x128xf32, #tpu.memory_space<hbm>> -> memref<10000x128xf32, #tpu.memory_space<hbm>>
      tpu.enqueue_indirect_dma source(%dma_start3A_296 : memref<10000x128xf32, #tpu.memory_space<hbm>>) target(%arg8 : memref<128x128xf32, #tpu.memory_space<vmem>>) offsets(%dma_start3A_293 : memref<128xi32, #tpu.memory_space<vmem>>) semaphore(%arg11 : memref<!tpu.dma_semaphore, #tpu.memory_space<semaphore_mem>>)
      %add3A_297 = arith.constant 1 : i32
      %add3A_298 = arith.addi %add3A_271, %add3A_297 : i32
      %mul3A_299 = arith.constant 128 : i32
      %mul3A_300 = arith.muli %add3A_298, %mul3A_299 : i32
      %dma_wait3A_301 = tpu.memref_slice %arg6[%mul3A_300] : memref<10240xi32, #tpu.memory_space<vmem>> -> memref<128xi32, #tpu.memory_space<vmem>>
      %dma_wait3A_302 = arith.constant 0 : i32
      %dma_wait3A_303 = arith.constant 0 : i32
      %dma_wait3A_304 = tpu.memref_slice %arg2[%dma_wait3A_302, %dma_wait3A_303] : memref<10000x128xf32, #tpu.memory_space<hbm>> -> memref<10000x128xf32, #tpu.memory_space<hbm>>
      tpu.wait_indirect_dma semaphore(%arg12 : memref<!tpu.dma_semaphore, #tpu.memory_space<semaphore_mem>>) src(%dma_wait3A_304 : memref<10000x128xf32, #tpu.memory_space<hbm>>) dst(%arg9 : memref<128x128xf32, #tpu.memory_space<vmem>>)
      %mul3A_305 = arith.constant 2 : i32
      %mul3A_306 = arith.muli %mul3A_305, %scan3A_266 : i32
      %add3A_307 = arith.constant 1 : i32
      %add3A_308 = arith.addi %mul3A_306, %add3A_307 : i32
      %run_scoped3A_309 = arith.constant 1 : i32
      "tpu.region"() ({
        %run_scoped3A_311 = tpu.sem_alloc : memref<!tpu.dma_semaphore, #tpu.memory_space<semaphore_mem>>
        %dma_start3A_312 = arith.constant 0 : i32
        %dma_start3A_313 = tpu.memref_slice %arg7[%run_scoped3A_309, %add3A_308, %dma_start3A_312] : memref<2x16x128xi32, #tpu.memory_space<vmem>> -> memref<1x1x128xi32, #tpu.memory_space<vmem>>
        %dma_start3A_314 = tpu.memref_squeeze %dma_start3A_313 : memref<1x1x128xi32, #tpu.memory_space<vmem>> -> memref<128xi32, #tpu.memory_space<vmem>>
        %dma_start3A_315 = arith.constant 0 : i32
        %dma_start3A_316 = arith.constant 0 : i32
        %dma_start3A_317 = tpu.memref_slice %arg10[%dma_start3A_315, %dma_start3A_316] : memref<10240x128xf32, #tpu.memory_space<vmem_shared>> -> memref<10240x128xf32, #tpu.memory_space<vmem_shared>>
        tpu.enqueue_indirect_dma source(%arg9 : memref<128x128xf32, #tpu.memory_space<vmem>>) target(%dma_start3A_317 : memref<10240x128xf32, #tpu.memory_space<vmem_shared>>) offsets(%dma_start3A_314 : memref<128xi32, #tpu.memory_space<vmem>>) semaphore(%run_scoped3A_311 : memref<!tpu.dma_semaphore, #tpu.memory_space<semaphore_mem>>) {add = true}
        %dma_wait3A_318 = arith.constant 0 : i32
        %dma_wait3A_319 = tpu.memref_slice %arg7[%run_scoped3A_309, %add3A_308, %dma_wait3A_318] : memref<2x16x128xi32, #tpu.memory_space<vmem>> -> memref<1x1x128xi32, #tpu.memory_space<vmem>>
        %dma_wait3A_320 = tpu.memref_squeeze %dma_wait3A_319 : memref<1x1x128xi32, #tpu.memory_space<vmem>> -> memref<128xi32, #tpu.memory_space<vmem>>
        %dma_wait3A_321 = arith.constant 0 : i32
        %dma_wait3A_322 = arith.constant 0 : i32
        %dma_wait3A_323 = tpu.memref_slice %arg10[%dma_wait3A_321, %dma_wait3A_322] : memref<10240x128xf32, #tpu.memory_space<vmem_shared>> -> memref<10240x128xf32, #tpu.memory_space<vmem_shared>>
        tpu.wait_indirect_dma semaphore(%run_scoped3A_311 : memref<!tpu.dma_semaphore, #tpu.memory_space<semaphore_mem>>) src(%arg9 : memref<128x128xf32, #tpu.memory_space<vmem>>) dst(%dma_wait3A_323 : memref<10240x128xf32, #tpu.memory_space<vmem_shared>>)
        tpu.yield
      }) : () -> ()
      %scan3A_310 = arith.constant 0 : i32
      scf.yield %scan3A_310 : i32
    }
    %scan3A_136 = arith.constant 8 : i32
    %dma_start3A_137 = arith.constant 1 : i32
    %dma_start3A_138 = arith.constant 0 : i32
    %dma_start3A_139 = arith.constant 0 : i32
    %dma_start3A_140 = tpu.memref_slice %arg7[%dma_start3A_137, %dma_start3A_138, %dma_start3A_139] : memref<2x16x128xi32, #tpu.memory_space<vmem>> -> memref<1x16x128xi32, #tpu.memory_space<vmem>>
    %dma_start3A_141 = tpu.memref_squeeze %dma_start3A_140 : memref<1x16x128xi32, #tpu.memory_space<vmem>> -> memref<16x128xi32, #tpu.memory_space<vmem>>
    %dma_start3A_142 = arith.constant 48 : i32
    %dma_start3A_143 = arith.constant 0 : i32
    %dma_start3A_144 = tpu.memref_slice %arg4[%add3A, %dma_start3A_142, %dma_start3A_143] : memref<32x80x128xi32, #tpu.memory_space<hbm>> -> memref<1x16x128xi32, #tpu.memory_space<hbm>>
    %dma_start3A_145 = tpu.memref_squeeze %dma_start3A_144 : memref<1x16x128xi32, #tpu.memory_space<hbm>> -> memref<16x128xi32, #tpu.memory_space<hbm>>
    %dma_start3A_146 = arith.constant 0 : i32
    %dma_start3A_147 = arith.constant 0 : i32
    %dma_start3A_148 = tpu.memref_slice %arg7[%dma_start3A_137, %dma_start3A_146, %dma_start3A_147] : memref<2x16x128xi32, #tpu.memory_space<vmem>> -> memref<1x16x128xi32, #tpu.memory_space<vmem>>
    %dma_start3A_149 = tpu.memref_squeeze %dma_start3A_148 : memref<1x16x128xi32, #tpu.memory_space<vmem>> -> memref<16x128xi32, #tpu.memory_space<vmem>>
    %dma_start3A_150 = arith.constant 48 : i32
    %dma_start3A_151 = arith.constant 0 : i32
    %dma_start3A_152 = tpu.memref_slice %arg4[%add3A, %dma_start3A_150, %dma_start3A_151] : memref<32x80x128xi32, #tpu.memory_space<hbm>> -> memref<1x16x128xi32, #tpu.memory_space<hbm>>
    %dma_start3A_153 = tpu.memref_squeeze %dma_start3A_152 : memref<1x16x128xi32, #tpu.memory_space<hbm>> -> memref<16x128xi32, #tpu.memory_space<hbm>>
    tpu.enqueue_dma source(%dma_start3A_153 : memref<16x128xi32, #tpu.memory_space<hbm>>) target(%dma_start3A_149 : memref<16x128xi32, #tpu.memory_space<vmem>>) target_semaphore(%arg14 : memref<!tpu.dma_semaphore, #tpu.memory_space<semaphore_mem>>)
    %dma_wait3A_154 = arith.constant 0 : i32
    %dma_wait3A_155 = arith.constant 0 : i32
    %dma_wait3A_156 = arith.constant 0 : i32
    %dma_wait3A_157 = tpu.memref_slice %arg7[%dma_wait3A_154, %dma_wait3A_155, %dma_wait3A_156] : memref<2x16x128xi32, #tpu.memory_space<vmem>> -> memref<1x16x128xi32, #tpu.memory_space<vmem>>
    %dma_wait3A_158 = tpu.memref_squeeze %dma_wait3A_157 : memref<1x16x128xi32, #tpu.memory_space<vmem>> -> memref<16x128xi32, #tpu.memory_space<vmem>>
    %dma_wait3A_159 = arith.constant 32 : i32
    %dma_wait3A_160 = arith.constant 0 : i32
    %dma_wait3A_161 = tpu.memref_slice %arg4[%add3A, %dma_wait3A_159, %dma_wait3A_160] : memref<32x80x128xi32, #tpu.memory_space<hbm>> -> memref<1x16x128xi32, #tpu.memory_space<hbm>>
    %dma_wait3A_162 = tpu.memref_squeeze %dma_wait3A_161 : memref<1x16x128xi32, #tpu.memory_space<hbm>> -> memref<16x128xi32, #tpu.memory_space<hbm>>
    %dma_wait3A_163 = arith.constant 0 : i32
    %dma_wait3A_164 = arith.constant 0 : i32
    %dma_wait3A_165 = tpu.memref_slice %arg7[%dma_wait3A_154, %dma_wait3A_163, %dma_wait3A_164] : memref<2x16x128xi32, #tpu.memory_space<vmem>> -> memref<1x16x128xi32, #tpu.memory_space<vmem>>
    %dma_wait3A_166 = tpu.memref_squeeze %dma_wait3A_165 : memref<1x16x128xi32, #tpu.memory_space<vmem>> -> memref<16x128xi32, #tpu.memory_space<vmem>>
    %dma_wait3A_167 = arith.constant 32 : i32
    %dma_wait3A_168 = arith.constant 0 : i32
    %dma_wait3A_169 = tpu.memref_slice %arg4[%add3A, %dma_wait3A_167, %dma_wait3A_168] : memref<32x80x128xi32, #tpu.memory_space<hbm>> -> memref<1x16x128xi32, #tpu.memory_space<hbm>>
    %dma_wait3A_170 = tpu.memref_squeeze %dma_wait3A_169 : memref<1x16x128xi32, #tpu.memory_space<hbm>> -> memref<16x128xi32, #tpu.memory_space<hbm>>
    tpu.wait_dma2 semaphore(%arg13 : memref<!tpu.dma_semaphore, #tpu.memory_space<semaphore_mem>>) src(%dma_wait3A_170 : memref<16x128xi32, #tpu.memory_space<hbm>>) dst(%dma_wait3A_166 : memref<16x128xi32, #tpu.memory_space<vmem>>)
    %scan3A_171 = arith.constant 0 : i32
    %scan3A_172 = arith.constant 0 : i32
    %scan3A_173 = arith.constant 8 : i32
    %scan3A_174 = arith.addi %scan3A_172, %scan3A_173 : i32
    %scan3A_175 = arith.constant 1 : i32
    %scan3A_176 = scf.for %scan3A_266 = %scan3A_172 to %scan3A_174 step %scan3A_175 iter_args(%scan3A_267 = %scan3A_171) -> (i32)  : i32 {
      %mul3A_268 = arith.constant 2 : i32
      %mul3A_269 = arith.muli %mul3A_268, %scan3A_266 : i32
      %add3A_270 = arith.constant 32 : i32
      %add3A_271 = arith.addi %add3A_270, %mul3A_269 : i32
      %add3A_272 = arith.constant 1 : i32
      %add3A_273 = arith.addi %add3A_271, %add3A_272 : i32
      %mul3A_274 = arith.constant 128 : i32
      %mul3A_275 = arith.muli %add3A_273, %mul3A_274 : i32
      %dma_start3A_276 = tpu.memref_slice %arg6[%mul3A_275] : memref<10240xi32, #tpu.memory_space<vmem>> -> memref<128xi32, #tpu.memory_space<vmem>>
      %dma_start3A_277 = arith.constant 0 : i32
      %dma_start3A_278 = arith.constant 0 : i32
      %dma_start3A_279 = tpu.memref_slice %arg2[%dma_start3A_277, %dma_start3A_278] : memref<10000x128xf32, #tpu.memory_space<hbm>> -> memref<10000x128xf32, #tpu.memory_space<hbm>>
      tpu.enqueue_indirect_dma source(%dma_start3A_279 : memref<10000x128xf32, #tpu.memory_space<hbm>>) target(%arg9 : memref<128x128xf32, #tpu.memory_space<vmem>>) offsets(%dma_start3A_276 : memref<128xi32, #tpu.memory_space<vmem>>) semaphore(%arg12 : memref<!tpu.dma_semaphore, #tpu.memory_space<semaphore_mem>>)
      %mul3A_280 = arith.constant 128 : i32
      %mul3A_281 = arith.muli %add3A_271, %mul3A_280 : i32
      %dma_wait3A_282 = tpu.memref_slice %arg6[%mul3A_281] : memref<10240xi32, #tpu.memory_space<vmem>> -> memref<128xi32, #tpu.memory_space<vmem>>
      %dma_wait3A_283 = arith.constant 0 : i32
      %dma_wait3A_284 = arith.constant 0 : i32
      %dma_wait3A_285 = tpu.memref_slice %arg2[%dma_wait3A_283, %dma_wait3A_284] : memref<10000x128xf32, #tpu.memory_space<hbm>> -> memref<10000x128xf32, #tpu.memory_space<hbm>>
      tpu.wait_indirect_dma semaphore(%arg11 : memref<!tpu.dma_semaphore, #tpu.memory_space<semaphore_mem>>) src(%dma_wait3A_285 : memref<10000x128xf32, #tpu.memory_space<hbm>>) dst(%arg8 : memref<128x128xf32, #tpu.memory_space<vmem>>)
      %mul3A_286 = arith.constant 2 : i32
      %mul3A_287 = arith.muli %mul3A_286, %scan3A_266 : i32
      %run_scoped3A_288 = arith.constant 0 : i32
      "tpu.region"() ({
        %run_scoped3A_311 = tpu.sem_alloc : memref<!tpu.dma_semaphore, #tpu.memory_space<semaphore_mem>>
        %dma_start3A_312 = arith.constant 0 : i32
        %dma_start3A_313 = tpu.memref_slice %arg7[%run_scoped3A_288, %mul3A_287, %dma_start3A_312] : memref<2x16x128xi32, #tpu.memory_space<vmem>> -> memref<1x1x128xi32, #tpu.memory_space<vmem>>
        %dma_start3A_314 = tpu.memref_squeeze %dma_start3A_313 : memref<1x1x128xi32, #tpu.memory_space<vmem>> -> memref<128xi32, #tpu.memory_space<vmem>>
        %dma_start3A_315 = arith.constant 0 : i32
        %dma_start3A_316 = arith.constant 0 : i32
        %dma_start3A_317 = tpu.memref_slice %arg10[%dma_start3A_315, %dma_start3A_316] : memref<10240x128xf32, #tpu.memory_space<vmem_shared>> -> memref<10240x128xf32, #tpu.memory_space<vmem_shared>>
        tpu.enqueue_indirect_dma source(%arg8 : memref<128x128xf32, #tpu.memory_space<vmem>>) target(%dma_start3A_317 : memref<10240x128xf32, #tpu.memory_space<vmem_shared>>) offsets(%dma_start3A_314 : memref<128xi32, #tpu.memory_space<vmem>>) semaphore(%run_scoped3A_311 : memref<!tpu.dma_semaphore, #tpu.memory_space<semaphore_mem>>) {add = true}
        %dma_wait3A_318 = arith.constant 0 : i32
        %dma_wait3A_319 = tpu.memref_slice %arg7[%run_scoped3A_288, %mul3A_287, %dma_wait3A_318] : memref<2x16x128xi32, #tpu.memory_space<vmem>> -> memref<1x1x128xi32, #tpu.memory_space<vmem>>
        %dma_wait3A_320 = tpu.memref_squeeze %dma_wait3A_319 : memref<1x1x128xi32, #tpu.memory_space<vmem>> -> memref<128xi32, #tpu.memory_space<vmem>>
        %dma_wait3A_321 = arith.constant 0 : i32
        %dma_wait3A_322 = arith.constant 0 : i32
        %dma_wait3A_323 = tpu.memref_slice %arg10[%dma_wait3A_321, %dma_wait3A_322] : memref<10240x128xf32, #tpu.memory_space<vmem_shared>> -> memref<10240x128xf32, #tpu.memory_space<vmem_shared>>
        tpu.wait_indirect_dma semaphore(%run_scoped3A_311 : memref<!tpu.dma_semaphore, #tpu.memory_space<semaphore_mem>>) src(%arg8 : memref<128x128xf32, #tpu.memory_space<vmem>>) dst(%dma_wait3A_323 : memref<10240x128xf32, #tpu.memory_space<vmem_shared>>)
        tpu.yield
      }) : () -> ()
      %add3A_289 = arith.constant 2 : i32
      %add3A_290 = arith.addi %add3A_271, %add3A_289 : i32
      %mul3A_291 = arith.constant 128 : i32
      %mul3A_292 = arith.muli %add3A_290, %mul3A_291 : i32
      %dma_start3A_293 = tpu.memref_slice %arg6[%mul3A_292] : memref<10240xi32, #tpu.memory_space<vmem>> -> memref<128xi32, #tpu.memory_space<vmem>>
      %dma_start3A_294 = arith.constant 0 : i32
      %dma_start3A_295 = arith.constant 0 : i32
      %dma_start3A_296 = tpu.memref_slice %arg2[%dma_start3A_294, %dma_start3A_295] : memref<10000x128xf32, #tpu.memory_space<hbm>> -> memref<10000x128xf32, #tpu.memory_space<hbm>>
      tpu.enqueue_indirect_dma source(%dma_start3A_296 : memref<10000x128xf32, #tpu.memory_space<hbm>>) target(%arg8 : memref<128x128xf32, #tpu.memory_space<vmem>>) offsets(%dma_start3A_293 : memref<128xi32, #tpu.memory_space<vmem>>) semaphore(%arg11 : memref<!tpu.dma_semaphore, #tpu.memory_space<semaphore_mem>>)
      %add3A_297 = arith.constant 1 : i32
      %add3A_298 = arith.addi %add3A_271, %add3A_297 : i32
      %mul3A_299 = arith.constant 128 : i32
      %mul3A_300 = arith.muli %add3A_298, %mul3A_299 : i32
      %dma_wait3A_301 = tpu.memref_slice %arg6[%mul3A_300] : memref<10240xi32, #tpu.memory_space<vmem>> -> memref<128xi32, #tpu.memory_space<vmem>>
      %dma_wait3A_302 = arith.constant 0 : i32
      %dma_wait3A_303 = arith.constant 0 : i32
      %dma_wait3A_304 = tpu.memref_slice %arg2[%dma_wait3A_302, %dma_wait3A_303] : memref<10000x128xf32, #tpu.memory_space<hbm>> -> memref<10000x128xf32, #tpu.memory_space<hbm>>
      tpu.wait_indirect_dma semaphore(%arg12 : memref<!tpu.dma_semaphore, #tpu.memory_space<semaphore_mem>>) src(%dma_wait3A_304 : memref<10000x128xf32, #tpu.memory_space<hbm>>) dst(%arg9 : memref<128x128xf32, #tpu.memory_space<vmem>>)
      %mul3A_305 = arith.constant 2 : i32
      %mul3A_306 = arith.muli %mul3A_305, %scan3A_266 : i32
      %add3A_307 = arith.constant 1 : i32
      %add3A_308 = arith.addi %mul3A_306, %add3A_307 : i32
      %run_scoped3A_309 = arith.constant 0 : i32
      "tpu.region"() ({
        %run_scoped3A_311 = tpu.sem_alloc : memref<!tpu.dma_semaphore, #tpu.memory_space<semaphore_mem>>
        %dma_start3A_312 = arith.constant 0 : i32
        %dma_start3A_313 = tpu.memref_slice %arg7[%run_scoped3A_309, %add3A_308, %dma_start3A_312] : memref<2x16x128xi32, #tpu.memory_space<vmem>> -> memref<1x1x128xi32, #tpu.memory_space<vmem>>
        %dma_start3A_314 = tpu.memref_squeeze %dma_start3A_313 : memref<1x1x128xi32, #tpu.memory_space<vmem>> -> memref<128xi32, #tpu.memory_space<vmem>>
        %dma_start3A_315 = arith.constant 0 : i32
        %dma_start3A_316 = arith.constant 0 : i32
        %dma_start3A_317 = tpu.memref_slice %arg10[%dma_start3A_315, %dma_start3A_316] : memref<10240x128xf32, #tpu.memory_space<vmem_shared>> -> memref<10240x128xf32, #tpu.memory_space<vmem_shared>>
        tpu.enqueue_indirect_dma source(%arg9 : memref<128x128xf32, #tpu.memory_space<vmem>>) target(%dma_start3A_317 : memref<10240x128xf32, #tpu.memory_space<vmem_shared>>) offsets(%dma_start3A_314 : memref<128xi32, #tpu.memory_space<vmem>>) semaphore(%run_scoped3A_311 : memref<!tpu.dma_semaphore, #tpu.memory_space<semaphore_mem>>) {add = true}
        %dma_wait3A_318 = arith.constant 0 : i32
        %dma_wait3A_319 = tpu.memref_slice %arg7[%run_scoped3A_309, %add3A_308, %dma_wait3A_318] : memref<2x16x128xi32, #tpu.memory_space<vmem>> -> memref<1x1x128xi32, #tpu.memory_space<vmem>>
        %dma_wait3A_320 = tpu.memref_squeeze %dma_wait3A_319 : memref<1x1x128xi32, #tpu.memory_space<vmem>> -> memref<128xi32, #tpu.memory_space<vmem>>
        %dma_wait3A_321 = arith.constant 0 : i32
        %dma_wait3A_322 = arith.constant 0 : i32
        %dma_wait3A_323 = tpu.memref_slice %arg10[%dma_wait3A_321, %dma_wait3A_322] : memref<10240x128xf32, #tpu.memory_space<vmem_shared>> -> memref<10240x128xf32, #tpu.memory_space<vmem_shared>>
        tpu.wait_indirect_dma semaphore(%run_scoped3A_311 : memref<!tpu.dma_semaphore, #tpu.memory_space<semaphore_mem>>) src(%arg9 : memref<128x128xf32, #tpu.memory_space<vmem>>) dst(%dma_wait3A_323 : memref<10240x128xf32, #tpu.memory_space<vmem_shared>>)
        tpu.yield
      }) : () -> ()
      %scan3A_310 = arith.constant 0 : i32
      scf.yield %scan3A_310 : i32
    }
    %scan3A_177 = arith.constant 8 : i32
    %dma_start3A_178 = arith.constant 0 : i32
    %dma_start3A_179 = arith.constant 0 : i32
    %dma_start3A_180 = arith.constant 0 : i32
    %dma_start3A_181 = tpu.memref_slice %arg7[%dma_start3A_178, %dma_start3A_179, %dma_start3A_180] : memref<2x16x128xi32, #tpu.memory_space<vmem>> -> memref<1x16x128xi32, #tpu.memory_space<vmem>>
    %dma_start3A_182 = tpu.memref_squeeze %dma_start3A_181 : memref<1x16x128xi32, #tpu.memory_space<vmem>> -> memref<16x128xi32, #tpu.memory_space<vmem>>
    %dma_start3A_183 = arith.constant 64 : i32
    %dma_start3A_184 = arith.constant 0 : i32
    %dma_start3A_185 = tpu.memref_slice %arg4[%add3A, %dma_start3A_183, %dma_start3A_184] : memref<32x80x128xi32, #tpu.memory_space<hbm>> -> memref<1x16x128xi32, #tpu.memory_space<hbm>>
    %dma_start3A_186 = tpu.memref_squeeze %dma_start3A_185 : memref<1x16x128xi32, #tpu.memory_space<hbm>> -> memref<16x128xi32, #tpu.memory_space<hbm>>
    %dma_start3A_187 = arith.constant 0 : i32
    %dma_start3A_188 = arith.constant 0 : i32
    %dma_start3A_189 = tpu.memref_slice %arg7[%dma_start3A_178, %dma_start3A_187, %dma_start3A_188] : memref<2x16x128xi32, #tpu.memory_space<vmem>> -> memref<1x16x128xi32, #tpu.memory_space<vmem>>
    %dma_start3A_190 = tpu.memref_squeeze %dma_start3A_189 : memref<1x16x128xi32, #tpu.memory_space<vmem>> -> memref<16x128xi32, #tpu.memory_space<vmem>>
    %dma_start3A_191 = arith.constant 64 : i32
    %dma_start3A_192 = arith.constant 0 : i32
    %dma_start3A_193 = tpu.memref_slice %arg4[%add3A, %dma_start3A_191, %dma_start3A_192] : memref<32x80x128xi32, #tpu.memory_space<hbm>> -> memref<1x16x128xi32, #tpu.memory_space<hbm>>
    %dma_start3A_194 = tpu.memref_squeeze %dma_start3A_193 : memref<1x16x128xi32, #tpu.memory_space<hbm>> -> memref<16x128xi32, #tpu.memory_space<hbm>>
    tpu.enqueue_dma source(%dma_start3A_194 : memref<16x128xi32, #tpu.memory_space<hbm>>) target(%dma_start3A_190 : memref<16x128xi32, #tpu.memory_space<vmem>>) target_semaphore(%arg13 : memref<!tpu.dma_semaphore, #tpu.memory_space<semaphore_mem>>)
    %dma_wait3A_195 = arith.constant 1 : i32
    %dma_wait3A_196 = arith.constant 0 : i32
    %dma_wait3A_197 = arith.constant 0 : i32
    %dma_wait3A_198 = tpu.memref_slice %arg7[%dma_wait3A_195, %dma_wait3A_196, %dma_wait3A_197] : memref<2x16x128xi32, #tpu.memory_space<vmem>> -> memref<1x16x128xi32, #tpu.memory_space<vmem>>
    %dma_wait3A_199 = tpu.memref_squeeze %dma_wait3A_198 : memref<1x16x128xi32, #tpu.memory_space<vmem>> -> memref<16x128xi32, #tpu.memory_space<vmem>>
    %dma_wait3A_200 = arith.constant 48 : i32
    %dma_wait3A_201 = arith.constant 0 : i32
    %dma_wait3A_202 = tpu.memref_slice %arg4[%add3A, %dma_wait3A_200, %dma_wait3A_201] : memref<32x80x128xi32, #tpu.memory_space<hbm>> -> memref<1x16x128xi32, #tpu.memory_space<hbm>>
    %dma_wait3A_203 = tpu.memref_squeeze %dma_wait3A_202 : memref<1x16x128xi32, #tpu.memory_space<hbm>> -> memref<16x128xi32, #tpu.memory_space<hbm>>
    %dma_wait3A_204 = arith.constant 0 : i32
    %dma_wait3A_205 = arith.constant 0 : i32
    %dma_wait3A_206 = tpu.memref_slice %arg7[%dma_wait3A_195, %dma_wait3A_204, %dma_wait3A_205] : memref<2x16x128xi32, #tpu.memory_space<vmem>> -> memref<1x16x128xi32, #tpu.memory_space<vmem>>
    %dma_wait3A_207 = tpu.memref_squeeze %dma_wait3A_206 : memref<1x16x128xi32, #tpu.memory_space<vmem>> -> memref<16x128xi32, #tpu.memory_space<vmem>>
    %dma_wait3A_208 = arith.constant 48 : i32
    %dma_wait3A_209 = arith.constant 0 : i32
    %dma_wait3A_210 = tpu.memref_slice %arg4[%add3A, %dma_wait3A_208, %dma_wait3A_209] : memref<32x80x128xi32, #tpu.memory_space<hbm>> -> memref<1x16x128xi32, #tpu.memory_space<hbm>>
    %dma_wait3A_211 = tpu.memref_squeeze %dma_wait3A_210 : memref<1x16x128xi32, #tpu.memory_space<hbm>> -> memref<16x128xi32, #tpu.memory_space<hbm>>
    tpu.wait_dma2 semaphore(%arg14 : memref<!tpu.dma_semaphore, #tpu.memory_space<semaphore_mem>>) src(%dma_wait3A_211 : memref<16x128xi32, #tpu.memory_space<hbm>>) dst(%dma_wait3A_207 : memref<16x128xi32, #tpu.memory_space<vmem>>)
    %scan3A_212 = arith.constant 0 : i32
    %scan3A_213 = arith.constant 0 : i32
    %scan3A_214 = arith.constant 8 : i32
    %scan3A_215 = arith.addi %scan3A_213, %scan3A_214 : i32
    %scan3A_216 = arith.constant 1 : i32
    %scan3A_217 = scf.for %scan3A_266 = %scan3A_213 to %scan3A_215 step %scan3A_216 iter_args(%scan3A_267 = %scan3A_212) -> (i32)  : i32 {
      %mul3A_268 = arith.constant 2 : i32
      %mul3A_269 = arith.muli %mul3A_268, %scan3A_266 : i32
      %add3A_270 = arith.constant 48 : i32
      %add3A_271 = arith.addi %add3A_270, %mul3A_269 : i32
      %add3A_272 = arith.constant 1 : i32
      %add3A_273 = arith.addi %add3A_271, %add3A_272 : i32
      %mul3A_274 = arith.constant 128 : i32
      %mul3A_275 = arith.muli %add3A_273, %mul3A_274 : i32
      %dma_start3A_276 = tpu.memref_slice %arg6[%mul3A_275] : memref<10240xi32, #tpu.memory_space<vmem>> -> memref<128xi32, #tpu.memory_space<vmem>>
      %dma_start3A_277 = arith.constant 0 : i32
      %dma_start3A_278 = arith.constant 0 : i32
      %dma_start3A_279 = tpu.memref_slice %arg2[%dma_start3A_277, %dma_start3A_278] : memref<10000x128xf32, #tpu.memory_space<hbm>> -> memref<10000x128xf32, #tpu.memory_space<hbm>>
      tpu.enqueue_indirect_dma source(%dma_start3A_279 : memref<10000x128xf32, #tpu.memory_space<hbm>>) target(%arg9 : memref<128x128xf32, #tpu.memory_space<vmem>>) offsets(%dma_start3A_276 : memref<128xi32, #tpu.memory_space<vmem>>) semaphore(%arg12 : memref<!tpu.dma_semaphore, #tpu.memory_space<semaphore_mem>>)
      %mul3A_280 = arith.constant 128 : i32
      %mul3A_281 = arith.muli %add3A_271, %mul3A_280 : i32
      %dma_wait3A_282 = tpu.memref_slice %arg6[%mul3A_281] : memref<10240xi32, #tpu.memory_space<vmem>> -> memref<128xi32, #tpu.memory_space<vmem>>
      %dma_wait3A_283 = arith.constant 0 : i32
      %dma_wait3A_284 = arith.constant 0 : i32
      %dma_wait3A_285 = tpu.memref_slice %arg2[%dma_wait3A_283, %dma_wait3A_284] : memref<10000x128xf32, #tpu.memory_space<hbm>> -> memref<10000x128xf32, #tpu.memory_space<hbm>>
      tpu.wait_indirect_dma semaphore(%arg11 : memref<!tpu.dma_semaphore, #tpu.memory_space<semaphore_mem>>) src(%dma_wait3A_285 : memref<10000x128xf32, #tpu.memory_space<hbm>>) dst(%arg8 : memref<128x128xf32, #tpu.memory_space<vmem>>)
      %mul3A_286 = arith.constant 2 : i32
      %mul3A_287 = arith.muli %mul3A_286, %scan3A_266 : i32
      %run_scoped3A_288 = arith.constant 1 : i32
      "tpu.region"() ({
        %run_scoped3A_311 = tpu.sem_alloc : memref<!tpu.dma_semaphore, #tpu.memory_space<semaphore_mem>>
        %dma_start3A_312 = arith.constant 0 : i32
        %dma_start3A_313 = tpu.memref_slice %arg7[%run_scoped3A_288, %mul3A_287, %dma_start3A_312] : memref<2x16x128xi32, #tpu.memory_space<vmem>> -> memref<1x1x128xi32, #tpu.memory_space<vmem>>
        %dma_start3A_314 = tpu.memref_squeeze %dma_start3A_313 : memref<1x1x128xi32, #tpu.memory_space<vmem>> -> memref<128xi32, #tpu.memory_space<vmem>>
        %dma_start3A_315 = arith.constant 0 : i32
        %dma_start3A_316 = arith.constant 0 : i32
        %dma_start3A_317 = tpu.memref_slice %arg10[%dma_start3A_315, %dma_start3A_316] : memref<10240x128xf32, #tpu.memory_space<vmem_shared>> -> memref<10240x128xf32, #tpu.memory_space<vmem_shared>>
        tpu.enqueue_indirect_dma source(%arg8 : memref<128x128xf32, #tpu.memory_space<vmem>>) target(%dma_start3A_317 : memref<10240x128xf32, #tpu.memory_space<vmem_shared>>) offsets(%dma_start3A_314 : memref<128xi32, #tpu.memory_space<vmem>>) semaphore(%run_scoped3A_311 : memref<!tpu.dma_semaphore, #tpu.memory_space<semaphore_mem>>) {add = true}
        %dma_wait3A_318 = arith.constant 0 : i32
        %dma_wait3A_319 = tpu.memref_slice %arg7[%run_scoped3A_288, %mul3A_287, %dma_wait3A_318] : memref<2x16x128xi32, #tpu.memory_space<vmem>> -> memref<1x1x128xi32, #tpu.memory_space<vmem>>
        %dma_wait3A_320 = tpu.memref_squeeze %dma_wait3A_319 : memref<1x1x128xi32, #tpu.memory_space<vmem>> -> memref<128xi32, #tpu.memory_space<vmem>>
        %dma_wait3A_321 = arith.constant 0 : i32
        %dma_wait3A_322 = arith.constant 0 : i32
        %dma_wait3A_323 = tpu.memref_slice %arg10[%dma_wait3A_321, %dma_wait3A_322] : memref<10240x128xf32, #tpu.memory_space<vmem_shared>> -> memref<10240x128xf32, #tpu.memory_space<vmem_shared>>
        tpu.wait_indirect_dma semaphore(%run_scoped3A_311 : memref<!tpu.dma_semaphore, #tpu.memory_space<semaphore_mem>>) src(%arg8 : memref<128x128xf32, #tpu.memory_space<vmem>>) dst(%dma_wait3A_323 : memref<10240x128xf32, #tpu.memory_space<vmem_shared>>)
        tpu.yield
      }) : () -> ()
      %add3A_289 = arith.constant 2 : i32
      %add3A_290 = arith.addi %add3A_271, %add3A_289 : i32
      %mul3A_291 = arith.constant 128 : i32
      %mul3A_292 = arith.muli %add3A_290, %mul3A_291 : i32
      %dma_start3A_293 = tpu.memref_slice %arg6[%mul3A_292] : memref<10240xi32, #tpu.memory_space<vmem>> -> memref<128xi32, #tpu.memory_space<vmem>>
      %dma_start3A_294 = arith.constant 0 : i32
      %dma_start3A_295 = arith.constant 0 : i32
      %dma_start3A_296 = tpu.memref_slice %arg2[%dma_start3A_294, %dma_start3A_295] : memref<10000x128xf32, #tpu.memory_space<hbm>> -> memref<10000x128xf32, #tpu.memory_space<hbm>>
      tpu.enqueue_indirect_dma source(%dma_start3A_296 : memref<10000x128xf32, #tpu.memory_space<hbm>>) target(%arg8 : memref<128x128xf32, #tpu.memory_space<vmem>>) offsets(%dma_start3A_293 : memref<128xi32, #tpu.memory_space<vmem>>) semaphore(%arg11 : memref<!tpu.dma_semaphore, #tpu.memory_space<semaphore_mem>>)
      %add3A_297 = arith.constant 1 : i32
      %add3A_298 = arith.addi %add3A_271, %add3A_297 : i32
      %mul3A_299 = arith.constant 128 : i32
      %mul3A_300 = arith.muli %add3A_298, %mul3A_299 : i32
      %dma_wait3A_301 = tpu.memref_slice %arg6[%mul3A_300] : memref<10240xi32, #tpu.memory_space<vmem>> -> memref<128xi32, #tpu.memory_space<vmem>>
      %dma_wait3A_302 = arith.constant 0 : i32
      %dma_wait3A_303 = arith.constant 0 : i32
      %dma_wait3A_304 = tpu.memref_slice %arg2[%dma_wait3A_302, %dma_wait3A_303] : memref<10000x128xf32, #tpu.memory_space<hbm>> -> memref<10000x128xf32, #tpu.memory_space<hbm>>
      tpu.wait_indirect_dma semaphore(%arg12 : memref<!tpu.dma_semaphore, #tpu.memory_space<semaphore_mem>>) src(%dma_wait3A_304 : memref<10000x128xf32, #tpu.memory_space<hbm>>) dst(%arg9 : memref<128x128xf32, #tpu.memory_space<vmem>>)
      %mul3A_305 = arith.constant 2 : i32
      %mul3A_306 = arith.muli %mul3A_305, %scan3A_266 : i32
      %add3A_307 = arith.constant 1 : i32
      %add3A_308 = arith.addi %mul3A_306, %add3A_307 : i32
      %run_scoped3A_309 = arith.constant 1 : i32
      "tpu.region"() ({
        %run_scoped3A_311 = tpu.sem_alloc : memref<!tpu.dma_semaphore, #tpu.memory_space<semaphore_mem>>
        %dma_start3A_312 = arith.constant 0 : i32
        %dma_start3A_313 = tpu.memref_slice %arg7[%run_scoped3A_309, %add3A_308, %dma_start3A_312] : memref<2x16x128xi32, #tpu.memory_space<vmem>> -> memref<1x1x128xi32, #tpu.memory_space<vmem>>
        %dma_start3A_314 = tpu.memref_squeeze %dma_start3A_313 : memref<1x1x128xi32, #tpu.memory_space<vmem>> -> memref<128xi32, #tpu.memory_space<vmem>>
        %dma_start3A_315 = arith.constant 0 : i32
        %dma_start3A_316 = arith.constant 0 : i32
        %dma_start3A_317 = tpu.memref_slice %arg10[%dma_start3A_315, %dma_start3A_316] : memref<10240x128xf32, #tpu.memory_space<vmem_shared>> -> memref<10240x128xf32, #tpu.memory_space<vmem_shared>>
        tpu.enqueue_indirect_dma source(%arg9 : memref<128x128xf32, #tpu.memory_space<vmem>>) target(%dma_start3A_317 : memref<10240x128xf32, #tpu.memory_space<vmem_shared>>) offsets(%dma_start3A_314 : memref<128xi32, #tpu.memory_space<vmem>>) semaphore(%run_scoped3A_311 : memref<!tpu.dma_semaphore, #tpu.memory_space<semaphore_mem>>) {add = true}
        %dma_wait3A_318 = arith.constant 0 : i32
        %dma_wait3A_319 = tpu.memref_slice %arg7[%run_scoped3A_309, %add3A_308, %dma_wait3A_318] : memref<2x16x128xi32, #tpu.memory_space<vmem>> -> memref<1x1x128xi32, #tpu.memory_space<vmem>>
        %dma_wait3A_320 = tpu.memref_squeeze %dma_wait3A_319 : memref<1x1x128xi32, #tpu.memory_space<vmem>> -> memref<128xi32, #tpu.memory_space<vmem>>
        %dma_wait3A_321 = arith.constant 0 : i32
        %dma_wait3A_322 = arith.constant 0 : i32
        %dma_wait3A_323 = tpu.memref_slice %arg10[%dma_wait3A_321, %dma_wait3A_322] : memref<10240x128xf32, #tpu.memory_space<vmem_shared>> -> memref<10240x128xf32, #tpu.memory_space<vmem_shared>>
        tpu.wait_indirect_dma semaphore(%run_scoped3A_311 : memref<!tpu.dma_semaphore, #tpu.memory_space<semaphore_mem>>) src(%arg9 : memref<128x128xf32, #tpu.memory_space<vmem>>) dst(%dma_wait3A_323 : memref<10240x128xf32, #tpu.memory_space<vmem_shared>>)
        tpu.yield
      }) : () -> ()
      %scan3A_310 = arith.constant 0 : i32
      scf.yield %scan3A_310 : i32
    }
    %scan3A_218 = arith.constant 8 : i32
    %dma_wait3A_219 = arith.constant 0 : i32
    %dma_wait3A_220 = arith.constant 0 : i32
    %dma_wait3A_221 = arith.constant 0 : i32
    %dma_wait3A_222 = tpu.memref_slice %arg7[%dma_wait3A_219, %dma_wait3A_220, %dma_wait3A_221] : memref<2x16x128xi32, #tpu.memory_space<vmem>> -> memref<1x16x128xi32, #tpu.memory_space<vmem>>
    %dma_wait3A_223 = tpu.memref_squeeze %dma_wait3A_222 : memref<1x16x128xi32, #tpu.memory_space<vmem>> -> memref<16x128xi32, #tpu.memory_space<vmem>>
    %dma_wait3A_224 = arith.constant 64 : i32
    %dma_wait3A_225 = arith.constant 0 : i32
    %dma_wait3A_226 = tpu.memref_slice %arg4[%add3A, %dma_wait3A_224, %dma_wait3A_225] : memref<32x80x128xi32, #tpu.memory_space<hbm>> -> memref<1x16x128xi32, #tpu.memory_space<hbm>>
    %dma_wait3A_227 = tpu.memref_squeeze %dma_wait3A_226 : memref<1x16x128xi32, #tpu.memory_space<hbm>> -> memref<16x128xi32, #tpu.memory_space<hbm>>
    %dma_wait3A_228 = arith.constant 0 : i32
    %dma_wait3A_229 = arith.constant 0 : i32
    %dma_wait3A_230 = tpu.memref_slice %arg7[%dma_wait3A_219, %dma_wait3A_228, %dma_wait3A_229] : memref<2x16x128xi32, #tpu.memory_space<vmem>> -> memref<1x16x128xi32, #tpu.memory_space<vmem>>
    %dma_wait3A_231 = tpu.memref_squeeze %dma_wait3A_230 : memref<1x16x128xi32, #tpu.memory_space<vmem>> -> memref<16x128xi32, #tpu.memory_space<vmem>>
    %dma_wait3A_232 = arith.constant 64 : i32
    %dma_wait3A_233 = arith.constant 0 : i32
    %dma_wait3A_234 = tpu.memref_slice %arg4[%add3A, %dma_wait3A_232, %dma_wait3A_233] : memref<32x80x128xi32, #tpu.memory_space<hbm>> -> memref<1x16x128xi32, #tpu.memory_space<hbm>>
    %dma_wait3A_235 = tpu.memref_squeeze %dma_wait3A_234 : memref<1x16x128xi32, #tpu.memory_space<hbm>> -> memref<16x128xi32, #tpu.memory_space<hbm>>
    tpu.wait_dma2 semaphore(%arg13 : memref<!tpu.dma_semaphore, #tpu.memory_space<semaphore_mem>>) src(%dma_wait3A_235 : memref<16x128xi32, #tpu.memory_space<hbm>>) dst(%dma_wait3A_231 : memref<16x128xi32, #tpu.memory_space<vmem>>)
    %scan3A_236 = arith.constant 0 : i32
    %scan3A_237 = arith.constant 0 : i32
    %scan3A_238 = arith.constant 7 : i32
    %scan3A_239 = arith.addi %scan3A_237, %scan3A_238 : i32
    %scan3A_240 = arith.constant 1 : i32
    %scan3A_241 = scf.for %scan3A_266 = %scan3A_237 to %scan3A_239 step %scan3A_240 iter_args(%scan3A_267 = %scan3A_236) -> (i32)  : i32 {
      %mul3A_268 = arith.constant 2 : i32
      %mul3A_269 = arith.muli %mul3A_268, %scan3A_266 : i32
      %add3A_270 = arith.constant 64 : i32
      %add3A_271 = arith.addi %add3A_270, %mul3A_269 : i32
      %add3A_272 = arith.constant 1 : i32
      %add3A_273 = arith.addi %add3A_271, %add3A_272 : i32
      %mul3A_274 = arith.constant 128 : i32
      %mul3A_275 = arith.muli %add3A_273, %mul3A_274 : i32
      %dma_start3A_276 = tpu.memref_slice %arg6[%mul3A_275] : memref<10240xi32, #tpu.memory_space<vmem>> -> memref<128xi32, #tpu.memory_space<vmem>>
      %dma_start3A_277 = arith.constant 0 : i32
      %dma_start3A_278 = arith.constant 0 : i32
      %dma_start3A_279 = tpu.memref_slice %arg2[%dma_start3A_277, %dma_start3A_278] : memref<10000x128xf32, #tpu.memory_space<hbm>> -> memref<10000x128xf32, #tpu.memory_space<hbm>>
      tpu.enqueue_indirect_dma source(%dma_start3A_279 : memref<10000x128xf32, #tpu.memory_space<hbm>>) target(%arg9 : memref<128x128xf32, #tpu.memory_space<vmem>>) offsets(%dma_start3A_276 : memref<128xi32, #tpu.memory_space<vmem>>) semaphore(%arg12 : memref<!tpu.dma_semaphore, #tpu.memory_space<semaphore_mem>>)
      %mul3A_280 = arith.constant 128 : i32
      %mul3A_281 = arith.muli %add3A_271, %mul3A_280 : i32
      %dma_wait3A_282 = tpu.memref_slice %arg6[%mul3A_281] : memref<10240xi32, #tpu.memory_space<vmem>> -> memref<128xi32, #tpu.memory_space<vmem>>
      %dma_wait3A_283 = arith.constant 0 : i32
      %dma_wait3A_284 = arith.constant 0 : i32
      %dma_wait3A_285 = tpu.memref_slice %arg2[%dma_wait3A_283, %dma_wait3A_284] : memref<10000x128xf32, #tpu.memory_space<hbm>> -> memref<10000x128xf32, #tpu.memory_space<hbm>>
      tpu.wait_indirect_dma semaphore(%arg11 : memref<!tpu.dma_semaphore, #tpu.memory_space<semaphore_mem>>) src(%dma_wait3A_285 : memref<10000x128xf32, #tpu.memory_space<hbm>>) dst(%arg8 : memref<128x128xf32, #tpu.memory_space<vmem>>)
      %mul3A_286 = arith.constant 2 : i32
      %mul3A_287 = arith.muli %mul3A_286, %scan3A_266 : i32
      %run_scoped3A_288 = arith.constant 0 : i32
      "tpu.region"() ({
        %run_scoped3A_311 = tpu.sem_alloc : memref<!tpu.dma_semaphore, #tpu.memory_space<semaphore_mem>>
        %dma_start3A_312 = arith.constant 0 : i32
        %dma_start3A_313 = tpu.memref_slice %arg7[%run_scoped3A_288, %mul3A_287, %dma_start3A_312] : memref<2x16x128xi32, #tpu.memory_space<vmem>> -> memref<1x1x128xi32, #tpu.memory_space<vmem>>
        %dma_start3A_314 = tpu.memref_squeeze %dma_start3A_313 : memref<1x1x128xi32, #tpu.memory_space<vmem>> -> memref<128xi32, #tpu.memory_space<vmem>>
        %dma_start3A_315 = arith.constant 0 : i32
        %dma_start3A_316 = arith.constant 0 : i32
        %dma_start3A_317 = tpu.memref_slice %arg10[%dma_start3A_315, %dma_start3A_316] : memref<10240x128xf32, #tpu.memory_space<vmem_shared>> -> memref<10240x128xf32, #tpu.memory_space<vmem_shared>>
        tpu.enqueue_indirect_dma source(%arg8 : memref<128x128xf32, #tpu.memory_space<vmem>>) target(%dma_start3A_317 : memref<10240x128xf32, #tpu.memory_space<vmem_shared>>) offsets(%dma_start3A_314 : memref<128xi32, #tpu.memory_space<vmem>>) semaphore(%run_scoped3A_311 : memref<!tpu.dma_semaphore, #tpu.memory_space<semaphore_mem>>) {add = true}
        %dma_wait3A_318 = arith.constant 0 : i32
        %dma_wait3A_319 = tpu.memref_slice %arg7[%run_scoped3A_288, %mul3A_287, %dma_wait3A_318] : memref<2x16x128xi32, #tpu.memory_space<vmem>> -> memref<1x1x128xi32, #tpu.memory_space<vmem>>
        %dma_wait3A_320 = tpu.memref_squeeze %dma_wait3A_319 : memref<1x1x128xi32, #tpu.memory_space<vmem>> -> memref<128xi32, #tpu.memory_space<vmem>>
        %dma_wait3A_321 = arith.constant 0 : i32
        %dma_wait3A_322 = arith.constant 0 : i32
        %dma_wait3A_323 = tpu.memref_slice %arg10[%dma_wait3A_321, %dma_wait3A_322] : memref<10240x128xf32, #tpu.memory_space<vmem_shared>> -> memref<10240x128xf32, #tpu.memory_space<vmem_shared>>
        tpu.wait_indirect_dma semaphore(%run_scoped3A_311 : memref<!tpu.dma_semaphore, #tpu.memory_space<semaphore_mem>>) src(%arg8 : memref<128x128xf32, #tpu.memory_space<vmem>>) dst(%dma_wait3A_323 : memref<10240x128xf32, #tpu.memory_space<vmem_shared>>)
        tpu.yield
      }) : () -> ()
      %add3A_289 = arith.constant 2 : i32
      %add3A_290 = arith.addi %add3A_271, %add3A_289 : i32
      %mul3A_291 = arith.constant 128 : i32
      %mul3A_292 = arith.muli %add3A_290, %mul3A_291 : i32
      %dma_start3A_293 = tpu.memref_slice %arg6[%mul3A_292] : memref<10240xi32, #tpu.memory_space<vmem>> -> memref<128xi32, #tpu.memory_space<vmem>>
      %dma_start3A_294 = arith.constant 0 : i32
      %dma_start3A_295 = arith.constant 0 : i32
      %dma_start3A_296 = tpu.memref_slice %arg2[%dma_start3A_294, %dma_start3A_295] : memref<10000x128xf32, #tpu.memory_space<hbm>> -> memref<10000x128xf32, #tpu.memory_space<hbm>>
      tpu.enqueue_indirect_dma source(%dma_start3A_296 : memref<10000x128xf32, #tpu.memory_space<hbm>>) target(%arg8 : memref<128x128xf32, #tpu.memory_space<vmem>>) offsets(%dma_start3A_293 : memref<128xi32, #tpu.memory_space<vmem>>) semaphore(%arg11 : memref<!tpu.dma_semaphore, #tpu.memory_space<semaphore_mem>>)
      %add3A_297 = arith.constant 1 : i32
      %add3A_298 = arith.addi %add3A_271, %add3A_297 : i32
      %mul3A_299 = arith.constant 128 : i32
      %mul3A_300 = arith.muli %add3A_298, %mul3A_299 : i32
      %dma_wait3A_301 = tpu.memref_slice %arg6[%mul3A_300] : memref<10240xi32, #tpu.memory_space<vmem>> -> memref<128xi32, #tpu.memory_space<vmem>>
      %dma_wait3A_302 = arith.constant 0 : i32
      %dma_wait3A_303 = arith.constant 0 : i32
      %dma_wait3A_304 = tpu.memref_slice %arg2[%dma_wait3A_302, %dma_wait3A_303] : memref<10000x128xf32, #tpu.memory_space<hbm>> -> memref<10000x128xf32, #tpu.memory_space<hbm>>
      tpu.wait_indirect_dma semaphore(%arg12 : memref<!tpu.dma_semaphore, #tpu.memory_space<semaphore_mem>>) src(%dma_wait3A_304 : memref<10000x128xf32, #tpu.memory_space<hbm>>) dst(%arg9 : memref<128x128xf32, #tpu.memory_space<vmem>>)
      %mul3A_305 = arith.constant 2 : i32
      %mul3A_306 = arith.muli %mul3A_305, %scan3A_266 : i32
      %add3A_307 = arith.constant 1 : i32
      %add3A_308 = arith.addi %mul3A_306, %add3A_307 : i32
      %run_scoped3A_309 = arith.constant 0 : i32
      "tpu.region"() ({
        %run_scoped3A_311 = tpu.sem_alloc : memref<!tpu.dma_semaphore, #tpu.memory_space<semaphore_mem>>
        %dma_start3A_312 = arith.constant 0 : i32
        %dma_start3A_313 = tpu.memref_slice %arg7[%run_scoped3A_309, %add3A_308, %dma_start3A_312] : memref<2x16x128xi32, #tpu.memory_space<vmem>> -> memref<1x1x128xi32, #tpu.memory_space<vmem>>
        %dma_start3A_314 = tpu.memref_squeeze %dma_start3A_313 : memref<1x1x128xi32, #tpu.memory_space<vmem>> -> memref<128xi32, #tpu.memory_space<vmem>>
        %dma_start3A_315 = arith.constant 0 : i32
        %dma_start3A_316 = arith.constant 0 : i32
        %dma_start3A_317 = tpu.memref_slice %arg10[%dma_start3A_315, %dma_start3A_316] : memref<10240x128xf32, #tpu.memory_space<vmem_shared>> -> memref<10240x128xf32, #tpu.memory_space<vmem_shared>>
        tpu.enqueue_indirect_dma source(%arg9 : memref<128x128xf32, #tpu.memory_space<vmem>>) target(%dma_start3A_317 : memref<10240x128xf32, #tpu.memory_space<vmem_shared>>) offsets(%dma_start3A_314 : memref<128xi32, #tpu.memory_space<vmem>>) semaphore(%run_scoped3A_311 : memref<!tpu.dma_semaphore, #tpu.memory_space<semaphore_mem>>) {add = true}
        %dma_wait3A_318 = arith.constant 0 : i32
        %dma_wait3A_319 = tpu.memref_slice %arg7[%run_scoped3A_309, %add3A_308, %dma_wait3A_318] : memref<2x16x128xi32, #tpu.memory_space<vmem>> -> memref<1x1x128xi32, #tpu.memory_space<vmem>>
        %dma_wait3A_320 = tpu.memref_squeeze %dma_wait3A_319 : memref<1x1x128xi32, #tpu.memory_space<vmem>> -> memref<128xi32, #tpu.memory_space<vmem>>
        %dma_wait3A_321 = arith.constant 0 : i32
        %dma_wait3A_322 = arith.constant 0 : i32
        %dma_wait3A_323 = tpu.memref_slice %arg10[%dma_wait3A_321, %dma_wait3A_322] : memref<10240x128xf32, #tpu.memory_space<vmem_shared>> -> memref<10240x128xf32, #tpu.memory_space<vmem_shared>>
        tpu.wait_indirect_dma semaphore(%run_scoped3A_311 : memref<!tpu.dma_semaphore, #tpu.memory_space<semaphore_mem>>) src(%arg9 : memref<128x128xf32, #tpu.memory_space<vmem>>) dst(%dma_wait3A_323 : memref<10240x128xf32, #tpu.memory_space<vmem_shared>>)
        tpu.yield
      }) : () -> ()
      %scan3A_310 = arith.constant 0 : i32
      scf.yield %scan3A_310 : i32
    }
    %scan3A_242 = arith.constant 7 : i32
    %dma_start3A_243 = arith.constant 10112 : i32
    %dma_start3A_244 = tpu.memref_slice %arg6[%dma_start3A_243] : memref<10240xi32, #tpu.memory_space<vmem>> -> memref<128xi32, #tpu.memory_space<vmem>>
    %dma_start3A_245 = arith.constant 0 : i32
    %dma_start3A_246 = arith.constant 0 : i32
    %dma_start3A_247 = tpu.memref_slice %arg2[%dma_start3A_245, %dma_start3A_246] : memref<10000x128xf32, #tpu.memory_space<hbm>> -> memref<10000x128xf32, #tpu.memory_space<hbm>>
    tpu.enqueue_indirect_dma source(%dma_start3A_247 : memref<10000x128xf32, #tpu.memory_space<hbm>>) target(%arg9 : memref<128x128xf32, #tpu.memory_space<vmem>>) offsets(%dma_start3A_244 : memref<128xi32, #tpu.memory_space<vmem>>) semaphore(%arg12 : memref<!tpu.dma_semaphore, #tpu.memory_space<semaphore_mem>>)
    %dma_wait3A_248 = arith.constant 9984 : i32
    %dma_wait3A_249 = tpu.memref_slice %arg6[%dma_wait3A_248] : memref<10240xi32, #tpu.memory_space<vmem>> -> memref<128xi32, #tpu.memory_space<vmem>>
    %dma_wait3A_250 = arith.constant 0 : i32
    %dma_wait3A_251 = arith.constant 0 : i32
    %dma_wait3A_252 = tpu.memref_slice %arg2[%dma_wait3A_250, %dma_wait3A_251] : memref<10000x128xf32, #tpu.memory_space<hbm>> -> memref<10000x128xf32, #tpu.memory_space<hbm>>
    tpu.wait_indirect_dma semaphore(%arg11 : memref<!tpu.dma_semaphore, #tpu.memory_space<semaphore_mem>>) src(%dma_wait3A_252 : memref<10000x128xf32, #tpu.memory_space<hbm>>) dst(%arg8 : memref<128x128xf32, #tpu.memory_space<vmem>>)
    %run_scoped3A = arith.constant 0 : i32
    %run_scoped3A_253 = arith.constant 14 : i32
    "tpu.region"() ({
      %run_scoped3A_266 = tpu.sem_alloc : memref<!tpu.dma_semaphore, #tpu.memory_space<semaphore_mem>>
      %dma_start3A_267 = arith.constant 0 : i32
      %dma_start3A_268 = tpu.memref_slice %arg7[%run_scoped3A, %run_scoped3A_253, %dma_start3A_267] : memref<2x16x128xi32, #tpu.memory_space<vmem>> -> memref<1x1x128xi32, #tpu.memory_space<vmem>>
      %dma_start3A_269 = tpu.memref_squeeze %dma_start3A_268 : memref<1x1x128xi32, #tpu.memory_space<vmem>> -> memref<128xi32, #tpu.memory_space<vmem>>
      %dma_start3A_270 = arith.constant 0 : i32
      %dma_start3A_271 = arith.constant 0 : i32
      %dma_start3A_272 = tpu.memref_slice %arg10[%dma_start3A_270, %dma_start3A_271] : memref<10240x128xf32, #tpu.memory_space<vmem_shared>> -> memref<10240x128xf32, #tpu.memory_space<vmem_shared>>
      tpu.enqueue_indirect_dma source(%arg8 : memref<128x128xf32, #tpu.memory_space<vmem>>) target(%dma_start3A_272 : memref<10240x128xf32, #tpu.memory_space<vmem_shared>>) offsets(%dma_start3A_269 : memref<128xi32, #tpu.memory_space<vmem>>) semaphore(%run_scoped3A_266 : memref<!tpu.dma_semaphore, #tpu.memory_space<semaphore_mem>>) {add = true}
      %dma_wait3A_273 = arith.constant 0 : i32
      %dma_wait3A_274 = tpu.memref_slice %arg7[%run_scoped3A, %run_scoped3A_253, %dma_wait3A_273] : memref<2x16x128xi32, #tpu.memory_space<vmem>> -> memref<1x1x128xi32, #tpu.memory_space<vmem>>
      %dma_wait3A_275 = tpu.memref_squeeze %dma_wait3A_274 : memref<1x1x128xi32, #tpu.memory_space<vmem>> -> memref<128xi32, #tpu.memory_space<vmem>>
      %dma_wait3A_276 = arith.constant 0 : i32
      %dma_wait3A_277 = arith.constant 0 : i32
      %dma_wait3A_278 = tpu.memref_slice %arg10[%dma_wait3A_276, %dma_wait3A_277] : memref<10240x128xf32, #tpu.memory_space<vmem_shared>> -> memref<10240x128xf32, #tpu.memory_space<vmem_shared>>
      tpu.wait_indirect_dma semaphore(%run_scoped3A_266 : memref<!tpu.dma_semaphore, #tpu.memory_space<semaphore_mem>>) src(%arg8 : memref<128x128xf32, #tpu.memory_space<vmem>>) dst(%dma_wait3A_278 : memref<10240x128xf32, #tpu.memory_space<vmem_shared>>)
      tpu.yield
    }) : () -> ()
    %dma_wait3A_254 = arith.constant 10112 : i32
    %dma_wait3A_255 = tpu.memref_slice %arg6[%dma_wait3A_254] : memref<10240xi32, #tpu.memory_space<vmem>> -> memref<128xi32, #tpu.memory_space<vmem>>
    %dma_wait3A_256 = arith.constant 0 : i32
    %dma_wait3A_257 = arith.constant 0 : i32
    %dma_wait3A_258 = tpu.memref_slice %arg2[%dma_wait3A_256, %dma_wait3A_257] : memref<10000x128xf32, #tpu.memory_space<hbm>> -> memref<10000x128xf32, #tpu.memory_space<hbm>>
    tpu.wait_indirect_dma semaphore(%arg12 : memref<!tpu.dma_semaphore, #tpu.memory_space<semaphore_mem>>) src(%dma_wait3A_258 : memref<10000x128xf32, #tpu.memory_space<hbm>>) dst(%arg9 : memref<128x128xf32, #tpu.memory_space<vmem>>)
    %run_scoped3A_259 = arith.constant 0 : i32
    %run_scoped3A_260 = arith.constant 15 : i32
    "tpu.region"() ({
      %run_scoped3A_266 = tpu.sem_alloc : memref<!tpu.dma_semaphore, #tpu.memory_space<semaphore_mem>>
      %dma_start3A_267 = arith.constant 0 : i32
      %dma_start3A_268 = tpu.memref_slice %arg7[%run_scoped3A_259, %run_scoped3A_260, %dma_start3A_267] : memref<2x16x128xi32, #tpu.memory_space<vmem>> -> memref<1x1x128xi32, #tpu.memory_space<vmem>>
      %dma_start3A_269 = tpu.memref_squeeze %dma_start3A_268 : memref<1x1x128xi32, #tpu.memory_space<vmem>> -> memref<128xi32, #tpu.memory_space<vmem>>
      %dma_start3A_270 = arith.constant 0 : i32
      %dma_start3A_271 = arith.constant 0 : i32
      %dma_start3A_272 = tpu.memref_slice %arg10[%dma_start3A_270, %dma_start3A_271] : memref<10240x128xf32, #tpu.memory_space<vmem_shared>> -> memref<10240x128xf32, #tpu.memory_space<vmem_shared>>
      tpu.enqueue_indirect_dma source(%arg9 : memref<128x128xf32, #tpu.memory_space<vmem>>) target(%dma_start3A_272 : memref<10240x128xf32, #tpu.memory_space<vmem_shared>>) offsets(%dma_start3A_269 : memref<128xi32, #tpu.memory_space<vmem>>) semaphore(%run_scoped3A_266 : memref<!tpu.dma_semaphore, #tpu.memory_space<semaphore_mem>>) {add = true}
      %dma_wait3A_273 = arith.constant 0 : i32
      %dma_wait3A_274 = tpu.memref_slice %arg7[%run_scoped3A_259, %run_scoped3A_260, %dma_wait3A_273] : memref<2x16x128xi32, #tpu.memory_space<vmem>> -> memref<1x1x128xi32, #tpu.memory_space<vmem>>
      %dma_wait3A_275 = tpu.memref_squeeze %dma_wait3A_274 : memref<1x1x128xi32, #tpu.memory_space<vmem>> -> memref<128xi32, #tpu.memory_space<vmem>>
      %dma_wait3A_276 = arith.constant 0 : i32
      %dma_wait3A_277 = arith.constant 0 : i32
      %dma_wait3A_278 = tpu.memref_slice %arg10[%dma_wait3A_276, %dma_wait3A_277] : memref<10240x128xf32, #tpu.memory_space<vmem_shared>> -> memref<10240x128xf32, #tpu.memory_space<vmem_shared>>
      tpu.wait_indirect_dma semaphore(%run_scoped3A_266 : memref<!tpu.dma_semaphore, #tpu.memory_space<semaphore_mem>>) src(%arg9 : memref<128x128xf32, #tpu.memory_space<vmem>>) dst(%dma_wait3A_278 : memref<10240x128xf32, #tpu.memory_space<vmem_shared>>)
      tpu.yield
    }) : () -> ()
    %barrier3A_261 = arith.constant 0 : index
    tpu.barrier barrier_id(%barrier3A_261)
    %mul3A_262 = arith.constant 640 : i32
    %mul3A_263 = arith.muli %arg1, %mul3A_262 : i32
    %mul3A_264 = arith.constant 640 : i32
    %mul3A_265 = arith.muli %arg1, %mul3A_264 : i32
    "tpu.region"() ({
      %run_scoped3A_266 = tpu.sem_alloc : memref<!tpu.dma_semaphore, #tpu.memory_space<semaphore_mem>>
      %dma_start3A_267 = arith.constant 0 : i32
      %dma_start3A_268 = tpu.memref_slice %arg5[%arg0, %mul3A_265, %dma_start3A_267] : memref<2x10240x128xf32, #tpu.memory_space<hbm>> -> memref<1x640x128xf32, #tpu.memory_space<hbm>>
      %dma_start3A_269 = tpu.memref_squeeze %dma_start3A_268 : memref<1x640x128xf32, #tpu.memory_space<hbm>> -> memref<640x128xf32, #tpu.memory_space<hbm>>
      %dma_start3A_270 = arith.constant 0 : i32
      %dma_start3A_271 = tpu.memref_slice %arg10[%mul3A_263, %dma_start3A_270] : memref<10240x128xf32, #tpu.memory_space<vmem_shared>> -> memref<640x128xf32, #tpu.memory_space<vmem_shared>>
      tpu.enqueue_dma source(%dma_start3A_271 : memref<640x128xf32, #tpu.memory_space<vmem_shared>>) target(%dma_start3A_269 : memref<640x128xf32, #tpu.memory_space<hbm>>) target_semaphore(%run_scoped3A_266 : memref<!tpu.dma_semaphore, #tpu.memory_space<semaphore_mem>>)
      %dma_wait3A_272 = arith.constant 0 : i32
      %dma_wait3A_273 = tpu.memref_slice %arg5[%arg0, %mul3A_265, %dma_wait3A_272] : memref<2x10240x128xf32, #tpu.memory_space<hbm>> -> memref<1x640x128xf32, #tpu.memory_space<hbm>>
      %dma_wait3A_274 = tpu.memref_squeeze %dma_wait3A_273 : memref<1x640x128xf32, #tpu.memory_space<hbm>> -> memref<640x128xf32, #tpu.memory_space<hbm>>
      %dma_wait3A_275 = arith.constant 0 : i32
      %dma_wait3A_276 = tpu.memref_slice %arg10[%mul3A_263, %dma_wait3A_275] : memref<10240x128xf32, #tpu.memory_space<vmem_shared>> -> memref<640x128xf32, #tpu.memory_space<vmem_shared>>
      tpu.wait_dma2 semaphore(%run_scoped3A_266 : memref<!tpu.dma_semaphore, #tpu.memory_space<semaphore_mem>>) src(%dma_wait3A_276 : memref<640x128xf32, #tpu.memory_space<vmem_shared>>) dst(%dma_wait3A_274 : memref<640x128xf32, #tpu.memory_space<hbm>>)
      tpu.yield
    }) : () -> ()
    return
  }
}

module attributes {stable_mosaic.version = 14 : i64} {
  func.func @_gemm_scale_body(%arg0: i32, %arg1: memref<10000x128xf32, #tpu.memory_space<vmem>>, %arg2: memref<128x128xf32, #tpu.memory_space<vmem>>, %arg3: memref<10000x1xf32, #tpu.memory_space<vmem>>, %arg4: memref<10000x128xf32, #tpu.memory_space<vmem>>) attributes {dimension_semantics = [#tpu.dimension_semantics<arbitrary>], iteration_bounds = array<i64: 1>, scalar_prefetch = 0 : i64, scratch_operands = 0 : i64, tpu.core_type = #tpu.core_type<tc>, window_params = [{transform_indices = @transform_0, window_bounds = array<i64: 10000, 128>}, {pipeline_mode = #tpu.pipeline_mode<synchronous>, transform_indices = @transform_1, window_bounds = array<i64: 128, 128>}, {transform_indices = @transform_2, window_bounds = array<i64: 10000, 1>}, {transform_indices = @transform_3, window_bounds = array<i64: 10000, 128>}]} {
    %get3A = arith.constant 0 : index
    %get3A_0 = arith.constant 0 : index
    %get3A_1 = vector.load %arg1[%get3A, %get3A_0] : memref<10000x128xf32, #tpu.memory_space<vmem>>, vector<10000x128xf32>
    %get3A_2 = arith.constant 0 : index
    %get3A_3 = arith.constant 0 : index
    %get3A_4 = vector.load %arg2[%get3A_2, %get3A_3] : memref<128x128xf32, #tpu.memory_space<vmem>>, vector<128x128xf32>
    %dot_general3A = arith.constant dense<0.000000e+00> : vector<10000x128xf32>
    %dot_general3A_5 = tpu.matmul %get3A_1, %get3A_4, %dot_general3A {dimension_numbers = #tpu.dot_dimension_numbers<[1], [0], [0], [1], [0, 0, 1, 1], [], []>, transpose_lhs_hint = false} : vector<10000x128xf32>, vector<128x128xf32>, vector<10000x128xf32> -> vector<10000x128xf32>
    %get3A_6 = arith.constant 0 : index
    %get3A_7 = arith.constant 0 : index
    %get3A_8 = vector.load %arg3[%get3A_6, %get3A_7] : memref<10000x1xf32, #tpu.memory_space<vmem>>, vector<10000x1xf32>
    %add3A = arith.constant 1.000000e+00 : f32
    %add3A_9 = vector.broadcast %add3A : f32 to vector<10000x1xf32>
    %add3A_10 = arith.addf %get3A_8, %add3A_9 : vector<10000x1xf32>
    %rsqrt3A = math.rsqrt %add3A_10 : vector<10000x1xf32>
    %mul3A = vector.broadcast %rsqrt3A : vector<10000x1xf32> to vector<10000x128xf32>
    %mul3A_11 = arith.mulf %dot_general3A_5, %mul3A : vector<10000x128xf32>
    %swap3A = arith.constant 0 : index
    %swap3A_12 = arith.constant 0 : index
    %swap3A_13 = vector.load %arg4[%swap3A, %swap3A_12] : memref<10000x128xf32, #tpu.memory_space<vmem>>, vector<10000x128xf32>
    tpu.vector_store %arg4[%swap3A, %swap3A_12], %mul3A_11 {strides = array<i32>} : memref<10000x128xf32, #tpu.memory_space<vmem>>, vector<10000x128xf32>,
    return
  }
  func.func @transform_0(%arg0: i32) -> (i32, i32) {
    %c0_i32 = arith.constant 0 : i32
    %c0_i32_0 = arith.constant 0 : i32
    return %arg0, %c0_i32 : i32, i32
  }
  func.func @transform_1(%arg0: i32) -> (i32, i32) {
    %c0_i32 = arith.constant 0 : i32
    %c0_i32_0 = arith.constant 0 : i32
    %c0_i32_1 = arith.constant 0 : i32
    return %c0_i32, %c0_i32_0 : i32, i32
  }
  func.func @transform_2(%arg0: i32) -> (i32, i32) {
    %c0_i32 = arith.constant 0 : i32
    %c0_i32_0 = arith.constant 0 : i32
    return %arg0, %c0_i32 : i32, i32
  }
  func.func @transform_3(%arg0: i32) -> (i32, i32) {
    %c0_i32 = arith.constant 0 : i32
    %c0_i32_0 = arith.constant 0 : i32
    return %arg0, %c0_i32 : i32, i32
  }
}

module attributes {stable_mosaic.version = 14 : i64} {
  func.func @_mid_body(%arg0: i32, %arg1: memref<2x10000x128xf32, #tpu.memory_space<vmem>>, %arg2: memref<10000x128xf32, #tpu.memory_space<vmem>>, %arg3: memref<10000x1xf32, #tpu.memory_space<vmem>>, %arg4: memref<1x128xf32, #tpu.memory_space<vmem>>, %arg5: memref<128x128xf32, #tpu.memory_space<vmem>>, %arg6: memref<10000x128xf32, #tpu.memory_space<vmem>>) attributes {dimension_semantics = [#tpu.dimension_semantics<arbitrary>], iteration_bounds = array<i64: 1>, scalar_prefetch = 0 : i64, scratch_operands = 0 : i64, tpu.core_type = #tpu.core_type<tc>, window_params = [{transform_indices = @transform_0, window_bounds = array<i64: 2, 10000, 128>}, {transform_indices = @transform_1, window_bounds = array<i64: 10000, 128>}, {transform_indices = @transform_2, window_bounds = array<i64: 10000, 1>}, {pipeline_mode = #tpu.pipeline_mode<synchronous>, transform_indices = @transform_3, window_bounds = array<i64: 1, 128>}, {pipeline_mode = #tpu.pipeline_mode<synchronous>, transform_indices = @transform_4, window_bounds = array<i64: 128, 128>}, {transform_indices = @transform_5, window_bounds = array<i64: 10000, 128>}]} {
    %get3A = arith.constant 0 : index
    %get3A_0 = arith.constant 0 : index
    %get3A_1 = vector.load %arg3[%get3A, %get3A_0] : memref<10000x1xf32, #tpu.memory_space<vmem>>, vector<10000x1xf32>
    %add3A = arith.constant 1.000000e+00 : f32
    %add3A_2 = vector.broadcast %add3A : f32 to vector<10000x1xf32>
    %add3A_3 = arith.addf %get3A_1, %add3A_2 : vector<10000x1xf32>
    %rsqrt3A = math.rsqrt %add3A_3 : vector<10000x1xf32>
    %get3A_4 = arith.constant 0 : index
    %get3A_5 = arith.constant 0 : index
    %get3A_6 = arith.constant 0 : index
    %get3A_7 = vector.load %arg1[%get3A_4, %get3A_5, %get3A_6] : memref<2x10000x128xf32, #tpu.memory_space<vmem>>, vector<1x10000x128xf32>
    %get3A_8 = vector.shape_cast %get3A_7 : vector<1x10000x128xf32> to vector<10000x128xf32>
    %get3A_9 = arith.constant 1 : index
    %get3A_10 = arith.constant 0 : index
    %get3A_11 = arith.constant 0 : index
    %get3A_12 = vector.load %arg1[%get3A_9, %get3A_10, %get3A_11] : memref<2x10000x128xf32, #tpu.memory_space<vmem>>, vector<1x10000x128xf32>
    %get3A_13 = vector.shape_cast %get3A_12 : vector<1x10000x128xf32> to vector<10000x128xf32>
    %add3A_14 = arith.addf %get3A_8, %get3A_13 : vector<10000x128xf32>
    %get3A_15 = arith.constant 0 : index
    %get3A_16 = arith.constant 0 : index
    %get3A_17 = vector.load %arg2[%get3A_15, %get3A_16] : memref<10000x128xf32, #tpu.memory_space<vmem>>, vector<10000x128xf32>
    %add3A_18 = arith.addf %add3A_14, %get3A_17 : vector<10000x128xf32>
    %mul3A = vector.broadcast %rsqrt3A : vector<10000x1xf32> to vector<10000x128xf32>
    %mul3A_19 = arith.mulf %add3A_18, %mul3A : vector<10000x128xf32>
    %get3A_20 = arith.constant 0 : index
    %get3A_21 = arith.constant 0 : index
    %get3A_22 = vector.load %arg4[%get3A_20, %get3A_21] : memref<1x128xf32, #tpu.memory_space<vmem>>, vector<1x128xf32>
    %add3A_23 = vector.broadcast %get3A_22 : vector<1x128xf32> to vector<10000x128xf32>
    %add3A_24 = arith.addf %mul3A_19, %add3A_23 : vector<10000x128xf32>
    %max3A = arith.constant 0.000000e+00 : f32
    %max3A_25 = vector.broadcast %max3A : f32 to vector<10000x128xf32>
    %max3A_26 = arith.maximumf %add3A_24, %max3A_25 : vector<10000x128xf32>
    %get3A_27 = arith.constant 0 : index
    %get3A_28 = arith.constant 0 : index
    %get3A_29 = vector.load %arg5[%get3A_27, %get3A_28] : memref<128x128xf32, #tpu.memory_space<vmem>>, vector<128x128xf32>
    %dot_general3A = arith.constant dense<0.000000e+00> : vector<10000x128xf32>
    %dot_general3A_30 = tpu.matmul %max3A_26, %get3A_29, %dot_general3A {dimension_numbers = #tpu.dot_dimension_numbers<[1], [0], [0], [1], [0, 0, 1, 1], [], []>, transpose_lhs_hint = false} : vector<10000x128xf32>, vector<128x128xf32>, vector<10000x128xf32> -> vector<10000x128xf32>
    %mul3A_31 = vector.broadcast %rsqrt3A : vector<10000x1xf32> to vector<10000x128xf32>
    %mul3A_32 = arith.mulf %dot_general3A_30, %mul3A_31 : vector<10000x128xf32>
    %swap3A = arith.constant 0 : index
    %swap3A_33 = arith.constant 0 : index
    %swap3A_34 = vector.load %arg6[%swap3A, %swap3A_33] : memref<10000x128xf32, #tpu.memory_space<vmem>>, vector<10000x128xf32>
    tpu.vector_store %arg6[%swap3A, %swap3A_33], %mul3A_32 {strides = array<i32>} : memref<10000x128xf32, #tpu.memory_space<vmem>>, vector<10000x128xf32>,
    return
  }
  func.func @transform_0(%arg0: i32) -> (i32, i32, i32) {
    %c0_i32 = arith.constant 0 : i32
    %c0_i32_0 = arith.constant 0 : i32
    %c0_i32_1 = arith.constant 0 : i32
    return %c0_i32, %arg0, %c0_i32_0 : i32, i32, i32
  }
  func.func @transform_1(%arg0: i32) -> (i32, i32) {
    %c0_i32 = arith.constant 0 : i32
    %c0_i32_0 = arith.constant 0 : i32
    return %arg0, %c0_i32 : i32, i32
  }
  func.func @transform_2(%arg0: i32) -> (i32, i32) {
    %c0_i32 = arith.constant 0 : i32
    %c0_i32_0 = arith.constant 0 : i32
    return %arg0, %c0_i32 : i32, i32
  }
  func.func @transform_3(%arg0: i32) -> (i32, i32) {
    %c0_i32 = arith.constant 0 : i32
    %c0_i32_0 = arith.constant 0 : i32
    %c0_i32_1 = arith.constant 0 : i32
    return %c0_i32, %c0_i32_0 : i32, i32
  }
  func.func @transform_4(%arg0: i32) -> (i32, i32) {
    %c0_i32 = arith.constant 0 : i32
    %c0_i32_0 = arith.constant 0 : i32
    %c0_i32_1 = arith.constant 0 : i32
    return %c0_i32, %c0_i32_0 : i32, i32
  }
  func.func @transform_5(%arg0: i32) -> (i32, i32) {
    %c0_i32 = arith.constant 0 : i32
    %c0_i32_0 = arith.constant 0 : i32
    return %arg0, %c0_i32 : i32, i32
  }
}

module attributes {stable_mosaic.version = 14 : i64} {
  func.func @_final_body(%arg0: i32, %arg1: memref<2x10000x128xf32, #tpu.memory_space<vmem>>, %arg2: memref<10000x128xf32, #tpu.memory_space<vmem>>, %arg3: memref<10000x1xf32, #tpu.memory_space<vmem>>, %arg4: memref<1x128xf32, #tpu.memory_space<vmem>>, %arg5: memref<10000x128xf32, #tpu.memory_space<vmem>>) attributes {dimension_semantics = [#tpu.dimension_semantics<arbitrary>], iteration_bounds = array<i64: 1>, scalar_prefetch = 0 : i64, scratch_operands = 0 : i64, tpu.core_type = #tpu.core_type<tc>, window_params = [{transform_indices = @transform_0, window_bounds = array<i64: 2, 10000, 128>}, {transform_indices = @transform_1, window_bounds = array<i64: 10000, 128>}, {transform_indices = @transform_2, window_bounds = array<i64: 10000, 1>}, {pipeline_mode = #tpu.pipeline_mode<synchronous>, transform_indices = @transform_3, window_bounds = array<i64: 1, 128>}, {transform_indices = @transform_4, window_bounds = array<i64: 10000, 128>}]} {
    %get3A = arith.constant 0 : index
    %get3A_0 = arith.constant 0 : index
    %get3A_1 = arith.constant 0 : index
    %get3A_2 = vector.load %arg1[%get3A, %get3A_0, %get3A_1] : memref<2x10000x128xf32, #tpu.memory_space<vmem>>, vector<1x10000x128xf32>
    %get3A_3 = vector.shape_cast %get3A_2 : vector<1x10000x128xf32> to vector<10000x128xf32>
    %get3A_4 = arith.constant 1 : index
    %get3A_5 = arith.constant 0 : index
    %get3A_6 = arith.constant 0 : index
    %get3A_7 = vector.load %arg1[%get3A_4, %get3A_5, %get3A_6] : memref<2x10000x128xf32, #tpu.memory_space<vmem>>, vector<1x10000x128xf32>
    %get3A_8 = vector.shape_cast %get3A_7 : vector<1x10000x128xf32> to vector<10000x128xf32>
    %add3A = arith.addf %get3A_3, %get3A_8 : vector<10000x128xf32>
    %get3A_9 = arith.constant 0 : index
    %get3A_10 = arith.constant 0 : index
    %get3A_11 = vector.load %arg2[%get3A_9, %get3A_10] : memref<10000x128xf32, #tpu.memory_space<vmem>>, vector<10000x128xf32>
    %add3A_12 = arith.addf %add3A, %get3A_11 : vector<10000x128xf32>
    %get3A_13 = arith.constant 0 : index
    %get3A_14 = arith.constant 0 : index
    %get3A_15 = vector.load %arg3[%get3A_13, %get3A_14] : memref<10000x1xf32, #tpu.memory_space<vmem>>, vector<10000x1xf32>
    %add3A_16 = arith.constant 1.000000e+00 : f32
    %add3A_17 = vector.broadcast %add3A_16 : f32 to vector<10000x1xf32>
    %add3A_18 = arith.addf %get3A_15, %add3A_17 : vector<10000x1xf32>
    %rsqrt3A = math.rsqrt %add3A_18 : vector<10000x1xf32>
    %mul3A = vector.broadcast %rsqrt3A : vector<10000x1xf32> to vector<10000x128xf32>
    %mul3A_19 = arith.mulf %add3A_12, %mul3A : vector<10000x128xf32>
    %get3A_20 = arith.constant 0 : index
    %get3A_21 = arith.constant 0 : index
    %get3A_22 = vector.load %arg4[%get3A_20, %get3A_21] : memref<1x128xf32, #tpu.memory_space<vmem>>, vector<1x128xf32>
    %add3A_23 = vector.broadcast %get3A_22 : vector<1x128xf32> to vector<10000x128xf32>
    %add3A_24 = arith.addf %mul3A_19, %add3A_23 : vector<10000x128xf32>
    %swap3A = arith.constant 0 : index
    %swap3A_25 = arith.constant 0 : index
    %swap3A_26 = vector.load %arg5[%swap3A, %swap3A_25] : memref<10000x128xf32, #tpu.memory_space<vmem>>, vector<10000x128xf32>
    tpu.vector_store %arg5[%swap3A, %swap3A_25], %add3A_24 {strides = array<i32>} : memref<10000x128xf32, #tpu.memory_space<vmem>>, vector<10000x128xf32>,
    return
  }
  func.func @transform_0(%arg0: i32) -> (i32, i32, i32) {
    %c0_i32 = arith.constant 0 : i32
    %c0_i32_0 = arith.constant 0 : i32
    %c0_i32_1 = arith.constant 0 : i32
    return %c0_i32, %arg0, %c0_i32_0 : i32, i32, i32
  }
  func.func @transform_1(%arg0: i32) -> (i32, i32) {
    %c0_i32 = arith.constant 0 : i32
    %c0_i32_0 = arith.constant 0 : i32
    return %arg0, %c0_i32 : i32, i32
  }
  func.func @transform_2(%arg0: i32) -> (i32, i32) {
    %c0_i32 = arith.constant 0 : i32
    %c0_i32_0 = arith.constant 0 : i32
    return %arg0, %c0_i32 : i32, i32
  }
  func.func @transform_3(%arg0: i32) -> (i32, i32) {
    %c0_i32 = arith.constant 0 : i32
    %c0_i32_0 = arith.constant 0 : i32
    %c0_i32_1 = arith.constant 0 : i32
    return %c0_i32, %c0_i32_0 : i32, i32
  }
  func.func @transform_4(%arg0: i32) -> (i32, i32) {
    %c0_i32 = arith.constant 0 : i32
    %c0_i32_0 = arith.constant 0 : i32
    return %arg0, %c0_i32 : i32, i32
  }
}

</mosaic_0001>

<sc_bundles>
// kernel: kernel.11.cloned.1.call-start
scs
__scs_entry_jumppad:
0x0: {  	(pc) =	sbr.rel $0x88, $3  }
0x1: {  	(tag) =	ssettag $0x0;
	lr =	simm.s32 $0x1  }
0x2: {  	[smem:$0x3F9B] =	sst lr;
	_ =	strace $0xD0000000  }
0x3: {  	_ = 	snop  }
0x4: {  	_ = 	snop  }
0x5: {  	_ = 	snop  }
0x6: {  	_ = 	snop  }
0x7: {  	_ = 	snop  }
__scs_overlays_trampoline_lowered:
0x8: {  	[smem:$0x3FAA] =	sst s0  }
0x9: {  	[smem:$0x3FAB] =	sst s1  }
0xa: {  	[smem:$0x3FAC] =	sst s2  }
0xb: {  	[smem:$0x3FAD] =	sst s3  }
0xc: {  	[smem:$0x3FAE] =	sst s4  }
0xd: {  	[smem:$0x3FAF] =	sst s5  }
0xe: {  	[smem:$0x3FB0] =	sst s6  }
0xf: {  	[smem:$0x3FB1] =	sst s7  }
0x10: {  	[smem:$0x3FB2] =	sst s8  }
0x11: {  	[smem:$0x3FB3] =	sst s9;
	s0 =	simm.s32 @!p0 $0x0  }
0x12: {  	s1 =	sld [smem:$0x3F99];
	s0 =	simm.s32 @p0 $0x1  }
0x13: {  	[smem:$0x3FB4] =	sst s0;
	s0 =	simm.s32 @!p1 $0x0  }
0x14: {  	s2 =	sld [smem:$0x3F98];
	s0 =	simm.s32 @p1 $0x1  }
0x15: {  	[smem:$0x3FB5] =	sst s0;
	s0 =	simm.s32 @!p2 $0x0  }
0x16: {  	s3 =	sld [smem:$0x3FDB];
	s0 =	simm.s32 @p2 $0x1  }
0x17: {  	s4 =	simm.s32 $0x1BF5;
	[smem:$0x3FB7] =	sst s0  }
0x18: {  	s0 =	sld [smem:$0x3F9A];
	_ =	swait.ge [sflag:s4], $0x0  }
0x19: {  	s7 =	sld [smem:$0x3F9B]  }
0x1a: {  	s8 =	sadd.s32 $0xFFFFE003, lr  }
0x1b: {  	s9 =	sadd.s32 $0xFFFFFEF7, lr;
	s5 =	simm.s32 $0xFFFFFFFF;
	p2 =	slt.u32 s8, $0xFFFFF086  }
0x1c: {  	p1 =	slt.u32 s9, $0xF7A;
	s5 =	simm.s32 @!p2 $0x0  }
0x1d: {  	s5 =	simm.s32 @p1 $0x1;
	p0 =	seq.s32 s7, s2  }
0x1e: {  	s7 =	smul.u32 @!p0 $0xF7A, s2;
	p2 =	seq.s32 @!p0 s5, $0x0  }
0x1f: {  	s9 =	smul.u32 $0xF7A, s1;
	s8 =	simm.s32 @!p0 $0x1BF5;
	p2 =	por !p2, p0  }
0x20: {  	[sflag:s8] =	ssyncset.s32 @!p0 $0xFFFFF086;
	s6 =	sadd.s32 @!p0 s3, s7;
	s7 =	simm.s32 @!p0 $0x108  }
0x21: {  	s3 =	sadd.s32 s3, s9;
	s6 =	sadd.s32 @!p0 $0x88, s6;
	s7 =	simm.s32 @p2 $0x1082  }
0x22: {  	[simem:s7], [sflag:s8] =	dma.local @!p0 [hbm:s6], $0xF7A  }
0x23: {  	s9 =	sor.u32 $0xD0000000, s2;
	s6 =	simm.s32 $0x108;
	_ =	swait.ge @!p0 [sflag:s8], $0x0  }
0x24: {  	s3 =	sadd.s32 $0x88, s3;
	s6 =	simm.s32 @!p1 $0x1082;
	[sflag:s4] =	ssyncset.s32 $0xFFFFF086  }
0x25: {  	[simem:s6], [sflag:s4] =	dma.local [hbm:s3], $0xF7A  }
0x26: {  	[smem:$0x3F9B] =	sst s1;
	(tag) =	ssettag s2;
	_ =	strace s9  }
0x27: {  	s1 =	sld [smem:$0x3FAB]  }
0x28: {  	s2 =	sld [smem:$0x3FAC]  }
0x29: {  	s4 =	sld [smem:$0x3FAE]  }
0x2a: {  	p0 =	seq.s32 s5, $0x0;
	s5 =	sld [smem:$0x3FAF]  }
0x2b: {  	s6 =	sld [smem:$0x3FB0]  }
0x2c: {  	s7 =	sld [smem:$0x3FB1]  }
0x2d: {  	s3 =	simm.s32 $0x108;
	s8 =	sld [smem:$0x3FB2]  }
0x2e: {  	s3 =	simm.s32 @!p0 $0x1082;
	s9 =	sld [smem:$0x3FB3]  }
0x2f: {  	lr =	sadd.s32 s0, s3;
	s0 =	sld [smem:$0x3FAA]  }
0x30: {  	s3 =	sld [smem:$0x3FAD]  }
0x31: {  	[smem:$0x3FB6] =	sst s10  }
0x32: {  	s10 =	sld [smem:$0x3FB4];
	_ =	sdelay $0x3  }
0x33: {  	p0 =	seq.s32 s10, $0x1;
	s10 =	sld [smem:$0x3FB6];
	_ =	sdelay $0x3  }
0x34: {  	[smem:$0x3FB6] =	sst s10  }
0x35: {  	s10 =	sld [smem:$0x3FB5];
	_ =	sdelay $0x3  }
0x36: {  	p1 =	seq.s32 s10, $0x1;
	s10 =	sld [smem:$0x3FB6];
	_ =	sdelay $0x3  }
0x37: {  	[smem:$0x3FB6] =	sst s10  }
0x38: {  	s10 =	sld [smem:$0x3FB7]  }
0x39: {  	_ = 	snop;
	(pc) =	sbr.ind lr, $3  }
0x3a: {  	_ = 	snop  }
0x3b: {  	_ = 	snop  }
0x3c: {  	p2 =	seq.s32 s10, $0x1;
	s10 =	sld [smem:$0x3FB6]  }
0x3d: {  	_ =	shalt  }
0x3e: {  	_ =	shalt  }
0x3f: {  	_ =	shalt  }
0x40: {  	_ =	shalt  }
0x41: {  	_ =	shalt  }
0x42: {  	_ =	shalt  }
0x43: {  	_ =	shalt  }
0x44: {  	_ =	shalt  }
0x45: {  	_ =	shalt  }
0x46: {  	_ =	shalt  }
0x47: {  	_ =	shalt  }
0x48: {  	_ =	shalt  }
0x49: {  	_ =	shalt  }
0x4a: {  	_ =	shalt  }
0x4b: {  	_ =	shalt  }
0x4c: {  	_ =	shalt  }
0x4d: {  	_ =	shalt  }
0x4e: {  	_ =	shalt  }
0x4f: {  	_ =	shalt  }
0x50: {  	_ =	shalt  }
0x51: {  	_ =	shalt  }
0x52: {  	_ =	shalt  }
0x53: {  	_ =	shalt  }
0x54: {  	_ =	shalt  }
0x55: {  	_ =	shalt  }
0x56: {  	_ =	shalt  }
0x57: {  	_ =	shalt  }
0x58: {  	_ =	shalt  }
0x59: {  	_ =	shalt  }
0x5a: {  	_ =	shalt  }
0x5b: {  	_ =	shalt  }
0x5c: {  	_ =	shalt  }
0x5d: {  	_ =	shalt  }
0x5e: {  	_ =	shalt  }
0x5f: {  	_ =	shalt  }
0x60: {  	_ =	shalt  }
0x61: {  	_ =	shalt  }
0x62: {  	_ =	shalt  }
0x63: {  	_ =	shalt  }
0x64: {  	_ =	shalt  }
0x65: {  	_ =	shalt  }
0x66: {  	_ =	shalt  }
0x67: {  	_ =	shalt  }
0x68: {  	_ =	shalt  }
0x69: {  	_ =	shalt  }
0x6a: {  	_ =	shalt  }
0x6b: {  	_ =	shalt  }
0x6c: {  	_ =	shalt  }
0x6d: {  	_ =	shalt  }
0x6e: {  	_ =	shalt  }
0x6f: {  	_ =	shalt  }
0x70: {  	_ =	shalt  }
0x71: {  	_ =	shalt  }
0x72: {  	_ =	shalt  }
0x73: {  	_ =	shalt  }
0x74: {  	_ =	shalt  }
0x75: {  	_ =	shalt  }
0x76: {  	_ =	shalt  }
0x77: {  	_ =	shalt  }
0x78: {  	_ =	shalt  }
0x79: {  	_ =	shalt  }
0x7a: {  	_ =	shalt  }
0x7b: {  	_ =	shalt  }
0x7c: {  	_ =	shalt  }
0x7d: {  	_ =	shalt  }
0x7e: {  	_ =	shalt  }
0x7f: {  	_ =	shalt  }
0x80: {  	_ =	shalt  }
0x81: {  	_ =	shalt  }
0x82: {  	_ =	shalt  }
0x83: {  	_ =	shalt  }
0x84: {  	_ =	shalt  }
0x85: {  	_ =	shalt  }
0x86: {  	_ =	shalt  }
0x87: {  	_ =	shalt  }
.Lfunc_end0:
.L_simem_size_0:
called_computation.1_lowered:
.L_overlay_start_0:
0x88: {  	s2 =	sld [smem:$0x3FD9]  }
0x89: {  	s3 =	sld [smem:$0x3FFE];
	_ =	sdelay $0x1  }
0x8a: {  	s1 =	srdreg.scid  }
0x8b: {  	s0 =	sand.u32 $0x1, s1  }
0x8c: {  	s17 =	sshll.u32 s0, $0xA;
	s2 =	sadd.s32 s3, s2  }
0x8d: {  	s2 =	sadd.s32 s2, s17  }
0x8e: {  	[smem:$0x3FC2] =	sst s2  }
0x8f: {  	_ = 	snop  }
0x90: {  	s2 =	sld [smem:$0x3FD0];
	(tm) =	ssettm $0x1  }
0x91: {  	s18 =	sld [smem:$0x3FFB];
	_ =	sdelay $0x3  }
0x92: {  	_ =	strace s18  }
0x93: {  	s3 =	sld [smem:$0x3FFC];
	_ =	sdelay $0x3  }
0x94: {  	_ =	strace s3  }
0x95: {  	s3 =	sld [smem:$0x3FFD];
	_ =	sdelay $0x3  }
0x96: {  	_ =	strace s3  }
0x97: {  	_ =	strace $0x8FFFFFFF  }
0x98: {  	s19 =	sld [smem:$0x3FDB];
	_ =	sdelay $0x1  }
0x99: {  	s4 =	simm.s32 $_scs_section_size  }
0x9a: {  	s5 =	simm.s32 $_size__tile_overlayer_lowered;
	s6 =	simm.s32 $_tile_overlayer_lowered  }
0x9b: {  	s22 =	simm.s32 $0x1BFF;
	s21 =	sshll.u32 s6, $0x1;
	s3 =	sadd.s32 s4, s19  }
0x9c: {  	s7 =	simm.s32 $0x0;
	s20 =	sshll.u32 s5, $0x1;
	s5 =	sadd.s32 s21, s3  }
0x9d: {  	[timem:s7], [sflag:s22] =	dma.local [hbm:s5], s20  }
0x9e: {  	_ =	swait.ge [sflag:s22], s20  }
0x9f: {  	s4 =	ssub.s32 $0x0, s20;
	[sflag:s22] =	ssyncset.done $0x0  }
0xa0: {  	[sflag:s22] =	ssyncadd.s32 s4;
	_ =	sdelay $0x1  }
0xa1: {  	s23 =	simm.s32 $0x1B8B  }
0xa2: {  	_ =	swait.ge [sflag:s23], $0x1  }
0xa3: {  	[sflag:s23] =	ssyncset.done $0x0  }
0xa4: {  	s25 =	simm.s32 $0x1B8E;
	s24 =	sld [smem:$0x3FFE];
	[sflag:s23] =	ssyncadd.s32 $0xFFFFFFFF  }
0xa5: {  	s26 =	simm.s32 $execute0_lowered;
	[smem:$0x3FD2] =	sst s25  }
0xa6: {  	s5 =	sshll.u32 s26, $0x1;
	_ =	strace $0x80000049;
	[dreg:$0x1] =	wrdreg $0xFFFFFFFF  }
0xa7: {  	s28 =	simm.s32 $_size_execute0_lowered;
	s3 =	sadd.s32 s3, s5;
	[dreg:$0x0] =	wrdreg $0x0  }
0xa8: {  	s5 =	sshll.u32 s28, $0x1;
	[dreg:$0x2] =	wrdreg s3  }
0xa9: {  	[dreg:$0x3] =	wrdreg s5  }
0xaa: {  	[dreg:$0x4] =	wrdreg $0xC0  }
0xab: {  	_ =	task [dreg:s7], $0x5FFFF  }
0xac: {  	[dreg:$0x1] =	wrdreg $0xFFFFFFFF  }
0xad: {  	[dreg:$0x0] =	wrdreg $0x60  }
0xae: {  	[dreg:$0x2] =	wrdreg s2  }
0xaf: {  	[dreg:$0x3] =	wrdreg s24  }
0xb0: {  	[dreg:$0x4] =	wrdreg $0xB8000  }
0xb1: {  	[dreg:$0x5] =	wrdreg $0x9  }
0xb2: {  	_ =	task.clear_ibuf [dreg:s7], $0x6FFFF;
	_ =	strace $0x90000049  }
0xb3: {  	s29 =	simm.s32 $0x9;
	_ =	strace $0x8000004B  }
0xb4: {  	_ =	swait.ge [sflag:s29], $0x1  }
0xb5: {  	[sflag:s29] =	ssyncadd.s32 $0xFFFFFFFF  }
0xb6: {  	_ =	strace $0x9000004B  }
0xb7: {  	_ =	sfence  }
0xb8: {  	s30 =	sld [smem:$0x0];
	_ =	sdelay $0x2  }
0xb9: {  	s31 =	sshll.u32 s1, $0xD;
	s1 =	sshrl.u32 s1, $0x2  }
0xba: {  	s3 =	sand.u32 $0x4000, s31;
	s1 =	sadd.s32 s1, s30  }
0xbb: {  	s0 =	sor.u32 s3, s0;
	s1 =	sshll.u32 s1, $0x11  }
0xbc: {  	s0 =	sor.u32 s1, s0  }
0xbd: {  	s0 =	sadd.s32 $0x8F2B, s0  }
0xbe: {  	[sflag:s0] =	ssyncadd.remote.s32 $0x1  }
0xbf: {  	_ =	sfence.sel $0xFFFF  }
0xc0: {  	[dreg:$0x0] =	wrdreg $0xFFFFFFFF;
	(pc) =	sbr.abs _section_cstart, $3  }
0xc1: {  	[dreg:$0x1] =	wrdreg $0xFFFFFFFF  }
0xc2: {  	_ =	task.clear_ibuf [dreg:s7], $0x2FFFF;
	_ =	strace $0x9FFFFFFF  }
0xc3: {  	(tm) =	ssettm $0x7FFFFFFF  }
tec
execute0_lowered:
.L_overlay_start_1:
0x0: {  	(tag) =	ssettag $0x1  }
0x1: {  	s1 =	rddreg [dreg:$0x0]  }
0x2: {  	s0 =	srdreg.scid;
	s4 =	rddreg [dreg:$0x1]  }
0x3: {  	s5 =	stileid.u32;
	s3 =	rddreg [dreg:$0x2]  }
0x4: {  	s15 =	simm.s32 $0x0;
	s28 =	simm.s32 $0x2;
	s8 =	simm.s32 $0x3300  }
0x5: {  	s9 =	simm.s32 $0x3380;
	s10 =	simm.s32 $0x3400;
	s11 =	simm.s32 $0x3480  }
0x6: {  	s12 =	simm.s32 $0x3500;
	s13 =	simm.s32 $0x3580;
	s14 =	simm.s32 $0x3600  }
0x7: {  	s30 =	simm.s32 $0x3680;
	s0 =	sand.u32 $0x1, s0;
	s7 =	smul.u32 $0x14000, s5  }
0x8: {  	s2 =	sshll.u32 s5, $0x1;
	[smem:$0x7FF] =	sst s15;
	s16 =	smul.u32 $0x50000, s5  }
0x9: {  	s5 =	simm.s32 $0x3200;
	s2 =	sor.u32 s0, s2;
	s6 =	smul.u32 $0x140000, s0  }
0xa: {  	_ =	strace $0x8000004A;
	s0 =	ssub.s32 $0x2, s0;
	s2 =	smul.u32 $0x2800, s2  }
0xb: {  	s17 =	sshrl.u32 s0, $0x1;
	s18 =	sshrl.u32 s16, $0x2;
	s6 =	sadd.s32 s7, s6  }
0xc: {  	s0 =	ssub.s32 s0, s17;
	s21 =	sadd.s32 s18, s3;
	s17 =	simm.s32 $0x0  }
0xd: {  	s7 =	simm.s32 $0x3000;
	s22 =	sadd.s32 $0x8000, s21;
	[dreg:$0x10] =	wrdreg s21  }
0xe: {  	s2 =	sshrl.u32 s2, $0x3;
	s23 =	sadd.s32 $0xC000, s21;
	[dreg:$0x7] =	wrdreg s22  }
0xf: {  	s6 =	sshrl.u32 s6, $0x3;
	s24 =	sadd.s32 $0x10000, s21;
	[dreg:$0x8] =	wrdreg s23  }
0x10: {  	s0 =	smax.u32 s0, $0x1;
	s2 =	sadd.s32 s2, s4;
	[dreg:$0x9] =	wrdreg s24  }
0x11: {  	s4 =	sadd.s32 s6, s4;
	s6 =	sadd.s32 $0x4000, s21;
	[dreg:$0xf] =	wrdreg s0  }
0x12: {  	s18 =	simm.s32 $0x3780;
	s19 =	sadd.s32 $0xC400, s2;
	[dreg:$0x6] =	wrdreg s6  }
0x13: {  	s21 =	simm.s32 $0x1;
	s20 =	sadd.s32 $0x2400, s2;
	[dreg:$0x4] =	wrdreg s19  }
0x14: {  	s23 =	simm.s32 $0x80;
	s25 =	sadd.s32 $0x2500, s2;
	[dreg:$0x5] =	wrdreg s20  }
0x15: {  	s22 =	simm.s32 $0x0;
	s26 =	sadd.s32 $0x2600, s2;
	[dreg:$0xa] =	wrdreg s25  }
0x16: {  	s24 =	simm.s32 $0x3700;
	s29 =	sadd.s32 $0x2700, s2;
	[dreg:$0xb] =	wrdreg s26  }
0x17: {  	s2 =	sadd.s32 $0x2800, s2;
	s31 =	sadd.s32 $0x16400, s4;
	[dreg:$0xc] =	wrdreg s29  }
0x18: {  	s4 =	simm.s32 $0x3180;
	s6 =	simm.s32 $0x3280;
	[dreg:$0xd] =	wrdreg s2  }
0x19: {  	[dreg:$0xe] =	wrdreg s31;
	s26 =	simm.s32 $0x2800;
	s19 =	simm.s32 $0x3800  }
0x1a: {  	v0 =	vimm.f32 $0.0e+00;
	s20 =	simm.s32 $0x5;
	s25 =	simm.s32 $0x7800;
	s2 =	simm.s32 $0x3  }
.LBB2_1:
0x1b: {  	s16 =	rddreg [dreg:$0x4]  }
0x1c: {  	[tilespmem:s15], [sflag:$0x1] =	stream.linear.gather [hbm4b:s16+s15], $0x2800, $0x38;
	[tilespmem:$0x1F800] =	vst v63  }
0x1d: {  	s31 =	rddreg [dreg:$0x5];
	s29 =	simm.s32 $0x200;
	s16 =	simm.s32 $0x0  }
0x1e: {  	[tilespmem:s26], [sflag:$0x3] =	stream.linear.gather [hbm4b:s31+s15], $0x800, $0x38;
	[tilespmem:$0x1F800] =	vst v63  }
.LBB2_2:
0x1f: {  	p0 =	sne.s32 s29, $0xFE00;
	[tilespmem:s16+$0x3870] =	vst v0  }
0x20: {  	[tilespmem:s16+$0x3800] =	vst v0  }
0x21: {  	[tilespmem:s16+$0x3810] =	vst v0  }
.Ltmp0:
0x22: {  	[tilespmem:s16+$0x3820] =	vst v0;
	(pc) =	sbr.rel @p0 .LBB2_2-.Ltmp0, $4  }
0x23: {  	[tilespmem:s16+$0x3830] =	vst v0  }
0x24: {  	[tilespmem:s16+$0x3840] =	vst v0  }
0x25: {  	[tilespmem:s16+$0x3850] =	vst v0  }
0x26: {  	[tilespmem:s16+$0x3860] =	vst v0;
	s16 =	sshra.s32 s29, $0x2;
	s29 =	sadd.s32 $0x200, s29  }
0x27: {  	[tilespmem:s16+$0x3870] =	vst v0  }
0x28: {  	[tilespmem:s16+$0x3800] =	vst v0  }
0x29: {  	[tilespmem:s16+$0x3810] =	vst v0  }
0x2a: {  	[tilespmem:s16+$0x3820] =	vst v0  }
0x2b: {  	[tilespmem:s16+$0x3830] =	vst v0  }
0x2c: {  	[tilespmem:s16+$0x3840] =	vst v0  }
0x2d: {  	[tilespmem:s16+$0x3850] =	vst v0  }
0x2e: {  	[tilespmem:s16+$0x3860] =	vst v0;
	s31 =	rddreg [dreg:$0x10]  }
0x2f: {  	[spmem:s31] =	stream.linear.scatter [tilespmem:s19], [sflag:$0x5], $0x4000, $0x38;
	[tilespmem:$0x1F800] =	vst v63  }
0x30: {  	_ =	swait.ge [sflag:s20], $0x4000  }
0x31: {  	[sflag:s20] =	ssyncset.done $0x0  }
0x32: {  	s0 =	rddreg [dreg:$0x6];
	[sflag:s20] =	ssyncadd.s32 $0xFFFFC000  }
0x33: {  	[spmem:s0] =	stream.linear.scatter [tilespmem:s19], [sflag:$0x5], $0x4000, $0x38;
	[tilespmem:$0x1F800] =	vst v63  }
0x34: {  	_ =	swait.ge [sflag:s20], $0x4000  }
0x35: {  	[sflag:s20] =	ssyncset.done $0x0  }
0x36: {  	s29 =	rddreg [dreg:$0x7];
	[sflag:s20] =	ssyncadd.s32 $0xFFFFC000  }
0x37: {  	[spmem:s29] =	stream.linear.scatter [tilespmem:s19], [sflag:$0x5], $0x4000, $0x38;
	[tilespmem:$0x1F800] =	vst v63  }
0x38: {  	_ =	swait.ge [sflag:s20], $0x4000  }
0x39: {  	[sflag:s20] =	ssyncset.done $0x0  }
0x3a: {  	s0 =	rddreg [dreg:$0x8];
	[sflag:s20] =	ssyncadd.s32 $0xFFFFC000  }
0x3b: {  	[spmem:s0] =	stream.linear.scatter [tilespmem:s19], [sflag:$0x5], $0x4000, $0x38;
	[tilespmem:$0x1F800] =	vst v63  }
0x3c: {  	_ =	swait.ge [sflag:s20], $0x4000  }
0x3d: {  	[sflag:s20] =	ssyncset.done $0x0  }
0x3e: {  	s29 =	rddreg [dreg:$0x9];
	[sflag:s20] =	ssyncadd.s32 $0xFFFFC000  }
0x3f: {  	[spmem:s29] =	stream.linear.scatter [tilespmem:s19], [sflag:$0x5], $0x4000, $0x38;
	[tilespmem:$0x1F800] =	vst v63  }
0x40: {  	_ =	swait.ge [sflag:s20], $0x4000  }
0x41: {  	[sflag:s20] =	ssyncset.done $0x0  }
0x42: {  	[sflag:s20] =	ssyncadd.s32 $0xFFFFC000  }
0x43: {  	_ =	swait.ge [sflag:s21], $0x2800  }
0x44: {  	[sflag:s21] =	ssyncset.done $0x0  }
0x45: {  	[sflag:s21] =	ssyncadd.s32 $0xFFFFD800  }
0x46: {  	_ =	swait.ge [sflag:s2], $0x800  }
0x47: {  	[sflag:s2] =	ssyncset.done $0x0  }
0x48: {  	[sflag:s2] =	ssyncadd.s32 $0xFFFFF800  }
0x49: {  	[bflag:$0x0] =	sbarrier.arrive $0xFFFF  }
0x4a: {  	[tilespmem:s19], [sflag:$0x1] =	stream.indirect.gather [hbm4b:s1+s23], $0x80, s15, s23, $0xb8;
	[tilespmem:$0x1F800] =	vst v63  }
0x4b: {  	s0 =	rddreg [dreg:$0xa]  }
0x4c: {  	[tilespmem:s7], [sflag:$0x4] =	stream.linear.gather [hbm4b:s0+s15], $0x800, $0x38;
	[tilespmem:$0x1F800] =	vst v63  }
0x4d: {  	_ = 	snop  }
0x4e: {  	[tilespmem:s25], [sflag:$0x2] =	stream.indirect.gather [hbm4b:s1+s23], $0x80, s23, s23, $0xb8;
	[tilespmem:$0x1F800] =	vst v63  }
0x4f: {  	_ =	swait.ge [sflag:s21], $0x4000  }
0x50: {  	[sflag:s21] =	ssyncset.done $0x0  }
0x51: {  	[sflag:s21] =	ssyncadd.s32 $0xFFFFC000  }
0x52: {  	[spmem:s3] =	stream.indirect.scatter.add.f32 [tilespmem:s19], [sflag:$0x5], $0x80, s26, s23, $0xb8;
	[tilespmem:$0x1F800] =	vst v63  }
0x53: {  	_ =	swait.ge [sflag:s20], $0x4000  }
0x54: {  	[sflag:s20] =	ssyncset.done $0x0  }
0x55: {  	s29 =	simm.s32 $0x100;
	[sflag:s20] =	ssyncadd.s32 $0xFFFFC000  }
0x56: {  	[tilespmem:s19], [sflag:$0x1] =	stream.indirect.gather [hbm4b:s1+s23], $0x80, s29, s23, $0xb8;
	[tilespmem:$0x1F800] =	vst v63  }
0x57: {  	_ =	swait.ge [sflag:s28], $0x4000  }
0x58: {  	[sflag:s28] =	ssyncset.done $0x0  }
0x59: {  	s0 =	simm.s32 $0x2880;
	[sflag:s28] =	ssyncadd.s32 $0xFFFFC000  }
0x5a: {  	[spmem:s3] =	stream.indirect.scatter.add.f32 [tilespmem:s25], [sflag:$0x5], $0x80, s0, s23, $0xb8;
	[tilespmem:$0x1F800] =	vst v63  }
0x5b: {  	_ =	swait.ge [sflag:s20], $0x4000  }
0x5c: {  	[sflag:s20] =	ssyncset.done $0x0  }
0x5d: {  	s0 =	simm.s32 $0x180;
	[sflag:s20] =	ssyncadd.s32 $0xFFFFC000  }
0x5e: {  	[tilespmem:s25], [sflag:$0x2] =	stream.indirect.gather [hbm4b:s1+s23], $0x80, s0, s23, $0xb8;
	[tilespmem:$0x1F800] =	vst v63  }
0x5f: {  	_ =	swait.ge [sflag:s21], $0x4000  }
0x60: {  	[sflag:s21] =	ssyncset.done $0x0  }
0x61: {  	s29 =	simm.s32 $0x2900;
	[sflag:s21] =	ssyncadd.s32 $0xFFFFC000  }
0x62: {  	[spmem:s3] =	stream.indirect.scatter.add.f32 [tilespmem:s19], [sflag:$0x5], $0x80, s29, s23, $0xb8;
	[tilespmem:$0x1F800] =	vst v63  }
0x63: {  	_ =	swait.ge [sflag:s20], $0x4000  }
0x64: {  	[sflag:s20] =	ssyncset.done $0x0  }
0x65: {  	s0 =	simm.s32 $0x200;
	[sflag:s20] =	ssyncadd.s32 $0xFFFFC000  }
0x66: {  	[tilespmem:s19], [sflag:$0x1] =	stream.indirect.gather [hbm4b:s1+s23], $0x80, s0, s23, $0xb8;
	[tilespmem:$0x1F800] =	vst v63  }
0x67: {  	_ =	swait.ge [sflag:s28], $0x4000  }
0x68: {  	[sflag:s28] =	ssyncset.done $0x0  }
0x69: {  	s29 =	simm.s32 $0x2980;
	[sflag:s28] =	ssyncadd.s32 $0xFFFFC000  }
0x6a: {  	[spmem:s3] =	stream.indirect.scatter.add.f32 [tilespmem:s25], [sflag:$0x5], $0x80, s29, s23, $0xb8;
	[tilespmem:$0x1F800] =	vst v63  }
0x6b: {  	_ =	swait.ge [sflag:s20], $0x4000  }
0x6c: {  	[sflag:s20] =	ssyncset.done $0x0  }
0x6d: {  	s0 =	simm.s32 $0x280;
	[sflag:s20] =	ssyncadd.s32 $0xFFFFC000  }
0x6e: {  	[tilespmem:s25], [sflag:$0x2] =	stream.indirect.gather [hbm4b:s1+s23], $0x80, s0, s23, $0xb8;
	[tilespmem:$0x1F800] =	vst v63  }
0x6f: {  	_ =	swait.ge [sflag:s21], $0x4000  }
0x70: {  	[sflag:s21] =	ssyncset.done $0x0  }
0x71: {  	s29 =	simm.s32 $0x2A00;
	[sflag:s21] =	ssyncadd.s32 $0xFFFFC000  }
0x72: {  	[spmem:s3] =	stream.indirect.scatter.add.f32 [tilespmem:s19], [sflag:$0x5], $0x80, s29, s23, $0xb8;
	[tilespmem:$0x1F800] =	vst v63  }
0x73: {  	_ =	swait.ge [sflag:s20], $0x4000  }
0x74: {  	[sflag:s20] =	ssyncset.done $0x0  }
0x75: {  	s0 =	simm.s32 $0x300;
	[sflag:s20] =	ssyncadd.s32 $0xFFFFC000  }
0x76: {  	[tilespmem:s19], [sflag:$0x1] =	stream.indirect.gather [hbm4b:s1+s23], $0x80, s0, s23, $0xb8;
	[tilespmem:$0x1F800] =	vst v63  }
0x77: {  	_ =	swait.ge [sflag:s28], $0x4000  }
0x78: {  	[sflag:s28] =	ssyncset.done $0x0  }
0x79: {  	s29 =	simm.s32 $0x2A80;
	[sflag:s28] =	ssyncadd.s32 $0xFFFFC000  }
0x7a: {  	[spmem:s3] =	stream.indirect.scatter.add.f32 [tilespmem:s25], [sflag:$0x5], $0x80, s29, s23, $0xb8;
	[tilespmem:$0x1F800] =	vst v63  }
0x7b: {  	_ =	swait.ge [sflag:s20], $0x4000  }
0x7c: {  	[sflag:s20] =	ssyncset.done $0x0  }
0x7d: {  	s0 =	simm.s32 $0x380;
	[sflag:s20] =	ssyncadd.s32 $0xFFFFC000  }
0x7e: {  	[tilespmem:s25], [sflag:$0x2] =	stream.indirect.gather [hbm4b:s1+s23], $0x80, s0, s23, $0xb8;
	[tilespmem:$0x1F800] =	vst v63  }
0x7f: {  	_ =	swait.ge [sflag:s21], $0x4000  }
0x80: {  	[sflag:s21] =	ssyncset.done $0x0  }
0x81: {  	s29 =	simm.s32 $0x2B00;
	[sflag:s21] =	ssyncadd.s32 $0xFFFFC000  }
0x82: {  	[spmem:s3] =	stream.indirect.scatter.add.f32 [tilespmem:s19], [sflag:$0x5], $0x80, s29, s23, $0xb8;
	[tilespmem:$0x1F800] =	vst v63  }
0x83: {  	_ =	swait.ge [sflag:s20], $0x4000  }
0x84: {  	[sflag:s20] =	ssyncset.done $0x0  }
0x85: {  	s0 =	simm.s32 $0x400;
	[sflag:s20] =	ssyncadd.s32 $0xFFFFC000  }
0x86: {  	[tilespmem:s19], [sflag:$0x1] =	stream.indirect.gather [hbm4b:s1+s23], $0x80, s0, s23, $0xb8;
	[tilespmem:$0x1F800] =	vst v63  }
0x87: {  	_ =	swait.ge [sflag:s28], $0x4000  }
0x88: {  	[sflag:s28] =	ssyncset.done $0x0  }
0x89: {  	s29 =	simm.s32 $0x2B80;
	[sflag:s28] =	ssyncadd.s32 $0xFFFFC000  }
0x8a: {  	[spmem:s3] =	stream.indirect.scatter.add.f32 [tilespmem:s25], [sflag:$0x5], $0x80, s29, s23, $0xb8;
	[tilespmem:$0x1F800] =	vst v63  }
0x8b: {  	_ =	swait.ge [sflag:s20], $0x4000  }
0x8c: {  	[sflag:s20] =	ssyncset.done $0x0  }
0x8d: {  	s0 =	simm.s32 $0x480;
	[sflag:s20] =	ssyncadd.s32 $0xFFFFC000  }
0x8e: {  	[tilespmem:s25], [sflag:$0x2] =	stream.indirect.gather [hbm4b:s1+s23], $0x80, s0, s23, $0xb8;
	[tilespmem:$0x1F800] =	vst v63  }
0x8f: {  	_ =	swait.ge [sflag:s21], $0x4000  }
0x90: {  	[sflag:s21] =	ssyncset.done $0x0  }
0x91: {  	s29 =	simm.s32 $0x2C00;
	[sflag:s21] =	ssyncadd.s32 $0xFFFFC000  }
0x92: {  	[spmem:s3] =	stream.indirect.scatter.add.f32 [tilespmem:s19], [sflag:$0x5], $0x80, s29, s23, $0xb8;
	[tilespmem:$0x1F800] =	vst v63  }
0x93: {  	_ =	swait.ge [sflag:s20], $0x4000  }
0x94: {  	[sflag:s20] =	ssyncset.done $0x0  }
0x95: {  	s0 =	simm.s32 $0x500;
	[sflag:s20] =	ssyncadd.s32 $0xFFFFC000  }
0x96: {  	[tilespmem:s19], [sflag:$0x1] =	stream.indirect.gather [hbm4b:s1+s23], $0x80, s0, s23, $0xb8;
	[tilespmem:$0x1F800] =	vst v63  }
0x97: {  	_ =	swait.ge [sflag:s28], $0x4000  }
0x98: {  	[sflag:s28] =	ssyncset.done $0x0  }
0x99: {  	s29 =	simm.s32 $0x2C80;
	[sflag:s28] =	ssyncadd.s32 $0xFFFFC000  }
0x9a: {  	[spmem:s3] =	stream.indirect.scatter.add.f32 [tilespmem:s25], [sflag:$0x5], $0x80, s29, s23, $0xb8;
	[tilespmem:$0x1F800] =	vst v63  }
0x9b: {  	_ =	swait.ge [sflag:s20], $0x4000  }
0x9c: {  	[sflag:s20] =	ssyncset.done $0x0  }
0x9d: {  	s0 =	simm.s32 $0x580;
	[sflag:s20] =	ssyncadd.s32 $0xFFFFC000  }
0x9e: {  	[tilespmem:s25], [sflag:$0x2] =	stream.indirect.gather [hbm4b:s1+s23], $0x80, s0, s23, $0xb8;
	[tilespmem:$0x1F800] =	vst v63  }
0x9f: {  	_ =	swait.ge [sflag:s21], $0x4000  }
0xa0: {  	[sflag:s21] =	ssyncset.done $0x0  }
0xa1: {  	s29 =	simm.s32 $0x2D00;
	[sflag:s21] =	ssyncadd.s32 $0xFFFFC000  }
0xa2: {  	[spmem:s3] =	stream.indirect.scatter.add.f32 [tilespmem:s19], [sflag:$0x5], $0x80, s29, s23, $0xb8;
	[tilespmem:$0x1F800] =	vst v63  }
0xa3: {  	_ =	swait.ge [sflag:s20], $0x4000  }
0xa4: {  	[sflag:s20] =	ssyncset.done $0x0  }
0xa5: {  	s0 =	simm.s32 $0x600;
	[sflag:s20] =	ssyncadd.s32 $0xFFFFC000  }
0xa6: {  	[tilespmem:s19], [sflag:$0x1] =	stream.indirect.gather [hbm4b:s1+s23], $0x80, s0, s23, $0xb8;
	[tilespmem:$0x1F800] =	vst v63  }
0xa7: {  	_ =	swait.ge [sflag:s28], $0x4000  }
0xa8: {  	[sflag:s28] =	ssyncset.done $0x0  }
0xa9: {  	s29 =	simm.s32 $0x2D80;
	[sflag:s28] =	ssyncadd.s32 $0xFFFFC000  }
0xaa: {  	[spmem:s3] =	stream.indirect.scatter.add.f32 [tilespmem:s25], [sflag:$0x5], $0x80, s29, s23, $0xb8;
	[tilespmem:$0x1F800] =	vst v63  }
0xab: {  	_ =	swait.ge [sflag:s20], $0x4000  }
0xac: {  	[sflag:s20] =	ssyncset.done $0x0  }
0xad: {  	s0 =	simm.s32 $0x680;
	[sflag:s20] =	ssyncadd.s32 $0xFFFFC000  }
0xae: {  	[tilespmem:s25], [sflag:$0x2] =	stream.indirect.gather [hbm4b:s1+s23], $0x80, s0, s23, $0xb8;
	[tilespmem:$0x1F800] =	vst v63  }
0xaf: {  	_ =	swait.ge [sflag:s21], $0x4000  }
0xb0: {  	[sflag:s21] =	ssyncset.done $0x0  }
0xb1: {  	s29 =	simm.s32 $0x2E00;
	[sflag:s21] =	ssyncadd.s32 $0xFFFFC000  }
0xb2: {  	[spmem:s3] =	stream.indirect.scatter.add.f32 [tilespmem:s19], [sflag:$0x5], $0x80, s29, s23, $0xb8;
	[tilespmem:$0x1F800] =	vst v63  }
0xb3: {  	_ =	swait.ge [sflag:s20], $0x4000  }
0xb4: {  	[sflag:s20] =	ssyncset.done $0x0  }
0xb5: {  	s0 =	simm.s32 $0x700;
	[sflag:s20] =	ssyncadd.s32 $0xFFFFC000  }
0xb6: {  	[tilespmem:s19], [sflag:$0x1] =	stream.indirect.gather [hbm4b:s1+s23], $0x80, s0, s23, $0xb8;
	[tilespmem:$0x1F800] =	vst v63  }
0xb7: {  	_ =	swait.ge [sflag:s28], $0x4000  }
0xb8: {  	[sflag:s28] =	ssyncset.done $0x0  }
0xb9: {  	s29 =	simm.s32 $0x2E80;
	[sflag:s28] =	ssyncadd.s32 $0xFFFFC000  }
0xba: {  	[spmem:s3] =	stream.indirect.scatter.add.f32 [tilespmem:s25], [sflag:$0x5], $0x80, s29, s23, $0xb8;
	[tilespmem:$0x1F800] =	vst v63  }
0xbb: {  	_ =	swait.ge [sflag:s20], $0x4000  }
0xbc: {  	[sflag:s20] =	ssyncset.done $0x0  }
0xbd: {  	s0 =	simm.s32 $0x780;
	[sflag:s20] =	ssyncadd.s32 $0xFFFFC000  }
0xbe: {  	[tilespmem:s25], [sflag:$0x2] =	stream.indirect.gather [hbm4b:s1+s23], $0x80, s0, s23, $0xb8;
	[tilespmem:$0x1F800] =	vst v63  }
0xbf: {  	_ =	swait.ge [sflag:s21], $0x4000  }
0xc0: {  	[sflag:s21] =	ssyncset.done $0x0  }
0xc1: {  	s29 =	simm.s32 $0x2F00;
	[sflag:s21] =	ssyncadd.s32 $0xFFFFC000  }
0xc2: {  	[spmem:s3] =	stream.indirect.scatter.add.f32 [tilespmem:s19], [sflag:$0x5], $0x80, s29, s23, $0xb8;
	[tilespmem:$0x1F800] =	vst v63  }
0xc3: {  	_ =	swait.ge [sflag:s20], $0x4000  }
0xc4: {  	[sflag:s20] =	ssyncset.done $0x0  }
0xc5: {  	s0 =	simm.s32 $0x800;
	[sflag:s20] =	ssyncadd.s32 $0xFFFFC000  }
0xc6: {  	[tilespmem:s19], [sflag:$0x1] =	stream.indirect.gather [hbm4b:s1+s23], $0x80, s0, s23, $0xb8;
	[tilespmem:$0x1F800] =	vst v63  }
0xc7: {  	_ =	swait.ge [sflag:s28], $0x4000  }
0xc8: {  	[sflag:s28] =	ssyncset.done $0x0  }
0xc9: {  	s29 =	simm.s32 $0x2F80;
	[sflag:s28] =	ssyncadd.s32 $0xFFFFC000  }
0xca: {  	[spmem:s3] =	stream.indirect.scatter.add.f32 [tilespmem:s25], [sflag:$0x5], $0x80, s29, s23, $0xb8;
	[tilespmem:$0x1F800] =	vst v63  }
0xcb: {  	_ =	swait.ge [sflag:s20], $0x4000  }
0xcc: {  	[sflag:s20] =	ssyncset.done $0x0  }
0xcd: {  	s0 =	rddreg [dreg:$0xb];
	[sflag:s20] =	ssyncadd.s32 $0xFFFFC000  }
0xce: {  	[tilespmem:s26], [sflag:$0x3] =	stream.linear.gather [hbm4b:s0+s15], $0x800, $0x38;
	[tilespmem:$0x1F800] =	vst v63  }
0xcf: {  	s0 =	simm.s32 $0x4  }
0xd0: {  	_ =	swait.ge [sflag:s0], $0x800  }
0xd1: {  	[sflag:s0] =	ssyncset.done $0x0  }
0xd2: {  	s15 =	simm.s32 $0x880;
	[sflag:s0] =	ssyncadd.s32 $0xFFFFF800  }
0xd3: {  	[tilespmem:s25], [sflag:$0x2] =	stream.indirect.gather [hbm4b:s1+s23], $0x80, s15, s23, $0xb8;
	[tilespmem:$0x1F800] =	vst v63  }
0xd4: {  	_ =	swait.ge [sflag:s21], $0x4000  }
0xd5: {  	[sflag:s21] =	ssyncset.done $0x0  }
0xd6: {  	[sflag:s21] =	ssyncadd.s32 $0xFFFFC000  }
0xd7: {  	[spmem:s3] =	stream.indirect.scatter.add.f32 [tilespmem:s19], [sflag:$0x5], $0x80, s7, s23, $0xb8;
	[tilespmem:$0x1F800] =	vst v63  }
0xd8: {  	_ =	swait.ge [sflag:s20], $0x4000  }
0xd9: {  	[sflag:s20] =	ssyncset.done $0x0  }
0xda: {  	s26 =	simm.s32 $0x900;
	[sflag:s20] =	ssyncadd.s32 $0xFFFFC000  }
0xdb: {  	[tilespmem:s19], [sflag:$0x1] =	stream.indirect.gather [hbm4b:s1+s23], $0x80, s26, s23, $0xb8;
	[tilespmem:$0x1F800] =	vst v63  }
0xdc: {  	_ =	swait.ge [sflag:s28], $0x4000  }
0xdd: {  	[sflag:s28] =	ssyncset.done $0x0  }
0xde: {  	s26 =	simm.s32 $0x3080;
	[sflag:s28] =	ssyncadd.s32 $0xFFFFC000  }
0xdf: {  	[spmem:s3] =	stream.indirect.scatter.add.f32 [tilespmem:s25], [sflag:$0x5], $0x80, s26, s23, $0xb8;
	[tilespmem:$0x1F800] =	vst v63  }
0xe0: {  	_ =	swait.ge [sflag:s20], $0x4000  }
0xe1: {  	[sflag:s20] =	ssyncset.done $0x0  }
0xe2: {  	s29 =	simm.s32 $0x980;
	[sflag:s20] =	ssyncadd.s32 $0xFFFFC000  }
0xe3: {  	[tilespmem:s25], [sflag:$0x2] =	stream.indirect.gather [hbm4b:s1+s23], $0x80, s29, s23, $0xb8;
	[tilespmem:$0x1F800] =	vst v63  }
0xe4: {  	_ =	swait.ge [sflag:s21], $0x4000  }
0xe5: {  	[sflag:s21] =	ssyncset.done $0x0  }
0xe6: {  	s29 =	simm.s32 $0x3100;
	[sflag:s21] =	ssyncadd.s32 $0xFFFFC000  }
0xe7: {  	[spmem:s3] =	stream.indirect.scatter.add.f32 [tilespmem:s19], [sflag:$0x5], $0x80, s29, s23, $0xb8;
	[tilespmem:$0x1F800] =	vst v63  }
0xe8: {  	_ =	swait.ge [sflag:s20], $0x4000  }
0xe9: {  	[sflag:s20] =	ssyncset.done $0x0  }
0xea: {  	s16 =	simm.s32 $0xA00;
	[sflag:s20] =	ssyncadd.s32 $0xFFFFC000  }
0xeb: {  	[tilespmem:s19], [sflag:$0x1] =	stream.indirect.gather [hbm4b:s1+s23], $0x80, s16, s23, $0xb8;
	[tilespmem:$0x1F800] =	vst v63  }
0xec: {  	_ =	swait.ge [sflag:s28], $0x4000  }
0xed: {  	[sflag:s28] =	ssyncset.done $0x0  }
0xee: {  	[sflag:s28] =	ssyncadd.s32 $0xFFFFC000  }
0xef: {  	[spmem:s3] =	stream.indirect.scatter.add.f32 [tilespmem:s25], [sflag:$0x5], $0x80, s4, s23, $0xb8;
	[tilespmem:$0x1F800] =	vst v63  }
0xf0: {  	_ =	swait.ge [sflag:s20], $0x4000  }
0xf1: {  	[sflag:s20] =	ssyncset.done $0x0  }
0xf2: {  	s16 =	simm.s32 $0xA80;
	[sflag:s20] =	ssyncadd.s32 $0xFFFFC000  }
0xf3: {  	[tilespmem:s25], [sflag:$0x2] =	stream.indirect.gather [hbm4b:s1+s23], $0x80, s16, s23, $0xb8;
	[tilespmem:$0x1F800] =	vst v63  }
0xf4: {  	_ =	swait.ge [sflag:s21], $0x4000  }
0xf5: {  	[sflag:s21] =	ssyncset.done $0x0  }
0xf6: {  	[sflag:s21] =	ssyncadd.s32 $0xFFFFC000  }
0xf7: {  	[spmem:s3] =	stream.indirect.scatter.add.f32 [tilespmem:s19], [sflag:$0x5], $0x80, s5, s23, $0xb8;
	[tilespmem:$0x1F800] =	vst v63  }
0xf8: {  	_ =	swait.ge [sflag:s20], $0x4000  }
0xf9: {  	[sflag:s20] =	ssyncset.done $0x0  }
0xfa: {  	s16 =	simm.s32 $0xB00;
	[sflag:s20] =	ssyncadd.s32 $0xFFFFC000  }
0xfb: {  	[tilespmem:s19], [sflag:$0x1] =	stream.indirect.gather [hbm4b:s1+s23], $0x80, s16, s23, $0xb8;
	[tilespmem:$0x1F800] =	vst v63  }
0xfc: {  	_ =	swait.ge [sflag:s28], $0x4000  }
0xfd: {  	[sflag:s28] =	ssyncset.done $0x0  }
0xfe: {  	[sflag:s28] =	ssyncadd.s32 $0xFFFFC000  }
0xff: {  	[spmem:s3] =	stream.indirect.scatter.add.f32 [tilespmem:s25], [sflag:$0x5], $0x80, s6, s23, $0xb8;
	[tilespmem:$0x1F800] =	vst v63  }
0x100: {  	_ =	swait.ge [sflag:s20], $0x4000  }
0x101: {  	[sflag:s20] =	ssyncset.done $0x0  }
0x102: {  	s16 =	simm.s32 $0xB80;
	[sflag:s20] =	ssyncadd.s32 $0xFFFFC000  }
0x103: {  	[tilespmem:s25], [sflag:$0x2] =	stream.indirect.gather [hbm4b:s1+s23], $0x80, s16, s23, $0xb8;
	[tilespmem:$0x1F800] =	vst v63  }
0x104: {  	_ =	swait.ge [sflag:s21], $0x4000  }
0x105: {  	[sflag:s21] =	ssyncset.done $0x0  }
0x106: {  	[sflag:s21] =	ssyncadd.s32 $0xFFFFC000  }
0x107: {  	[spmem:s3] =	stream.indirect.scatter.add.f32 [tilespmem:s19], [sflag:$0x5], $0x80, s8, s23, $0xb8;
	[tilespmem:$0x1F800] =	vst v63  }
0x108: {  	_ =	swait.ge [sflag:s20], $0x4000  }
0x109: {  	[sflag:s20] =	ssyncset.done $0x0  }
0x10a: {  	s16 =	simm.s32 $0xC00;
	[sflag:s20] =	ssyncadd.s32 $0xFFFFC000  }
0x10b: {  	[tilespmem:s19], [sflag:$0x1] =	stream.indirect.gather [hbm4b:s1+s23], $0x80, s16, s23, $0xb8;
	[tilespmem:$0x1F800] =	vst v63  }
0x10c: {  	_ =	swait.ge [sflag:s28], $0x4000  }
0x10d: {  	[sflag:s28] =	ssyncset.done $0x0  }
0x10e: {  	[sflag:s28] =	ssyncadd.s32 $0xFFFFC000  }
0x10f: {  	[spmem:s3] =	stream.indirect.scatter.add.f32 [tilespmem:s25], [sflag:$0x5], $0x80, s9, s23, $0xb8;
	[tilespmem:$0x1F800] =	vst v63  }
0x110: {  	_ =	swait.ge [sflag:s20], $0x4000  }
0x111: {  	[sflag:s20] =	ssyncset.done $0x0  }
0x112: {  	s16 =	simm.s32 $0xC80;
	[sflag:s20] =	ssyncadd.s32 $0xFFFFC000  }
0x113: {  	[tilespmem:s25], [sflag:$0x2] =	stream.indirect.gather [hbm4b:s1+s23], $0x80, s16, s23, $0xb8;
	[tilespmem:$0x1F800] =	vst v63  }
0x114: {  	_ =	swait.ge [sflag:s21], $0x4000  }
0x115: {  	[sflag:s21] =	ssyncset.done $0x0  }
0x116: {  	[sflag:s21] =	ssyncadd.s32 $0xFFFFC000  }
0x117: {  	[spmem:s3] =	stream.indirect.scatter.add.f32 [tilespmem:s19], [sflag:$0x5], $0x80, s10, s23, $0xb8;
	[tilespmem:$0x1F800] =	vst v63  }
0x118: {  	_ =	swait.ge [sflag:s20], $0x4000  }
0x119: {  	[sflag:s20] =	ssyncset.done $0x0  }
0x11a: {  	s16 =	simm.s32 $0xD00;
	[sflag:s20] =	ssyncadd.s32 $0xFFFFC000  }
0x11b: {  	[tilespmem:s19], [sflag:$0x1] =	stream.indirect.gather [hbm4b:s1+s23], $0x80, s16, s23, $0xb8;
	[tilespmem:$0x1F800] =	vst v63  }
0x11c: {  	_ =	swait.ge [sflag:s28], $0x4000  }
0x11d: {  	[sflag:s28] =	ssyncset.done $0x0  }
0x11e: {  	[sflag:s28] =	ssyncadd.s32 $0xFFFFC000  }
0x11f: {  	[spmem:s3] =	stream.indirect.scatter.add.f32 [tilespmem:s25], [sflag:$0x5], $0x80, s11, s23, $0xb8;
	[tilespmem:$0x1F800] =	vst v63  }
0x120: {  	_ =	swait.ge [sflag:s20], $0x4000  }
0x121: {  	[sflag:s20] =	ssyncset.done $0x0  }
0x122: {  	s16 =	simm.s32 $0xD80;
	[sflag:s20] =	ssyncadd.s32 $0xFFFFC000  }
0x123: {  	[tilespmem:s25], [sflag:$0x2] =	stream.indirect.gather [hbm4b:s1+s23], $0x80, s16, s23, $0xb8;
	[tilespmem:$0x1F800] =	vst v63  }
0x124: {  	_ =	swait.ge [sflag:s21], $0x4000  }
0x125: {  	[sflag:s21] =	ssyncset.done $0x0  }
0x126: {  	[sflag:s21] =	ssyncadd.s32 $0xFFFFC000  }
0x127: {  	[spmem:s3] =	stream.indirect.scatter.add.f32 [tilespmem:s19], [sflag:$0x5], $0x80, s12, s23, $0xb8;
	[tilespmem:$0x1F800] =	vst v63  }
0x128: {  	_ =	swait.ge [sflag:s20], $0x4000  }
0x129: {  	[sflag:s20] =	ssyncset.done $0x0  }
0x12a: {  	s16 =	simm.s32 $0xE00;
	[sflag:s20] =	ssyncadd.s32 $0xFFFFC000  }
0x12b: {  	[tilespmem:s19], [sflag:$0x1] =	stream.indirect.gather [hbm4b:s1+s23], $0x80, s16, s23, $0xb8;
	[tilespmem:$0x1F800] =	vst v63  }
0x12c: {  	_ =	swait.ge [sflag:s28], $0x4000  }
0x12d: {  	[sflag:s28] =	ssyncset.done $0x0  }
0x12e: {  	[sflag:s28] =	ssyncadd.s32 $0xFFFFC000  }
0x12f: {  	[spmem:s3] =	stream.indirect.scatter.add.f32 [tilespmem:s25], [sflag:$0x5], $0x80, s13, s23, $0xb8;
	[tilespmem:$0x1F800] =	vst v63  }
0x130: {  	_ =	swait.ge [sflag:s20], $0x4000  }
0x131: {  	[sflag:s20] =	ssyncset.done $0x0  }
0x132: {  	s16 =	simm.s32 $0xE80;
	[sflag:s20] =	ssyncadd.s32 $0xFFFFC000  }
0x133: {  	[tilespmem:s25], [sflag:$0x2] =	stream.indirect.gather [hbm4b:s1+s23], $0x80, s16, s23, $0xb8;
	[tilespmem:$0x1F800] =	vst v63  }
0x134: {  	_ =	swait.ge [sflag:s21], $0x4000  }
0x135: {  	[sflag:s21] =	ssyncset.done $0x0  }
0x136: {  	[sflag:s21] =	ssyncadd.s32 $0xFFFFC000  }
0x137: {  	[spmem:s3] =	stream.indirect.scatter.add.f32 [tilespmem:s19], [sflag:$0x5], $0x80, s14, s23, $0xb8;
	[tilespmem:$0x1F800] =	vst v63  }
0x138: {  	_ =	swait.ge [sflag:s20], $0x4000  }
0x139: {  	[sflag:s20] =	ssyncset.done $0x0  }
0x13a: {  	s16 =	simm.s32 $0xF00;
	[sflag:s20] =	ssyncadd.s32 $0xFFFFC000  }
0x13b: {  	[tilespmem:s19], [sflag:$0x1] =	stream.indirect.gather [hbm4b:s1+s23], $0x80, s16, s23, $0xb8;
	[tilespmem:$0x1F800] =	vst v63  }
0x13c: {  	_ =	swait.ge [sflag:s28], $0x4000  }
0x13d: {  	[sflag:s28] =	ssyncset.done $0x0  }
0x13e: {  	[sflag:s28] =	ssyncadd.s32 $0xFFFFC000  }
0x13f: {  	[spmem:s3] =	stream.indirect.scatter.add.f32 [tilespmem:s25], [sflag:$0x5], $0x80, s30, s23, $0xb8;
	[tilespmem:$0x1F800] =	vst v63  }
0x140: {  	_ =	swait.ge [sflag:s20], $0x4000  }
0x141: {  	[sflag:s20] =	ssyncset.done $0x0  }
0x142: {  	s16 =	simm.s32 $0xF80;
	[sflag:s20] =	ssyncadd.s32 $0xFFFFC000  }
0x143: {  	[tilespmem:s25], [sflag:$0x2] =	stream.indirect.gather [hbm4b:s1+s23], $0x80, s16, s23, $0xb8;
	[tilespmem:$0x1F800] =	vst v63  }
0x144: {  	_ =	swait.ge [sflag:s21], $0x4000  }
0x145: {  	[sflag:s21] =	ssyncset.done $0x0  }
0x146: {  	[sflag:s21] =	ssyncadd.s32 $0xFFFFC000  }
0x147: {  	[spmem:s3] =	stream.indirect.scatter.add.f32 [tilespmem:s19], [sflag:$0x5], $0x80, s24, s23, $0xb8;
	[tilespmem:$0x1F800] =	vst v63  }
0x148: {  	_ =	swait.ge [sflag:s20], $0x4000  }
0x149: {  	[sflag:s20] =	ssyncset.done $0x0  }
0x14a: {  	s16 =	simm.s32 $0x1000;
	[sflag:s20] =	ssyncadd.s32 $0xFFFFC000  }
0x14b: {  	[tilespmem:s19], [sflag:$0x1] =	stream.indirect.gather [hbm4b:s1+s23], $0x80, s16, s23, $0xb8;
	[tilespmem:$0x1F800] =	vst v63  }
0x14c: {  	_ =	swait.ge [sflag:s28], $0x4000  }
0x14d: {  	[sflag:s28] =	ssyncset.done $0x0  }
0x14e: {  	[sflag:s28] =	ssyncadd.s32 $0xFFFFC000  }
0x14f: {  	[spmem:s3] =	stream.indirect.scatter.add.f32 [tilespmem:s25], [sflag:$0x5], $0x80, s18, s23, $0xb8;
	[tilespmem:$0x1F800] =	vst v63  }
0x150: {  	_ =	swait.ge [sflag:s20], $0x4000  }
0x151: {  	[sflag:s20] =	ssyncset.done $0x0  }
0x152: {  	s16 =	rddreg [dreg:$0xc];
	[sflag:s20] =	ssyncadd.s32 $0xFFFFC000  }
0x153: {  	[tilespmem:s7], [sflag:$0x4] =	stream.linear.gather [hbm4b:s16+s22], $0x800, $0x38;
	[tilespmem:$0x1F800] =	vst v63  }
0x154: {  	_ =	swait.ge [sflag:s2], $0x800  }
0x155: {  	[sflag:s2] =	ssyncset.done $0x0  }
0x156: {  	s16 =	simm.s32 $0x1080;
	[sflag:s2] =	ssyncadd.s32 $0xFFFFF800  }
0x157: {  	[tilespmem:s25], [sflag:$0x2] =	stream.indirect.gather [hbm4b:s1+s23], $0x80, s16, s23, $0xb8;
	[tilespmem:$0x1F800] =	vst v63  }
0x158: {  	_ =	swait.ge [sflag:s21], $0x4000  }
0x159: {  	[sflag:s21] =	ssyncset.done $0x0  }
0x15a: {  	s15 =	simm.s32 $0x2800;
	[sflag:s21] =	ssyncadd.s32 $0xFFFFC000  }
0x15b: {  	[spmem:s3] =	stream.indirect.scatter.add.f32 [tilespmem:s19], [sflag:$0x5], $0x80, s15, s23, $0xb8;
	[tilespmem:$0x1F800] =	vst v63  }
0x15c: {  	_ =	swait.ge [sflag:s20], $0x4000  }
0x15d: {  	[sflag:s20] =	ssyncset.done $0x0  }
0x15e: {  	s16 =	simm.s32 $0x1100;
	[sflag:s20] =	ssyncadd.s32 $0xFFFFC000  }
0x15f: {  	[tilespmem:s19], [sflag:$0x1] =	stream.indirect.gather [hbm4b:s1+s23], $0x80, s16, s23, $0xb8;
	[tilespmem:$0x1F800] =	vst v63  }
0x160: {  	_ =	swait.ge [sflag:s28], $0x4000  }
0x161: {  	[sflag:s28] =	ssyncset.done $0x0  }
0x162: {  	s16 =	simm.s32 $0x2880;
	[sflag:s28] =	ssyncadd.s32 $0xFFFFC000  }
0x163: {  	[spmem:s3] =	stream.indirect.scatter.add.f32 [tilespmem:s25], [sflag:$0x5], $0x80, s16, s23, $0xb8;
	[tilespmem:$0x1F800] =	vst v63  }
0x164: {  	_ =	swait.ge [sflag:s20], $0x4000  }
0x165: {  	[sflag:s20] =	ssyncset.done $0x0  }
0x166: {  	s16 =	simm.s32 $0x1180;
	[sflag:s20] =	ssyncadd.s32 $0xFFFFC000  }
0x167: {  	[tilespmem:s25], [sflag:$0x2] =	stream.indirect.gather [hbm4b:s1+s23], $0x80, s16, s23, $0xb8;
	[tilespmem:$0x1F800] =	vst v63  }
0x168: {  	_ =	swait.ge [sflag:s21], $0x4000  }
0x169: {  	[sflag:s21] =	ssyncset.done $0x0  }
0x16a: {  	s16 =	simm.s32 $0x2900;
	[sflag:s21] =	ssyncadd.s32 $0xFFFFC000  }
0x16b: {  	[spmem:s3] =	stream.indirect.scatter.add.f32 [tilespmem:s19], [sflag:$0x5], $0x80, s16, s23, $0xb8;
	[tilespmem:$0x1F800] =	vst v63  }
0x16c: {  	_ =	swait.ge [sflag:s20], $0x4000  }
0x16d: {  	[sflag:s20] =	ssyncset.done $0x0  }
0x16e: {  	s16 =	simm.s32 $0x1200;
	[sflag:s20] =	ssyncadd.s32 $0xFFFFC000  }
0x16f: {  	[tilespmem:s19], [sflag:$0x1] =	stream.indirect.gather [hbm4b:s1+s23], $0x80, s16, s23, $0xb8;
	[tilespmem:$0x1F800] =	vst v63  }
0x170: {  	_ =	swait.ge [sflag:s28], $0x4000  }
0x171: {  	[sflag:s28] =	ssyncset.done $0x0  }
0x172: {  	s16 =	simm.s32 $0x2980;
	[sflag:s28] =	ssyncadd.s32 $0xFFFFC000  }
0x173: {  	[spmem:s3] =	stream.indirect.scatter.add.f32 [tilespmem:s25], [sflag:$0x5], $0x80, s16, s23, $0xb8;
	[tilespmem:$0x1F800] =	vst v63  }
0x174: {  	_ =	swait.ge [sflag:s20], $0x4000  }
0x175: {  	[sflag:s20] =	ssyncset.done $0x0  }
0x176: {  	s16 =	simm.s32 $0x1280;
	[sflag:s20] =	ssyncadd.s32 $0xFFFFC000  }
0x177: {  	[tilespmem:s25], [sflag:$0x2] =	stream.indirect.gather [hbm4b:s1+s23], $0x80, s16, s23, $0xb8;
	[tilespmem:$0x1F800] =	vst v63  }
0x178: {  	_ =	swait.ge [sflag:s21], $0x4000  }
0x179: {  	[sflag:s21] =	ssyncset.done $0x0  }
0x17a: {  	s16 =	simm.s32 $0x2A00;
	[sflag:s21] =	ssyncadd.s32 $0xFFFFC000  }
0x17b: {  	[spmem:s3] =	stream.indirect.scatter.add.f32 [tilespmem:s19], [sflag:$0x5], $0x80, s16, s23, $0xb8;
	[tilespmem:$0x1F800] =	vst v63  }
0x17c: {  	_ =	swait.ge [sflag:s20], $0x4000  }
0x17d: {  	[sflag:s20] =	ssyncset.done $0x0  }
0x17e: {  	s16 =	simm.s32 $0x1300;
	[sflag:s20] =	ssyncadd.s32 $0xFFFFC000  }
0x17f: {  	[tilespmem:s19], [sflag:$0x1] =	stream.indirect.gather [hbm4b:s1+s23], $0x80, s16, s23, $0xb8;
	[tilespmem:$0x1F800] =	vst v63  }
0x180: {  	_ =	swait.ge [sflag:s28], $0x4000  }
0x181: {  	[sflag:s28] =	ssyncset.done $0x0  }
0x182: {  	s16 =	simm.s32 $0x2A80;
	[sflag:s28] =	ssyncadd.s32 $0xFFFFC000  }
0x183: {  	[spmem:s3] =	stream.indirect.scatter.add.f32 [tilespmem:s25], [sflag:$0x5], $0x80, s16, s23, $0xb8;
	[tilespmem:$0x1F800] =	vst v63  }
0x184: {  	_ =	swait.ge [sflag:s20], $0x4000  }
0x185: {  	[sflag:s20] =	ssyncset.done $0x0  }
0x186: {  	s16 =	simm.s32 $0x1380;
	[sflag:s20] =	ssyncadd.s32 $0xFFFFC000  }
0x187: {  	[tilespmem:s25], [sflag:$0x2] =	stream.indirect.gather [hbm4b:s1+s23], $0x80, s16, s23, $0xb8;
	[tilespmem:$0x1F800] =	vst v63  }
0x188: {  	_ =	swait.ge [sflag:s21], $0x4000  }
0x189: {  	[sflag:s21] =	ssyncset.done $0x0  }
0x18a: {  	s16 =	simm.s32 $0x2B00;
	[sflag:s21] =	ssyncadd.s32 $0xFFFFC000  }
0x18b: {  	[spmem:s3] =	stream.indirect.scatter.add.f32 [tilespmem:s19], [sflag:$0x5], $0x80, s16, s23, $0xb8;
	[tilespmem:$0x1F800] =	vst v63  }
0x18c: {  	_ =	swait.ge [sflag:s20], $0x4000  }
0x18d: {  	[sflag:s20] =	ssyncset.done $0x0  }
0x18e: {  	s16 =	simm.s32 $0x1400;
	[sflag:s20] =	ssyncadd.s32 $0xFFFFC000  }
0x18f: {  	[tilespmem:s19], [sflag:$0x1] =	stream.indirect.gather [hbm4b:s1+s23], $0x80, s16, s23, $0xb8;
	[tilespmem:$0x1F800] =	vst v63  }
0x190: {  	_ =	swait.ge [sflag:s28], $0x4000  }
0x191: {  	[sflag:s28] =	ssyncset.done $0x0  }
0x192: {  	s16 =	simm.s32 $0x2B80;
	[sflag:s28] =	ssyncadd.s32 $0xFFFFC000  }
0x193: {  	[spmem:s3] =	stream.indirect.scatter.add.f32 [tilespmem:s25], [sflag:$0x5], $0x80, s16, s23, $0xb8;
	[tilespmem:$0x1F800] =	vst v63  }
0x194: {  	_ =	swait.ge [sflag:s20], $0x4000  }
0x195: {  	[sflag:s20] =	ssyncset.done $0x0  }
0x196: {  	s16 =	simm.s32 $0x1480;
	[sflag:s20] =	ssyncadd.s32 $0xFFFFC000  }
0x197: {  	[tilespmem:s25], [sflag:$0x2] =	stream.indirect.gather [hbm4b:s1+s23], $0x80, s16, s23, $0xb8;
	[tilespmem:$0x1F800] =	vst v63  }
0x198: {  	_ =	swait.ge [sflag:s21], $0x4000  }
0x199: {  	[sflag:s21] =	ssyncset.done $0x0  }
0x19a: {  	s16 =	simm.s32 $0x2C00;
	[sflag:s21] =	ssyncadd.s32 $0xFFFFC000  }
0x19b: {  	[spmem:s3] =	stream.indirect.scatter.add.f32 [tilespmem:s19], [sflag:$0x5], $0x80, s16, s23, $0xb8;
	[tilespmem:$0x1F800] =	vst v63  }
0x19c: {  	_ =	swait.ge [sflag:s20], $0x4000  }
0x19d: {  	[sflag:s20] =	ssyncset.done $0x0  }
0x19e: {  	s16 =	simm.s32 $0x1500;
	[sflag:s20] =	ssyncadd.s32 $0xFFFFC000  }
0x19f: {  	[tilespmem:s19], [sflag:$0x1] =	stream.indirect.gather [hbm4b:s1+s23], $0x80, s16, s23, $0xb8;
	[tilespmem:$0x1F800] =	vst v63  }
0x1a0: {  	_ =	swait.ge [sflag:s28], $0x4000  }
0x1a1: {  	[sflag:s28] =	ssyncset.done $0x0  }
0x1a2: {  	s16 =	simm.s32 $0x2C80;
	[sflag:s28] =	ssyncadd.s32 $0xFFFFC000  }
0x1a3: {  	[spmem:s3] =	stream.indirect.scatter.add.f32 [tilespmem:s25], [sflag:$0x5], $0x80, s16, s23, $0xb8;
	[tilespmem:$0x1F800] =	vst v63  }
0x1a4: {  	_ =	swait.ge [sflag:s20], $0x4000  }
0x1a5: {  	[sflag:s20] =	ssyncset.done $0x0  }
0x1a6: {  	s16 =	simm.s32 $0x1580;
	[sflag:s20] =	ssyncadd.s32 $0xFFFFC000  }
0x1a7: {  	[tilespmem:s25], [sflag:$0x2] =	stream.indirect.gather [hbm4b:s1+s23], $0x80, s16, s23, $0xb8;
	[tilespmem:$0x1F800] =	vst v63  }
0x1a8: {  	_ =	swait.ge [sflag:s21], $0x4000  }
0x1a9: {  	[sflag:s21] =	ssyncset.done $0x0  }
0x1aa: {  	s16 =	simm.s32 $0x2D00;
	[sflag:s21] =	ssyncadd.s32 $0xFFFFC000  }
0x1ab: {  	[spmem:s3] =	stream.indirect.scatter.add.f32 [tilespmem:s19], [sflag:$0x5], $0x80, s16, s23, $0xb8;
	[tilespmem:$0x1F800] =	vst v63  }
0x1ac: {  	_ =	swait.ge [sflag:s20], $0x4000  }
0x1ad: {  	[sflag:s20] =	ssyncset.done $0x0  }
0x1ae: {  	s16 =	simm.s32 $0x1600;
	[sflag:s20] =	ssyncadd.s32 $0xFFFFC000  }
0x1af: {  	[tilespmem:s19], [sflag:$0x1] =	stream.indirect.gather [hbm4b:s1+s23], $0x80, s16, s23, $0xb8;
	[tilespmem:$0x1F800] =	vst v63  }
0x1b0: {  	_ =	swait.ge [sflag:s28], $0x4000  }
0x1b1: {  	[sflag:s28] =	ssyncset.done $0x0  }
0x1b2: {  	s16 =	simm.s32 $0x2D80;
	[sflag:s28] =	ssyncadd.s32 $0xFFFFC000  }
0x1b3: {  	[spmem:s3] =	stream.indirect.scatter.add.f32 [tilespmem:s25], [sflag:$0x5], $0x80, s16, s23, $0xb8;
	[tilespmem:$0x1F800] =	vst v63  }
0x1b4: {  	_ =	swait.ge [sflag:s20], $0x4000  }
0x1b5: {  	[sflag:s20] =	ssyncset.done $0x0  }
0x1b6: {  	s16 =	simm.s32 $0x1680;
	[sflag:s20] =	ssyncadd.s32 $0xFFFFC000  }
0x1b7: {  	[tilespmem:s25], [sflag:$0x2] =	stream.indirect.gather [hbm4b:s1+s23], $0x80, s16, s23, $0xb8;
	[tilespmem:$0x1F800] =	vst v63  }
0x1b8: {  	_ =	swait.ge [sflag:s21], $0x4000  }
0x1b9: {  	[sflag:s21] =	ssyncset.done $0x0  }
0x1ba: {  	s16 =	simm.s32 $0x2E00;
	[sflag:s21] =	ssyncadd.s32 $0xFFFFC000  }
0x1bb: {  	[spmem:s3] =	stream.indirect.scatter.add.f32 [tilespmem:s19], [sflag:$0x5], $0x80, s16, s23, $0xb8;
	[tilespmem:$0x1F800] =	vst v63  }
0x1bc: {  	_ =	swait.ge [sflag:s20], $0x4000  }
0x1bd: {  	[sflag:s20] =	ssyncset.done $0x0  }
0x1be: {  	s16 =	simm.s32 $0x1700;
	[sflag:s20] =	ssyncadd.s32 $0xFFFFC000  }
0x1bf: {  	[tilespmem:s19], [sflag:$0x1] =	stream.indirect.gather [hbm4b:s1+s23], $0x80, s16, s23, $0xb8;
	[tilespmem:$0x1F800] =	vst v63  }
0x1c0: {  	_ =	swait.ge [sflag:s28], $0x4000  }
0x1c1: {  	[sflag:s28] =	ssyncset.done $0x0  }
0x1c2: {  	s16 =	simm.s32 $0x2E80;
	[sflag:s28] =	ssyncadd.s32 $0xFFFFC000  }
0x1c3: {  	[spmem:s3] =	stream.indirect.scatter.add.f32 [tilespmem:s25], [sflag:$0x5], $0x80, s16, s23, $0xb8;
	[tilespmem:$0x1F800] =	vst v63  }
0x1c4: {  	_ =	swait.ge [sflag:s20], $0x4000  }
0x1c5: {  	[sflag:s20] =	ssyncset.done $0x0  }
0x1c6: {  	s16 =	simm.s32 $0x1780;
	[sflag:s20] =	ssyncadd.s32 $0xFFFFC000  }
0x1c7: {  	[tilespmem:s25], [sflag:$0x2] =	stream.indirect.gather [hbm4b:s1+s23], $0x80, s16, s23, $0xb8;
	[tilespmem:$0x1F800] =	vst v63  }
0x1c8: {  	_ =	swait.ge [sflag:s21], $0x4000  }
0x1c9: {  	[sflag:s21] =	ssyncset.done $0x0  }
0x1ca: {  	s16 =	simm.s32 $0x2F00;
	[sflag:s21] =	ssyncadd.s32 $0xFFFFC000  }
0x1cb: {  	[spmem:s3] =	stream.indirect.scatter.add.f32 [tilespmem:s19], [sflag:$0x5], $0x80, s16, s23, $0xb8;
	[tilespmem:$0x1F800] =	vst v63  }
0x1cc: {  	_ =	swait.ge [sflag:s20], $0x4000  }
0x1cd: {  	[sflag:s20] =	ssyncset.done $0x0  }
0x1ce: {  	s16 =	simm.s32 $0x1800;
	[sflag:s20] =	ssyncadd.s32 $0xFFFFC000  }
0x1cf: {  	[tilespmem:s19], [sflag:$0x1] =	stream.indirect.gather [hbm4b:s1+s23], $0x80, s16, s23, $0xb8;
	[tilespmem:$0x1F800] =	vst v63  }
0x1d0: {  	_ =	swait.ge [sflag:s28], $0x4000  }
0x1d1: {  	[sflag:s28] =	ssyncset.done $0x0  }
0x1d2: {  	s16 =	simm.s32 $0x2F80;
	[sflag:s28] =	ssyncadd.s32 $0xFFFFC000  }
0x1d3: {  	[spmem:s3] =	stream.indirect.scatter.add.f32 [tilespmem:s25], [sflag:$0x5], $0x80, s16, s23, $0xb8;
	[tilespmem:$0x1F800] =	vst v63  }
0x1d4: {  	_ =	swait.ge [sflag:s20], $0x4000  }
0x1d5: {  	[sflag:s20] =	ssyncset.done $0x0  }
0x1d6: {  	s16 =	rddreg [dreg:$0xd];
	[sflag:s20] =	ssyncadd.s32 $0xFFFFC000  }
0x1d7: {  	[tilespmem:s15], [sflag:$0x3] =	stream.linear.gather [hbm4b:s16+s22], $0x800, $0x38;
	[tilespmem:$0x1F800] =	vst v63  }
0x1d8: {  	_ =	swait.ge [sflag:s0], $0x800  }
0x1d9: {  	[sflag:s0] =	ssyncset.done $0x0  }
0x1da: {  	s16 =	simm.s32 $0x1880;
	[sflag:s0] =	ssyncadd.s32 $0xFFFFF800  }
0x1db: {  	[tilespmem:s25], [sflag:$0x2] =	stream.indirect.gather [hbm4b:s1+s23], $0x80, s16, s23, $0xb8;
	[tilespmem:$0x1F800] =	vst v63  }
0x1dc: {  	_ =	swait.ge [sflag:s21], $0x4000  }
0x1dd: {  	[sflag:s21] =	ssyncset.done $0x0  }
0x1de: {  	[sflag:s21] =	ssyncadd.s32 $0xFFFFC000  }
0x1df: {  	[spmem:s3] =	stream.indirect.scatter.add.f32 [tilespmem:s19], [sflag:$0x5], $0x80, s7, s23, $0xb8;
	[tilespmem:$0x1F800] =	vst v63  }
0x1e0: {  	_ =	swait.ge [sflag:s20], $0x4000  }
0x1e1: {  	[sflag:s20] =	ssyncset.done $0x0  }
0x1e2: {  	s16 =	simm.s32 $0x1900;
	[sflag:s20] =	ssyncadd.s32 $0xFFFFC000  }
0x1e3: {  	[tilespmem:s19], [sflag:$0x1] =	stream.indirect.gather [hbm4b:s1+s23], $0x80, s16, s23, $0xb8;
	[tilespmem:$0x1F800] =	vst v63  }
0x1e4: {  	_ =	swait.ge [sflag:s28], $0x4000  }
0x1e5: {  	[sflag:s28] =	ssyncset.done $0x0  }
0x1e6: {  	[sflag:s28] =	ssyncadd.s32 $0xFFFFC000  }
0x1e7: {  	[spmem:s3] =	stream.indirect.scatter.add.f32 [tilespmem:s25], [sflag:$0x5], $0x80, s26, s23, $0xb8;
	[tilespmem:$0x1F800] =	vst v63  }
0x1e8: {  	_ =	swait.ge [sflag:s20], $0x4000  }
0x1e9: {  	[sflag:s20] =	ssyncset.done $0x0  }
0x1ea: {  	s16 =	simm.s32 $0x1980;
	[sflag:s20] =	ssyncadd.s32 $0xFFFFC000  }
0x1eb: {  	[tilespmem:s25], [sflag:$0x2] =	stream.indirect.gather [hbm4b:s1+s23], $0x80, s16, s23, $0xb8;
	[tilespmem:$0x1F800] =	vst v63  }
0x1ec: {  	_ =	swait.ge [sflag:s21], $0x4000  }
0x1ed: {  	[sflag:s21] =	ssyncset.done $0x0  }
0x1ee: {  	[sflag:s21] =	ssyncadd.s32 $0xFFFFC000  }
0x1ef: {  	[spmem:s3] =	stream.indirect.scatter.add.f32 [tilespmem:s19], [sflag:$0x5], $0x80, s29, s23, $0xb8;
	[tilespmem:$0x1F800] =	vst v63  }
0x1f0: {  	_ =	swait.ge [sflag:s20], $0x4000  }
0x1f1: {  	[sflag:s20] =	ssyncset.done $0x0  }
0x1f2: {  	s16 =	simm.s32 $0x1A00;
	[sflag:s20] =	ssyncadd.s32 $0xFFFFC000  }
0x1f3: {  	[tilespmem:s19], [sflag:$0x1] =	stream.indirect.gather [hbm4b:s1+s23], $0x80, s16, s23, $0xb8;
	[tilespmem:$0x1F800] =	vst v63  }
0x1f4: {  	_ =	swait.ge [sflag:s28], $0x4000  }
0x1f5: {  	[sflag:s28] =	ssyncset.done $0x0  }
0x1f6: {  	[sflag:s28] =	ssyncadd.s32 $0xFFFFC000  }
0x1f7: {  	[spmem:s3] =	stream.indirect.scatter.add.f32 [tilespmem:s25], [sflag:$0x5], $0x80, s4, s23, $0xb8;
	[tilespmem:$0x1F800] =	vst v63  }
0x1f8: {  	_ =	swait.ge [sflag:s20], $0x4000  }
0x1f9: {  	[sflag:s20] =	ssyncset.done $0x0  }
0x1fa: {  	s29 =	simm.s32 $0x1A80;
	[sflag:s20] =	ssyncadd.s32 $0xFFFFC000  }
0x1fb: {  	[tilespmem:s25], [sflag:$0x2] =	stream.indirect.gather [hbm4b:s1+s23], $0x80, s29, s23, $0xb8;
	[tilespmem:$0x1F800] =	vst v63  }
0x1fc: {  	_ =	swait.ge [sflag:s21], $0x4000  }
0x1fd: {  	[sflag:s21] =	ssyncset.done $0x0  }
0x1fe: {  	[sflag:s21] =	ssyncadd.s32 $0xFFFFC000  }
0x1ff: {  	[spmem:s3] =	stream.indirect.scatter.add.f32 [tilespmem:s19], [sflag:$0x5], $0x80, s5, s23, $0xb8;
	[tilespmem:$0x1F800] =	vst v63  }
0x200: {  	_ =	swait.ge [sflag:s20], $0x4000  }
0x201: {  	[sflag:s20] =	ssyncset.done $0x0  }
0x202: {  	s16 =	simm.s32 $0x1B00;
	[sflag:s20] =	ssyncadd.s32 $0xFFFFC000  }
0x203: {  	[tilespmem:s19], [sflag:$0x1] =	stream.indirect.gather [hbm4b:s1+s23], $0x80, s16, s23, $0xb8;
	[tilespmem:$0x1F800] =	vst v63  }
0x204: {  	_ =	swait.ge [sflag:s28], $0x4000  }
0x205: {  	[sflag:s28] =	ssyncset.done $0x0  }
0x206: {  	[sflag:s28] =	ssyncadd.s32 $0xFFFFC000  }
0x207: {  	[spmem:s3] =	stream.indirect.scatter.add.f32 [tilespmem:s25], [sflag:$0x5], $0x80, s6, s23, $0xb8;
	[tilespmem:$0x1F800] =	vst v63  }
0x208: {  	_ =	swait.ge [sflag:s20], $0x4000  }
0x209: {  	[sflag:s20] =	ssyncset.done $0x0  }
0x20a: {  	s29 =	simm.s32 $0x1B80;
	[sflag:s20] =	ssyncadd.s32 $0xFFFFC000  }
0x20b: {  	[tilespmem:s25], [sflag:$0x2] =	stream.indirect.gather [hbm4b:s1+s23], $0x80, s29, s23, $0xb8;
	[tilespmem:$0x1F800] =	vst v63  }
0x20c: {  	_ =	swait.ge [sflag:s21], $0x4000  }
0x20d: {  	[sflag:s21] =	ssyncset.done $0x0  }
0x20e: {  	[sflag:s21] =	ssyncadd.s32 $0xFFFFC000  }
0x20f: {  	[spmem:s3] =	stream.indirect.scatter.add.f32 [tilespmem:s19], [sflag:$0x5], $0x80, s8, s23, $0xb8;
	[tilespmem:$0x1F800] =	vst v63  }
0x210: {  	_ =	swait.ge [sflag:s20], $0x4000  }
0x211: {  	[sflag:s20] =	ssyncset.done $0x0  }
0x212: {  	s16 =	simm.s32 $0x1C00;
	[sflag:s20] =	ssyncadd.s32 $0xFFFFC000  }
0x213: {  	[tilespmem:s19], [sflag:$0x1] =	stream.indirect.gather [hbm4b:s1+s23], $0x80, s16, s23, $0xb8;
	[tilespmem:$0x1F800] =	vst v63  }
0x214: {  	_ =	swait.ge [sflag:s28], $0x4000  }
0x215: {  	[sflag:s28] =	ssyncset.done $0x0  }
0x216: {  	[sflag:s28] =	ssyncadd.s32 $0xFFFFC000  }
0x217: {  	[spmem:s3] =	stream.indirect.scatter.add.f32 [tilespmem:s25], [sflag:$0x5], $0x80, s9, s23, $0xb8;
	[tilespmem:$0x1F800] =	vst v63  }
0x218: {  	_ =	swait.ge [sflag:s20], $0x4000  }
0x219: {  	[sflag:s20] =	ssyncset.done $0x0  }
0x21a: {  	s29 =	simm.s32 $0x1C80;
	[sflag:s20] =	ssyncadd.s32 $0xFFFFC000  }
0x21b: {  	[tilespmem:s25], [sflag:$0x2] =	stream.indirect.gather [hbm4b:s1+s23], $0x80, s29, s23, $0xb8;
	[tilespmem:$0x1F800] =	vst v63  }
0x21c: {  	_ =	swait.ge [sflag:s21], $0x4000  }
0x21d: {  	[sflag:s21] =	ssyncset.done $0x0  }
0x21e: {  	[sflag:s21] =	ssyncadd.s32 $0xFFFFC000  }
0x21f: {  	[spmem:s3] =	stream.indirect.scatter.add.f32 [tilespmem:s19], [sflag:$0x5], $0x80, s10, s23, $0xb8;
	[tilespmem:$0x1F800] =	vst v63  }
0x220: {  	_ =	swait.ge [sflag:s20], $0x4000  }
0x221: {  	[sflag:s20] =	ssyncset.done $0x0  }
0x222: {  	s16 =	simm.s32 $0x1D00;
	[sflag:s20] =	ssyncadd.s32 $0xFFFFC000  }
0x223: {  	[tilespmem:s19], [sflag:$0x1] =	stream.indirect.gather [hbm4b:s1+s23], $0x80, s16, s23, $0xb8;
	[tilespmem:$0x1F800] =	vst v63  }
0x224: {  	_ =	swait.ge [sflag:s28], $0x4000  }
0x225: {  	[sflag:s28] =	ssyncset.done $0x0  }
0x226: {  	[sflag:s28] =	ssyncadd.s32 $0xFFFFC000  }
0x227: {  	[spmem:s3] =	stream.indirect.scatter.add.f32 [tilespmem:s25], [sflag:$0x5], $0x80, s11, s23, $0xb8;
	[tilespmem:$0x1F800] =	vst v63  }
0x228: {  	_ =	swait.ge [sflag:s20], $0x4000  }
0x229: {  	[sflag:s20] =	ssyncset.done $0x0  }
0x22a: {  	s29 =	simm.s32 $0x1D80;
	[sflag:s20] =	ssyncadd.s32 $0xFFFFC000  }
0x22b: {  	[tilespmem:s25], [sflag:$0x2] =	stream.indirect.gather [hbm4b:s1+s23], $0x80, s29, s23, $0xb8;
	[tilespmem:$0x1F800] =	vst v63  }
0x22c: {  	_ =	swait.ge [sflag:s21], $0x4000  }
0x22d: {  	[sflag:s21] =	ssyncset.done $0x0  }
0x22e: {  	[sflag:s21] =	ssyncadd.s32 $0xFFFFC000  }
0x22f: {  	[spmem:s3] =	stream.indirect.scatter.add.f32 [tilespmem:s19], [sflag:$0x5], $0x80, s12, s23, $0xb8;
	[tilespmem:$0x1F800] =	vst v63  }
0x230: {  	_ =	swait.ge [sflag:s20], $0x4000  }
0x231: {  	[sflag:s20] =	ssyncset.done $0x0  }
0x232: {  	s16 =	simm.s32 $0x1E00;
	[sflag:s20] =	ssyncadd.s32 $0xFFFFC000  }
0x233: {  	[tilespmem:s19], [sflag:$0x1] =	stream.indirect.gather [hbm4b:s1+s23], $0x80, s16, s23, $0xb8;
	[tilespmem:$0x1F800] =	vst v63  }
0x234: {  	_ =	swait.ge [sflag:s28], $0x4000  }
0x235: {  	[sflag:s28] =	ssyncset.done $0x0  }
0x236: {  	[sflag:s28] =	ssyncadd.s32 $0xFFFFC000  }
0x237: {  	[spmem:s3] =	stream.indirect.scatter.add.f32 [tilespmem:s25], [sflag:$0x5], $0x80, s13, s23, $0xb8;
	[tilespmem:$0x1F800] =	vst v63  }
0x238: {  	_ =	swait.ge [sflag:s20], $0x4000  }
0x239: {  	[sflag:s20] =	ssyncset.done $0x0  }
0x23a: {  	s29 =	simm.s32 $0x1E80;
	[sflag:s20] =	ssyncadd.s32 $0xFFFFC000  }
0x23b: {  	[tilespmem:s25], [sflag:$0x2] =	stream.indirect.gather [hbm4b:s1+s23], $0x80, s29, s23, $0xb8;
	[tilespmem:$0x1F800] =	vst v63  }
0x23c: {  	_ =	swait.ge [sflag:s21], $0x4000  }
0x23d: {  	[sflag:s21] =	ssyncset.done $0x0  }
0x23e: {  	[sflag:s21] =	ssyncadd.s32 $0xFFFFC000  }
0x23f: {  	[spmem:s3] =	stream.indirect.scatter.add.f32 [tilespmem:s19], [sflag:$0x5], $0x80, s14, s23, $0xb8;
	[tilespmem:$0x1F800] =	vst v63  }
0x240: {  	_ =	swait.ge [sflag:s20], $0x4000  }
0x241: {  	[sflag:s20] =	ssyncset.done $0x0  }
0x242: {  	s16 =	simm.s32 $0x1F00;
	[sflag:s20] =	ssyncadd.s32 $0xFFFFC000  }
0x243: {  	[tilespmem:s19], [sflag:$0x1] =	stream.indirect.gather [hbm4b:s1+s23], $0x80, s16, s23, $0xb8;
	[tilespmem:$0x1F800] =	vst v63  }
0x244: {  	_ =	swait.ge [sflag:s28], $0x4000  }
0x245: {  	[sflag:s28] =	ssyncset.done $0x0  }
0x246: {  	[sflag:s28] =	ssyncadd.s32 $0xFFFFC000  }
0x247: {  	[spmem:s3] =	stream.indirect.scatter.add.f32 [tilespmem:s25], [sflag:$0x5], $0x80, s30, s23, $0xb8;
	[tilespmem:$0x1F800] =	vst v63  }
0x248: {  	_ =	swait.ge [sflag:s20], $0x4000  }
0x249: {  	[sflag:s20] =	ssyncset.done $0x0  }
0x24a: {  	s29 =	simm.s32 $0x1F80;
	[sflag:s20] =	ssyncadd.s32 $0xFFFFC000  }
0x24b: {  	[tilespmem:s25], [sflag:$0x2] =	stream.indirect.gather [hbm4b:s1+s23], $0x80, s29, s23, $0xb8;
	[tilespmem:$0x1F800] =	vst v63  }
0x24c: {  	_ =	swait.ge [sflag:s21], $0x4000  }
0x24d: {  	[sflag:s21] =	ssyncset.done $0x0  }
0x24e: {  	[sflag:s21] =	ssyncadd.s32 $0xFFFFC000  }
0x24f: {  	[spmem:s3] =	stream.indirect.scatter.add.f32 [tilespmem:s19], [sflag:$0x5], $0x80, s24, s23, $0xb8;
	[tilespmem:$0x1F800] =	vst v63  }
0x250: {  	_ =	swait.ge [sflag:s20], $0x4000  }
0x251: {  	[sflag:s20] =	ssyncset.done $0x0  }
0x252: {  	s16 =	simm.s32 $0x2000;
	[sflag:s20] =	ssyncadd.s32 $0xFFFFC000  }
0x253: {  	[tilespmem:s19], [sflag:$0x1] =	stream.indirect.gather [hbm4b:s1+s23], $0x80, s16, s23, $0xb8;
	[tilespmem:$0x1F800] =	vst v63  }
0x254: {  	_ =	swait.ge [sflag:s28], $0x4000  }
0x255: {  	[sflag:s28] =	ssyncset.done $0x0  }
0x256: {  	[sflag:s28] =	ssyncadd.s32 $0xFFFFC000  }
0x257: {  	[spmem:s3] =	stream.indirect.scatter.add.f32 [tilespmem:s25], [sflag:$0x5], $0x80, s18, s23, $0xb8;
	[tilespmem:$0x1F800] =	vst v63  }
0x258: {  	_ =	swait.ge [sflag:s20], $0x4000  }
0x259: {  	[sflag:s20] =	ssyncset.done $0x0  }
0x25a: {  	[sflag:s20] =	ssyncadd.s32 $0xFFFFC000  }
0x25b: {  	_ =	swait.ge [sflag:s2], $0x800  }
0x25c: {  	[sflag:s2] =	ssyncset.done $0x0  }
0x25d: {  	s29 =	simm.s32 $0x2080;
	[sflag:s2] =	ssyncadd.s32 $0xFFFFF800  }
0x25e: {  	[tilespmem:s25], [sflag:$0x2] =	stream.indirect.gather [hbm4b:s1+s23], $0x80, s29, s23, $0xb8;
	[tilespmem:$0x1F800] =	vst v63  }
0x25f: {  	_ =	swait.ge [sflag:s21], $0x4000  }
0x260: {  	[sflag:s21] =	ssyncset.done $0x0  }
0x261: {  	s26 =	simm.s32 $0x2800;
	[sflag:s21] =	ssyncadd.s32 $0xFFFFC000  }
0x262: {  	[spmem:s3] =	stream.indirect.scatter.add.f32 [tilespmem:s19], [sflag:$0x5], $0x80, s26, s23, $0xb8;
	[tilespmem:$0x1F800] =	vst v63  }
0x263: {  	_ =	swait.ge [sflag:s20], $0x4000  }
0x264: {  	[sflag:s20] =	ssyncset.done $0x0  }
0x265: {  	s16 =	simm.s32 $0x2100;
	[sflag:s20] =	ssyncadd.s32 $0xFFFFC000  }
0x266: {  	[tilespmem:s19], [sflag:$0x1] =	stream.indirect.gather [hbm4b:s1+s23], $0x80, s16, s23, $0xb8;
	[tilespmem:$0x1F800] =	vst v63  }
0x267: {  	_ =	swait.ge [sflag:s28], $0x4000  }
0x268: {  	[sflag:s28] =	ssyncset.done $0x0  }
0x269: {  	s29 =	simm.s32 $0x2880;
	[sflag:s28] =	ssyncadd.s32 $0xFFFFC000  }
0x26a: {  	[spmem:s3] =	stream.indirect.scatter.add.f32 [tilespmem:s25], [sflag:$0x5], $0x80, s29, s23, $0xb8;
	[tilespmem:$0x1F800] =	vst v63  }
0x26b: {  	_ =	swait.ge [sflag:s20], $0x4000  }
0x26c: {  	[sflag:s20] =	ssyncset.done $0x0  }
0x26d: {  	s16 =	simm.s32 $0x2180;
	[sflag:s20] =	ssyncadd.s32 $0xFFFFC000  }
0x26e: {  	[tilespmem:s25], [sflag:$0x2] =	stream.indirect.gather [hbm4b:s1+s23], $0x80, s16, s23, $0xb8;
	[tilespmem:$0x1F800] =	vst v63  }
0x26f: {  	_ =	swait.ge [sflag:s21], $0x4000  }
0x270: {  	[sflag:s21] =	ssyncset.done $0x0  }
0x271: {  	s29 =	simm.s32 $0x2900;
	[sflag:s21] =	ssyncadd.s32 $0xFFFFC000  }
0x272: {  	[spmem:s3] =	stream.indirect.scatter.add.f32 [tilespmem:s19], [sflag:$0x5], $0x80, s29, s23, $0xb8;
	[tilespmem:$0x1F800] =	vst v63  }
0x273: {  	_ =	swait.ge [sflag:s20], $0x4000  }
0x274: {  	[sflag:s20] =	ssyncset.done $0x0  }
0x275: {  	s16 =	simm.s32 $0x2200;
	[sflag:s20] =	ssyncadd.s32 $0xFFFFC000  }
0x276: {  	[tilespmem:s19], [sflag:$0x1] =	stream.indirect.gather [hbm4b:s1+s23], $0x80, s16, s23, $0xb8;
	[tilespmem:$0x1F800] =	vst v63  }
0x277: {  	_ =	swait.ge [sflag:s28], $0x4000  }
0x278: {  	[sflag:s28] =	ssyncset.done $0x0  }
0x279: {  	s29 =	simm.s32 $0x2980;
	[sflag:s28] =	ssyncadd.s32 $0xFFFFC000  }
0x27a: {  	[spmem:s3] =	stream.indirect.scatter.add.f32 [tilespmem:s25], [sflag:$0x5], $0x80, s29, s23, $0xb8;
	[tilespmem:$0x1F800] =	vst v63  }
0x27b: {  	_ =	swait.ge [sflag:s20], $0x4000  }
0x27c: {  	[sflag:s20] =	ssyncset.done $0x0  }
0x27d: {  	s16 =	simm.s32 $0x2280;
	[sflag:s20] =	ssyncadd.s32 $0xFFFFC000  }
0x27e: {  	[tilespmem:s25], [sflag:$0x2] =	stream.indirect.gather [hbm4b:s1+s23], $0x80, s16, s23, $0xb8;
	[tilespmem:$0x1F800] =	vst v63  }
0x27f: {  	_ =	swait.ge [sflag:s21], $0x4000  }
0x280: {  	[sflag:s21] =	ssyncset.done $0x0  }
0x281: {  	s29 =	simm.s32 $0x2A00;
	[sflag:s21] =	ssyncadd.s32 $0xFFFFC000  }
0x282: {  	[spmem:s3] =	stream.indirect.scatter.add.f32 [tilespmem:s19], [sflag:$0x5], $0x80, s29, s23, $0xb8;
	[tilespmem:$0x1F800] =	vst v63  }
0x283: {  	_ =	swait.ge [sflag:s20], $0x4000  }
0x284: {  	[sflag:s20] =	ssyncset.done $0x0  }
0x285: {  	s16 =	simm.s32 $0x2300;
	[sflag:s20] =	ssyncadd.s32 $0xFFFFC000  }
0x286: {  	[tilespmem:s19], [sflag:$0x1] =	stream.indirect.gather [hbm4b:s1+s23], $0x80, s16, s23, $0xb8;
	[tilespmem:$0x1F800] =	vst v63  }
0x287: {  	_ =	swait.ge [sflag:s28], $0x4000  }
0x288: {  	[sflag:s28] =	ssyncset.done $0x0  }
0x289: {  	s29 =	simm.s32 $0x2A80;
	[sflag:s28] =	ssyncadd.s32 $0xFFFFC000  }
0x28a: {  	[spmem:s3] =	stream.indirect.scatter.add.f32 [tilespmem:s25], [sflag:$0x5], $0x80, s29, s23, $0xb8;
	[tilespmem:$0x1F800] =	vst v63  }
0x28b: {  	_ =	swait.ge [sflag:s20], $0x4000  }
0x28c: {  	[sflag:s20] =	ssyncset.done $0x0  }
0x28d: {  	s16 =	simm.s32 $0x2380;
	[sflag:s20] =	ssyncadd.s32 $0xFFFFC000  }
0x28e: {  	[tilespmem:s25], [sflag:$0x2] =	stream.indirect.gather [hbm4b:s1+s23], $0x80, s16, s23, $0xb8;
	[tilespmem:$0x1F800] =	vst v63  }
0x28f: {  	_ =	swait.ge [sflag:s21], $0x4000  }
0x290: {  	[sflag:s21] =	ssyncset.done $0x0  }
0x291: {  	s29 =	simm.s32 $0x2B00;
	[sflag:s21] =	ssyncadd.s32 $0xFFFFC000  }
0x292: {  	[spmem:s3] =	stream.indirect.scatter.add.f32 [tilespmem:s19], [sflag:$0x5], $0x80, s29, s23, $0xb8;
	[tilespmem:$0x1F800] =	vst v63  }
0x293: {  	_ =	swait.ge [sflag:s20], $0x4000  }
0x294: {  	[sflag:s20] =	ssyncset.done $0x0  }
0x295: {  	s16 =	simm.s32 $0x2400;
	[sflag:s20] =	ssyncadd.s32 $0xFFFFC000  }
0x296: {  	[tilespmem:s19], [sflag:$0x1] =	stream.indirect.gather [hbm4b:s1+s23], $0x80, s16, s23, $0xb8;
	[tilespmem:$0x1F800] =	vst v63  }
0x297: {  	_ =	swait.ge [sflag:s28], $0x4000  }
0x298: {  	[sflag:s28] =	ssyncset.done $0x0  }
0x299: {  	s29 =	simm.s32 $0x2B80;
	[sflag:s28] =	ssyncadd.s32 $0xFFFFC000  }
0x29a: {  	[spmem:s3] =	stream.indirect.scatter.add.f32 [tilespmem:s25], [sflag:$0x5], $0x80, s29, s23, $0xb8;
	[tilespmem:$0x1F800] =	vst v63  }
0x29b: {  	_ =	swait.ge [sflag:s20], $0x4000  }
0x29c: {  	[sflag:s20] =	ssyncset.done $0x0  }
0x29d: {  	s16 =	simm.s32 $0x2480;
	[sflag:s20] =	ssyncadd.s32 $0xFFFFC000  }
0x29e: {  	[tilespmem:s25], [sflag:$0x2] =	stream.indirect.gather [hbm4b:s1+s23], $0x80, s16, s23, $0xb8;
	[tilespmem:$0x1F800] =	vst v63  }
0x29f: {  	_ =	swait.ge [sflag:s21], $0x4000  }
0x2a0: {  	[sflag:s21] =	ssyncset.done $0x0  }
0x2a1: {  	s29 =	simm.s32 $0x2C00;
	[sflag:s21] =	ssyncadd.s32 $0xFFFFC000  }
0x2a2: {  	[spmem:s3] =	stream.indirect.scatter.add.f32 [tilespmem:s19], [sflag:$0x5], $0x80, s29, s23, $0xb8;
	[tilespmem:$0x1F800] =	vst v63  }
0x2a3: {  	_ =	swait.ge [sflag:s20], $0x4000  }
0x2a4: {  	[sflag:s20] =	ssyncset.done $0x0  }
0x2a5: {  	s16 =	simm.s32 $0x2500;
	[sflag:s20] =	ssyncadd.s32 $0xFFFFC000  }
0x2a6: {  	[tilespmem:s19], [sflag:$0x1] =	stream.indirect.gather [hbm4b:s1+s23], $0x80, s16, s23, $0xb8;
	[tilespmem:$0x1F800] =	vst v63  }
0x2a7: {  	_ =	swait.ge [sflag:s28], $0x4000  }
0x2a8: {  	[sflag:s28] =	ssyncset.done $0x0  }
0x2a9: {  	s29 =	simm.s32 $0x2C80;
	[sflag:s28] =	ssyncadd.s32 $0xFFFFC000  }
0x2aa: {  	[spmem:s3] =	stream.indirect.scatter.add.f32 [tilespmem:s25], [sflag:$0x5], $0x80, s29, s23, $0xb8;
	[tilespmem:$0x1F800] =	vst v63  }
0x2ab: {  	_ =	swait.ge [sflag:s20], $0x4000  }
0x2ac: {  	[sflag:s20] =	ssyncset.done $0x0  }
0x2ad: {  	s16 =	simm.s32 $0x2580;
	[sflag:s20] =	ssyncadd.s32 $0xFFFFC000  }
0x2ae: {  	[tilespmem:s25], [sflag:$0x2] =	stream.indirect.gather [hbm4b:s1+s23], $0x80, s16, s23, $0xb8;
	[tilespmem:$0x1F800] =	vst v63  }
0x2af: {  	_ =	swait.ge [sflag:s21], $0x4000  }
0x2b0: {  	[sflag:s21] =	ssyncset.done $0x0  }
0x2b1: {  	s29 =	simm.s32 $0x2D00;
	[sflag:s21] =	ssyncadd.s32 $0xFFFFC000  }
0x2b2: {  	[spmem:s3] =	stream.indirect.scatter.add.f32 [tilespmem:s19], [sflag:$0x5], $0x80, s29, s23, $0xb8;
	[tilespmem:$0x1F800] =	vst v63  }
0x2b3: {  	_ =	swait.ge [sflag:s20], $0x4000  }
0x2b4: {  	[sflag:s20] =	ssyncset.done $0x0  }
0x2b5: {  	s16 =	simm.s32 $0x2600;
	[sflag:s20] =	ssyncadd.s32 $0xFFFFC000  }
0x2b6: {  	[tilespmem:s19], [sflag:$0x1] =	stream.indirect.gather [hbm4b:s1+s23], $0x80, s16, s23, $0xb8;
	[tilespmem:$0x1F800] =	vst v63  }
0x2b7: {  	_ =	swait.ge [sflag:s28], $0x4000  }
0x2b8: {  	[sflag:s28] =	ssyncset.done $0x0  }
0x2b9: {  	s29 =	simm.s32 $0x2D80;
	[sflag:s28] =	ssyncadd.s32 $0xFFFFC000  }
0x2ba: {  	[spmem:s3] =	stream.indirect.scatter.add.f32 [tilespmem:s25], [sflag:$0x5], $0x80, s29, s23, $0xb8;
	[tilespmem:$0x1F800] =	vst v63  }
0x2bb: {  	_ =	swait.ge [sflag:s20], $0x4000  }
0x2bc: {  	[sflag:s20] =	ssyncset.done $0x0  }
0x2bd: {  	s16 =	simm.s32 $0x2680;
	[sflag:s20] =	ssyncadd.s32 $0xFFFFC000  }
0x2be: {  	[tilespmem:s25], [sflag:$0x2] =	stream.indirect.gather [hbm4b:s1+s23], $0x80, s16, s23, $0xb8;
	[tilespmem:$0x1F800] =	vst v63  }
0x2bf: {  	_ =	swait.ge [sflag:s21], $0x4000  }
0x2c0: {  	[sflag:s21] =	ssyncset.done $0x0  }
0x2c1: {  	s29 =	simm.s32 $0x2E00;
	[sflag:s21] =	ssyncadd.s32 $0xFFFFC000  }
0x2c2: {  	[spmem:s3] =	stream.indirect.scatter.add.f32 [tilespmem:s19], [sflag:$0x5], $0x80, s29, s23, $0xb8;
	[tilespmem:$0x1F800] =	vst v63  }
0x2c3: {  	_ =	swait.ge [sflag:s20], $0x4000  }
0x2c4: {  	[sflag:s20] =	ssyncset.done $0x0  }
0x2c5: {  	s16 =	simm.s32 $0x2700;
	[sflag:s20] =	ssyncadd.s32 $0xFFFFC000  }
0x2c6: {  	[tilespmem:s19], [sflag:$0x1] =	stream.indirect.gather [hbm4b:s1+s23], $0x80, s16, s23, $0xb8;
	[tilespmem:$0x1F800] =	vst v63  }
0x2c7: {  	_ =	swait.ge [sflag:s28], $0x4000  }
0x2c8: {  	[sflag:s28] =	ssyncset.done $0x0  }
0x2c9: {  	s29 =	simm.s32 $0x2E80;
	[sflag:s28] =	ssyncadd.s32 $0xFFFFC000  }
0x2ca: {  	[spmem:s3] =	stream.indirect.scatter.add.f32 [tilespmem:s25], [sflag:$0x5], $0x80, s29, s23, $0xb8;
	[tilespmem:$0x1F800] =	vst v63  }
0x2cb: {  	_ =	swait.ge [sflag:s20], $0x4000  }
0x2cc: {  	[sflag:s20] =	ssyncset.done $0x0  }
0x2cd: {  	s16 =	simm.s32 $0x2780;
	[sflag:s20] =	ssyncadd.s32 $0xFFFFC000  }
0x2ce: {  	[tilespmem:s25], [sflag:$0x2] =	stream.indirect.gather [hbm4b:s1+s23], $0x80, s16, s23, $0xb8;
	[tilespmem:$0x1F800] =	vst v63  }
0x2cf: {  	_ =	swait.ge [sflag:s21], $0x4000  }
0x2d0: {  	[sflag:s21] =	ssyncset.done $0x0  }
0x2d1: {  	s29 =	simm.s32 $0x2F00;
	[sflag:s21] =	ssyncadd.s32 $0xFFFFC000  }
0x2d2: {  	[spmem:s3] =	stream.indirect.scatter.add.f32 [tilespmem:s19], [sflag:$0x5], $0x80, s29, s23, $0xb8;
	[tilespmem:$0x1F800] =	vst v63  }
0x2d3: {  	_ =	swait.ge [sflag:s20], $0x4000  }
0x2d4: {  	[sflag:s20] =	ssyncset.done $0x0  }
0x2d5: {  	[sflag:s20] =	ssyncadd.s32 $0xFFFFC000  }
0x2d6: {  	_ =	swait.ge [sflag:s28], $0x4000  }
0x2d7: {  	[sflag:s28] =	ssyncset.done $0x0  }
0x2d8: {  	s16 =	simm.s32 $0x2F80;
	[sflag:s28] =	ssyncadd.s32 $0xFFFFC000  }
0x2d9: {  	[spmem:s3] =	stream.indirect.scatter.add.f32 [tilespmem:s25], [sflag:$0x5], $0x80, s16, s23, $0xb8;
	[tilespmem:$0x1F800] =	vst v63  }
0x2da: {  	_ =	swait.ge [sflag:s20], $0x4000  }
0x2db: {  	[sflag:s20] =	ssyncset.done $0x0  }
0x2dc: {  	s29 =	stileid.u32;
	[sflag:s20] =	ssyncadd.s32 $0xFFFFC000  }
0x2dd: {  	s16 =	sshll.u32 s29, $0x6;
	[bflag:$0x0] =	sbarrier.arrive $0xFFFF  }
0x2de: {  	s29 =	sshrl.u32 s31, $0x3;
	s16 =	sor.u32 $0x1C05, s16;
	s0 =	rddreg [dreg:$0xe]  }
0x2df: {  	[hbm:s0], [sflag:s16] =	dma.local [spmem:s29], $0x2800  }
0x2e0: {  	_ =	swait.ge [sflag:s20], $0x2800  }
0x2e1: {  	s17 =	sadd.s32 $0x1, s17;
	s31 =	rddreg [dreg:$0xf]  }
0x2e2: {  	p0 =	sne.s32 s17, s31  }
.Ltmp1:
0x2e3: {  	_ = 	snop;
	(pc) =	sbr.rel @p0 .LBB2_1-.Ltmp1, $3  }
0x2e4: {  	_ =	sdelay $0x1  }
0x2e5: {  	[sflag:s20] =	ssyncset.done $0x0  }
0x2e6: {  	s15 =	simm.s32 $0x0;
	[sflag:s20] =	ssyncadd.s32 $0xFFFFD800  }
0x2e7: {  	_ =	sfence.sel $0x180000  }
0x2e8: {  	[bflag:$0x0] =	sbarrier.arrive $0xFFFF  }
0x2e9: {  	_ =	strace $0x9000004A  }
0x2ea: {  	s0 =	stileid.u32;
	[bflag:$0x2] =	sbarrier.arrive $0xFFFF  }
0x2eb: {  	p0 =	sne.s32 s0, $0x0;
	s0 =	rddreg [dreg:$0x3]  }
0x2ec: {  	s0 =	sadd.s32 @!p0 $0x100000, s0  }
0x2ed: {  	[sflag:s0] =	ssyncadd.tile.s32 @!p0 $0x1;
	_ =	shalt  }
.Lfunc_end2:
_tile_overlayer_lowered:
.L_overlay_start_2:
0x2ee: {  	(tag) =	ssettag $0x2  }
0x2ef: {  	s0 =	rddreg [dreg:$0x0];
	s2 =	stileid.u32  }
0x2f0: {  	s1 =	rddreg [dreg:$0x1];
	p0 =	sne.s32 s2, $0x0  }
0x2f1: {  	s3 =	rddreg [dreg:$0x2];
	[bflag:$0x3] =	sbarrier.arrive $0xFFFF;
	s2 =	simm.s32 @!p0 $0x1C05  }
0x2f2: {  	[timem:s3], [sflag:s2] =	dma.local @!p0 [hbm:s0], s1  }
0x2f3: {  	s0 =	simm.s32 @!p0 $0x5  }
0x2f4: {  	_ =	swait.ge @!p0 [sflag:s0], s1  }
0x2f5: {  	s1 =	ssub.s32 @!p0 $0x0, s1;
	[sflag:s0] =	ssyncset.done @!p0 $0x0  }
0x2f6: {  	[sflag:s0] =	ssyncadd.s32 @!p0 s1  }
0x2f7: {  	[bflag:$0x3] =	sbarrier.arrive $0xFFFF  }
0x2f8: {  	_ =	shalt  }

// kernel: kernel.14.cloned.1.call-start
scs
__scs_entry_jumppad:
0x0: {  	(pc) =	sbr.rel $0x88, $3  }
0x1: {  	(tag) =	ssettag $0x0;
	lr =	simm.s32 $0x1  }
0x2: {  	[smem:$0x3F9B] =	sst lr;
	_ =	strace $0xD0000000  }
0x3: {  	_ = 	snop  }
0x4: {  	_ = 	snop  }
0x5: {  	_ = 	snop  }
0x6: {  	_ = 	snop  }
0x7: {  	_ = 	snop  }
__scs_overlays_trampoline_lowered:
0x8: {  	[smem:$0x3FAA] =	sst s0  }
0x9: {  	[smem:$0x3FAB] =	sst s1  }
0xa: {  	[smem:$0x3FAC] =	sst s2  }
0xb: {  	[smem:$0x3FAD] =	sst s3  }
0xc: {  	[smem:$0x3FAE] =	sst s4  }
0xd: {  	[smem:$0x3FAF] =	sst s5  }
0xe: {  	[smem:$0x3FB0] =	sst s6  }
0xf: {  	[smem:$0x3FB1] =	sst s7  }
0x10: {  	[smem:$0x3FB2] =	sst s8  }
0x11: {  	[smem:$0x3FB3] =	sst s9;
	s0 =	simm.s32 @!p0 $0x0  }
0x12: {  	s1 =	sld [smem:$0x3F99];
	s0 =	simm.s32 @p0 $0x1  }
0x13: {  	[smem:$0x3FB4] =	sst s0;
	s0 =	simm.s32 @!p1 $0x0  }
0x14: {  	s2 =	sld [smem:$0x3F98];
	s0 =	simm.s32 @p1 $0x1  }
0x15: {  	[smem:$0x3FB5] =	sst s0;
	s0 =	simm.s32 @!p2 $0x0  }
0x16: {  	s3 =	sld [smem:$0x3FDB];
	s0 =	simm.s32 @p2 $0x1  }
0x17: {  	s4 =	simm.s32 $0x1BF5;
	[smem:$0x3FB7] =	sst s0  }
0x18: {  	s0 =	sld [smem:$0x3F9A];
	_ =	swait.ge [sflag:s4], $0x0  }
0x19: {  	s7 =	sld [smem:$0x3F9B]  }
0x1a: {  	s8 =	sadd.s32 $0xFFFFE003, lr  }
0x1b: {  	s9 =	sadd.s32 $0xFFFFFEF7, lr;
	s5 =	simm.s32 $0xFFFFFFFF;
	p2 =	slt.u32 s8, $0xFFFFF086  }
0x1c: {  	p1 =	slt.u32 s9, $0xF7A;
	s5 =	simm.s32 @!p2 $0x0  }
0x1d: {  	s5 =	simm.s32 @p1 $0x1;
	p0 =	seq.s32 s7, s2  }
0x1e: {  	s7 =	smul.u32 @!p0 $0xF7A, s2;
	p2 =	seq.s32 @!p0 s5, $0x0  }
0x1f: {  	s9 =	smul.u32 $0xF7A, s1;
	s8 =	simm.s32 @!p0 $0x1BF5;
	p2 =	por !p2, p0  }
0x20: {  	[sflag:s8] =	ssyncset.s32 @!p0 $0xFFFFF086;
	s6 =	sadd.s32 @!p0 s3, s7;
	s7 =	simm.s32 @!p0 $0x108  }
0x21: {  	s3 =	sadd.s32 s3, s9;
	s6 =	sadd.s32 @!p0 $0x88, s6;
	s7 =	simm.s32 @p2 $0x1082  }
0x22: {  	[simem:s7], [sflag:s8] =	dma.local @!p0 [hbm:s6], $0xF7A  }
0x23: {  	s9 =	sor.u32 $0xD0000000, s2;
	s6 =	simm.s32 $0x108;
	_ =	swait.ge @!p0 [sflag:s8], $0x0  }
0x24: {  	s3 =	sadd.s32 $0x88, s3;
	s6 =	simm.s32 @!p1 $0x1082;
	[sflag:s4] =	ssyncset.s32 $0xFFFFF086  }
0x25: {  	[simem:s6], [sflag:s4] =	dma.local [hbm:s3], $0xF7A  }
0x26: {  	[smem:$0x3F9B] =	sst s1;
	(tag) =	ssettag s2;
	_ =	strace s9  }
0x27: {  	s1 =	sld [smem:$0x3FAB]  }
0x28: {  	s2 =	sld [smem:$0x3FAC]  }
0x29: {  	s4 =	sld [smem:$0x3FAE]  }
0x2a: {  	p0 =	seq.s32 s5, $0x0;
	s5 =	sld [smem:$0x3FAF]  }
0x2b: {  	s6 =	sld [smem:$0x3FB0]  }
0x2c: {  	s7 =	sld [smem:$0x3FB1]  }
0x2d: {  	s3 =	simm.s32 $0x108;
	s8 =	sld [smem:$0x3FB2]  }
0x2e: {  	s3 =	simm.s32 @!p0 $0x1082;
	s9 =	sld [smem:$0x3FB3]  }
0x2f: {  	lr =	sadd.s32 s0, s3;
	s0 =	sld [smem:$0x3FAA]  }
0x30: {  	s3 =	sld [smem:$0x3FAD]  }
0x31: {  	[smem:$0x3FB6] =	sst s10  }
0x32: {  	s10 =	sld [smem:$0x3FB4];
	_ =	sdelay $0x3  }
0x33: {  	p0 =	seq.s32 s10, $0x1;
	s10 =	sld [smem:$0x3FB6];
	_ =	sdelay $0x3  }
0x34: {  	[smem:$0x3FB6] =	sst s10  }
0x35: {  	s10 =	sld [smem:$0x3FB5];
	_ =	sdelay $0x3  }
0x36: {  	p1 =	seq.s32 s10, $0x1;
	s10 =	sld [smem:$0x3FB6];
	_ =	sdelay $0x3  }
0x37: {  	[smem:$0x3FB6] =	sst s10  }
0x38: {  	s10 =	sld [smem:$0x3FB7]  }
0x39: {  	_ = 	snop;
	(pc) =	sbr.ind lr, $3  }
0x3a: {  	_ = 	snop  }
0x3b: {  	_ = 	snop  }
0x3c: {  	p2 =	seq.s32 s10, $0x1;
	s10 =	sld [smem:$0x3FB6]  }
0x3d: {  	_ =	shalt  }
0x3e: {  	_ =	shalt  }
0x3f: {  	_ =	shalt  }
0x40: {  	_ =	shalt  }
0x41: {  	_ =	shalt  }
0x42: {  	_ =	shalt  }
0x43: {  	_ =	shalt  }
0x44: {  	_ =	shalt  }
0x45: {  	_ =	shalt  }
0x46: {  	_ =	shalt  }
0x47: {  	_ =	shalt  }
0x48: {  	_ =	shalt  }
0x49: {  	_ =	shalt  }
0x4a: {  	_ =	shalt  }
0x4b: {  	_ =	shalt  }
0x4c: {  	_ =	shalt  }
0x4d: {  	_ =	shalt  }
0x4e: {  	_ =	shalt  }
0x4f: {  	_ =	shalt  }
0x50: {  	_ =	shalt  }
0x51: {  	_ =	shalt  }
0x52: {  	_ =	shalt  }
0x53: {  	_ =	shalt  }
0x54: {  	_ =	shalt  }
0x55: {  	_ =	shalt  }
0x56: {  	_ =	shalt  }
0x57: {  	_ =	shalt  }
0x58: {  	_ =	shalt  }
0x59: {  	_ =	shalt  }
0x5a: {  	_ =	shalt  }
0x5b: {  	_ =	shalt  }
0x5c: {  	_ =	shalt  }
0x5d: {  	_ =	shalt  }
0x5e: {  	_ =	shalt  }
0x5f: {  	_ =	shalt  }
0x60: {  	_ =	shalt  }
0x61: {  	_ =	shalt  }
0x62: {  	_ =	shalt  }
0x63: {  	_ =	shalt  }
0x64: {  	_ =	shalt  }
0x65: {  	_ =	shalt  }
0x66: {  	_ =	shalt  }
0x67: {  	_ =	shalt  }
0x68: {  	_ =	shalt  }
0x69: {  	_ =	shalt  }
0x6a: {  	_ =	shalt  }
0x6b: {  	_ =	shalt  }
0x6c: {  	_ =	shalt  }
0x6d: {  	_ =	shalt  }
0x6e: {  	_ =	shalt  }
0x6f: {  	_ =	shalt  }
0x70: {  	_ =	shalt  }
0x71: {  	_ =	shalt  }
0x72: {  	_ =	shalt  }
0x73: {  	_ =	shalt  }
0x74: {  	_ =	shalt  }
0x75: {  	_ =	shalt  }
0x76: {  	_ =	shalt  }
0x77: {  	_ =	shalt  }
0x78: {  	_ =	shalt  }
0x79: {  	_ =	shalt  }
0x7a: {  	_ =	shalt  }
0x7b: {  	_ =	shalt  }
0x7c: {  	_ =	shalt  }
0x7d: {  	_ =	shalt  }
0x7e: {  	_ =	shalt  }
0x7f: {  	_ =	shalt  }
0x80: {  	_ =	shalt  }
0x81: {  	_ =	shalt  }
0x82: {  	_ =	shalt  }
0x83: {  	_ =	shalt  }
0x84: {  	_ =	shalt  }
0x85: {  	_ =	shalt  }
0x86: {  	_ =	shalt  }
0x87: {  	_ =	shalt  }
.Lfunc_end0:
.L_simem_size_0:
called_computation.2_lowered:
.L_overlay_start_0:
0x88: {  	s2 =	sld [smem:$0x3FD9]  }
0x89: {  	s3 =	sld [smem:$0x3FFE];
	_ =	sdelay $0x1  }
0x8a: {  	s1 =	srdreg.scid  }
0x8b: {  	s0 =	sand.u32 $0x1, s1  }
0x8c: {  	s17 =	sshll.u32 s0, $0xA;
	s2 =	sadd.s32 s3, s2  }
0x8d: {  	s2 =	sadd.s32 s2, s17  }
0x8e: {  	[smem:$0x3FC2] =	sst s2  }
0x8f: {  	_ = 	snop  }
0x90: {  	s2 =	sld [smem:$0x3FD0];
	(tm) =	ssettm $0x1  }
0x91: {  	s18 =	sld [smem:$0x3FFB];
	_ =	sdelay $0x3  }
0x92: {  	_ =	strace s18  }
0x93: {  	s3 =	sld [smem:$0x3FFC];
	_ =	sdelay $0x3  }
0x94: {  	_ =	strace s3  }
0x95: {  	s3 =	sld [smem:$0x3FFD];
	_ =	sdelay $0x3  }
0x96: {  	_ =	strace s3  }
0x97: {  	_ =	strace $0x8FFFFFFF  }
0x98: {  	s19 =	sld [smem:$0x3FDB];
	_ =	sdelay $0x1  }
0x99: {  	s4 =	simm.s32 $_scs_section_size  }
0x9a: {  	s5 =	simm.s32 $_size__tile_overlayer_lowered;
	s6 =	simm.s32 $_tile_overlayer_lowered  }
0x9b: {  	s22 =	simm.s32 $0x1BFF;
	s21 =	sshll.u32 s6, $0x1;
	s3 =	sadd.s32 s4, s19  }
0x9c: {  	s7 =	simm.s32 $0x0;
	s20 =	sshll.u32 s5, $0x1;
	s5 =	sadd.s32 s21, s3  }
0x9d: {  	[timem:s7], [sflag:s22] =	dma.local [hbm:s5], s20  }
0x9e: {  	_ =	swait.ge [sflag:s22], s20  }
0x9f: {  	s4 =	ssub.s32 $0x0, s20;
	[sflag:s22] =	ssyncset.done $0x0  }
0xa0: {  	[sflag:s22] =	ssyncadd.s32 s4;
	_ =	sdelay $0x1  }
0xa1: {  	s23 =	simm.s32 $0x1B8B  }
0xa2: {  	_ =	swait.ge [sflag:s23], $0x1  }
0xa3: {  	[sflag:s23] =	ssyncset.done $0x0  }
0xa4: {  	s25 =	simm.s32 $0x1B8E;
	s24 =	sld [smem:$0x3FFE];
	[sflag:s23] =	ssyncadd.s32 $0xFFFFFFFF  }
0xa5: {  	s26 =	simm.s32 $execute0_lowered;
	[smem:$0x3FD2] =	sst s25  }
0xa6: {  	s5 =	sshll.u32 s26, $0x1;
	_ =	strace $0x8000004C;
	[dreg:$0x1] =	wrdreg $0xFFFFFFFF  }
0xa7: {  	s28 =	simm.s32 $_size_execute0_lowered;
	s3 =	sadd.s32 s3, s5;
	[dreg:$0x0] =	wrdreg $0x0  }
0xa8: {  	s5 =	sshll.u32 s28, $0x1;
	[dreg:$0x2] =	wrdreg s3  }
0xa9: {  	[dreg:$0x3] =	wrdreg s5  }
0xaa: {  	[dreg:$0x4] =	wrdreg $0xC0  }
0xab: {  	_ =	task [dreg:s7], $0x5FFFF  }
0xac: {  	[dreg:$0x1] =	wrdreg $0xFFFFFFFF  }
0xad: {  	[dreg:$0x0] =	wrdreg $0x60  }
0xae: {  	[dreg:$0x2] =	wrdreg s2  }
0xaf: {  	[dreg:$0x3] =	wrdreg s24  }
0xb0: {  	[dreg:$0x4] =	wrdreg $0xB8000  }
0xb1: {  	[dreg:$0x5] =	wrdreg $0x9  }
0xb2: {  	_ =	task.clear_ibuf [dreg:s7], $0x6FFFF;
	_ =	strace $0x9000004C  }
0xb3: {  	s29 =	simm.s32 $0x9;
	_ =	strace $0x8000004E  }
0xb4: {  	_ =	swait.ge [sflag:s29], $0x1  }
0xb5: {  	[sflag:s29] =	ssyncadd.s32 $0xFFFFFFFF  }
0xb6: {  	_ =	strace $0x9000004E  }
0xb7: {  	_ =	sfence  }
0xb8: {  	s30 =	sld [smem:$0x0];
	_ =	sdelay $0x2  }
0xb9: {  	s31 =	sshll.u32 s1, $0xD;
	s1 =	sshrl.u32 s1, $0x2  }
0xba: {  	s3 =	sand.u32 $0x4000, s31;
	s1 =	sadd.s32 s1, s30  }
0xbb: {  	s0 =	sor.u32 s3, s0;
	s1 =	sshll.u32 s1, $0x11  }
0xbc: {  	s0 =	sor.u32 s1, s0  }
0xbd: {  	s0 =	sadd.s32 $0x8F2B, s0  }
0xbe: {  	[sflag:s0] =	ssyncadd.remote.s32 $0x1  }
0xbf: {  	_ =	sfence.sel $0xFFFF  }
0xc0: {  	[dreg:$0x0] =	wrdreg $0xFFFFFFFF;
	(pc) =	sbr.abs _section_cstart, $3  }
0xc1: {  	[dreg:$0x1] =	wrdreg $0xFFFFFFFF  }
0xc2: {  	_ =	task.clear_ibuf [dreg:s7], $0x2FFFF;
	_ =	strace $0x9FFFFFFF  }
0xc3: {  	(tm) =	ssettm $0x7FFFFFFF  }
tec
execute0_lowered:
.L_overlay_start_1:
0x0: {  	(tag) =	ssettag $0x1  }
0x1: {  	s1 =	rddreg [dreg:$0x0]  }
0x2: {  	s0 =	srdreg.scid;
	s4 =	rddreg [dreg:$0x1]  }
0x3: {  	s5 =	stileid.u32;
	s3 =	rddreg [dreg:$0x2]  }
0x4: {  	s15 =	simm.s32 $0x0;
	s28 =	simm.s32 $0x2;
	s8 =	simm.s32 $0x3300  }
0x5: {  	s9 =	simm.s32 $0x3380;
	s10 =	simm.s32 $0x3400;
	s11 =	simm.s32 $0x3480  }
0x6: {  	s12 =	simm.s32 $0x3500;
	s13 =	simm.s32 $0x3580;
	s14 =	simm.s32 $0x3600  }
0x7: {  	s30 =	simm.s32 $0x3680;
	s0 =	sand.u32 $0x1, s0;
	s7 =	smul.u32 $0x14000, s5  }
0x8: {  	s2 =	sshll.u32 s5, $0x1;
	[smem:$0x7FF] =	sst s15;
	s16 =	smul.u32 $0x50000, s5  }
0x9: {  	s5 =	simm.s32 $0x3200;
	s2 =	sor.u32 s0, s2;
	s6 =	smul.u32 $0x140000, s0  }
0xa: {  	_ =	strace $0x8000004D;
	s0 =	ssub.s32 $0x2, s0;
	s2 =	smul.u32 $0x2800, s2  }
0xb: {  	s17 =	sshrl.u32 s0, $0x1;
	s18 =	sshrl.u32 s16, $0x2;
	s6 =	sadd.s32 s7, s6  }
0xc: {  	s0 =	ssub.s32 s0, s17;
	s21 =	sadd.s32 s18, s3;
	s17 =	simm.s32 $0x0  }
0xd: {  	s7 =	simm.s32 $0x3000;
	s22 =	sadd.s32 $0x8000, s21;
	[dreg:$0x10] =	wrdreg s21  }
0xe: {  	s2 =	sshrl.u32 s2, $0x3;
	s23 =	sadd.s32 $0xC000, s21;
	[dreg:$0x7] =	wrdreg s22  }
0xf: {  	s6 =	sshrl.u32 s6, $0x3;
	s24 =	sadd.s32 $0x10000, s21;
	[dreg:$0x8] =	wrdreg s23  }
0x10: {  	s0 =	smax.u32 s0, $0x1;
	s2 =	sadd.s32 s2, s4;
	[dreg:$0x9] =	wrdreg s24  }
0x11: {  	s4 =	sadd.s32 s6, s4;
	s6 =	sadd.s32 $0x4000, s21;
	[dreg:$0xf] =	wrdreg s0  }
0x12: {  	s18 =	simm.s32 $0x3780;
	s19 =	sadd.s32 $0xC400, s2;
	[dreg:$0x6] =	wrdreg s6  }
0x13: {  	s21 =	simm.s32 $0x1;
	s20 =	sadd.s32 $0x2400, s2;
	[dreg:$0x4] =	wrdreg s19  }
0x14: {  	s23 =	simm.s32 $0x80;
	s25 =	sadd.s32 $0x2500, s2;
	[dreg:$0x5] =	wrdreg s20  }
0x15: {  	s22 =	simm.s32 $0x0;
	s26 =	sadd.s32 $0x2600, s2;
	[dreg:$0xa] =	wrdreg s25  }
0x16: {  	s24 =	simm.s32 $0x3700;
	s29 =	sadd.s32 $0x2700, s2;
	[dreg:$0xb] =	wrdreg s26  }
0x17: {  	s2 =	sadd.s32 $0x2800, s2;
	s31 =	sadd.s32 $0x16400, s4;
	[dreg:$0xc] =	wrdreg s29  }
0x18: {  	s4 =	simm.s32 $0x3180;
	s6 =	simm.s32 $0x3280;
	[dreg:$0xd] =	wrdreg s2  }
0x19: {  	[dreg:$0xe] =	wrdreg s31;
	s26 =	simm.s32 $0x2800;
	s19 =	simm.s32 $0x3800  }
0x1a: {  	v0 =	vimm.f32 $0.0e+00;
	s20 =	simm.s32 $0x5;
	s25 =	simm.s32 $0x7800;
	s2 =	simm.s32 $0x3  }
.LBB2_1:
0x1b: {  	s16 =	rddreg [dreg:$0x4]  }
0x1c: {  	[tilespmem:s15], [sflag:$0x1] =	stream.linear.gather [hbm4b:s16+s15], $0x2800, $0x38;
	[tilespmem:$0x1F800] =	vst v63  }
0x1d: {  	s31 =	rddreg [dreg:$0x5];
	s29 =	simm.s32 $0x200;
	s16 =	simm.s32 $0x0  }
0x1e: {  	[tilespmem:s26], [sflag:$0x3] =	stream.linear.gather [hbm4b:s31+s15], $0x800, $0x38;
	[tilespmem:$0x1F800] =	vst v63  }
.LBB2_2:
0x1f: {  	p0 =	sne.s32 s29, $0xFE00;
	[tilespmem:s16+$0x3870] =	vst v0  }
0x20: {  	[tilespmem:s16+$0x3800] =	vst v0  }
0x21: {  	[tilespmem:s16+$0x3810] =	vst v0  }
.Ltmp0:
0x22: {  	[tilespmem:s16+$0x3820] =	vst v0;
	(pc) =	sbr.rel @p0 .LBB2_2-.Ltmp0, $4  }
0x23: {  	[tilespmem:s16+$0x3830] =	vst v0  }
0x24: {  	[tilespmem:s16+$0x3840] =	vst v0  }
0x25: {  	[tilespmem:s16+$0x3850] =	vst v0  }
0x26: {  	[tilespmem:s16+$0x3860] =	vst v0;
	s16 =	sshra.s32 s29, $0x2;
	s29 =	sadd.s32 $0x200, s29  }
0x27: {  	[tilespmem:s16+$0x3870] =	vst v0  }
0x28: {  	[tilespmem:s16+$0x3800] =	vst v0  }
0x29: {  	[tilespmem:s16+$0x3810] =	vst v0  }
0x2a: {  	[tilespmem:s16+$0x3820] =	vst v0  }
0x2b: {  	[tilespmem:s16+$0x3830] =	vst v0  }
0x2c: {  	[tilespmem:s16+$0x3840] =	vst v0  }
0x2d: {  	[tilespmem:s16+$0x3850] =	vst v0  }
0x2e: {  	[tilespmem:s16+$0x3860] =	vst v0;
	s31 =	rddreg [dreg:$0x10]  }
0x2f: {  	[spmem:s31] =	stream.linear.scatter [tilespmem:s19], [sflag:$0x5], $0x4000, $0x38;
	[tilespmem:$0x1F800] =	vst v63  }
0x30: {  	_ =	swait.ge [sflag:s20], $0x4000  }
0x31: {  	[sflag:s20] =	ssyncset.done $0x0  }
0x32: {  	s0 =	rddreg [dreg:$0x6];
	[sflag:s20] =	ssyncadd.s32 $0xFFFFC000  }
0x33: {  	[spmem:s0] =	stream.linear.scatter [tilespmem:s19], [sflag:$0x5], $0x4000, $0x38;
	[tilespmem:$0x1F800] =	vst v63  }
0x34: {  	_ =	swait.ge [sflag:s20], $0x4000  }
0x35: {  	[sflag:s20] =	ssyncset.done $0x0  }
0x36: {  	s29 =	rddreg [dreg:$0x7];
	[sflag:s20] =	ssyncadd.s32 $0xFFFFC000  }
0x37: {  	[spmem:s29] =	stream.linear.scatter [tilespmem:s19], [sflag:$0x5], $0x4000, $0x38;
	[tilespmem:$0x1F800] =	vst v63  }
0x38: {  	_ =	swait.ge [sflag:s20], $0x4000  }
0x39: {  	[sflag:s20] =	ssyncset.done $0x0  }
0x3a: {  	s0 =	rddreg [dreg:$0x8];
	[sflag:s20] =	ssyncadd.s32 $0xFFFFC000  }
0x3b: {  	[spmem:s0] =	stream.linear.scatter [tilespmem:s19], [sflag:$0x5], $0x4000, $0x38;
	[tilespmem:$0x1F800] =	vst v63  }
0x3c: {  	_ =	swait.ge [sflag:s20], $0x4000  }
0x3d: {  	[sflag:s20] =	ssyncset.done $0x0  }
0x3e: {  	s29 =	rddreg [dreg:$0x9];
	[sflag:s20] =	ssyncadd.s32 $0xFFFFC000  }
0x3f: {  	[spmem:s29] =	stream.linear.scatter [tilespmem:s19], [sflag:$0x5], $0x4000, $0x38;
	[tilespmem:$0x1F800] =	vst v63  }
0x40: {  	_ =	swait.ge [sflag:s20], $0x4000  }
0x41: {  	[sflag:s20] =	ssyncset.done $0x0  }
0x42: {  	[sflag:s20] =	ssyncadd.s32 $0xFFFFC000  }
0x43: {  	_ =	swait.ge [sflag:s21], $0x2800  }
0x44: {  	[sflag:s21] =	ssyncset.done $0x0  }
0x45: {  	[sflag:s21] =	ssyncadd.s32 $0xFFFFD800  }
0x46: {  	_ =	swait.ge [sflag:s2], $0x800  }
0x47: {  	[sflag:s2] =	ssyncset.done $0x0  }
0x48: {  	[sflag:s2] =	ssyncadd.s32 $0xFFFFF800  }
0x49: {  	[bflag:$0x0] =	sbarrier.arrive $0xFFFF  }
0x4a: {  	[tilespmem:s19], [sflag:$0x1] =	stream.indirect.gather [hbm4b:s1+s23], $0x80, s15, s23, $0xb8;
	[tilespmem:$0x1F800] =	vst v63  }
0x4b: {  	s0 =	rddreg [dreg:$0xa]  }
0x4c: {  	[tilespmem:s7], [sflag:$0x4] =	stream.linear.gather [hbm4b:s0+s15], $0x800, $0x38;
	[tilespmem:$0x1F800] =	vst v63  }
0x4d: {  	_ = 	snop  }
0x4e: {  	[tilespmem:s25], [sflag:$0x2] =	stream.indirect.gather [hbm4b:s1+s23], $0x80, s23, s23, $0xb8;
	[tilespmem:$0x1F800] =	vst v63  }
0x4f: {  	_ =	swait.ge [sflag:s21], $0x4000  }
0x50: {  	[sflag:s21] =	ssyncset.done $0x0  }
0x51: {  	[sflag:s21] =	ssyncadd.s32 $0xFFFFC000  }
0x52: {  	[spmem:s3] =	stream.indirect.scatter.add.f32 [tilespmem:s19], [sflag:$0x5], $0x80, s26, s23, $0xb8;
	[tilespmem:$0x1F800] =	vst v63  }
0x53: {  	_ =	swait.ge [sflag:s20], $0x4000  }
0x54: {  	[sflag:s20] =	ssyncset.done $0x0  }
0x55: {  	s29 =	simm.s32 $0x100;
	[sflag:s20] =	ssyncadd.s32 $0xFFFFC000  }
0x56: {  	[tilespmem:s19], [sflag:$0x1] =	stream.indirect.gather [hbm4b:s1+s23], $0x80, s29, s23, $0xb8;
	[tilespmem:$0x1F800] =	vst v63  }
0x57: {  	_ =	swait.ge [sflag:s28], $0x4000  }
0x58: {  	[sflag:s28] =	ssyncset.done $0x0  }
0x59: {  	s0 =	simm.s32 $0x2880;
	[sflag:s28] =	ssyncadd.s32 $0xFFFFC000  }
0x5a: {  	[spmem:s3] =	stream.indirect.scatter.add.f32 [tilespmem:s25], [sflag:$0x5], $0x80, s0, s23, $0xb8;
	[tilespmem:$0x1F800] =	vst v63  }
0x5b: {  	_ =	swait.ge [sflag:s20], $0x4000  }
0x5c: {  	[sflag:s20] =	ssyncset.done $0x0  }
0x5d: {  	s0 =	simm.s32 $0x180;
	[sflag:s20] =	ssyncadd.s32 $0xFFFFC000  }
0x5e: {  	[tilespmem:s25], [sflag:$0x2] =	stream.indirect.gather [hbm4b:s1+s23], $0x80, s0, s23, $0xb8;
	[tilespmem:$0x1F800] =	vst v63  }
0x5f: {  	_ =	swait.ge [sflag:s21], $0x4000  }
0x60: {  	[sflag:s21] =	ssyncset.done $0x0  }
0x61: {  	s29 =	simm.s32 $0x2900;
	[sflag:s21] =	ssyncadd.s32 $0xFFFFC000  }
0x62: {  	[spmem:s3] =	stream.indirect.scatter.add.f32 [tilespmem:s19], [sflag:$0x5], $0x80, s29, s23, $0xb8;
	[tilespmem:$0x1F800] =	vst v63  }
0x63: {  	_ =	swait.ge [sflag:s20], $0x4000  }
0x64: {  	[sflag:s20] =	ssyncset.done $0x0  }
0x65: {  	s0 =	simm.s32 $0x200;
	[sflag:s20] =	ssyncadd.s32 $0xFFFFC000  }
0x66: {  	[tilespmem:s19], [sflag:$0x1] =	stream.indirect.gather [hbm4b:s1+s23], $0x80, s0, s23, $0xb8;
	[tilespmem:$0x1F800] =	vst v63  }
0x67: {  	_ =	swait.ge [sflag:s28], $0x4000  }
0x68: {  	[sflag:s28] =	ssyncset.done $0x0  }
0x69: {  	s29 =	simm.s32 $0x2980;
	[sflag:s28] =	ssyncadd.s32 $0xFFFFC000  }
0x6a: {  	[spmem:s3] =	stream.indirect.scatter.add.f32 [tilespmem:s25], [sflag:$0x5], $0x80, s29, s23, $0xb8;
	[tilespmem:$0x1F800] =	vst v63  }
0x6b: {  	_ =	swait.ge [sflag:s20], $0x4000  }
0x6c: {  	[sflag:s20] =	ssyncset.done $0x0  }
0x6d: {  	s0 =	simm.s32 $0x280;
	[sflag:s20] =	ssyncadd.s32 $0xFFFFC000  }
0x6e: {  	[tilespmem:s25], [sflag:$0x2] =	stream.indirect.gather [hbm4b:s1+s23], $0x80, s0, s23, $0xb8;
	[tilespmem:$0x1F800] =	vst v63  }
0x6f: {  	_ =	swait.ge [sflag:s21], $0x4000  }
0x70: {  	[sflag:s21] =	ssyncset.done $0x0  }
0x71: {  	s29 =	simm.s32 $0x2A00;
	[sflag:s21] =	ssyncadd.s32 $0xFFFFC000  }
0x72: {  	[spmem:s3] =	stream.indirect.scatter.add.f32 [tilespmem:s19], [sflag:$0x5], $0x80, s29, s23, $0xb8;
	[tilespmem:$0x1F800] =	vst v63  }
0x73: {  	_ =	swait.ge [sflag:s20], $0x4000  }
0x74: {  	[sflag:s20] =	ssyncset.done $0x0  }
0x75: {  	s0 =	simm.s32 $0x300;
	[sflag:s20] =	ssyncadd.s32 $0xFFFFC000  }
0x76: {  	[tilespmem:s19], [sflag:$0x1] =	stream.indirect.gather [hbm4b:s1+s23], $0x80, s0, s23, $0xb8;
	[tilespmem:$0x1F800] =	vst v63  }
0x77: {  	_ =	swait.ge [sflag:s28], $0x4000  }
0x78: {  	[sflag:s28] =	ssyncset.done $0x0  }
0x79: {  	s29 =	simm.s32 $0x2A80;
	[sflag:s28] =	ssyncadd.s32 $0xFFFFC000  }
0x7a: {  	[spmem:s3] =	stream.indirect.scatter.add.f32 [tilespmem:s25], [sflag:$0x5], $0x80, s29, s23, $0xb8;
	[tilespmem:$0x1F800] =	vst v63  }
0x7b: {  	_ =	swait.ge [sflag:s20], $0x4000  }
0x7c: {  	[sflag:s20] =	ssyncset.done $0x0  }
0x7d: {  	s0 =	simm.s32 $0x380;
	[sflag:s20] =	ssyncadd.s32 $0xFFFFC000  }
0x7e: {  	[tilespmem:s25], [sflag:$0x2] =	stream.indirect.gather [hbm4b:s1+s23], $0x80, s0, s23, $0xb8;
	[tilespmem:$0x1F800] =	vst v63  }
0x7f: {  	_ =	swait.ge [sflag:s21], $0x4000  }
0x80: {  	[sflag:s21] =	ssyncset.done $0x0  }
0x81: {  	s29 =	simm.s32 $0x2B00;
	[sflag:s21] =	ssyncadd.s32 $0xFFFFC000  }
0x82: {  	[spmem:s3] =	stream.indirect.scatter.add.f32 [tilespmem:s19], [sflag:$0x5], $0x80, s29, s23, $0xb8;
	[tilespmem:$0x1F800] =	vst v63  }
0x83: {  	_ =	swait.ge [sflag:s20], $0x4000  }
0x84: {  	[sflag:s20] =	ssyncset.done $0x0  }
0x85: {  	s0 =	simm.s32 $0x400;
	[sflag:s20] =	ssyncadd.s32 $0xFFFFC000  }
0x86: {  	[tilespmem:s19], [sflag:$0x1] =	stream.indirect.gather [hbm4b:s1+s23], $0x80, s0, s23, $0xb8;
	[tilespmem:$0x1F800] =	vst v63  }
0x87: {  	_ =	swait.ge [sflag:s28], $0x4000  }
0x88: {  	[sflag:s28] =	ssyncset.done $0x0  }
0x89: {  	s29 =	simm.s32 $0x2B80;
	[sflag:s28] =	ssyncadd.s32 $0xFFFFC000  }
0x8a: {  	[spmem:s3] =	stream.indirect.scatter.add.f32 [tilespmem:s25], [sflag:$0x5], $0x80, s29, s23, $0xb8;
	[tilespmem:$0x1F800] =	vst v63  }
0x8b: {  	_ =	swait.ge [sflag:s20], $0x4000  }
0x8c: {  	[sflag:s20] =	ssyncset.done $0x0  }
0x8d: {  	s0 =	simm.s32 $0x480;
	[sflag:s20] =	ssyncadd.s32 $0xFFFFC000  }
0x8e: {  	[tilespmem:s25], [sflag:$0x2] =	stream.indirect.gather [hbm4b:s1+s23], $0x80, s0, s23, $0xb8;
	[tilespmem:$0x1F800] =	vst v63  }
0x8f: {  	_ =	swait.ge [sflag:s21], $0x4000  }
0x90: {  	[sflag:s21] =	ssyncset.done $0x0  }
0x91: {  	s29 =	simm.s32 $0x2C00;
	[sflag:s21] =	ssyncadd.s32 $0xFFFFC000  }
0x92: {  	[spmem:s3] =	stream.indirect.scatter.add.f32 [tilespmem:s19], [sflag:$0x5], $0x80, s29, s23, $0xb8;
	[tilespmem:$0x1F800] =	vst v63  }
0x93: {  	_ =	swait.ge [sflag:s20], $0x4000  }
0x94: {  	[sflag:s20] =	ssyncset.done $0x0  }
0x95: {  	s0 =	simm.s32 $0x500;
	[sflag:s20] =	ssyncadd.s32 $0xFFFFC000  }
0x96: {  	[tilespmem:s19], [sflag:$0x1] =	stream.indirect.gather [hbm4b:s1+s23], $0x80, s0, s23, $0xb8;
	[tilespmem:$0x1F800] =	vst v63  }
0x97: {  	_ =	swait.ge [sflag:s28], $0x4000  }
0x98: {  	[sflag:s28] =	ssyncset.done $0x0  }
0x99: {  	s29 =	simm.s32 $0x2C80;
	[sflag:s28] =	ssyncadd.s32 $0xFFFFC000  }
0x9a: {  	[spmem:s3] =	stream.indirect.scatter.add.f32 [tilespmem:s25], [sflag:$0x5], $0x80, s29, s23, $0xb8;
	[tilespmem:$0x1F800] =	vst v63  }
0x9b: {  	_ =	swait.ge [sflag:s20], $0x4000  }
0x9c: {  	[sflag:s20] =	ssyncset.done $0x0  }
0x9d: {  	s0 =	simm.s32 $0x580;
	[sflag:s20] =	ssyncadd.s32 $0xFFFFC000  }
0x9e: {  	[tilespmem:s25], [sflag:$0x2] =	stream.indirect.gather [hbm4b:s1+s23], $0x80, s0, s23, $0xb8;
	[tilespmem:$0x1F800] =	vst v63  }
0x9f: {  	_ =	swait.ge [sflag:s21], $0x4000  }
0xa0: {  	[sflag:s21] =	ssyncset.done $0x0  }
0xa1: {  	s29 =	simm.s32 $0x2D00;
	[sflag:s21] =	ssyncadd.s32 $0xFFFFC000  }
0xa2: {  	[spmem:s3] =	stream.indirect.scatter.add.f32 [tilespmem:s19], [sflag:$0x5], $0x80, s29, s23, $0xb8;
	[tilespmem:$0x1F800] =	vst v63  }
0xa3: {  	_ =	swait.ge [sflag:s20], $0x4000  }
0xa4: {  	[sflag:s20] =	ssyncset.done $0x0  }
0xa5: {  	s0 =	simm.s32 $0x600;
	[sflag:s20] =	ssyncadd.s32 $0xFFFFC000  }
0xa6: {  	[tilespmem:s19], [sflag:$0x1] =	stream.indirect.gather [hbm4b:s1+s23], $0x80, s0, s23, $0xb8;
	[tilespmem:$0x1F800] =	vst v63  }
0xa7: {  	_ =	swait.ge [sflag:s28], $0x4000  }
0xa8: {  	[sflag:s28] =	ssyncset.done $0x0  }
0xa9: {  	s29 =	simm.s32 $0x2D80;
	[sflag:s28] =	ssyncadd.s32 $0xFFFFC000  }
0xaa: {  	[spmem:s3] =	stream.indirect.scatter.add.f32 [tilespmem:s25], [sflag:$0x5], $0x80, s29, s23, $0xb8;
	[tilespmem:$0x1F800] =	vst v63  }
0xab: {  	_ =	swait.ge [sflag:s20], $0x4000  }
0xac: {  	[sflag:s20] =	ssyncset.done $0x0  }
0xad: {  	s0 =	simm.s32 $0x680;
	[sflag:s20] =	ssyncadd.s32 $0xFFFFC000  }
0xae: {  	[tilespmem:s25], [sflag:$0x2] =	stream.indirect.gather [hbm4b:s1+s23], $0x80, s0, s23, $0xb8;
	[tilespmem:$0x1F800] =	vst v63  }
0xaf: {  	_ =	swait.ge [sflag:s21], $0x4000  }
0xb0: {  	[sflag:s21] =	ssyncset.done $0x0  }
0xb1: {  	s29 =	simm.s32 $0x2E00;
	[sflag:s21] =	ssyncadd.s32 $0xFFFFC000  }
0xb2: {  	[spmem:s3] =	stream.indirect.scatter.add.f32 [tilespmem:s19], [sflag:$0x5], $0x80, s29, s23, $0xb8;
	[tilespmem:$0x1F800] =	vst v63  }
0xb3: {  	_ =	swait.ge [sflag:s20], $0x4000  }
0xb4: {  	[sflag:s20] =	ssyncset.done $0x0  }
0xb5: {  	s0 =	simm.s32 $0x700;
	[sflag:s20] =	ssyncadd.s32 $0xFFFFC000  }
0xb6: {  	[tilespmem:s19], [sflag:$0x1] =	stream.indirect.gather [hbm4b:s1+s23], $0x80, s0, s23, $0xb8;
	[tilespmem:$0x1F800] =	vst v63  }
0xb7: {  	_ =	swait.ge [sflag:s28], $0x4000  }
0xb8: {  	[sflag:s28] =	ssyncset.done $0x0  }
0xb9: {  	s29 =	simm.s32 $0x2E80;
	[sflag:s28] =	ssyncadd.s32 $0xFFFFC000  }
0xba: {  	[spmem:s3] =	stream.indirect.scatter.add.f32 [tilespmem:s25], [sflag:$0x5], $0x80, s29, s23, $0xb8;
	[tilespmem:$0x1F800] =	vst v63  }
0xbb: {  	_ =	swait.ge [sflag:s20], $0x4000  }
0xbc: {  	[sflag:s20] =	ssyncset.done $0x0  }
0xbd: {  	s0 =	simm.s32 $0x780;
	[sflag:s20] =	ssyncadd.s32 $0xFFFFC000  }
0xbe: {  	[tilespmem:s25], [sflag:$0x2] =	stream.indirect.gather [hbm4b:s1+s23], $0x80, s0, s23, $0xb8;
	[tilespmem:$0x1F800] =	vst v63  }
0xbf: {  	_ =	swait.ge [sflag:s21], $0x4000  }
0xc0: {  	[sflag:s21] =	ssyncset.done $0x0  }
0xc1: {  	s29 =	simm.s32 $0x2F00;
	[sflag:s21] =	ssyncadd.s32 $0xFFFFC000  }
0xc2: {  	[spmem:s3] =	stream.indirect.scatter.add.f32 [tilespmem:s19], [sflag:$0x5], $0x80, s29, s23, $0xb8;
	[tilespmem:$0x1F800] =	vst v63  }
0xc3: {  	_ =	swait.ge [sflag:s20], $0x4000  }
0xc4: {  	[sflag:s20] =	ssyncset.done $0x0  }
0xc5: {  	s0 =	simm.s32 $0x800;
	[sflag:s20] =	ssyncadd.s32 $0xFFFFC000  }
0xc6: {  	[tilespmem:s19], [sflag:$0x1] =	stream.indirect.gather [hbm4b:s1+s23], $0x80, s0, s23, $0xb8;
	[tilespmem:$0x1F800] =	vst v63  }
0xc7: {  	_ =	swait.ge [sflag:s28], $0x4000  }
0xc8: {  	[sflag:s28] =	ssyncset.done $0x0  }
0xc9: {  	s29 =	simm.s32 $0x2F80;
	[sflag:s28] =	ssyncadd.s32 $0xFFFFC000  }
0xca: {  	[spmem:s3] =	stream.indirect.scatter.add.f32 [tilespmem:s25], [sflag:$0x5], $0x80, s29, s23, $0xb8;
	[tilespmem:$0x1F800] =	vst v63  }
0xcb: {  	_ =	swait.ge [sflag:s20], $0x4000  }
0xcc: {  	[sflag:s20] =	ssyncset.done $0x0  }
0xcd: {  	s0 =	rddreg [dreg:$0xb];
	[sflag:s20] =	ssyncadd.s32 $0xFFFFC000  }
0xce: {  	[tilespmem:s26], [sflag:$0x3] =	stream.linear.gather [hbm4b:s0+s15], $0x800, $0x38;
	[tilespmem:$0x1F800] =	vst v63  }
0xcf: {  	s0 =	simm.s32 $0x4  }
0xd0: {  	_ =	swait.ge [sflag:s0], $0x800  }
0xd1: {  	[sflag:s0] =	ssyncset.done $0x0  }
0xd2: {  	s15 =	simm.s32 $0x880;
	[sflag:s0] =	ssyncadd.s32 $0xFFFFF800  }
0xd3: {  	[tilespmem:s25], [sflag:$0x2] =	stream.indirect.gather [hbm4b:s1+s23], $0x80, s15, s23, $0xb8;
	[tilespmem:$0x1F800] =	vst v63  }
0xd4: {  	_ =	swait.ge [sflag:s21], $0x4000  }
0xd5: {  	[sflag:s21] =	ssyncset.done $0x0  }
0xd6: {  	[sflag:s21] =	ssyncadd.s32 $0xFFFFC000  }
0xd7: {  	[spmem:s3] =	stream.indirect.scatter.add.f32 [tilespmem:s19], [sflag:$0x5], $0x80, s7, s23, $0xb8;
	[tilespmem:$0x1F800] =	vst v63  }
0xd8: {  	_ =	swait.ge [sflag:s20], $0x4000  }
0xd9: {  	[sflag:s20] =	ssyncset.done $0x0  }
0xda: {  	s26 =	simm.s32 $0x900;
	[sflag:s20] =	ssyncadd.s32 $0xFFFFC000  }
0xdb: {  	[tilespmem:s19], [sflag:$0x1] =	stream.indirect.gather [hbm4b:s1+s23], $0x80, s26, s23, $0xb8;
	[tilespmem:$0x1F800] =	vst v63  }
0xdc: {  	_ =	swait.ge [sflag:s28], $0x4000  }
0xdd: {  	[sflag:s28] =	ssyncset.done $0x0  }
0xde: {  	s26 =	simm.s32 $0x3080;
	[sflag:s28] =	ssyncadd.s32 $0xFFFFC000  }
0xdf: {  	[spmem:s3] =	stream.indirect.scatter.add.f32 [tilespmem:s25], [sflag:$0x5], $0x80, s26, s23, $0xb8;
	[tilespmem:$0x1F800] =	vst v63  }
0xe0: {  	_ =	swait.ge [sflag:s20], $0x4000  }
0xe1: {  	[sflag:s20] =	ssyncset.done $0x0  }
0xe2: {  	s29 =	simm.s32 $0x980;
	[sflag:s20] =	ssyncadd.s32 $0xFFFFC000  }
0xe3: {  	[tilespmem:s25], [sflag:$0x2] =	stream.indirect.gather [hbm4b:s1+s23], $0x80, s29, s23, $0xb8;
	[tilespmem:$0x1F800] =	vst v63  }
0xe4: {  	_ =	swait.ge [sflag:s21], $0x4000  }
0xe5: {  	[sflag:s21] =	ssyncset.done $0x0  }
0xe6: {  	s29 =	simm.s32 $0x3100;
	[sflag:s21] =	ssyncadd.s32 $0xFFFFC000  }
0xe7: {  	[spmem:s3] =	stream.indirect.scatter.add.f32 [tilespmem:s19], [sflag:$0x5], $0x80, s29, s23, $0xb8;
	[tilespmem:$0x1F800] =	vst v63  }
0xe8: {  	_ =	swait.ge [sflag:s20], $0x4000  }
0xe9: {  	[sflag:s20] =	ssyncset.done $0x0  }
0xea: {  	s16 =	simm.s32 $0xA00;
	[sflag:s20] =	ssyncadd.s32 $0xFFFFC000  }
0xeb: {  	[tilespmem:s19], [sflag:$0x1] =	stream.indirect.gather [hbm4b:s1+s23], $0x80, s16, s23, $0xb8;
	[tilespmem:$0x1F800] =	vst v63  }
0xec: {  	_ =	swait.ge [sflag:s28], $0x4000  }
0xed: {  	[sflag:s28] =	ssyncset.done $0x0  }
0xee: {  	[sflag:s28] =	ssyncadd.s32 $0xFFFFC000  }
0xef: {  	[spmem:s3] =	stream.indirect.scatter.add.f32 [tilespmem:s25], [sflag:$0x5], $0x80, s4, s23, $0xb8;
	[tilespmem:$0x1F800] =	vst v63  }
0xf0: {  	_ =	swait.ge [sflag:s20], $0x4000  }
0xf1: {  	[sflag:s20] =	ssyncset.done $0x0  }
0xf2: {  	s16 =	simm.s32 $0xA80;
	[sflag:s20] =	ssyncadd.s32 $0xFFFFC000  }
0xf3: {  	[tilespmem:s25], [sflag:$0x2] =	stream.indirect.gather [hbm4b:s1+s23], $0x80, s16, s23, $0xb8;
	[tilespmem:$0x1F800] =	vst v63  }
0xf4: {  	_ =	swait.ge [sflag:s21], $0x4000  }
0xf5: {  	[sflag:s21] =	ssyncset.done $0x0  }
0xf6: {  	[sflag:s21] =	ssyncadd.s32 $0xFFFFC000  }
0xf7: {  	[spmem:s3] =	stream.indirect.scatter.add.f32 [tilespmem:s19], [sflag:$0x5], $0x80, s5, s23, $0xb8;
	[tilespmem:$0x1F800] =	vst v63  }
0xf8: {  	_ =	swait.ge [sflag:s20], $0x4000  }
0xf9: {  	[sflag:s20] =	ssyncset.done $0x0  }
0xfa: {  	s16 =	simm.s32 $0xB00;
	[sflag:s20] =	ssyncadd.s32 $0xFFFFC000  }
0xfb: {  	[tilespmem:s19], [sflag:$0x1] =	stream.indirect.gather [hbm4b:s1+s23], $0x80, s16, s23, $0xb8;
	[tilespmem:$0x1F800] =	vst v63  }
0xfc: {  	_ =	swait.ge [sflag:s28], $0x4000  }
0xfd: {  	[sflag:s28] =	ssyncset.done $0x0  }
0xfe: {  	[sflag:s28] =	ssyncadd.s32 $0xFFFFC000  }
0xff: {  	[spmem:s3] =	stream.indirect.scatter.add.f32 [tilespmem:s25], [sflag:$0x5], $0x80, s6, s23, $0xb8;
	[tilespmem:$0x1F800] =	vst v63  }
0x100: {  	_ =	swait.ge [sflag:s20], $0x4000  }
0x101: {  	[sflag:s20] =	ssyncset.done $0x0  }
0x102: {  	s16 =	simm.s32 $0xB80;
	[sflag:s20] =	ssyncadd.s32 $0xFFFFC000  }
0x103: {  	[tilespmem:s25], [sflag:$0x2] =	stream.indirect.gather [hbm4b:s1+s23], $0x80, s16, s23, $0xb8;
	[tilespmem:$0x1F800] =	vst v63  }
0x104: {  	_ =	swait.ge [sflag:s21], $0x4000  }
0x105: {  	[sflag:s21] =	ssyncset.done $0x0  }
0x106: {  	[sflag:s21] =	ssyncadd.s32 $0xFFFFC000  }
0x107: {  	[spmem:s3] =	stream.indirect.scatter.add.f32 [tilespmem:s19], [sflag:$0x5], $0x80, s8, s23, $0xb8;
	[tilespmem:$0x1F800] =	vst v63  }
0x108: {  	_ =	swait.ge [sflag:s20], $0x4000  }
0x109: {  	[sflag:s20] =	ssyncset.done $0x0  }
0x10a: {  	s16 =	simm.s32 $0xC00;
	[sflag:s20] =	ssyncadd.s32 $0xFFFFC000  }
0x10b: {  	[tilespmem:s19], [sflag:$0x1] =	stream.indirect.gather [hbm4b:s1+s23], $0x80, s16, s23, $0xb8;
	[tilespmem:$0x1F800] =	vst v63  }
0x10c: {  	_ =	swait.ge [sflag:s28], $0x4000  }
0x10d: {  	[sflag:s28] =	ssyncset.done $0x0  }
0x10e: {  	[sflag:s28] =	ssyncadd.s32 $0xFFFFC000  }
0x10f: {  	[spmem:s3] =	stream.indirect.scatter.add.f32 [tilespmem:s25], [sflag:$0x5], $0x80, s9, s23, $0xb8;
	[tilespmem:$0x1F800] =	vst v63  }
0x110: {  	_ =	swait.ge [sflag:s20], $0x4000  }
0x111: {  	[sflag:s20] =	ssyncset.done $0x0  }
0x112: {  	s16 =	simm.s32 $0xC80;
	[sflag:s20] =	ssyncadd.s32 $0xFFFFC000  }
0x113: {  	[tilespmem:s25], [sflag:$0x2] =	stream.indirect.gather [hbm4b:s1+s23], $0x80, s16, s23, $0xb8;
	[tilespmem:$0x1F800] =	vst v63  }
0x114: {  	_ =	swait.ge [sflag:s21], $0x4000  }
0x115: {  	[sflag:s21] =	ssyncset.done $0x0  }
0x116: {  	[sflag:s21] =	ssyncadd.s32 $0xFFFFC000  }
0x117: {  	[spmem:s3] =	stream.indirect.scatter.add.f32 [tilespmem:s19], [sflag:$0x5], $0x80, s10, s23, $0xb8;
	[tilespmem:$0x1F800] =	vst v63  }
0x118: {  	_ =	swait.ge [sflag:s20], $0x4000  }
0x119: {  	[sflag:s20] =	ssyncset.done $0x0  }
0x11a: {  	s16 =	simm.s32 $0xD00;
	[sflag:s20] =	ssyncadd.s32 $0xFFFFC000  }
0x11b: {  	[tilespmem:s19], [sflag:$0x1] =	stream.indirect.gather [hbm4b:s1+s23], $0x80, s16, s23, $0xb8;
	[tilespmem:$0x1F800] =	vst v63  }
0x11c: {  	_ =	swait.ge [sflag:s28], $0x4000  }
0x11d: {  	[sflag:s28] =	ssyncset.done $0x0  }
0x11e: {  	[sflag:s28] =	ssyncadd.s32 $0xFFFFC000  }
0x11f: {  	[spmem:s3] =	stream.indirect.scatter.add.f32 [tilespmem:s25], [sflag:$0x5], $0x80, s11, s23, $0xb8;
	[tilespmem:$0x1F800] =	vst v63  }
0x120: {  	_ =	swait.ge [sflag:s20], $0x4000  }
0x121: {  	[sflag:s20] =	ssyncset.done $0x0  }
0x122: {  	s16 =	simm.s32 $0xD80;
	[sflag:s20] =	ssyncadd.s32 $0xFFFFC000  }
0x123: {  	[tilespmem:s25], [sflag:$0x2] =	stream.indirect.gather [hbm4b:s1+s23], $0x80, s16, s23, $0xb8;
	[tilespmem:$0x1F800] =	vst v63  }
0x124: {  	_ =	swait.ge [sflag:s21], $0x4000  }
0x125: {  	[sflag:s21] =	ssyncset.done $0x0  }
0x126: {  	[sflag:s21] =	ssyncadd.s32 $0xFFFFC000  }
0x127: {  	[spmem:s3] =	stream.indirect.scatter.add.f32 [tilespmem:s19], [sflag:$0x5], $0x80, s12, s23, $0xb8;
	[tilespmem:$0x1F800] =	vst v63  }
0x128: {  	_ =	swait.ge [sflag:s20], $0x4000  }
0x129: {  	[sflag:s20] =	ssyncset.done $0x0  }
0x12a: {  	s16 =	simm.s32 $0xE00;
	[sflag:s20] =	ssyncadd.s32 $0xFFFFC000  }
0x12b: {  	[tilespmem:s19], [sflag:$0x1] =	stream.indirect.gather [hbm4b:s1+s23], $0x80, s16, s23, $0xb8;
	[tilespmem:$0x1F800] =	vst v63  }
0x12c: {  	_ =	swait.ge [sflag:s28], $0x4000  }
0x12d: {  	[sflag:s28] =	ssyncset.done $0x0  }
0x12e: {  	[sflag:s28] =	ssyncadd.s32 $0xFFFFC000  }
0x12f: {  	[spmem:s3] =	stream.indirect.scatter.add.f32 [tilespmem:s25], [sflag:$0x5], $0x80, s13, s23, $0xb8;
	[tilespmem:$0x1F800] =	vst v63  }
0x130: {  	_ =	swait.ge [sflag:s20], $0x4000  }
0x131: {  	[sflag:s20] =	ssyncset.done $0x0  }
0x132: {  	s16 =	simm.s32 $0xE80;
	[sflag:s20] =	ssyncadd.s32 $0xFFFFC000  }
0x133: {  	[tilespmem:s25], [sflag:$0x2] =	stream.indirect.gather [hbm4b:s1+s23], $0x80, s16, s23, $0xb8;
	[tilespmem:$0x1F800] =	vst v63  }
0x134: {  	_ =	swait.ge [sflag:s21], $0x4000  }
0x135: {  	[sflag:s21] =	ssyncset.done $0x0  }
0x136: {  	[sflag:s21] =	ssyncadd.s32 $0xFFFFC000  }
0x137: {  	[spmem:s3] =	stream.indirect.scatter.add.f32 [tilespmem:s19], [sflag:$0x5], $0x80, s14, s23, $0xb8;
	[tilespmem:$0x1F800] =	vst v63  }
0x138: {  	_ =	swait.ge [sflag:s20], $0x4000  }
0x139: {  	[sflag:s20] =	ssyncset.done $0x0  }
0x13a: {  	s16 =	simm.s32 $0xF00;
	[sflag:s20] =	ssyncadd.s32 $0xFFFFC000  }
0x13b: {  	[tilespmem:s19], [sflag:$0x1] =	stream.indirect.gather [hbm4b:s1+s23], $0x80, s16, s23, $0xb8;
	[tilespmem:$0x1F800] =	vst v63  }
0x13c: {  	_ =	swait.ge [sflag:s28], $0x4000  }
0x13d: {  	[sflag:s28] =	ssyncset.done $0x0  }
0x13e: {  	[sflag:s28] =	ssyncadd.s32 $0xFFFFC000  }
0x13f: {  	[spmem:s3] =	stream.indirect.scatter.add.f32 [tilespmem:s25], [sflag:$0x5], $0x80, s30, s23, $0xb8;
	[tilespmem:$0x1F800] =	vst v63  }
0x140: {  	_ =	swait.ge [sflag:s20], $0x4000  }
0x141: {  	[sflag:s20] =	ssyncset.done $0x0  }
0x142: {  	s16 =	simm.s32 $0xF80;
	[sflag:s20] =	ssyncadd.s32 $0xFFFFC000  }
0x143: {  	[tilespmem:s25], [sflag:$0x2] =	stream.indirect.gather [hbm4b:s1+s23], $0x80, s16, s23, $0xb8;
	[tilespmem:$0x1F800] =	vst v63  }
0x144: {  	_ =	swait.ge [sflag:s21], $0x4000  }
0x145: {  	[sflag:s21] =	ssyncset.done $0x0  }
0x146: {  	[sflag:s21] =	ssyncadd.s32 $0xFFFFC000  }
0x147: {  	[spmem:s3] =	stream.indirect.scatter.add.f32 [tilespmem:s19], [sflag:$0x5], $0x80, s24, s23, $0xb8;
	[tilespmem:$0x1F800] =	vst v63  }
0x148: {  	_ =	swait.ge [sflag:s20], $0x4000  }
0x149: {  	[sflag:s20] =	ssyncset.done $0x0  }
0x14a: {  	s16 =	simm.s32 $0x1000;
	[sflag:s20] =	ssyncadd.s32 $0xFFFFC000  }
0x14b: {  	[tilespmem:s19], [sflag:$0x1] =	stream.indirect.gather [hbm4b:s1+s23], $0x80, s16, s23, $0xb8;
	[tilespmem:$0x1F800] =	vst v63  }
0x14c: {  	_ =	swait.ge [sflag:s28], $0x4000  }
0x14d: {  	[sflag:s28] =	ssyncset.done $0x0  }
0x14e: {  	[sflag:s28] =	ssyncadd.s32 $0xFFFFC000  }
0x14f: {  	[spmem:s3] =	stream.indirect.scatter.add.f32 [tilespmem:s25], [sflag:$0x5], $0x80, s18, s23, $0xb8;
	[tilespmem:$0x1F800] =	vst v63  }
0x150: {  	_ =	swait.ge [sflag:s20], $0x4000  }
0x151: {  	[sflag:s20] =	ssyncset.done $0x0  }
0x152: {  	s16 =	rddreg [dreg:$0xc];
	[sflag:s20] =	ssyncadd.s32 $0xFFFFC000  }
0x153: {  	[tilespmem:s7], [sflag:$0x4] =	stream.linear.gather [hbm4b:s16+s22], $0x800, $0x38;
	[tilespmem:$0x1F800] =	vst v63  }
0x154: {  	_ =	swait.ge [sflag:s2], $0x800  }
0x155: {  	[sflag:s2] =	ssyncset.done $0x0  }
0x156: {  	s16 =	simm.s32 $0x1080;
	[sflag:s2] =	ssyncadd.s32 $0xFFFFF800  }
0x157: {  	[tilespmem:s25], [sflag:$0x2] =	stream.indirect.gather [hbm4b:s1+s23], $0x80, s16, s23, $0xb8;
	[tilespmem:$0x1F800] =	vst v63  }
0x158: {  	_ =	swait.ge [sflag:s21], $0x4000  }
0x159: {  	[sflag:s21] =	ssyncset.done $0x0  }
0x15a: {  	s15 =	simm.s32 $0x2800;
	[sflag:s21] =	ssyncadd.s32 $0xFFFFC000  }
0x15b: {  	[spmem:s3] =	stream.indirect.scatter.add.f32 [tilespmem:s19], [sflag:$0x5], $0x80, s15, s23, $0xb8;
	[tilespmem:$0x1F800] =	vst v63  }
0x15c: {  	_ =	swait.ge [sflag:s20], $0x4000  }
0x15d: {  	[sflag:s20] =	ssyncset.done $0x0  }
0x15e: {  	s16 =	simm.s32 $0x1100;
	[sflag:s20] =	ssyncadd.s32 $0xFFFFC000  }
0x15f: {  	[tilespmem:s19], [sflag:$0x1] =	stream.indirect.gather [hbm4b:s1+s23], $0x80, s16, s23, $0xb8;
	[tilespmem:$0x1F800] =	vst v63  }
0x160: {  	_ =	swait.ge [sflag:s28], $0x4000  }
0x161: {  	[sflag:s28] =	ssyncset.done $0x0  }
0x162: {  	s16 =	simm.s32 $0x2880;
	[sflag:s28] =	ssyncadd.s32 $0xFFFFC000  }
0x163: {  	[spmem:s3] =	stream.indirect.scatter.add.f32 [tilespmem:s25], [sflag:$0x5], $0x80, s16, s23, $0xb8;
	[tilespmem:$0x1F800] =	vst v63  }
0x164: {  	_ =	swait.ge [sflag:s20], $0x4000  }
0x165: {  	[sflag:s20] =	ssyncset.done $0x0  }
0x166: {  	s16 =	simm.s32 $0x1180;
	[sflag:s20] =	ssyncadd.s32 $0xFFFFC000  }
0x167: {  	[tilespmem:s25], [sflag:$0x2] =	stream.indirect.gather [hbm4b:s1+s23], $0x80, s16, s23, $0xb8;
	[tilespmem:$0x1F800] =	vst v63  }
0x168: {  	_ =	swait.ge [sflag:s21], $0x4000  }
0x169: {  	[sflag:s21] =	ssyncset.done $0x0  }
0x16a: {  	s16 =	simm.s32 $0x2900;
	[sflag:s21] =	ssyncadd.s32 $0xFFFFC000  }
0x16b: {  	[spmem:s3] =	stream.indirect.scatter.add.f32 [tilespmem:s19], [sflag:$0x5], $0x80, s16, s23, $0xb8;
	[tilespmem:$0x1F800] =	vst v63  }
0x16c: {  	_ =	swait.ge [sflag:s20], $0x4000  }
0x16d: {  	[sflag:s20] =	ssyncset.done $0x0  }
0x16e: {  	s16 =	simm.s32 $0x1200;
	[sflag:s20] =	ssyncadd.s32 $0xFFFFC000  }
0x16f: {  	[tilespmem:s19], [sflag:$0x1] =	stream.indirect.gather [hbm4b:s1+s23], $0x80, s16, s23, $0xb8;
	[tilespmem:$0x1F800] =	vst v63  }
0x170: {  	_ =	swait.ge [sflag:s28], $0x4000  }
0x171: {  	[sflag:s28] =	ssyncset.done $0x0  }
0x172: {  	s16 =	simm.s32 $0x2980;
	[sflag:s28] =	ssyncadd.s32 $0xFFFFC000  }
0x173: {  	[spmem:s3] =	stream.indirect.scatter.add.f32 [tilespmem:s25], [sflag:$0x5], $0x80, s16, s23, $0xb8;
	[tilespmem:$0x1F800] =	vst v63  }
0x174: {  	_ =	swait.ge [sflag:s20], $0x4000  }
0x175: {  	[sflag:s20] =	ssyncset.done $0x0  }
0x176: {  	s16 =	simm.s32 $0x1280;
	[sflag:s20] =	ssyncadd.s32 $0xFFFFC000  }
0x177: {  	[tilespmem:s25], [sflag:$0x2] =	stream.indirect.gather [hbm4b:s1+s23], $0x80, s16, s23, $0xb8;
	[tilespmem:$0x1F800] =	vst v63  }
0x178: {  	_ =	swait.ge [sflag:s21], $0x4000  }
0x179: {  	[sflag:s21] =	ssyncset.done $0x0  }
0x17a: {  	s16 =	simm.s32 $0x2A00;
	[sflag:s21] =	ssyncadd.s32 $0xFFFFC000  }
0x17b: {  	[spmem:s3] =	stream.indirect.scatter.add.f32 [tilespmem:s19], [sflag:$0x5], $0x80, s16, s23, $0xb8;
	[tilespmem:$0x1F800] =	vst v63  }
0x17c: {  	_ =	swait.ge [sflag:s20], $0x4000  }
0x17d: {  	[sflag:s20] =	ssyncset.done $0x0  }
0x17e: {  	s16 =	simm.s32 $0x1300;
	[sflag:s20] =	ssyncadd.s32 $0xFFFFC000  }
0x17f: {  	[tilespmem:s19], [sflag:$0x1] =	stream.indirect.gather [hbm4b:s1+s23], $0x80, s16, s23, $0xb8;
	[tilespmem:$0x1F800] =	vst v63  }
0x180: {  	_ =	swait.ge [sflag:s28], $0x4000  }
0x181: {  	[sflag:s28] =	ssyncset.done $0x0  }
0x182: {  	s16 =	simm.s32 $0x2A80;
	[sflag:s28] =	ssyncadd.s32 $0xFFFFC000  }
0x183: {  	[spmem:s3] =	stream.indirect.scatter.add.f32 [tilespmem:s25], [sflag:$0x5], $0x80, s16, s23, $0xb8;
	[tilespmem:$0x1F800] =	vst v63  }
0x184: {  	_ =	swait.ge [sflag:s20], $0x4000  }
0x185: {  	[sflag:s20] =	ssyncset.done $0x0  }
0x186: {  	s16 =	simm.s32 $0x1380;
	[sflag:s20] =	ssyncadd.s32 $0xFFFFC000  }
0x187: {  	[tilespmem:s25], [sflag:$0x2] =	stream.indirect.gather [hbm4b:s1+s23], $0x80, s16, s23, $0xb8;
	[tilespmem:$0x1F800] =	vst v63  }
0x188: {  	_ =	swait.ge [sflag:s21], $0x4000  }
0x189: {  	[sflag:s21] =	ssyncset.done $0x0  }
0x18a: {  	s16 =	simm.s32 $0x2B00;
	[sflag:s21] =	ssyncadd.s32 $0xFFFFC000  }
0x18b: {  	[spmem:s3] =	stream.indirect.scatter.add.f32 [tilespmem:s19], [sflag:$0x5], $0x80, s16, s23, $0xb8;
	[tilespmem:$0x1F800] =	vst v63  }
0x18c: {  	_ =	swait.ge [sflag:s20], $0x4000  }
0x18d: {  	[sflag:s20] =	ssyncset.done $0x0  }
0x18e: {  	s16 =	simm.s32 $0x1400;
	[sflag:s20] =	ssyncadd.s32 $0xFFFFC000  }
0x18f: {  	[tilespmem:s19], [sflag:$0x1] =	stream.indirect.gather [hbm4b:s1+s23], $0x80, s16, s23, $0xb8;
	[tilespmem:$0x1F800] =	vst v63  }
0x190: {  	_ =	swait.ge [sflag:s28], $0x4000  }
0x191: {  	[sflag:s28] =	ssyncset.done $0x0  }
0x192: {  	s16 =	simm.s32 $0x2B80;
	[sflag:s28] =	ssyncadd.s32 $0xFFFFC000  }
0x193: {  	[spmem:s3] =	stream.indirect.scatter.add.f32 [tilespmem:s25], [sflag:$0x5], $0x80, s16, s23, $0xb8;
	[tilespmem:$0x1F800] =	vst v63  }
0x194: {  	_ =	swait.ge [sflag:s20], $0x4000  }
0x195: {  	[sflag:s20] =	ssyncset.done $0x0  }
0x196: {  	s16 =	simm.s32 $0x1480;
	[sflag:s20] =	ssyncadd.s32 $0xFFFFC000  }
0x197: {  	[tilespmem:s25], [sflag:$0x2] =	stream.indirect.gather [hbm4b:s1+s23], $0x80, s16, s23, $0xb8;
	[tilespmem:$0x1F800] =	vst v63  }
0x198: {  	_ =	swait.ge [sflag:s21], $0x4000  }
0x199: {  	[sflag:s21] =	ssyncset.done $0x0  }
0x19a: {  	s16 =	simm.s32 $0x2C00;
	[sflag:s21] =	ssyncadd.s32 $0xFFFFC000  }
0x19b: {  	[spmem:s3] =	stream.indirect.scatter.add.f32 [tilespmem:s19], [sflag:$0x5], $0x80, s16, s23, $0xb8;
	[tilespmem:$0x1F800] =	vst v63  }
0x19c: {  	_ =	swait.ge [sflag:s20], $0x4000  }
0x19d: {  	[sflag:s20] =	ssyncset.done $0x0  }
0x19e: {  	s16 =	simm.s32 $0x1500;
	[sflag:s20] =	ssyncadd.s32 $0xFFFFC000  }
0x19f: {  	[tilespmem:s19], [sflag:$0x1] =	stream.indirect.gather [hbm4b:s1+s23], $0x80, s16, s23, $0xb8;
	[tilespmem:$0x1F800] =	vst v63  }
0x1a0: {  	_ =	swait.ge [sflag:s28], $0x4000  }
0x1a1: {  	[sflag:s28] =	ssyncset.done $0x0  }
0x1a2: {  	s16 =	simm.s32 $0x2C80;
	[sflag:s28] =	ssyncadd.s32 $0xFFFFC000  }
0x1a3: {  	[spmem:s3] =	stream.indirect.scatter.add.f32 [tilespmem:s25], [sflag:$0x5], $0x80, s16, s23, $0xb8;
	[tilespmem:$0x1F800] =	vst v63  }
0x1a4: {  	_ =	swait.ge [sflag:s20], $0x4000  }
0x1a5: {  	[sflag:s20] =	ssyncset.done $0x0  }
0x1a6: {  	s16 =	simm.s32 $0x1580;
	[sflag:s20] =	ssyncadd.s32 $0xFFFFC000  }
0x1a7: {  	[tilespmem:s25], [sflag:$0x2] =	stream.indirect.gather [hbm4b:s1+s23], $0x80, s16, s23, $0xb8;
	[tilespmem:$0x1F800] =	vst v63  }
0x1a8: {  	_ =	swait.ge [sflag:s21], $0x4000  }
0x1a9: {  	[sflag:s21] =	ssyncset.done $0x0  }
0x1aa: {  	s16 =	simm.s32 $0x2D00;
	[sflag:s21] =	ssyncadd.s32 $0xFFFFC000  }
0x1ab: {  	[spmem:s3] =	stream.indirect.scatter.add.f32 [tilespmem:s19], [sflag:$0x5], $0x80, s16, s23, $0xb8;
	[tilespmem:$0x1F800] =	vst v63  }
0x1ac: {  	_ =	swait.ge [sflag:s20], $0x4000  }
0x1ad: {  	[sflag:s20] =	ssyncset.done $0x0  }
0x1ae: {  	s16 =	simm.s32 $0x1600;
	[sflag:s20] =	ssyncadd.s32 $0xFFFFC000  }
0x1af: {  	[tilespmem:s19], [sflag:$0x1] =	stream.indirect.gather [hbm4b:s1+s23], $0x80, s16, s23, $0xb8;
	[tilespmem:$0x1F800] =	vst v63  }
0x1b0: {  	_ =	swait.ge [sflag:s28], $0x4000  }
0x1b1: {  	[sflag:s28] =	ssyncset.done $0x0  }
0x1b2: {  	s16 =	simm.s32 $0x2D80;
	[sflag:s28] =	ssyncadd.s32 $0xFFFFC000  }
0x1b3: {  	[spmem:s3] =	stream.indirect.scatter.add.f32 [tilespmem:s25], [sflag:$0x5], $0x80, s16, s23, $0xb8;
	[tilespmem:$0x1F800] =	vst v63  }
0x1b4: {  	_ =	swait.ge [sflag:s20], $0x4000  }
0x1b5: {  	[sflag:s20] =	ssyncset.done $0x0  }
0x1b6: {  	s16 =	simm.s32 $0x1680;
	[sflag:s20] =	ssyncadd.s32 $0xFFFFC000  }
0x1b7: {  	[tilespmem:s25], [sflag:$0x2] =	stream.indirect.gather [hbm4b:s1+s23], $0x80, s16, s23, $0xb8;
	[tilespmem:$0x1F800] =	vst v63  }
0x1b8: {  	_ =	swait.ge [sflag:s21], $0x4000  }
0x1b9: {  	[sflag:s21] =	ssyncset.done $0x0  }
0x1ba: {  	s16 =	simm.s32 $0x2E00;
	[sflag:s21] =	ssyncadd.s32 $0xFFFFC000  }
0x1bb: {  	[spmem:s3] =	stream.indirect.scatter.add.f32 [tilespmem:s19], [sflag:$0x5], $0x80, s16, s23, $0xb8;
	[tilespmem:$0x1F800] =	vst v63  }
0x1bc: {  	_ =	swait.ge [sflag:s20], $0x4000  }
0x1bd: {  	[sflag:s20] =	ssyncset.done $0x0  }
0x1be: {  	s16 =	simm.s32 $0x1700;
	[sflag:s20] =	ssyncadd.s32 $0xFFFFC000  }
0x1bf: {  	[tilespmem:s19], [sflag:$0x1] =	stream.indirect.gather [hbm4b:s1+s23], $0x80, s16, s23, $0xb8;
	[tilespmem:$0x1F800] =	vst v63  }
0x1c0: {  	_ =	swait.ge [sflag:s28], $0x4000  }
0x1c1: {  	[sflag:s28] =	ssyncset.done $0x0  }
0x1c2: {  	s16 =	simm.s32 $0x2E80;
	[sflag:s28] =	ssyncadd.s32 $0xFFFFC000  }
0x1c3: {  	[spmem:s3] =	stream.indirect.scatter.add.f32 [tilespmem:s25], [sflag:$0x5], $0x80, s16, s23, $0xb8;
	[tilespmem:$0x1F800] =	vst v63  }
0x1c4: {  	_ =	swait.ge [sflag:s20], $0x4000  }
0x1c5: {  	[sflag:s20] =	ssyncset.done $0x0  }
0x1c6: {  	s16 =	simm.s32 $0x1780;
	[sflag:s20] =	ssyncadd.s32 $0xFFFFC000  }
0x1c7: {  	[tilespmem:s25], [sflag:$0x2] =	stream.indirect.gather [hbm4b:s1+s23], $0x80, s16, s23, $0xb8;
	[tilespmem:$0x1F800] =	vst v63  }
0x1c8: {  	_ =	swait.ge [sflag:s21], $0x4000  }
0x1c9: {  	[sflag:s21] =	ssyncset.done $0x0  }
0x1ca: {  	s16 =	simm.s32 $0x2F00;
	[sflag:s21] =	ssyncadd.s32 $0xFFFFC000  }
0x1cb: {  	[spmem:s3] =	stream.indirect.scatter.add.f32 [tilespmem:s19], [sflag:$0x5], $0x80, s16, s23, $0xb8;
	[tilespmem:$0x1F800] =	vst v63  }
0x1cc: {  	_ =	swait.ge [sflag:s20], $0x4000  }
0x1cd: {  	[sflag:s20] =	ssyncset.done $0x0  }
0x1ce: {  	s16 =	simm.s32 $0x1800;
	[sflag:s20] =	ssyncadd.s32 $0xFFFFC000  }
0x1cf: {  	[tilespmem:s19], [sflag:$0x1] =	stream.indirect.gather [hbm4b:s1+s23], $0x80, s16, s23, $0xb8;
	[tilespmem:$0x1F800] =	vst v63  }
0x1d0: {  	_ =	swait.ge [sflag:s28], $0x4000  }
0x1d1: {  	[sflag:s28] =	ssyncset.done $0x0  }
0x1d2: {  	s16 =	simm.s32 $0x2F80;
	[sflag:s28] =	ssyncadd.s32 $0xFFFFC000  }
0x1d3: {  	[spmem:s3] =	stream.indirect.scatter.add.f32 [tilespmem:s25], [sflag:$0x5], $0x80, s16, s23, $0xb8;
	[tilespmem:$0x1F800] =	vst v63  }
0x1d4: {  	_ =	swait.ge [sflag:s20], $0x4000  }
0x1d5: {  	[sflag:s20] =	ssyncset.done $0x0  }
0x1d6: {  	s16 =	rddreg [dreg:$0xd];
	[sflag:s20] =	ssyncadd.s32 $0xFFFFC000  }
0x1d7: {  	[tilespmem:s15], [sflag:$0x3] =	stream.linear.gather [hbm4b:s16+s22], $0x800, $0x38;
	[tilespmem:$0x1F800] =	vst v63  }
0x1d8: {  	_ =	swait.ge [sflag:s0], $0x800  }
0x1d9: {  	[sflag:s0] =	ssyncset.done $0x0  }
0x1da: {  	s16 =	simm.s32 $0x1880;
	[sflag:s0] =	ssyncadd.s32 $0xFFFFF800  }
0x1db: {  	[tilespmem:s25], [sflag:$0x2] =	stream.indirect.gather [hbm4b:s1+s23], $0x80, s16, s23, $0xb8;
	[tilespmem:$0x1F800] =	vst v63  }
0x1dc: {  	_ =	swait.ge [sflag:s21], $0x4000  }
0x1dd: {  	[sflag:s21] =	ssyncset.done $0x0  }
0x1de: {  	[sflag:s21] =	ssyncadd.s32 $0xFFFFC000  }
0x1df: {  	[spmem:s3] =	stream.indirect.scatter.add.f32 [tilespmem:s19], [sflag:$0x5], $0x80, s7, s23, $0xb8;
	[tilespmem:$0x1F800] =	vst v63  }
0x1e0: {  	_ =	swait.ge [sflag:s20], $0x4000  }
0x1e1: {  	[sflag:s20] =	ssyncset.done $0x0  }
0x1e2: {  	s16 =	simm.s32 $0x1900;
	[sflag:s20] =	ssyncadd.s32 $0xFFFFC000  }
0x1e3: {  	[tilespmem:s19], [sflag:$0x1] =	stream.indirect.gather [hbm4b:s1+s23], $0x80, s16, s23, $0xb8;
	[tilespmem:$0x1F800] =	vst v63  }
0x1e4: {  	_ =	swait.ge [sflag:s28], $0x4000  }
0x1e5: {  	[sflag:s28] =	ssyncset.done $0x0  }
0x1e6: {  	[sflag:s28] =	ssyncadd.s32 $0xFFFFC000  }
0x1e7: {  	[spmem:s3] =	stream.indirect.scatter.add.f32 [tilespmem:s25], [sflag:$0x5], $0x80, s26, s23, $0xb8;
	[tilespmem:$0x1F800] =	vst v63  }
0x1e8: {  	_ =	swait.ge [sflag:s20], $0x4000  }
0x1e9: {  	[sflag:s20] =	ssyncset.done $0x0  }
0x1ea: {  	s16 =	simm.s32 $0x1980;
	[sflag:s20] =	ssyncadd.s32 $0xFFFFC000  }
0x1eb: {  	[tilespmem:s25], [sflag:$0x2] =	stream.indirect.gather [hbm4b:s1+s23], $0x80, s16, s23, $0xb8;
	[tilespmem:$0x1F800] =	vst v63  }
0x1ec: {  	_ =	swait.ge [sflag:s21], $0x4000  }
0x1ed: {  	[sflag:s21] =	ssyncset.done $0x0  }
0x1ee: {  	[sflag:s21] =	ssyncadd.s32 $0xFFFFC000  }
0x1ef: {  	[spmem:s3] =	stream.indirect.scatter.add.f32 [tilespmem:s19], [sflag:$0x5], $0x80, s29, s23, $0xb8;
	[tilespmem:$0x1F800] =	vst v63  }
0x1f0: {  	_ =	swait.ge [sflag:s20], $0x4000  }
0x1f1: {  	[sflag:s20] =	ssyncset.done $0x0  }
0x1f2: {  	s16 =	simm.s32 $0x1A00;
	[sflag:s20] =	ssyncadd.s32 $0xFFFFC000  }
0x1f3: {  	[tilespmem:s19], [sflag:$0x1] =	stream.indirect.gather [hbm4b:s1+s23], $0x80, s16, s23, $0xb8;
	[tilespmem:$0x1F800] =	vst v63  }
0x1f4: {  	_ =	swait.ge [sflag:s28], $0x4000  }
0x1f5: {  	[sflag:s28] =	ssyncset.done $0x0  }
0x1f6: {  	[sflag:s28] =	ssyncadd.s32 $0xFFFFC000  }
0x1f7: {  	[spmem:s3] =	stream.indirect.scatter.add.f32 [tilespmem:s25], [sflag:$0x5], $0x80, s4, s23, $0xb8;
	[tilespmem:$0x1F800] =	vst v63  }
0x1f8: {  	_ =	swait.ge [sflag:s20], $0x4000  }
0x1f9: {  	[sflag:s20] =	ssyncset.done $0x0  }
0x1fa: {  	s29 =	simm.s32 $0x1A80;
	[sflag:s20] =	ssyncadd.s32 $0xFFFFC000  }
0x1fb: {  	[tilespmem:s25], [sflag:$0x2] =	stream.indirect.gather [hbm4b:s1+s23], $0x80, s29, s23, $0xb8;
	[tilespmem:$0x1F800] =	vst v63  }
0x1fc: {  	_ =	swait.ge [sflag:s21], $0x4000  }
0x1fd: {  	[sflag:s21] =	ssyncset.done $0x0  }
0x1fe: {  	[sflag:s21] =	ssyncadd.s32 $0xFFFFC000  }
0x1ff: {  	[spmem:s3] =	stream.indirect.scatter.add.f32 [tilespmem:s19], [sflag:$0x5], $0x80, s5, s23, $0xb8;
	[tilespmem:$0x1F800] =	vst v63  }
0x200: {  	_ =	swait.ge [sflag:s20], $0x4000  }
0x201: {  	[sflag:s20] =	ssyncset.done $0x0  }
0x202: {  	s16 =	simm.s32 $0x1B00;
	[sflag:s20] =	ssyncadd.s32 $0xFFFFC000  }
0x203: {  	[tilespmem:s19], [sflag:$0x1] =	stream.indirect.gather [hbm4b:s1+s23], $0x80, s16, s23, $0xb8;
	[tilespmem:$0x1F800] =	vst v63  }
0x204: {  	_ =	swait.ge [sflag:s28], $0x4000  }
0x205: {  	[sflag:s28] =	ssyncset.done $0x0  }
0x206: {  	[sflag:s28] =	ssyncadd.s32 $0xFFFFC000  }
0x207: {  	[spmem:s3] =	stream.indirect.scatter.add.f32 [tilespmem:s25], [sflag:$0x5], $0x80, s6, s23, $0xb8;
	[tilespmem:$0x1F800] =	vst v63  }
0x208: {  	_ =	swait.ge [sflag:s20], $0x4000  }
0x209: {  	[sflag:s20] =	ssyncset.done $0x0  }
0x20a: {  	s29 =	simm.s32 $0x1B80;
	[sflag:s20] =	ssyncadd.s32 $0xFFFFC000  }
0x20b: {  	[tilespmem:s25], [sflag:$0x2] =	stream.indirect.gather [hbm4b:s1+s23], $0x80, s29, s23, $0xb8;
	[tilespmem:$0x1F800] =	vst v63  }
0x20c: {  	_ =	swait.ge [sflag:s21], $0x4000  }
0x20d: {  	[sflag:s21] =	ssyncset.done $0x0  }
0x20e: {  	[sflag:s21] =	ssyncadd.s32 $0xFFFFC000  }
0x20f: {  	[spmem:s3] =	stream.indirect.scatter.add.f32 [tilespmem:s19], [sflag:$0x5], $0x80, s8, s23, $0xb8;
	[tilespmem:$0x1F800] =	vst v63  }
0x210: {  	_ =	swait.ge [sflag:s20], $0x4000  }
0x211: {  	[sflag:s20] =	ssyncset.done $0x0  }
0x212: {  	s16 =	simm.s32 $0x1C00;
	[sflag:s20] =	ssyncadd.s32 $0xFFFFC000  }
0x213: {  	[tilespmem:s19], [sflag:$0x1] =	stream.indirect.gather [hbm4b:s1+s23], $0x80, s16, s23, $0xb8;
	[tilespmem:$0x1F800] =	vst v63  }
0x214: {  	_ =	swait.ge [sflag:s28], $0x4000  }
0x215: {  	[sflag:s28] =	ssyncset.done $0x0  }
0x216: {  	[sflag:s28] =	ssyncadd.s32 $0xFFFFC000  }
0x217: {  	[spmem:s3] =	stream.indirect.scatter.add.f32 [tilespmem:s25], [sflag:$0x5], $0x80, s9, s23, $0xb8;
	[tilespmem:$0x1F800] =	vst v63  }
0x218: {  	_ =	swait.ge [sflag:s20], $0x4000  }
0x219: {  	[sflag:s20] =	ssyncset.done $0x0  }
0x21a: {  	s29 =	simm.s32 $0x1C80;
	[sflag:s20] =	ssyncadd.s32 $0xFFFFC000  }
0x21b: {  	[tilespmem:s25], [sflag:$0x2] =	stream.indirect.gather [hbm4b:s1+s23], $0x80, s29, s23, $0xb8;
	[tilespmem:$0x1F800] =	vst v63  }
0x21c: {  	_ =	swait.ge [sflag:s21], $0x4000  }
0x21d: {  	[sflag:s21] =	ssyncset.done $0x0  }
0x21e: {  	[sflag:s21] =	ssyncadd.s32 $0xFFFFC000  }
0x21f: {  	[spmem:s3] =	stream.indirect.scatter.add.f32 [tilespmem:s19], [sflag:$0x5], $0x80, s10, s23, $0xb8;
	[tilespmem:$0x1F800] =	vst v63  }
0x220: {  	_ =	swait.ge [sflag:s20], $0x4000  }
0x221: {  	[sflag:s20] =	ssyncset.done $0x0  }
0x222: {  	s16 =	simm.s32 $0x1D00;
	[sflag:s20] =	ssyncadd.s32 $0xFFFFC000  }
0x223: {  	[tilespmem:s19], [sflag:$0x1] =	stream.indirect.gather [hbm4b:s1+s23], $0x80, s16, s23, $0xb8;
	[tilespmem:$0x1F800] =	vst v63  }
0x224: {  	_ =	swait.ge [sflag:s28], $0x4000  }
0x225: {  	[sflag:s28] =	ssyncset.done $0x0  }
0x226: {  	[sflag:s28] =	ssyncadd.s32 $0xFFFFC000  }
0x227: {  	[spmem:s3] =	stream.indirect.scatter.add.f32 [tilespmem:s25], [sflag:$0x5], $0x80, s11, s23, $0xb8;
	[tilespmem:$0x1F800] =	vst v63  }
0x228: {  	_ =	swait.ge [sflag:s20], $0x4000  }
0x229: {  	[sflag:s20] =	ssyncset.done $0x0  }
0x22a: {  	s29 =	simm.s32 $0x1D80;
	[sflag:s20] =	ssyncadd.s32 $0xFFFFC000  }
0x22b: {  	[tilespmem:s25], [sflag:$0x2] =	stream.indirect.gather [hbm4b:s1+s23], $0x80, s29, s23, $0xb8;
	[tilespmem:$0x1F800] =	vst v63  }
0x22c: {  	_ =	swait.ge [sflag:s21], $0x4000  }
0x22d: {  	[sflag:s21] =	ssyncset.done $0x0  }
0x22e: {  	[sflag:s21] =	ssyncadd.s32 $0xFFFFC000  }
0x22f: {  	[spmem:s3] =	stream.indirect.scatter.add.f32 [tilespmem:s19], [sflag:$0x5], $0x80, s12, s23, $0xb8;
	[tilespmem:$0x1F800] =	vst v63  }
0x230: {  	_ =	swait.ge [sflag:s20], $0x4000  }
0x231: {  	[sflag:s20] =	ssyncset.done $0x0  }
0x232: {  	s16 =	simm.s32 $0x1E00;
	[sflag:s20] =	ssyncadd.s32 $0xFFFFC000  }
0x233: {  	[tilespmem:s19], [sflag:$0x1] =	stream.indirect.gather [hbm4b:s1+s23], $0x80, s16, s23, $0xb8;
	[tilespmem:$0x1F800] =	vst v63  }
0x234: {  	_ =	swait.ge [sflag:s28], $0x4000  }
0x235: {  	[sflag:s28] =	ssyncset.done $0x0  }
0x236: {  	[sflag:s28] =	ssyncadd.s32 $0xFFFFC000  }
0x237: {  	[spmem:s3] =	stream.indirect.scatter.add.f32 [tilespmem:s25], [sflag:$0x5], $0x80, s13, s23, $0xb8;
	[tilespmem:$0x1F800] =	vst v63  }
0x238: {  	_ =	swait.ge [sflag:s20], $0x4000  }
0x239: {  	[sflag:s20] =	ssyncset.done $0x0  }
0x23a: {  	s29 =	simm.s32 $0x1E80;
	[sflag:s20] =	ssyncadd.s32 $0xFFFFC000  }
0x23b: {  	[tilespmem:s25], [sflag:$0x2] =	stream.indirect.gather [hbm4b:s1+s23], $0x80, s29, s23, $0xb8;
	[tilespmem:$0x1F800] =	vst v63  }
0x23c: {  	_ =	swait.ge [sflag:s21], $0x4000  }
0x23d: {  	[sflag:s21] =	ssyncset.done $0x0  }
0x23e: {  	[sflag:s21] =	ssyncadd.s32 $0xFFFFC000  }
0x23f: {  	[spmem:s3] =	stream.indirect.scatter.add.f32 [tilespmem:s19], [sflag:$0x5], $0x80, s14, s23, $0xb8;
	[tilespmem:$0x1F800] =	vst v63  }
0x240: {  	_ =	swait.ge [sflag:s20], $0x4000  }
0x241: {  	[sflag:s20] =	ssyncset.done $0x0  }
0x242: {  	s16 =	simm.s32 $0x1F00;
	[sflag:s20] =	ssyncadd.s32 $0xFFFFC000  }
0x243: {  	[tilespmem:s19], [sflag:$0x1] =	stream.indirect.gather [hbm4b:s1+s23], $0x80, s16, s23, $0xb8;
	[tilespmem:$0x1F800] =	vst v63  }
0x244: {  	_ =	swait.ge [sflag:s28], $0x4000  }
0x245: {  	[sflag:s28] =	ssyncset.done $0x0  }
0x246: {  	[sflag:s28] =	ssyncadd.s32 $0xFFFFC000  }
0x247: {  	[spmem:s3] =	stream.indirect.scatter.add.f32 [tilespmem:s25], [sflag:$0x5], $0x80, s30, s23, $0xb8;
	[tilespmem:$0x1F800] =	vst v63  }
0x248: {  	_ =	swait.ge [sflag:s20], $0x4000  }
0x249: {  	[sflag:s20] =	ssyncset.done $0x0  }
0x24a: {  	s29 =	simm.s32 $0x1F80;
	[sflag:s20] =	ssyncadd.s32 $0xFFFFC000  }
0x24b: {  	[tilespmem:s25], [sflag:$0x2] =	stream.indirect.gather [hbm4b:s1+s23], $0x80, s29, s23, $0xb8;
	[tilespmem:$0x1F800] =	vst v63  }
0x24c: {  	_ =	swait.ge [sflag:s21], $0x4000  }
0x24d: {  	[sflag:s21] =	ssyncset.done $0x0  }
0x24e: {  	[sflag:s21] =	ssyncadd.s32 $0xFFFFC000  }
0x24f: {  	[spmem:s3] =	stream.indirect.scatter.add.f32 [tilespmem:s19], [sflag:$0x5], $0x80, s24, s23, $0xb8;
	[tilespmem:$0x1F800] =	vst v63  }
0x250: {  	_ =	swait.ge [sflag:s20], $0x4000  }
0x251: {  	[sflag:s20] =	ssyncset.done $0x0  }
0x252: {  	s16 =	simm.s32 $0x2000;
	[sflag:s20] =	ssyncadd.s32 $0xFFFFC000  }
0x253: {  	[tilespmem:s19], [sflag:$0x1] =	stream.indirect.gather [hbm4b:s1+s23], $0x80, s16, s23, $0xb8;
	[tilespmem:$0x1F800] =	vst v63  }
0x254: {  	_ =	swait.ge [sflag:s28], $0x4000  }
0x255: {  	[sflag:s28] =	ssyncset.done $0x0  }
0x256: {  	[sflag:s28] =	ssyncadd.s32 $0xFFFFC000  }
0x257: {  	[spmem:s3] =	stream.indirect.scatter.add.f32 [tilespmem:s25], [sflag:$0x5], $0x80, s18, s23, $0xb8;
	[tilespmem:$0x1F800] =	vst v63  }
0x258: {  	_ =	swait.ge [sflag:s20], $0x4000  }
0x259: {  	[sflag:s20] =	ssyncset.done $0x0  }
0x25a: {  	[sflag:s20] =	ssyncadd.s32 $0xFFFFC000  }
0x25b: {  	_ =	swait.ge [sflag:s2], $0x800  }
0x25c: {  	[sflag:s2] =	ssyncset.done $0x0  }
0x25d: {  	s29 =	simm.s32 $0x2080;
	[sflag:s2] =	ssyncadd.s32 $0xFFFFF800  }
0x25e: {  	[tilespmem:s25], [sflag:$0x2] =	stream.indirect.gather [hbm4b:s1+s23], $0x80, s29, s23, $0xb8;
	[tilespmem:$0x1F800] =	vst v63  }
0x25f: {  	_ =	swait.ge [sflag:s21], $0x4000  }
0x260: {  	[sflag:s21] =	ssyncset.done $0x0  }
0x261: {  	s26 =	simm.s32 $0x2800;
	[sflag:s21] =	ssyncadd.s32 $0xFFFFC000  }
0x262: {  	[spmem:s3] =	stream.indirect.scatter.add.f32 [tilespmem:s19], [sflag:$0x5], $0x80, s26, s23, $0xb8;
	[tilespmem:$0x1F800] =	vst v63  }
0x263: {  	_ =	swait.ge [sflag:s20], $0x4000  }
0x264: {  	[sflag:s20] =	ssyncset.done $0x0  }
0x265: {  	s16 =	simm.s32 $0x2100;
	[sflag:s20] =	ssyncadd.s32 $0xFFFFC000  }
0x266: {  	[tilespmem:s19], [sflag:$0x1] =	stream.indirect.gather [hbm4b:s1+s23], $0x80, s16, s23, $0xb8;
	[tilespmem:$0x1F800] =	vst v63  }
0x267: {  	_ =	swait.ge [sflag:s28], $0x4000  }
0x268: {  	[sflag:s28] =	ssyncset.done $0x0  }
0x269: {  	s29 =	simm.s32 $0x2880;
	[sflag:s28] =	ssyncadd.s32 $0xFFFFC000  }
0x26a: {  	[spmem:s3] =	stream.indirect.scatter.add.f32 [tilespmem:s25], [sflag:$0x5], $0x80, s29, s23, $0xb8;
	[tilespmem:$0x1F800] =	vst v63  }
0x26b: {  	_ =	swait.ge [sflag:s20], $0x4000  }
0x26c: {  	[sflag:s20] =	ssyncset.done $0x0  }
0x26d: {  	s16 =	simm.s32 $0x2180;
	[sflag:s20] =	ssyncadd.s32 $0xFFFFC000  }
0x26e: {  	[tilespmem:s25], [sflag:$0x2] =	stream.indirect.gather [hbm4b:s1+s23], $0x80, s16, s23, $0xb8;
	[tilespmem:$0x1F800] =	vst v63  }
0x26f: {  	_ =	swait.ge [sflag:s21], $0x4000  }
0x270: {  	[sflag:s21] =	ssyncset.done $0x0  }
0x271: {  	s29 =	simm.s32 $0x2900;
	[sflag:s21] =	ssyncadd.s32 $0xFFFFC000  }
0x272: {  	[spmem:s3] =	stream.indirect.scatter.add.f32 [tilespmem:s19], [sflag:$0x5], $0x80, s29, s23, $0xb8;
	[tilespmem:$0x1F800] =	vst v63  }
0x273: {  	_ =	swait.ge [sflag:s20], $0x4000  }
0x274: {  	[sflag:s20] =	ssyncset.done $0x0  }
0x275: {  	s16 =	simm.s32 $0x2200;
	[sflag:s20] =	ssyncadd.s32 $0xFFFFC000  }
0x276: {  	[tilespmem:s19], [sflag:$0x1] =	stream.indirect.gather [hbm4b:s1+s23], $0x80, s16, s23, $0xb8;
	[tilespmem:$0x1F800] =	vst v63  }
0x277: {  	_ =	swait.ge [sflag:s28], $0x4000  }
0x278: {  	[sflag:s28] =	ssyncset.done $0x0  }
0x279: {  	s29 =	simm.s32 $0x2980;
	[sflag:s28] =	ssyncadd.s32 $0xFFFFC000  }
0x27a: {  	[spmem:s3] =	stream.indirect.scatter.add.f32 [tilespmem:s25], [sflag:$0x5], $0x80, s29, s23, $0xb8;
	[tilespmem:$0x1F800] =	vst v63  }
0x27b: {  	_ =	swait.ge [sflag:s20], $0x4000  }
0x27c: {  	[sflag:s20] =	ssyncset.done $0x0  }
0x27d: {  	s16 =	simm.s32 $0x2280;
	[sflag:s20] =	ssyncadd.s32 $0xFFFFC000  }
0x27e: {  	[tilespmem:s25], [sflag:$0x2] =	stream.indirect.gather [hbm4b:s1+s23], $0x80, s16, s23, $0xb8;
	[tilespmem:$0x1F800] =	vst v63  }
0x27f: {  	_ =	swait.ge [sflag:s21], $0x4000  }
0x280: {  	[sflag:s21] =	ssyncset.done $0x0  }
0x281: {  	s29 =	simm.s32 $0x2A00;
	[sflag:s21] =	ssyncadd.s32 $0xFFFFC000  }
0x282: {  	[spmem:s3] =	stream.indirect.scatter.add.f32 [tilespmem:s19], [sflag:$0x5], $0x80, s29, s23, $0xb8;
	[tilespmem:$0x1F800] =	vst v63  }
0x283: {  	_ =	swait.ge [sflag:s20], $0x4000  }
0x284: {  	[sflag:s20] =	ssyncset.done $0x0  }
0x285: {  	s16 =	simm.s32 $0x2300;
	[sflag:s20] =	ssyncadd.s32 $0xFFFFC000  }
0x286: {  	[tilespmem:s19], [sflag:$0x1] =	stream.indirect.gather [hbm4b:s1+s23], $0x80, s16, s23, $0xb8;
	[tilespmem:$0x1F800] =	vst v63  }
0x287: {  	_ =	swait.ge [sflag:s28], $0x4000  }
0x288: {  	[sflag:s28] =	ssyncset.done $0x0  }
0x289: {  	s29 =	simm.s32 $0x2A80;
	[sflag:s28] =	ssyncadd.s32 $0xFFFFC000  }
0x28a: {  	[spmem:s3] =	stream.indirect.scatter.add.f32 [tilespmem:s25], [sflag:$0x5], $0x80, s29, s23, $0xb8;
	[tilespmem:$0x1F800] =	vst v63  }
0x28b: {  	_ =	swait.ge [sflag:s20], $0x4000  }
0x28c: {  	[sflag:s20] =	ssyncset.done $0x0  }
0x28d: {  	s16 =	simm.s32 $0x2380;
	[sflag:s20] =	ssyncadd.s32 $0xFFFFC000  }
0x28e: {  	[tilespmem:s25], [sflag:$0x2] =	stream.indirect.gather [hbm4b:s1+s23], $0x80, s16, s23, $0xb8;
	[tilespmem:$0x1F800] =	vst v63  }
0x28f: {  	_ =	swait.ge [sflag:s21], $0x4000  }
0x290: {  	[sflag:s21] =	ssyncset.done $0x0  }
0x291: {  	s29 =	simm.s32 $0x2B00;
	[sflag:s21] =	ssyncadd.s32 $0xFFFFC000  }
0x292: {  	[spmem:s3] =	stream.indirect.scatter.add.f32 [tilespmem:s19], [sflag:$0x5], $0x80, s29, s23, $0xb8;
	[tilespmem:$0x1F800] =	vst v63  }
0x293: {  	_ =	swait.ge [sflag:s20], $0x4000  }
0x294: {  	[sflag:s20] =	ssyncset.done $0x0  }
0x295: {  	s16 =	simm.s32 $0x2400;
	[sflag:s20] =	ssyncadd.s32 $0xFFFFC000  }
0x296: {  	[tilespmem:s19], [sflag:$0x1] =	stream.indirect.gather [hbm4b:s1+s23], $0x80, s16, s23, $0xb8;
	[tilespmem:$0x1F800] =	vst v63  }
0x297: {  	_ =	swait.ge [sflag:s28], $0x4000  }
0x298: {  	[sflag:s28] =	ssyncset.done $0x0  }
0x299: {  	s29 =	simm.s32 $0x2B80;
	[sflag:s28] =	ssyncadd.s32 $0xFFFFC000  }
0x29a: {  	[spmem:s3] =	stream.indirect.scatter.add.f32 [tilespmem:s25], [sflag:$0x5], $0x80, s29, s23, $0xb8;
	[tilespmem:$0x1F800] =	vst v63  }
0x29b: {  	_ =	swait.ge [sflag:s20], $0x4000  }
0x29c: {  	[sflag:s20] =	ssyncset.done $0x0  }
0x29d: {  	s16 =	simm.s32 $0x2480;
	[sflag:s20] =	ssyncadd.s32 $0xFFFFC000  }
0x29e: {  	[tilespmem:s25], [sflag:$0x2] =	stream.indirect.gather [hbm4b:s1+s23], $0x80, s16, s23, $0xb8;
	[tilespmem:$0x1F800] =	vst v63  }
0x29f: {  	_ =	swait.ge [sflag:s21], $0x4000  }
0x2a0: {  	[sflag:s21] =	ssyncset.done $0x0  }
0x2a1: {  	s29 =	simm.s32 $0x2C00;
	[sflag:s21] =	ssyncadd.s32 $0xFFFFC000  }
0x2a2: {  	[spmem:s3] =	stream.indirect.scatter.add.f32 [tilespmem:s19], [sflag:$0x5], $0x80, s29, s23, $0xb8;
	[tilespmem:$0x1F800] =	vst v63  }
0x2a3: {  	_ =	swait.ge [sflag:s20], $0x4000  }
0x2a4: {  	[sflag:s20] =	ssyncset.done $0x0  }
0x2a5: {  	s16 =	simm.s32 $0x2500;
	[sflag:s20] =	ssyncadd.s32 $0xFFFFC000  }
0x2a6: {  	[tilespmem:s19], [sflag:$0x1] =	stream.indirect.gather [hbm4b:s1+s23], $0x80, s16, s23, $0xb8;
	[tilespmem:$0x1F800] =	vst v63  }
0x2a7: {  	_ =	swait.ge [sflag:s28], $0x4000  }
0x2a8: {  	[sflag:s28] =	ssyncset.done $0x0  }
0x2a9: {  	s29 =	simm.s32 $0x2C80;
	[sflag:s28] =	ssyncadd.s32 $0xFFFFC000  }
0x2aa: {  	[spmem:s3] =	stream.indirect.scatter.add.f32 [tilespmem:s25], [sflag:$0x5], $0x80, s29, s23, $0xb8;
	[tilespmem:$0x1F800] =	vst v63  }
0x2ab: {  	_ =	swait.ge [sflag:s20], $0x4000  }
0x2ac: {  	[sflag:s20] =	ssyncset.done $0x0  }
0x2ad: {  	s16 =	simm.s32 $0x2580;
	[sflag:s20] =	ssyncadd.s32 $0xFFFFC000  }
0x2ae: {  	[tilespmem:s25], [sflag:$0x2] =	stream.indirect.gather [hbm4b:s1+s23], $0x80, s16, s23, $0xb8;
	[tilespmem:$0x1F800] =	vst v63  }
0x2af: {  	_ =	swait.ge [sflag:s21], $0x4000  }
0x2b0: {  	[sflag:s21] =	ssyncset.done $0x0  }
0x2b1: {  	s29 =	simm.s32 $0x2D00;
	[sflag:s21] =	ssyncadd.s32 $0xFFFFC000  }
0x2b2: {  	[spmem:s3] =	stream.indirect.scatter.add.f32 [tilespmem:s19], [sflag:$0x5], $0x80, s29, s23, $0xb8;
	[tilespmem:$0x1F800] =	vst v63  }
0x2b3: {  	_ =	swait.ge [sflag:s20], $0x4000  }
0x2b4: {  	[sflag:s20] =	ssyncset.done $0x0  }
0x2b5: {  	s16 =	simm.s32 $0x2600;
	[sflag:s20] =	ssyncadd.s32 $0xFFFFC000  }
0x2b6: {  	[tilespmem:s19], [sflag:$0x1] =	stream.indirect.gather [hbm4b:s1+s23], $0x80, s16, s23, $0xb8;
	[tilespmem:$0x1F800] =	vst v63  }
0x2b7: {  	_ =	swait.ge [sflag:s28], $0x4000  }
0x2b8: {  	[sflag:s28] =	ssyncset.done $0x0  }
0x2b9: {  	s29 =	simm.s32 $0x2D80;
	[sflag:s28] =	ssyncadd.s32 $0xFFFFC000  }
0x2ba: {  	[spmem:s3] =	stream.indirect.scatter.add.f32 [tilespmem:s25], [sflag:$0x5], $0x80, s29, s23, $0xb8;
	[tilespmem:$0x1F800] =	vst v63  }
0x2bb: {  	_ =	swait.ge [sflag:s20], $0x4000  }
0x2bc: {  	[sflag:s20] =	ssyncset.done $0x0  }
0x2bd: {  	s16 =	simm.s32 $0x2680;
	[sflag:s20] =	ssyncadd.s32 $0xFFFFC000  }
0x2be: {  	[tilespmem:s25], [sflag:$0x2] =	stream.indirect.gather [hbm4b:s1+s23], $0x80, s16, s23, $0xb8;
	[tilespmem:$0x1F800] =	vst v63  }
0x2bf: {  	_ =	swait.ge [sflag:s21], $0x4000  }
0x2c0: {  	[sflag:s21] =	ssyncset.done $0x0  }
0x2c1: {  	s29 =	simm.s32 $0x2E00;
	[sflag:s21] =	ssyncadd.s32 $0xFFFFC000  }
0x2c2: {  	[spmem:s3] =	stream.indirect.scatter.add.f32 [tilespmem:s19], [sflag:$0x5], $0x80, s29, s23, $0xb8;
	[tilespmem:$0x1F800] =	vst v63  }
0x2c3: {  	_ =	swait.ge [sflag:s20], $0x4000  }
0x2c4: {  	[sflag:s20] =	ssyncset.done $0x0  }
0x2c5: {  	s16 =	simm.s32 $0x2700;
	[sflag:s20] =	ssyncadd.s32 $0xFFFFC000  }
0x2c6: {  	[tilespmem:s19], [sflag:$0x1] =	stream.indirect.gather [hbm4b:s1+s23], $0x80, s16, s23, $0xb8;
	[tilespmem:$0x1F800] =	vst v63  }
0x2c7: {  	_ =	swait.ge [sflag:s28], $0x4000  }
0x2c8: {  	[sflag:s28] =	ssyncset.done $0x0  }
0x2c9: {  	s29 =	simm.s32 $0x2E80;
	[sflag:s28] =	ssyncadd.s32 $0xFFFFC000  }
0x2ca: {  	[spmem:s3] =	stream.indirect.scatter.add.f32 [tilespmem:s25], [sflag:$0x5], $0x80, s29, s23, $0xb8;
	[tilespmem:$0x1F800] =	vst v63  }
0x2cb: {  	_ =	swait.ge [sflag:s20], $0x4000  }
0x2cc: {  	[sflag:s20] =	ssyncset.done $0x0  }
0x2cd: {  	s16 =	simm.s32 $0x2780;
	[sflag:s20] =	ssyncadd.s32 $0xFFFFC000  }
0x2ce: {  	[tilespmem:s25], [sflag:$0x2] =	stream.indirect.gather [hbm4b:s1+s23], $0x80, s16, s23, $0xb8;
	[tilespmem:$0x1F800] =	vst v63  }
0x2cf: {  	_ =	swait.ge [sflag:s21], $0x4000  }
0x2d0: {  	[sflag:s21] =	ssyncset.done $0x0  }
0x2d1: {  	s29 =	simm.s32 $0x2F00;
	[sflag:s21] =	ssyncadd.s32 $0xFFFFC000  }
0x2d2: {  	[spmem:s3] =	stream.indirect.scatter.add.f32 [tilespmem:s19], [sflag:$0x5], $0x80, s29, s23, $0xb8;
	[tilespmem:$0x1F800] =	vst v63  }
0x2d3: {  	_ =	swait.ge [sflag:s20], $0x4000  }
0x2d4: {  	[sflag:s20] =	ssyncset.done $0x0  }
0x2d5: {  	[sflag:s20] =	ssyncadd.s32 $0xFFFFC000  }
0x2d6: {  	_ =	swait.ge [sflag:s28], $0x4000  }
0x2d7: {  	[sflag:s28] =	ssyncset.done $0x0  }
0x2d8: {  	s16 =	simm.s32 $0x2F80;
	[sflag:s28] =	ssyncadd.s32 $0xFFFFC000  }
0x2d9: {  	[spmem:s3] =	stream.indirect.scatter.add.f32 [tilespmem:s25], [sflag:$0x5], $0x80, s16, s23, $0xb8;
	[tilespmem:$0x1F800] =	vst v63  }
0x2da: {  	_ =	swait.ge [sflag:s20], $0x4000  }
0x2db: {  	[sflag:s20] =	ssyncset.done $0x0  }
0x2dc: {  	s29 =	stileid.u32;
	[sflag:s20] =	ssyncadd.s32 $0xFFFFC000  }
0x2dd: {  	s16 =	sshll.u32 s29, $0x6;
	[bflag:$0x0] =	sbarrier.arrive $0xFFFF  }
0x2de: {  	s29 =	sshrl.u32 s31, $0x3;
	s16 =	sor.u32 $0x1C05, s16;
	s0 =	rddreg [dreg:$0xe]  }
0x2df: {  	[hbm:s0], [sflag:s16] =	dma.local [spmem:s29], $0x2800  }
0x2e0: {  	_ =	swait.ge [sflag:s20], $0x2800  }
0x2e1: {  	s17 =	sadd.s32 $0x1, s17;
	s31 =	rddreg [dreg:$0xf]  }
0x2e2: {  	p0 =	sne.s32 s17, s31  }
.Ltmp1:
0x2e3: {  	_ = 	snop;
	(pc) =	sbr.rel @p0 .LBB2_1-.Ltmp1, $3  }
0x2e4: {  	_ =	sdelay $0x1  }
0x2e5: {  	[sflag:s20] =	ssyncset.done $0x0  }
0x2e6: {  	s15 =	simm.s32 $0x0;
	[sflag:s20] =	ssyncadd.s32 $0xFFFFD800  }
0x2e7: {  	_ =	sfence.sel $0x180000  }
0x2e8: {  	[bflag:$0x0] =	sbarrier.arrive $0xFFFF  }
0x2e9: {  	_ =	strace $0x9000004D  }
0x2ea: {  	s0 =	stileid.u32;
	[bflag:$0x2] =	sbarrier.arrive $0xFFFF  }
0x2eb: {  	p0 =	sne.s32 s0, $0x0;
	s0 =	rddreg [dreg:$0x3]  }
0x2ec: {  	s0 =	sadd.s32 @!p0 $0x100000, s0  }
0x2ed: {  	[sflag:s0] =	ssyncadd.tile.s32 @!p0 $0x1;
	_ =	shalt  }
.Lfunc_end2:
_tile_overlayer_lowered:
.L_overlay_start_2:
0x2ee: {  	(tag) =	ssettag $0x2  }
0x2ef: {  	s0 =	rddreg [dreg:$0x0];
	s2 =	stileid.u32  }
0x2f0: {  	s1 =	rddreg [dreg:$0x1];
	p0 =	sne.s32 s2, $0x0  }
0x2f1: {  	s3 =	rddreg [dreg:$0x2];
	[bflag:$0x3] =	sbarrier.arrive $0xFFFF;
	s2 =	simm.s32 @!p0 $0x1C05  }
0x2f2: {  	[timem:s3], [sflag:s2] =	dma.local @!p0 [hbm:s0], s1  }
0x2f3: {  	s0 =	simm.s32 @!p0 $0x5  }
0x2f4: {  	_ =	swait.ge @!p0 [sflag:s0], s1  }
0x2f5: {  	s1 =	ssub.s32 @!p0 $0x0, s1;
	[sflag:s0] =	ssyncset.done @!p0 $0x0  }
0x2f6: {  	[sflag:s0] =	ssyncadd.s32 @!p0 s1  }
0x2f7: {  	[bflag:$0x3] =	sbarrier.arrive $0xFFFF  }
0x2f8: {  	_ =	shalt  }

// kernel: kernel.8.cloned.1.call-start
scs
__scs_entry_jumppad:
0x0: {  	(pc) =	sbr.rel $0x88, $3  }
0x1: {  	(tag) =	ssettag $0x0;
	lr =	simm.s32 $0x1  }
0x2: {  	[smem:$0x3F9B] =	sst lr;
	_ =	strace $0xD0000000  }
0x3: {  	_ = 	snop  }
0x4: {  	_ = 	snop  }
0x5: {  	_ = 	snop  }
0x6: {  	_ = 	snop  }
0x7: {  	_ = 	snop  }
__scs_overlays_trampoline_lowered:
0x8: {  	[smem:$0x3FAA] =	sst s0  }
0x9: {  	[smem:$0x3FAB] =	sst s1  }
0xa: {  	[smem:$0x3FAC] =	sst s2  }
0xb: {  	[smem:$0x3FAD] =	sst s3  }
0xc: {  	[smem:$0x3FAE] =	sst s4  }
0xd: {  	[smem:$0x3FAF] =	sst s5  }
0xe: {  	[smem:$0x3FB0] =	sst s6  }
0xf: {  	[smem:$0x3FB1] =	sst s7  }
0x10: {  	[smem:$0x3FB2] =	sst s8  }
0x11: {  	[smem:$0x3FB3] =	sst s9;
	s0 =	simm.s32 @!p0 $0x0  }
0x12: {  	s1 =	sld [smem:$0x3F99];
	s0 =	simm.s32 @p0 $0x1  }
0x13: {  	[smem:$0x3FB4] =	sst s0;
	s0 =	simm.s32 @!p1 $0x0  }
0x14: {  	s2 =	sld [smem:$0x3F98];
	s0 =	simm.s32 @p1 $0x1  }
0x15: {  	[smem:$0x3FB5] =	sst s0;
	s0 =	simm.s32 @!p2 $0x0  }
0x16: {  	s3 =	sld [smem:$0x3FDB];
	s0 =	simm.s32 @p2 $0x1  }
0x17: {  	s4 =	simm.s32 $0x1BF5;
	[smem:$0x3FB7] =	sst s0  }
0x18: {  	s0 =	sld [smem:$0x3F9A];
	_ =	swait.ge [sflag:s4], $0x0  }
0x19: {  	s7 =	sld [smem:$0x3F9B]  }
0x1a: {  	s8 =	sadd.s32 $0xFFFFE003, lr  }
0x1b: {  	s9 =	sadd.s32 $0xFFFFFEF7, lr;
	s5 =	simm.s32 $0xFFFFFFFF;
	p2 =	slt.u32 s8, $0xFFFFF086  }
0x1c: {  	p1 =	slt.u32 s9, $0xF7A;
	s5 =	simm.s32 @!p2 $0x0  }
0x1d: {  	s5 =	simm.s32 @p1 $0x1;
	p0 =	seq.s32 s7, s2  }
0x1e: {  	s7 =	smul.u32 @!p0 $0xF7A, s2;
	p2 =	seq.s32 @!p0 s5, $0x0  }
0x1f: {  	s9 =	smul.u32 $0xF7A, s1;
	s8 =	simm.s32 @!p0 $0x1BF5;
	p2 =	por !p2, p0  }
0x20: {  	[sflag:s8] =	ssyncset.s32 @!p0 $0xFFFFF086;
	s6 =	sadd.s32 @!p0 s3, s7;
	s7 =	simm.s32 @!p0 $0x108  }
0x21: {  	s3 =	sadd.s32 s3, s9;
	s6 =	sadd.s32 @!p0 $0x88, s6;
	s7 =	simm.s32 @p2 $0x1082  }
0x22: {  	[simem:s7], [sflag:s8] =	dma.local @!p0 [hbm:s6], $0xF7A  }
0x23: {  	s9 =	sor.u32 $0xD0000000, s2;
	s6 =	simm.s32 $0x108;
	_ =	swait.ge @!p0 [sflag:s8], $0x0  }
0x24: {  	s3 =	sadd.s32 $0x88, s3;
	s6 =	simm.s32 @!p1 $0x1082;
	[sflag:s4] =	ssyncset.s32 $0xFFFFF086  }
0x25: {  	[simem:s6], [sflag:s4] =	dma.local [hbm:s3], $0xF7A  }
0x26: {  	[smem:$0x3F9B] =	sst s1;
	(tag) =	ssettag s2;
	_ =	strace s9  }
0x27: {  	s1 =	sld [smem:$0x3FAB]  }
0x28: {  	s2 =	sld [smem:$0x3FAC]  }
0x29: {  	s4 =	sld [smem:$0x3FAE]  }
0x2a: {  	p0 =	seq.s32 s5, $0x0;
	s5 =	sld [smem:$0x3FAF]  }
0x2b: {  	s6 =	sld [smem:$0x3FB0]  }
0x2c: {  	s7 =	sld [smem:$0x3FB1]  }
0x2d: {  	s3 =	simm.s32 $0x108;
	s8 =	sld [smem:$0x3FB2]  }
0x2e: {  	s3 =	simm.s32 @!p0 $0x1082;
	s9 =	sld [smem:$0x3FB3]  }
0x2f: {  	lr =	sadd.s32 s0, s3;
	s0 =	sld [smem:$0x3FAA]  }
0x30: {  	s3 =	sld [smem:$0x3FAD]  }
0x31: {  	[smem:$0x3FB6] =	sst s10  }
0x32: {  	s10 =	sld [smem:$0x3FB4];
	_ =	sdelay $0x3  }
0x33: {  	p0 =	seq.s32 s10, $0x1;
	s10 =	sld [smem:$0x3FB6];
	_ =	sdelay $0x3  }
0x34: {  	[smem:$0x3FB6] =	sst s10  }
0x35: {  	s10 =	sld [smem:$0x3FB5];
	_ =	sdelay $0x3  }
0x36: {  	p1 =	seq.s32 s10, $0x1;
	s10 =	sld [smem:$0x3FB6];
	_ =	sdelay $0x3  }
0x37: {  	[smem:$0x3FB6] =	sst s10  }
0x38: {  	s10 =	sld [smem:$0x3FB7]  }
0x39: {  	_ = 	snop;
	(pc) =	sbr.ind lr, $3  }
0x3a: {  	_ = 	snop  }
0x3b: {  	_ = 	snop  }
0x3c: {  	p2 =	seq.s32 s10, $0x1;
	s10 =	sld [smem:$0x3FB6]  }
0x3d: {  	_ =	shalt  }
0x3e: {  	_ =	shalt  }
0x3f: {  	_ =	shalt  }
0x40: {  	_ =	shalt  }
0x41: {  	_ =	shalt  }
0x42: {  	_ =	shalt  }
0x43: {  	_ =	shalt  }
0x44: {  	_ =	shalt  }
0x45: {  	_ =	shalt  }
0x46: {  	_ =	shalt  }
0x47: {  	_ =	shalt  }
0x48: {  	_ =	shalt  }
0x49: {  	_ =	shalt  }
0x4a: {  	_ =	shalt  }
0x4b: {  	_ =	shalt  }
0x4c: {  	_ =	shalt  }
0x4d: {  	_ =	shalt  }
0x4e: {  	_ =	shalt  }
0x4f: {  	_ =	shalt  }
0x50: {  	_ =	shalt  }
0x51: {  	_ =	shalt  }
0x52: {  	_ =	shalt  }
0x53: {  	_ =	shalt  }
0x54: {  	_ =	shalt  }
0x55: {  	_ =	shalt  }
0x56: {  	_ =	shalt  }
0x57: {  	_ =	shalt  }
0x58: {  	_ =	shalt  }
0x59: {  	_ =	shalt  }
0x5a: {  	_ =	shalt  }
0x5b: {  	_ =	shalt  }
0x5c: {  	_ =	shalt  }
0x5d: {  	_ =	shalt  }
0x5e: {  	_ =	shalt  }
0x5f: {  	_ =	shalt  }
0x60: {  	_ =	shalt  }
0x61: {  	_ =	shalt  }
0x62: {  	_ =	shalt  }
0x63: {  	_ =	shalt  }
0x64: {  	_ =	shalt  }
0x65: {  	_ =	shalt  }
0x66: {  	_ =	shalt  }
0x67: {  	_ =	shalt  }
0x68: {  	_ =	shalt  }
0x69: {  	_ =	shalt  }
0x6a: {  	_ =	shalt  }
0x6b: {  	_ =	shalt  }
0x6c: {  	_ =	shalt  }
0x6d: {  	_ =	shalt  }
0x6e: {  	_ =	shalt  }
0x6f: {  	_ =	shalt  }
0x70: {  	_ =	shalt  }
0x71: {  	_ =	shalt  }
0x72: {  	_ =	shalt  }
0x73: {  	_ =	shalt  }
0x74: {  	_ =	shalt  }
0x75: {  	_ =	shalt  }
0x76: {  	_ =	shalt  }
0x77: {  	_ =	shalt  }
0x78: {  	_ =	shalt  }
0x79: {  	_ =	shalt  }
0x7a: {  	_ =	shalt  }
0x7b: {  	_ =	shalt  }
0x7c: {  	_ =	shalt  }
0x7d: {  	_ =	shalt  }
0x7e: {  	_ =	shalt  }
0x7f: {  	_ =	shalt  }
0x80: {  	_ =	shalt  }
0x81: {  	_ =	shalt  }
0x82: {  	_ =	shalt  }
0x83: {  	_ =	shalt  }
0x84: {  	_ =	shalt  }
0x85: {  	_ =	shalt  }
0x86: {  	_ =	shalt  }
0x87: {  	_ =	shalt  }
.Lfunc_end0:
.L_simem_size_0:
called_computation_lowered:
.L_overlay_start_0:
0x88: {  	s2 =	sld [smem:$0x3FD9]  }
0x89: {  	s3 =	sld [smem:$0x3FFE];
	_ =	sdelay $0x1  }
0x8a: {  	s1 =	srdreg.scid  }
0x8b: {  	s0 =	sand.u32 $0x1, s1  }
0x8c: {  	s17 =	sshll.u32 s0, $0xA;
	s2 =	sadd.s32 s3, s2  }
0x8d: {  	s2 =	sadd.s32 s2, s17  }
0x8e: {  	[smem:$0x3FC2] =	sst s2  }
0x8f: {  	_ = 	snop  }
0x90: {  	s2 =	sld [smem:$0x3FD0];
	(tm) =	ssettm $0x1  }
0x91: {  	s18 =	sld [smem:$0x3FFB];
	_ =	sdelay $0x3  }
0x92: {  	_ =	strace s18  }
0x93: {  	s3 =	sld [smem:$0x3FFC];
	_ =	sdelay $0x3  }
0x94: {  	_ =	strace s3  }
0x95: {  	s3 =	sld [smem:$0x3FFD];
	_ =	sdelay $0x3  }
0x96: {  	_ =	strace s3  }
0x97: {  	_ =	strace $0x8FFFFFFF  }
0x98: {  	s19 =	sld [smem:$0x3FDB];
	_ =	sdelay $0x1  }
0x99: {  	s4 =	simm.s32 $_scs_section_size  }
0x9a: {  	s5 =	simm.s32 $_size__tile_overlayer_lowered;
	s6 =	simm.s32 $_tile_overlayer_lowered  }
0x9b: {  	s22 =	simm.s32 $0x1BFF;
	s21 =	sshll.u32 s6, $0x1;
	s3 =	sadd.s32 s4, s19  }
0x9c: {  	s7 =	simm.s32 $0x0;
	s20 =	sshll.u32 s5, $0x1;
	s5 =	sadd.s32 s21, s3  }
0x9d: {  	[timem:s7], [sflag:s22] =	dma.local [hbm:s5], s20  }
0x9e: {  	_ =	swait.ge [sflag:s22], s20  }
0x9f: {  	s4 =	ssub.s32 $0x0, s20;
	[sflag:s22] =	ssyncset.done $0x0  }
0xa0: {  	[sflag:s22] =	ssyncadd.s32 s4;
	_ =	sdelay $0x1  }
0xa1: {  	s23 =	simm.s32 $0x1B8B  }
0xa2: {  	_ =	swait.ge [sflag:s23], $0x1  }
0xa3: {  	[sflag:s23] =	ssyncset.done $0x0  }
0xa4: {  	s25 =	simm.s32 $0x1B8E;
	s24 =	sld [smem:$0x3FFE];
	[sflag:s23] =	ssyncadd.s32 $0xFFFFFFFF  }
0xa5: {  	s26 =	simm.s32 $execute0_lowered;
	[smem:$0x3FD2] =	sst s25  }
0xa6: {  	s5 =	sshll.u32 s26, $0x1;
	_ =	strace $0x80000046;
	[dreg:$0x1] =	wrdreg $0xFFFFFFFF  }
0xa7: {  	s28 =	simm.s32 $_size_execute0_lowered;
	s3 =	sadd.s32 s3, s5;
	[dreg:$0x0] =	wrdreg $0x0  }
0xa8: {  	s5 =	sshll.u32 s28, $0x1;
	[dreg:$0x2] =	wrdreg s3  }
0xa9: {  	[dreg:$0x3] =	wrdreg s5  }
0xaa: {  	[dreg:$0x4] =	wrdreg $0xC0  }
0xab: {  	_ =	task [dreg:s7], $0x5FFFF  }
0xac: {  	[dreg:$0x1] =	wrdreg $0xFFFFFFFF  }
0xad: {  	[dreg:$0x0] =	wrdreg $0x60  }
0xae: {  	[dreg:$0x2] =	wrdreg s24  }
0xaf: {  	[dreg:$0x3] =	wrdreg s2  }
0xb0: {  	[dreg:$0x4] =	wrdreg $0x2B000  }
0xb1: {  	[dreg:$0x5] =	wrdreg $0x9  }
0xb2: {  	_ =	task.clear_ibuf [dreg:s7], $0x6FFFF;
	_ =	strace $0x90000046  }
0xb3: {  	s29 =	simm.s32 $0x9;
	_ =	strace $0x80000048  }
0xb4: {  	_ =	swait.ge [sflag:s29], $0x1  }
0xb5: {  	[sflag:s29] =	ssyncadd.s32 $0xFFFFFFFF  }
0xb6: {  	_ =	strace $0x90000048  }
0xb7: {  	_ =	sfence  }
0xb8: {  	s30 =	sld [smem:$0x0];
	_ =	sdelay $0x2  }
0xb9: {  	s31 =	sshll.u32 s1, $0xD;
	s1 =	sshrl.u32 s1, $0x2  }
0xba: {  	s3 =	sand.u32 $0x4000, s31;
	s1 =	sadd.s32 s1, s30  }
0xbb: {  	s0 =	sor.u32 s3, s0;
	s1 =	sshll.u32 s1, $0x11  }
0xbc: {  	s0 =	sor.u32 s1, s0  }
0xbd: {  	s0 =	sadd.s32 $0x8F2B, s0  }
0xbe: {  	[sflag:s0] =	ssyncadd.remote.s32 $0x1  }
0xbf: {  	_ =	sfence.sel $0xFFFF  }
0xc0: {  	[dreg:$0x0] =	wrdreg $0xFFFFFFFF;
	(pc) =	sbr.abs _section_cstart, $3  }
0xc1: {  	[dreg:$0x1] =	wrdreg $0xFFFFFFFF  }
0xc2: {  	_ =	task.clear_ibuf [dreg:s7], $0x2FFFF;
	_ =	strace $0x9FFFFFFF  }
0xc3: {  	(tm) =	ssettm $0x7FFFFFFF  }
tec
execute0_lowered:
.L_overlay_start_1:
0x0: {  	(tag) =	ssettag $0x1  }
0x1: {  	s4 =	rddreg [dreg:$0x0]  }
0x2: {  	s6 =	rddreg [dreg:$0x1];
	s1 =	srdreg.scid  }
0x3: {  	s0 =	stileid.u32;
	s2 =	rddreg [dreg:$0x2]  }
0x4: {  	s3 =	simm.s32 $0x0;
	s11 =	simm.s32 $0x80;
	s12 =	simm.s32 $0x2800  }
0x5: {  	s15 =	simm.s32 $0x20;
	s16 =	simm.s32 $0x10;
	s17 =	simm.s32 $0x0  }
0x6: {  	s5 =	sand.u32 $0x1, s1;
	s1 =	rddreg [dreg:$0x3];
	s8 =	smul.u32 $0x500, s0  }
0x7: {  	s7 =	sshll.u32 s0, $0x1;
	[smem:$0x7FF] =	sst s3;
	s10 =	smul.u32 $0xA00, s0  }
0x8: {  	s13 =	sshll.u32 s0, $0x6;
	s7 =	sor.u32 s5, s7;
	_ =	strace $0x80000047  }
0x9: {  	s9 =	ssub.s32 $0x2, s5;
	s5 =	sshll.u32 s5, $0x7;
	s13 =	sor.u32 $0x1C02, s13  }
0xa: {  	s7 =	smul.u32 $0x500, s7;
	s29 =	sshrl.u32 s9, $0x1;
	s5 =	sor.u32 s5, s8  }
0xb: {  	s30 =	sshrl.u32 s10, $0x2;
	s8 =	simm.s32 $0x2880;
	s10 =	simm.s32 $0x1  }
0xc: {  	s31 =	sshrl.u32 s5, $0x3;
	s5 =	sadd.s32 s30, s2;
	s4 =	sadd.s32 s7, s4  }
0xd: {  	s7 =	ssub.s32 s9, s29;
	s6 =	sadd.s32 s6, s31;
	s9 =	simm.s32 $0x2  }
0xe: {  	v0 =	vimm.f32 $1.000000000e+00;
	v1 =	vimm.f32 $0.0e+00;
	s14 =	sshrl.u32 s5, $0x3;
	s4 =	sadd.s32 $0x2400, s4;
	s7 =	smax.u32 s7, $0x1  }
.LBB2_1:
0xf: {  	[tilespmem:s3], [sflag:$0x1] =	stream.linear.gather [hbm4b:s4+s3], $0x2800, $0x38;
	[tilespmem:$0x2D80] =	vst v63  }
0x10: {  	[tilespmem:$0x2800] =	vst v0  }
0x11: {  	[tilespmem:$0x2810] =	vst v0  }
0x12: {  	[tilespmem:$0x2820] =	vst v0  }
0x13: {  	[tilespmem:$0x2830] =	vst v0  }
0x14: {  	[tilespmem:$0x2840] =	vst v0  }
0x15: {  	[tilespmem:$0x2850] =	vst v0  }
0x16: {  	[tilespmem:$0x2860] =	vst v0  }
0x17: {  	[tilespmem:$0x2870] =	vst v0  }
0x18: {  	[tilespmem:$0x2880] =	vst v1  }
0x19: {  	[tilespmem:$0x2890] =	vst v1  }
0x1a: {  	[tilespmem:$0x28A0] =	vst v1  }
0x1b: {  	[tilespmem:$0x28B0] =	vst v1  }
0x1c: {  	[tilespmem:$0x28C0] =	vst v1  }
0x1d: {  	[tilespmem:$0x28D0] =	vst v1  }
0x1e: {  	[tilespmem:$0x28E0] =	vst v1  }
0x1f: {  	[tilespmem:$0x28F0] =	vst v1  }
0x20: {  	[tilespmem:$0x2900] =	vst v1  }
0x21: {  	[tilespmem:$0x2910] =	vst v1  }
0x22: {  	[tilespmem:$0x2920] =	vst v1  }
0x23: {  	[tilespmem:$0x2930] =	vst v1  }
0x24: {  	[tilespmem:$0x2940] =	vst v1  }
0x25: {  	[tilespmem:$0x2950] =	vst v1  }
0x26: {  	[tilespmem:$0x2960] =	vst v1  }
0x27: {  	[tilespmem:$0x2970] =	vst v1  }
0x28: {  	[tilespmem:$0x2980] =	vst v1  }
0x29: {  	[tilespmem:$0x2990] =	vst v1  }
0x2a: {  	[tilespmem:$0x29A0] =	vst v1  }
0x2b: {  	[tilespmem:$0x29B0] =	vst v1  }
0x2c: {  	[tilespmem:$0x29C0] =	vst v1  }
0x2d: {  	[tilespmem:$0x29D0] =	vst v1  }
0x2e: {  	[tilespmem:$0x29E0] =	vst v1  }
0x2f: {  	[tilespmem:$0x29F0] =	vst v1  }
0x30: {  	[tilespmem:$0x2A00] =	vst v1  }
0x31: {  	[tilespmem:$0x2A10] =	vst v1  }
0x32: {  	[tilespmem:$0x2A20] =	vst v1  }
0x33: {  	[tilespmem:$0x2A30] =	vst v1  }
0x34: {  	[tilespmem:$0x2A40] =	vst v1  }
0x35: {  	[tilespmem:$0x2A50] =	vst v1  }
0x36: {  	[tilespmem:$0x2A60] =	vst v1  }
0x37: {  	[tilespmem:$0x2A70] =	vst v1  }
0x38: {  	[tilespmem:$0x2A80] =	vst v1  }
0x39: {  	[tilespmem:$0x2A90] =	vst v1  }
0x3a: {  	[tilespmem:$0x2AA0] =	vst v1  }
0x3b: {  	[tilespmem:$0x2AB0] =	vst v1  }
0x3c: {  	[tilespmem:$0x2AC0] =	vst v1  }
0x3d: {  	[tilespmem:$0x2AD0] =	vst v1  }
0x3e: {  	[tilespmem:$0x2AE0] =	vst v1  }
0x3f: {  	[tilespmem:$0x2AF0] =	vst v1  }
0x40: {  	[spmem:s5] =	stream.linear.scatter [tilespmem:s8], [sflag:$0x2], $0x280, $0x38;
	[tilespmem:$0x2D80] =	vst v63  }
0x41: {  	_ =	swait.ge [sflag:s9], $0x280  }
0x42: {  	[sflag:s9] =	ssyncset.done $0x0  }
0x43: {  	[sflag:s9] =	ssyncadd.s32 $0xFFFFFD80  }
0x44: {  	_ =	swait.ge [sflag:s10], $0x2800  }
0x45: {  	[sflag:s10] =	ssyncset.done $0x0  }
0x46: {  	[sflag:s10] =	ssyncadd.s32 $0xFFFFD800  }
0x47: {  	s18 =	simm.s32 $0x0;
	[bflag:$0x0] =	sbarrier.arrive $0xFFFF  }
0x48: {  	[spmem:s2] =	stream.indirect.scatter.add.f32 [tilespmem:s12], [sflag:$0x2], $0x1, s18, s11, $0xb8;
	[tilespmem:$0x2D80] =	vst v63  }
0x49: {  	_ =	swait.ge [sflag:s9], $0x80  }
0x4a: {  	s18 =	simm.s32 $0x200;
	[sflag:s9] =	ssyncset.done $0x0  }
.LBB2_2:
0x4b: {  	s19 =	sshra.s32 s18, $0x2;
	[sflag:s9] =	ssyncadd.s32 $0xFFFFFF80;
	p0 =	sne.s32 s18, $0x9E00  }
0x4c: {  	[spmem:s2] =	stream.indirect.scatter.add.f32 [tilespmem:s12], [sflag:$0x2], $0x1, s19, s11, $0xb8;
	[tilespmem:$0x2D80] =	vst v63  }
.Ltmp0:
0x4d: {  	_ = 	snop;
	(pc) =	sbr.rel @p0 .LBB2_2-.Ltmp0, $4  }
0x4e: {  	_ = 	snop  }
0x4f: {  	s18 =	sadd.s32 $0x200, s18  }
0x50: {  	_ =	swait.ge [sflag:s9], $0x80  }
0x51: {  	[sflag:s9] =	ssyncset.done $0x0  }
0x52: {  	s17 =	sadd.s32 $0x1, s17  }
0x53: {  	[sflag:s9] =	ssyncadd.s32 $0xFFFFFF80;
	p0 =	sne.s32 s17, s7  }
.Ltmp1:
0x54: {  	[bflag:$0x0] =	sbarrier.arrive $0xFFFF;
	(pc) =	sbr.rel @p0 .LBB2_1-.Ltmp1, $4  }
0x55: {  	[hbm:s6@s15], [sflag:s13] =	dma.strided [spmem:s14@s16], $0x50, s10, $0x10   }
0x56: {  	_ =	swait.ge [sflag:s9], $0x50  }
0x57: {  	[sflag:s9] =	ssyncset.done $0x0  }
0x58: {  	[sflag:s9] =	ssyncadd.s32 $0xFFFFFFB0  }
0x59: {  	_ =	sfence.sel $0x180000  }
0x5a: {  	[bflag:$0x0] =	sbarrier.arrive $0xFFFF  }
0x5b: {  	p0 =	sne.s32 s0, $0x0;
	_ =	strace $0x90000047  }
0x5c: {  	s0 =	sadd.s32 @!p0 $0x100000, s1;
	[bflag:$0x2] =	sbarrier.arrive $0xFFFF  }
0x5d: {  	[sflag:s0] =	ssyncadd.tile.s32 @!p0 $0x1;
	_ =	shalt  }
.Lfunc_end2:
_tile_overlayer_lowered:
.L_overlay_start_2:
0x5e: {  	(tag) =	ssettag $0x2  }
0x5f: {  	s0 =	rddreg [dreg:$0x0];
	s2 =	stileid.u32  }
0x60: {  	s1 =	rddreg [dreg:$0x1];
	p0 =	sne.s32 s2, $0x0  }
0x61: {  	s3 =	rddreg [dreg:$0x2];
	[bflag:$0x3] =	sbarrier.arrive $0xFFFF;
	s2 =	simm.s32 @!p0 $0x1C02  }
0x62: {  	[timem:s3], [sflag:s2] =	dma.local @!p0 [hbm:s0], s1  }
0x63: {  	s0 =	simm.s32 @!p0 $0x2  }
0x64: {  	_ =	swait.ge @!p0 [sflag:s0], s1  }
0x65: {  	s1 =	ssub.s32 @!p0 $0x0, s1;
	[sflag:s0] =	ssyncset.done @!p0 $0x0  }
0x66: {  	[sflag:s0] =	ssyncadd.s32 @!p0 s1  }
0x67: {  	[bflag:$0x3] =	sbarrier.arrive $0xFFFF  }
0x68: {  	_ =	shalt  }

</sc_bundles>
